<compile_context>
chip_gen: v7x
topology: tpu7x:2x2x1
jax: 0.10.2.dev20260603
libtpu: 0.0.44.dev20260713+nightly
codegen_flags: <defaults>
</compile_context>

<pallas_src>
import functools

import jax
import jax.numpy as jnp
from jax import lax
from jax.experimental import pallas as pl
from jax.experimental.pallas import tpu as pltpu
from jax.experimental.pallas import tpu_sc as plsc

R, N = 128, 32768
NC, NS, L = 2, 16, 16
NW = NC * NS
ROWS_PER_W = R // NW
CHUNK = 8192
NCHUNK = N // CHUNK
K = 8
ITERS = CHUNK // (L * K)
BIG = 2**31 - 1


def _merge(a, b):
    av, ai = a
    bv, bi = b
    take_b = (bv < av) | ((bv == av) & (bi < ai))
    return jnp.where(take_b, bv, av), jnp.where(take_b, bi, ai)


def _body(x_hbm, out_hbm, buf0, buf1, res_v, sem0, sem1):
    wid = lax.axis_index("s") * NC + lax.axis_index("c")
    row0 = wid * ROWS_PER_W
    bufs = (buf0, buf1)
    sems = (sem0, sem1)
    lane = lax.iota(jnp.int32, L)

    def start(t):
        r, c = divmod(t, NCHUNK)
        off = pl.multiple_of((row0 + r) * N + c * CHUNK, CHUNK)
        b = t % 2
        return pltpu.async_copy(x_hbm.at[pl.ds(off, CHUNK)], bufs[b], sems[b])

    total = ROWS_PER_W * NCHUNK
    pending = {0: start(0)}
    res = jnp.zeros((L,), jnp.int32)

    for r in range(ROWS_PER_W):
        accs = [(jnp.full((L,), jnp.inf, jnp.float32), jnp.zeros((L,), jnp.int32))
                for _ in range(K)]
        for c in range(NCHUNK):
            t = r * NCHUNK + c
            pending.pop(t).wait()
            if t + 1 < total:
                pending[t + 1] = start(t + 1)
            buf = bufs[t % 2]

            def step(i, carry, buf=buf):
                ivec, flat = carry
                new = []
                for k in range(K):
                    bv, bi = flat[2 * k], flat[2 * k + 1]
                    v = buf[pl.ds(i * (L * K) + k * L, L)]
                    m = v < bv
                    new.append(jnp.where(m, v, bv))
                    new.append(jnp.where(m, ivec, bi))
                return ivec + 1, tuple(new)

            flat = tuple(x for acc in accs for x in acc)
            ivec0 = jnp.full((L,), c * ITERS, jnp.int32)
            _, flat = lax.fori_loop(0, ITERS, step, (ivec0, flat))
            accs = [(flat[2 * k], flat[2 * k + 1]) for k in range(K)]

        full = [(bv, (bi * K + k) * L + lane) for k, (bv, bi) in enumerate(accs)]
        best = full[0]
        for other in full[1:]:
            best = _merge(best, other)
        bv, bi = best
        for off in (1, 2, 4, 8):
            perm = (lane + off) % L
            ov = bv.at[perm].get(mode="promise_in_bounds")
            oi = bi.at[perm].get(mode="promise_in_bounds")
            bv, bi = _merge((bv, bi), (ov, oi))
        res = jnp.where(lane == r, bi, res)

    res_v[...] = res
    pltpu.sync_copy(res_v, out_hbm.at[wid])


@functools.partial(jax.jit, static_argnums=())
def kernel(x):
    mesh = plsc.VectorSubcoreMesh(core_axis_name="c", subcore_axis_name="s",
                                  num_cores=NC, num_subcores=NS)
    run = pl.kernel(
        _body,
        out_type=jax.ShapeDtypeStruct((NW, L), jnp.int32),
        mesh=mesh,
        scratch_types=[
            pltpu.VMEM((CHUNK,), jnp.float32),
            pltpu.VMEM((CHUNK,), jnp.float32),
            pltpu.VMEM((L,), jnp.int32),
            pltpu.SemaphoreType.DMA,
            pltpu.SemaphoreType.DMA,
        ],
    )
    out2d = run(x.reshape(-1))
    return out2d[:, :ROWS_PER_W].reshape(R).astype(jnp.int64)

# --- scband reference (transcript-rebuilt; emitter-appended) ---
"""Pipeline reference for scband-argmin-28767690948815 (READ-ONLY COPY).

The authoritative reference and input builder live on the scoring server;
editing this copy changes nothing except your own understanding.
"""

import jax, jax.numpy as jnp
import numpy as np

DIM = 1

def setup_inputs(seed: int = 0) -> dict:
    key = jax.random.key(seed)
    x = jax.random.normal(key, (128, 32768), dtype=jnp.float32)
    return {"x": x}

def reference(x):
    # Faithful translation of tf.argmin(x, dim) with dim=1.
    # tf.argmin returns int64 indices of the minimum along the given axis.
    return jnp.argmin(x, axis=DIM).astype(jnp.int64)

if __name__ == "__main__":
    import jax
    _d = setup_inputs()
    print(jax.jit(kernel)(*tuple(_d.values())))

</pallas_src>

<mosaic_0001>
#map = affine_map<(d0, d1) -> (0)>
#map1 = affine_map<(d0, d1) -> (0, 0)>
module attributes {stable_mosaic.version = 14 : i64} {
  func.func @_body(%arg0: i32, %arg1: i32, %arg2: memref<4194304xf32, #tpu.memory_space<hbm>>, %arg3: memref<32x16xi32, #tpu.memory_space<hbm>>, %arg4: memref<8192xf32, #tpu.memory_space<vmem>>, %arg5: memref<8192xf32, #tpu.memory_space<vmem>>, %arg6: memref<16xi32, #tpu.memory_space<vmem>>, %arg7: memref<!tpu.dma_semaphore, #tpu.memory_space<semaphore_mem>>, %arg8: memref<!tpu.dma_semaphore, #tpu.memory_space<semaphore_mem>>) attributes {dimension_semantics = [#tpu.dimension_semantics<core_parallel>, #tpu.dimension_semantics<subcore_parallel>], iteration_bounds = array<i64: 2, 16>, scalar_prefetch = 0 : i64, scratch_operands = 5 : i64, tpu.core_type = #tpu.core_type<sc_vector_subcore>, window_params = [{transform_indices = #map}, {transform_indices = #map1}]} {
    %mul3A = arith.constant 2 : i32
    %mul3A_0 = arith.muli %arg1, %mul3A : i32
    %add3A = arith.addi %mul3A_0, %arg0 : i32
    %mul3A_1 = arith.constant 4 : i32
    %mul3A_2 = arith.muli %add3A, %mul3A_1 : i32
    %iota3A = tpu.iota {dimensions = array<i32: 0>} : vector<16xi32>
    %add3A_3 = arith.constant 0 : i32
    %add3A_4 = arith.addi %mul3A_2, %add3A_3 : i32
    %mul3A_5 = arith.constant 32768 : i32
    %mul3A_6 = arith.muli %add3A_4, %mul3A_5 : i32
    %add3A_7 = arith.constant 0 : i32
    %add3A_8 = arith.addi %mul3A_6, %add3A_7 : i32
    %multiple_of3A = tpu.assume_multiple %add3A_8, 8192 : i32
    %dma_start3A = tpu.memref_slice %arg2[%multiple_of3A] : memref<4194304xf32, #tpu.memory_space<hbm>> -> memref<8192xf32, #tpu.memory_space<hbm>>
    %dma_start3A_9 = tpu.memref_slice %arg2[%multiple_of3A] : memref<4194304xf32, #tpu.memory_space<hbm>> -> memref<8192xf32, #tpu.memory_space<hbm>>
    tpu.enqueue_dma source(%dma_start3A_9 : memref<8192xf32, #tpu.memory_space<hbm>>) target(%arg4 : memref<8192xf32, #tpu.memory_space<vmem>>) target_semaphore(%arg7 : memref<!tpu.dma_semaphore, #tpu.memory_space<semaphore_mem>>)
    %broadcast_in_dim3A = arith.constant 0 : i32
    %broadcast_in_dim3A_10 = vector.broadcast %broadcast_in_dim3A : i32 to vector<16xi32>
    %broadcast_in_dim3A_11 = arith.constant 0x7F800000 : f32
    %broadcast_in_dim3A_12 = vector.broadcast %broadcast_in_dim3A_11 : f32 to vector<16xf32>
    %broadcast_in_dim3A_13 = arith.constant 0 : i32
    %broadcast_in_dim3A_14 = vector.broadcast %broadcast_in_dim3A_13 : i32 to vector<16xi32>
    %broadcast_in_dim3A_15 = arith.constant 0x7F800000 : f32
    %broadcast_in_dim3A_16 = vector.broadcast %broadcast_in_dim3A_15 : f32 to vector<16xf32>
    %broadcast_in_dim3A_17 = arith.constant 0 : i32
    %broadcast_in_dim3A_18 = vector.broadcast %broadcast_in_dim3A_17 : i32 to vector<16xi32>
    %broadcast_in_dim3A_19 = arith.constant 0x7F800000 : f32
    %broadcast_in_dim3A_20 = vector.broadcast %broadcast_in_dim3A_19 : f32 to vector<16xf32>
    %broadcast_in_dim3A_21 = arith.constant 0 : i32
    %broadcast_in_dim3A_22 = vector.broadcast %broadcast_in_dim3A_21 : i32 to vector<16xi32>
    %broadcast_in_dim3A_23 = arith.constant 0x7F800000 : f32
    %broadcast_in_dim3A_24 = vector.broadcast %broadcast_in_dim3A_23 : f32 to vector<16xf32>
    %broadcast_in_dim3A_25 = arith.constant 0 : i32
    %broadcast_in_dim3A_26 = vector.broadcast %broadcast_in_dim3A_25 : i32 to vector<16xi32>
    %broadcast_in_dim3A_27 = arith.constant 0x7F800000 : f32
    %broadcast_in_dim3A_28 = vector.broadcast %broadcast_in_dim3A_27 : f32 to vector<16xf32>
    %broadcast_in_dim3A_29 = arith.constant 0 : i32
    %broadcast_in_dim3A_30 = vector.broadcast %broadcast_in_dim3A_29 : i32 to vector<16xi32>
    %broadcast_in_dim3A_31 = arith.constant 0x7F800000 : f32
    %broadcast_in_dim3A_32 = vector.broadcast %broadcast_in_dim3A_31 : f32 to vector<16xf32>
    %broadcast_in_dim3A_33 = arith.constant 0 : i32
    %broadcast_in_dim3A_34 = vector.broadcast %broadcast_in_dim3A_33 : i32 to vector<16xi32>
    %broadcast_in_dim3A_35 = arith.constant 0x7F800000 : f32
    %broadcast_in_dim3A_36 = vector.broadcast %broadcast_in_dim3A_35 : f32 to vector<16xf32>
    %broadcast_in_dim3A_37 = arith.constant 0 : i32
    %broadcast_in_dim3A_38 = vector.broadcast %broadcast_in_dim3A_37 : i32 to vector<16xi32>
    %broadcast_in_dim3A_39 = arith.constant 0x7F800000 : f32
    %broadcast_in_dim3A_40 = vector.broadcast %broadcast_in_dim3A_39 : f32 to vector<16xf32>
    %broadcast_in_dim3A_41 = arith.constant 0 : i32
    %broadcast_in_dim3A_42 = vector.broadcast %broadcast_in_dim3A_41 : i32 to vector<16xi32>
    %dma_wait3A = tpu.memref_slice %arg2[%multiple_of3A] : memref<4194304xf32, #tpu.memory_space<hbm>> -> memref<8192xf32, #tpu.memory_space<hbm>>
    %dma_wait3A_43 = tpu.memref_slice %arg2[%multiple_of3A] : memref<4194304xf32, #tpu.memory_space<hbm>> -> memref<8192xf32, #tpu.memory_space<hbm>>
    tpu.wait_dma2 semaphore(%arg7 : memref<!tpu.dma_semaphore, #tpu.memory_space<semaphore_mem>>) src(%dma_wait3A_43 : memref<8192xf32, #tpu.memory_space<hbm>>) dst(%arg4 : memref<8192xf32, #tpu.memory_space<vmem>>)
    %add3A_44 = arith.constant 0 : i32
    %add3A_45 = arith.addi %mul3A_2, %add3A_44 : i32
    %mul3A_46 = arith.constant 32768 : i32
    %mul3A_47 = arith.muli %add3A_45, %mul3A_46 : i32
    %add3A_48 = arith.constant 8192 : i32
    %add3A_49 = arith.addi %mul3A_47, %add3A_48 : i32
    %multiple_of3A_50 = tpu.assume_multiple %add3A_49, 8192 : i32
    %dma_start3A_51 = tpu.memref_slice %arg2[%multiple_of3A_50] : memref<4194304xf32, #tpu.memory_space<hbm>> -> memref<8192xf32, #tpu.memory_space<hbm>>
    %dma_start3A_52 = tpu.memref_slice %arg2[%multiple_of3A_50] : memref<4194304xf32, #tpu.memory_space<hbm>> -> memref<8192xf32, #tpu.memory_space<hbm>>
    tpu.enqueue_dma source(%dma_start3A_52 : memref<8192xf32, #tpu.memory_space<hbm>>) target(%arg5 : memref<8192xf32, #tpu.memory_space<vmem>>) target_semaphore(%arg8 : memref<!tpu.dma_semaphore, #tpu.memory_space<semaphore_mem>>)
    %broadcast_in_dim3A_53 = arith.constant 0 : i32
    %broadcast_in_dim3A_54 = vector.broadcast %broadcast_in_dim3A_53 : i32 to vector<16xi32>
    %scan3A = arith.constant 0 : i32
    %scan3A_55 = arith.constant 64 : i32
    %scan3A_56 = arith.addi %scan3A, %scan3A_55 : i32
    %scan3A_57 = arith.constant 1 : i32
    %scan3A_58:17 = scf.for %scan3A_1790 = %scan3A to %scan3A_56 step %scan3A_57 iter_args(%scan3A_1791 = %broadcast_in_dim3A_54, %scan3A_1792 = %broadcast_in_dim3A_12, %scan3A_1793 = %broadcast_in_dim3A_14, %scan3A_1794 = %broadcast_in_dim3A_16, %scan3A_1795 = %broadcast_in_dim3A_18, %scan3A_1796 = %broadcast_in_dim3A_20, %scan3A_1797 = %broadcast_in_dim3A_22, %scan3A_1798 = %broadcast_in_dim3A_24, %scan3A_1799 = %broadcast_in_dim3A_26, %scan3A_1800 = %broadcast_in_dim3A_28, %scan3A_1801 = %broadcast_in_dim3A_30, %scan3A_1802 = %broadcast_in_dim3A_32, %scan3A_1803 = %broadcast_in_dim3A_34, %scan3A_1804 = %broadcast_in_dim3A_36, %scan3A_1805 = %broadcast_in_dim3A_38, %scan3A_1806 = %broadcast_in_dim3A_40, %scan3A_1807 = %broadcast_in_dim3A_42) -> (vector<16xi32>, vector<16xf32>, vector<16xi32>, vector<16xf32>, vector<16xi32>, vector<16xf32>, vector<16xi32>, vector<16xf32>, vector<16xi32>, vector<16xf32>, vector<16xi32>, vector<16xf32>, vector<16xi32>, vector<16xf32>, vector<16xi32>, vector<16xf32>, vector<16xi32>)  : i32 {
      %mul3A_1808 = arith.constant 128 : i32
      %mul3A_1809 = arith.muli %scan3A_1790, %mul3A_1808 : i32
      %add3A_1810 = arith.constant 0 : i32
      %add3A_1811 = arith.addi %mul3A_1809, %add3A_1810 : i32
      %get3A = arith.index_cast %add3A_1811 : i32 to index
      %get3A_1812 = tpu.vector_load %arg4[%get3A] {strides = array<i32>} : memref<8192xf32, #tpu.memory_space<vmem>>, vector<16xf32>,
      %get3A_1813 = vector.shape_cast %get3A_1812 : vector<16xf32> to vector<16xf32>
      %lt3A_1814 = arith.cmpf olt, %get3A_1813, %scan3A_1792 : vector<16xf32>
      %select_n3A_1815 = arith.select %lt3A_1814, %get3A_1813, %scan3A_1792 : vector<16xi1>, vector<16xf32>
      %select_n3A_1816 = arith.select %lt3A_1814, %scan3A_1791, %scan3A_1793 : vector<16xi1>, vector<16xi32>
      %mul3A_1817 = arith.constant 128 : i32
      %mul3A_1818 = arith.muli %scan3A_1790, %mul3A_1817 : i32
      %add3A_1819 = arith.constant 16 : i32
      %add3A_1820 = arith.addi %mul3A_1818, %add3A_1819 : i32
      %get3A_1821 = arith.index_cast %add3A_1820 : i32 to index
      %get3A_1822 = tpu.vector_load %arg4[%get3A_1821] {strides = array<i32>} : memref<8192xf32, #tpu.memory_space<vmem>>, vector<16xf32>,
      %get3A_1823 = vector.shape_cast %get3A_1822 : vector<16xf32> to vector<16xf32>
      %lt3A_1824 = arith.cmpf olt, %get3A_1823, %scan3A_1794 : vector<16xf32>
      %select_n3A_1825 = arith.select %lt3A_1824, %get3A_1823, %scan3A_1794 : vector<16xi1>, vector<16xf32>
      %select_n3A_1826 = arith.select %lt3A_1824, %scan3A_1791, %scan3A_1795 : vector<16xi1>, vector<16xi32>
      %mul3A_1827 = arith.constant 128 : i32
      %mul3A_1828 = arith.muli %scan3A_1790, %mul3A_1827 : i32
      %add3A_1829 = arith.constant 32 : i32
      %add3A_1830 = arith.addi %mul3A_1828, %add3A_1829 : i32
      %get3A_1831 = arith.index_cast %add3A_1830 : i32 to index
      %get3A_1832 = tpu.vector_load %arg4[%get3A_1831] {strides = array<i32>} : memref<8192xf32, #tpu.memory_space<vmem>>, vector<16xf32>,
      %get3A_1833 = vector.shape_cast %get3A_1832 : vector<16xf32> to vector<16xf32>
      %lt3A_1834 = arith.cmpf olt, %get3A_1833, %scan3A_1796 : vector<16xf32>
      %select_n3A_1835 = arith.select %lt3A_1834, %get3A_1833, %scan3A_1796 : vector<16xi1>, vector<16xf32>
      %select_n3A_1836 = arith.select %lt3A_1834, %scan3A_1791, %scan3A_1797 : vector<16xi1>, vector<16xi32>
      %mul3A_1837 = arith.constant 128 : i32
      %mul3A_1838 = arith.muli %scan3A_1790, %mul3A_1837 : i32
      %add3A_1839 = arith.constant 48 : i32
      %add3A_1840 = arith.addi %mul3A_1838, %add3A_1839 : i32
      %get3A_1841 = arith.index_cast %add3A_1840 : i32 to index
      %get3A_1842 = tpu.vector_load %arg4[%get3A_1841] {strides = array<i32>} : memref<8192xf32, #tpu.memory_space<vmem>>, vector<16xf32>,
      %get3A_1843 = vector.shape_cast %get3A_1842 : vector<16xf32> to vector<16xf32>
      %lt3A_1844 = arith.cmpf olt, %get3A_1843, %scan3A_1798 : vector<16xf32>
      %select_n3A_1845 = arith.select %lt3A_1844, %get3A_1843, %scan3A_1798 : vector<16xi1>, vector<16xf32>
      %select_n3A_1846 = arith.select %lt3A_1844, %scan3A_1791, %scan3A_1799 : vector<16xi1>, vector<16xi32>
      %mul3A_1847 = arith.constant 128 : i32
      %mul3A_1848 = arith.muli %scan3A_1790, %mul3A_1847 : i32
      %add3A_1849 = arith.constant 64 : i32
      %add3A_1850 = arith.addi %mul3A_1848, %add3A_1849 : i32
      %get3A_1851 = arith.index_cast %add3A_1850 : i32 to index
      %get3A_1852 = tpu.vector_load %arg4[%get3A_1851] {strides = array<i32>} : memref<8192xf32, #tpu.memory_space<vmem>>, vector<16xf32>,
      %get3A_1853 = vector.shape_cast %get3A_1852 : vector<16xf32> to vector<16xf32>
      %lt3A_1854 = arith.cmpf olt, %get3A_1853, %scan3A_1800 : vector<16xf32>
      %select_n3A_1855 = arith.select %lt3A_1854, %get3A_1853, %scan3A_1800 : vector<16xi1>, vector<16xf32>
      %select_n3A_1856 = arith.select %lt3A_1854, %scan3A_1791, %scan3A_1801 : vector<16xi1>, vector<16xi32>
      %mul3A_1857 = arith.constant 128 : i32
      %mul3A_1858 = arith.muli %scan3A_1790, %mul3A_1857 : i32
      %add3A_1859 = arith.constant 80 : i32
      %add3A_1860 = arith.addi %mul3A_1858, %add3A_1859 : i32
      %get3A_1861 = arith.index_cast %add3A_1860 : i32 to index
      %get3A_1862 = tpu.vector_load %arg4[%get3A_1861] {strides = array<i32>} : memref<8192xf32, #tpu.memory_space<vmem>>, vector<16xf32>,
      %get3A_1863 = vector.shape_cast %get3A_1862 : vector<16xf32> to vector<16xf32>
      %lt3A_1864 = arith.cmpf olt, %get3A_1863, %scan3A_1802 : vector<16xf32>
      %select_n3A_1865 = arith.select %lt3A_1864, %get3A_1863, %scan3A_1802 : vector<16xi1>, vector<16xf32>
      %select_n3A_1866 = arith.select %lt3A_1864, %scan3A_1791, %scan3A_1803 : vector<16xi1>, vector<16xi32>
      %mul3A_1867 = arith.constant 128 : i32
      %mul3A_1868 = arith.muli %scan3A_1790, %mul3A_1867 : i32
      %add3A_1869 = arith.constant 96 : i32
      %add3A_1870 = arith.addi %mul3A_1868, %add3A_1869 : i32
      %get3A_1871 = arith.index_cast %add3A_1870 : i32 to index
      %get3A_1872 = tpu.vector_load %arg4[%get3A_1871] {strides = array<i32>} : memref<8192xf32, #tpu.memory_space<vmem>>, vector<16xf32>,
      %get3A_1873 = vector.shape_cast %get3A_1872 : vector<16xf32> to vector<16xf32>
      %lt3A_1874 = arith.cmpf olt, %get3A_1873, %scan3A_1804 : vector<16xf32>
      %select_n3A_1875 = arith.select %lt3A_1874, %get3A_1873, %scan3A_1804 : vector<16xi1>, vector<16xf32>
      %select_n3A_1876 = arith.select %lt3A_1874, %scan3A_1791, %scan3A_1805 : vector<16xi1>, vector<16xi32>
      %mul3A_1877 = arith.constant 128 : i32
      %mul3A_1878 = arith.muli %scan3A_1790, %mul3A_1877 : i32
      %add3A_1879 = arith.constant 112 : i32
      %add3A_1880 = arith.addi %mul3A_1878, %add3A_1879 : i32
      %get3A_1881 = arith.index_cast %add3A_1880 : i32 to index
      %get3A_1882 = tpu.vector_load %arg4[%get3A_1881] {strides = array<i32>} : memref<8192xf32, #tpu.memory_space<vmem>>, vector<16xf32>,
      %get3A_1883 = vector.shape_cast %get3A_1882 : vector<16xf32> to vector<16xf32>
      %lt3A_1884 = arith.cmpf olt, %get3A_1883, %scan3A_1806 : vector<16xf32>
      %select_n3A_1885 = arith.select %lt3A_1884, %get3A_1883, %scan3A_1806 : vector<16xi1>, vector<16xf32>
      %select_n3A_1886 = arith.select %lt3A_1884, %scan3A_1791, %scan3A_1807 : vector<16xi1>, vector<16xi32>
      %add3A_1887 = arith.constant 1 : i32
      %add3A_1888 = vector.broadcast %add3A_1887 : i32 to vector<16xi32>
      %add3A_1889 = arith.addi %scan3A_1791, %add3A_1888 : vector<16xi32>
      scf.yield %add3A_1889, %select_n3A_1815, %select_n3A_1816, %select_n3A_1825, %select_n3A_1826, %select_n3A_1835, %select_n3A_1836, %select_n3A_1845, %select_n3A_1846, %select_n3A_1855, %select_n3A_1856, %select_n3A_1865, %select_n3A_1866, %select_n3A_1875, %select_n3A_1876, %select_n3A_1885, %select_n3A_1886 : vector<16xi32>, vector<16xf32>, vector<16xi32>, vector<16xf32>, vector<16xi32>, vector<16xf32>, vector<16xi32>, vector<16xf32>, vector<16xi32>, vector<16xf32>, vector<16xi32>, vector<16xf32>, vector<16xi32>, vector<16xf32>, vector<16xi32>, vector<16xf32>, vector<16xi32>
    }
    %scan3A_59 = arith.constant 64 : i32
    %dma_wait3A_60 = tpu.memref_slice %arg2[%multiple_of3A_50] : memref<4194304xf32, #tpu.memory_space<hbm>> -> memref<8192xf32, #tpu.memory_space<hbm>>
    %dma_wait3A_61 = tpu.memref_slice %arg2[%multiple_of3A_50] : memref<4194304xf32, #tpu.memory_space<hbm>> -> memref<8192xf32, #tpu.memory_space<hbm>>
    tpu.wait_dma2 semaphore(%arg8 : memref<!tpu.dma_semaphore, #tpu.memory_space<semaphore_mem>>) src(%dma_wait3A_61 : memref<8192xf32, #tpu.memory_space<hbm>>) dst(%arg5 : memref<8192xf32, #tpu.memory_space<vmem>>)
    %add3A_62 = arith.constant 0 : i32
    %add3A_63 = arith.addi %mul3A_2, %add3A_62 : i32
    %mul3A_64 = arith.constant 32768 : i32
    %mul3A_65 = arith.muli %add3A_63, %mul3A_64 : i32
    %add3A_66 = arith.constant 16384 : i32
    %add3A_67 = arith.addi %mul3A_65, %add3A_66 : i32
    %multiple_of3A_68 = tpu.assume_multiple %add3A_67, 8192 : i32
    %dma_start3A_69 = tpu.memref_slice %arg2[%multiple_of3A_68] : memref<4194304xf32, #tpu.memory_space<hbm>> -> memref<8192xf32, #tpu.memory_space<hbm>>
    %dma_start3A_70 = tpu.memref_slice %arg2[%multiple_of3A_68] : memref<4194304xf32, #tpu.memory_space<hbm>> -> memref<8192xf32, #tpu.memory_space<hbm>>
    tpu.enqueue_dma source(%dma_start3A_70 : memref<8192xf32, #tpu.memory_space<hbm>>) target(%arg4 : memref<8192xf32, #tpu.memory_space<vmem>>) target_semaphore(%arg7 : memref<!tpu.dma_semaphore, #tpu.memory_space<semaphore_mem>>)
    %broadcast_in_dim3A_71 = arith.constant 64 : i32
    %broadcast_in_dim3A_72 = vector.broadcast %broadcast_in_dim3A_71 : i32 to vector<16xi32>
    %scan3A_73 = arith.constant 0 : i32
    %scan3A_74 = arith.constant 64 : i32
    %scan3A_75 = arith.addi %scan3A_73, %scan3A_74 : i32
    %scan3A_76 = arith.constant 1 : i32
    %scan3A_77:17 = scf.for %scan3A_1790 = %scan3A_73 to %scan3A_75 step %scan3A_76 iter_args(%scan3A_1791 = %broadcast_in_dim3A_72, %scan3A_1792 = %scan3A_58#1, %scan3A_1793 = %scan3A_58#2, %scan3A_1794 = %scan3A_58#3, %scan3A_1795 = %scan3A_58#4, %scan3A_1796 = %scan3A_58#5, %scan3A_1797 = %scan3A_58#6, %scan3A_1798 = %scan3A_58#7, %scan3A_1799 = %scan3A_58#8, %scan3A_1800 = %scan3A_58#9, %scan3A_1801 = %scan3A_58#10, %scan3A_1802 = %scan3A_58#11, %scan3A_1803 = %scan3A_58#12, %scan3A_1804 = %scan3A_58#13, %scan3A_1805 = %scan3A_58#14, %scan3A_1806 = %scan3A_58#15, %scan3A_1807 = %scan3A_58#16) -> (vector<16xi32>, vector<16xf32>, vector<16xi32>, vector<16xf32>, vector<16xi32>, vector<16xf32>, vector<16xi32>, vector<16xf32>, vector<16xi32>, vector<16xf32>, vector<16xi32>, vector<16xf32>, vector<16xi32>, vector<16xf32>, vector<16xi32>, vector<16xf32>, vector<16xi32>)  : i32 {
      %mul3A_1808 = arith.constant 128 : i32
      %mul3A_1809 = arith.muli %scan3A_1790, %mul3A_1808 : i32
      %add3A_1810 = arith.constant 0 : i32
      %add3A_1811 = arith.addi %mul3A_1809, %add3A_1810 : i32
      %get3A = arith.index_cast %add3A_1811 : i32 to index
      %get3A_1812 = tpu.vector_load %arg5[%get3A] {strides = array<i32>} : memref<8192xf32, #tpu.memory_space<vmem>>, vector<16xf32>,
      %get3A_1813 = vector.shape_cast %get3A_1812 : vector<16xf32> to vector<16xf32>
      %lt3A_1814 = arith.cmpf olt, %get3A_1813, %scan3A_1792 : vector<16xf32>
      %select_n3A_1815 = arith.select %lt3A_1814, %get3A_1813, %scan3A_1792 : vector<16xi1>, vector<16xf32>
      %select_n3A_1816 = arith.select %lt3A_1814, %scan3A_1791, %scan3A_1793 : vector<16xi1>, vector<16xi32>
      %mul3A_1817 = arith.constant 128 : i32
      %mul3A_1818 = arith.muli %scan3A_1790, %mul3A_1817 : i32
      %add3A_1819 = arith.constant 16 : i32
      %add3A_1820 = arith.addi %mul3A_1818, %add3A_1819 : i32
      %get3A_1821 = arith.index_cast %add3A_1820 : i32 to index
      %get3A_1822 = tpu.vector_load %arg5[%get3A_1821] {strides = array<i32>} : memref<8192xf32, #tpu.memory_space<vmem>>, vector<16xf32>,
      %get3A_1823 = vector.shape_cast %get3A_1822 : vector<16xf32> to vector<16xf32>
      %lt3A_1824 = arith.cmpf olt, %get3A_1823, %scan3A_1794 : vector<16xf32>
      %select_n3A_1825 = arith.select %lt3A_1824, %get3A_1823, %scan3A_1794 : vector<16xi1>, vector<16xf32>
      %select_n3A_1826 = arith.select %lt3A_1824, %scan3A_1791, %scan3A_1795 : vector<16xi1>, vector<16xi32>
      %mul3A_1827 = arith.constant 128 : i32
      %mul3A_1828 = arith.muli %scan3A_1790, %mul3A_1827 : i32
      %add3A_1829 = arith.constant 32 : i32
      %add3A_1830 = arith.addi %mul3A_1828, %add3A_1829 : i32
      %get3A_1831 = arith.index_cast %add3A_1830 : i32 to index
      %get3A_1832 = tpu.vector_load %arg5[%get3A_1831] {strides = array<i32>} : memref<8192xf32, #tpu.memory_space<vmem>>, vector<16xf32>,
      %get3A_1833 = vector.shape_cast %get3A_1832 : vector<16xf32> to vector<16xf32>
      %lt3A_1834 = arith.cmpf olt, %get3A_1833, %scan3A_1796 : vector<16xf32>
      %select_n3A_1835 = arith.select %lt3A_1834, %get3A_1833, %scan3A_1796 : vector<16xi1>, vector<16xf32>
      %select_n3A_1836 = arith.select %lt3A_1834, %scan3A_1791, %scan3A_1797 : vector<16xi1>, vector<16xi32>
      %mul3A_1837 = arith.constant 128 : i32
      %mul3A_1838 = arith.muli %scan3A_1790, %mul3A_1837 : i32
      %add3A_1839 = arith.constant 48 : i32
      %add3A_1840 = arith.addi %mul3A_1838, %add3A_1839 : i32
      %get3A_1841 = arith.index_cast %add3A_1840 : i32 to index
      %get3A_1842 = tpu.vector_load %arg5[%get3A_1841] {strides = array<i32>} : memref<8192xf32, #tpu.memory_space<vmem>>, vector<16xf32>,
      %get3A_1843 = vector.shape_cast %get3A_1842 : vector<16xf32> to vector<16xf32>
      %lt3A_1844 = arith.cmpf olt, %get3A_1843, %scan3A_1798 : vector<16xf32>
      %select_n3A_1845 = arith.select %lt3A_1844, %get3A_1843, %scan3A_1798 : vector<16xi1>, vector<16xf32>
      %select_n3A_1846 = arith.select %lt3A_1844, %scan3A_1791, %scan3A_1799 : vector<16xi1>, vector<16xi32>
      %mul3A_1847 = arith.constant 128 : i32
      %mul3A_1848 = arith.muli %scan3A_1790, %mul3A_1847 : i32
      %add3A_1849 = arith.constant 64 : i32
      %add3A_1850 = arith.addi %mul3A_1848, %add3A_1849 : i32
      %get3A_1851 = arith.index_cast %add3A_1850 : i32 to index
      %get3A_1852 = tpu.vector_load %arg5[%get3A_1851] {strides = array<i32>} : memref<8192xf32, #tpu.memory_space<vmem>>, vector<16xf32>,
      %get3A_1853 = vector.shape_cast %get3A_1852 : vector<16xf32> to vector<16xf32>
      %lt3A_1854 = arith.cmpf olt, %get3A_1853, %scan3A_1800 : vector<16xf32>
      %select_n3A_1855 = arith.select %lt3A_1854, %get3A_1853, %scan3A_1800 : vector<16xi1>, vector<16xf32>
      %select_n3A_1856 = arith.select %lt3A_1854, %scan3A_1791, %scan3A_1801 : vector<16xi1>, vector<16xi32>
      %mul3A_1857 = arith.constant 128 : i32
      %mul3A_1858 = arith.muli %scan3A_1790, %mul3A_1857 : i32
      %add3A_1859 = arith.constant 80 : i32
      %add3A_1860 = arith.addi %mul3A_1858, %add3A_1859 : i32
      %get3A_1861 = arith.index_cast %add3A_1860 : i32 to index
      %get3A_1862 = tpu.vector_load %arg5[%get3A_1861] {strides = array<i32>} : memref<8192xf32, #tpu.memory_space<vmem>>, vector<16xf32>,
      %get3A_1863 = vector.shape_cast %get3A_1862 : vector<16xf32> to vector<16xf32>
      %lt3A_1864 = arith.cmpf olt, %get3A_1863, %scan3A_1802 : vector<16xf32>
      %select_n3A_1865 = arith.select %lt3A_1864, %get3A_1863, %scan3A_1802 : vector<16xi1>, vector<16xf32>
      %select_n3A_1866 = arith.select %lt3A_1864, %scan3A_1791, %scan3A_1803 : vector<16xi1>, vector<16xi32>
      %mul3A_1867 = arith.constant 128 : i32
      %mul3A_1868 = arith.muli %scan3A_1790, %mul3A_1867 : i32
      %add3A_1869 = arith.constant 96 : i32
      %add3A_1870 = arith.addi %mul3A_1868, %add3A_1869 : i32
      %get3A_1871 = arith.index_cast %add3A_1870 : i32 to index
      %get3A_1872 = tpu.vector_load %arg5[%get3A_1871] {strides = array<i32>} : memref<8192xf32, #tpu.memory_space<vmem>>, vector<16xf32>,
      %get3A_1873 = vector.shape_cast %get3A_1872 : vector<16xf32> to vector<16xf32>
      %lt3A_1874 = arith.cmpf olt, %get3A_1873, %scan3A_1804 : vector<16xf32>
      %select_n3A_1875 = arith.select %lt3A_1874, %get3A_1873, %scan3A_1804 : vector<16xi1>, vector<16xf32>
      %select_n3A_1876 = arith.select %lt3A_1874, %scan3A_1791, %scan3A_1805 : vector<16xi1>, vector<16xi32>
      %mul3A_1877 = arith.constant 128 : i32
      %mul3A_1878 = arith.muli %scan3A_1790, %mul3A_1877 : i32
      %add3A_1879 = arith.constant 112 : i32
      %add3A_1880 = arith.addi %mul3A_1878, %add3A_1879 : i32
      %get3A_1881 = arith.index_cast %add3A_1880 : i32 to index
      %get3A_1882 = tpu.vector_load %arg5[%get3A_1881] {strides = array<i32>} : memref<8192xf32, #tpu.memory_space<vmem>>, vector<16xf32>,
      %get3A_1883 = vector.shape_cast %get3A_1882 : vector<16xf32> to vector<16xf32>
      %lt3A_1884 = arith.cmpf olt, %get3A_1883, %scan3A_1806 : vector<16xf32>
      %select_n3A_1885 = arith.select %lt3A_1884, %get3A_1883, %scan3A_1806 : vector<16xi1>, vector<16xf32>
      %select_n3A_1886 = arith.select %lt3A_1884, %scan3A_1791, %scan3A_1807 : vector<16xi1>, vector<16xi32>
      %add3A_1887 = arith.constant 1 : i32
      %add3A_1888 = vector.broadcast %add3A_1887 : i32 to vector<16xi32>
      %add3A_1889 = arith.addi %scan3A_1791, %add3A_1888 : vector<16xi32>
      scf.yield %add3A_1889, %select_n3A_1815, %select_n3A_1816, %select_n3A_1825, %select_n3A_1826, %select_n3A_1835, %select_n3A_1836, %select_n3A_1845, %select_n3A_1846, %select_n3A_1855, %select_n3A_1856, %select_n3A_1865, %select_n3A_1866, %select_n3A_1875, %select_n3A_1876, %select_n3A_1885, %select_n3A_1886 : vector<16xi32>, vector<16xf32>, vector<16xi32>, vector<16xf32>, vector<16xi32>, vector<16xf32>, vector<16xi32>, vector<16xf32>, vector<16xi32>, vector<16xf32>, vector<16xi32>, vector<16xf32>, vector<16xi32>, vector<16xf32>, vector<16xi32>, vector<16xf32>, vector<16xi32>
    }
    %scan3A_78 = arith.constant 64 : i32
    %dma_wait3A_79 = tpu.memref_slice %arg2[%multiple_of3A_68] : memref<4194304xf32, #tpu.memory_space<hbm>> -> memref<8192xf32, #tpu.memory_space<hbm>>
    %dma_wait3A_80 = tpu.memref_slice %arg2[%multiple_of3A_68] : memref<4194304xf32, #tpu.memory_space<hbm>> -> memref<8192xf32, #tpu.memory_space<hbm>>
    tpu.wait_dma2 semaphore(%arg7 : memref<!tpu.dma_semaphore, #tpu.memory_space<semaphore_mem>>) src(%dma_wait3A_80 : memref<8192xf32, #tpu.memory_space<hbm>>) dst(%arg4 : memref<8192xf32, #tpu.memory_space<vmem>>)
    %add3A_81 = arith.constant 0 : i32
    %add3A_82 = arith.addi %mul3A_2, %add3A_81 : i32
    %mul3A_83 = arith.constant 32768 : i32
    %mul3A_84 = arith.muli %add3A_82, %mul3A_83 : i32
    %add3A_85 = arith.constant 24576 : i32
    %add3A_86 = arith.addi %mul3A_84, %add3A_85 : i32
    %multiple_of3A_87 = tpu.assume_multiple %add3A_86, 8192 : i32
    %dma_start3A_88 = tpu.memref_slice %arg2[%multiple_of3A_87] : memref<4194304xf32, #tpu.memory_space<hbm>> -> memref<8192xf32, #tpu.memory_space<hbm>>
    %dma_start3A_89 = tpu.memref_slice %arg2[%multiple_of3A_87] : memref<4194304xf32, #tpu.memory_space<hbm>> -> memref<8192xf32, #tpu.memory_space<hbm>>
    tpu.enqueue_dma source(%dma_start3A_89 : memref<8192xf32, #tpu.memory_space<hbm>>) target(%arg5 : memref<8192xf32, #tpu.memory_space<vmem>>) target_semaphore(%arg8 : memref<!tpu.dma_semaphore, #tpu.memory_space<semaphore_mem>>)
    %broadcast_in_dim3A_90 = arith.constant 128 : i32
    %broadcast_in_dim3A_91 = vector.broadcast %broadcast_in_dim3A_90 : i32 to vector<16xi32>
    %scan3A_92 = arith.constant 0 : i32
    %scan3A_93 = arith.constant 64 : i32
    %scan3A_94 = arith.addi %scan3A_92, %scan3A_93 : i32
    %scan3A_95 = arith.constant 1 : i32
    %scan3A_96:17 = scf.for %scan3A_1790 = %scan3A_92 to %scan3A_94 step %scan3A_95 iter_args(%scan3A_1791 = %broadcast_in_dim3A_91, %scan3A_1792 = %scan3A_77#1, %scan3A_1793 = %scan3A_77#2, %scan3A_1794 = %scan3A_77#3, %scan3A_1795 = %scan3A_77#4, %scan3A_1796 = %scan3A_77#5, %scan3A_1797 = %scan3A_77#6, %scan3A_1798 = %scan3A_77#7, %scan3A_1799 = %scan3A_77#8, %scan3A_1800 = %scan3A_77#9, %scan3A_1801 = %scan3A_77#10, %scan3A_1802 = %scan3A_77#11, %scan3A_1803 = %scan3A_77#12, %scan3A_1804 = %scan3A_77#13, %scan3A_1805 = %scan3A_77#14, %scan3A_1806 = %scan3A_77#15, %scan3A_1807 = %scan3A_77#16) -> (vector<16xi32>, vector<16xf32>, vector<16xi32>, vector<16xf32>, vector<16xi32>, vector<16xf32>, vector<16xi32>, vector<16xf32>, vector<16xi32>, vector<16xf32>, vector<16xi32>, vector<16xf32>, vector<16xi32>, vector<16xf32>, vector<16xi32>, vector<16xf32>, vector<16xi32>)  : i32 {
      %mul3A_1808 = arith.constant 128 : i32
      %mul3A_1809 = arith.muli %scan3A_1790, %mul3A_1808 : i32
      %add3A_1810 = arith.constant 0 : i32
      %add3A_1811 = arith.addi %mul3A_1809, %add3A_1810 : i32
      %get3A = arith.index_cast %add3A_1811 : i32 to index
      %get3A_1812 = tpu.vector_load %arg4[%get3A] {strides = array<i32>} : memref<8192xf32, #tpu.memory_space<vmem>>, vector<16xf32>,
      %get3A_1813 = vector.shape_cast %get3A_1812 : vector<16xf32> to vector<16xf32>
      %lt3A_1814 = arith.cmpf olt, %get3A_1813, %scan3A_1792 : vector<16xf32>
      %select_n3A_1815 = arith.select %lt3A_1814, %get3A_1813, %scan3A_1792 : vector<16xi1>, vector<16xf32>
      %select_n3A_1816 = arith.select %lt3A_1814, %scan3A_1791, %scan3A_1793 : vector<16xi1>, vector<16xi32>
      %mul3A_1817 = arith.constant 128 : i32
      %mul3A_1818 = arith.muli %scan3A_1790, %mul3A_1817 : i32
      %add3A_1819 = arith.constant 16 : i32
      %add3A_1820 = arith.addi %mul3A_1818, %add3A_1819 : i32
      %get3A_1821 = arith.index_cast %add3A_1820 : i32 to index
      %get3A_1822 = tpu.vector_load %arg4[%get3A_1821] {strides = array<i32>} : memref<8192xf32, #tpu.memory_space<vmem>>, vector<16xf32>,
      %get3A_1823 = vector.shape_cast %get3A_1822 : vector<16xf32> to vector<16xf32>
      %lt3A_1824 = arith.cmpf olt, %get3A_1823, %scan3A_1794 : vector<16xf32>
      %select_n3A_1825 = arith.select %lt3A_1824, %get3A_1823, %scan3A_1794 : vector<16xi1>, vector<16xf32>
      %select_n3A_1826 = arith.select %lt3A_1824, %scan3A_1791, %scan3A_1795 : vector<16xi1>, vector<16xi32>
      %mul3A_1827 = arith.constant 128 : i32
      %mul3A_1828 = arith.muli %scan3A_1790, %mul3A_1827 : i32
      %add3A_1829 = arith.constant 32 : i32
      %add3A_1830 = arith.addi %mul3A_1828, %add3A_1829 : i32
      %get3A_1831 = arith.index_cast %add3A_1830 : i32 to index
      %get3A_1832 = tpu.vector_load %arg4[%get3A_1831] {strides = array<i32>} : memref<8192xf32, #tpu.memory_space<vmem>>, vector<16xf32>,
      %get3A_1833 = vector.shape_cast %get3A_1832 : vector<16xf32> to vector<16xf32>
      %lt3A_1834 = arith.cmpf olt, %get3A_1833, %scan3A_1796 : vector<16xf32>
      %select_n3A_1835 = arith.select %lt3A_1834, %get3A_1833, %scan3A_1796 : vector<16xi1>, vector<16xf32>
      %select_n3A_1836 = arith.select %lt3A_1834, %scan3A_1791, %scan3A_1797 : vector<16xi1>, vector<16xi32>
      %mul3A_1837 = arith.constant 128 : i32
      %mul3A_1838 = arith.muli %scan3A_1790, %mul3A_1837 : i32
      %add3A_1839 = arith.constant 48 : i32
      %add3A_1840 = arith.addi %mul3A_1838, %add3A_1839 : i32
      %get3A_1841 = arith.index_cast %add3A_1840 : i32 to index
      %get3A_1842 = tpu.vector_load %arg4[%get3A_1841] {strides = array<i32>} : memref<8192xf32, #tpu.memory_space<vmem>>, vector<16xf32>,
      %get3A_1843 = vector.shape_cast %get3A_1842 : vector<16xf32> to vector<16xf32>
      %lt3A_1844 = arith.cmpf olt, %get3A_1843, %scan3A_1798 : vector<16xf32>
      %select_n3A_1845 = arith.select %lt3A_1844, %get3A_1843, %scan3A_1798 : vector<16xi1>, vector<16xf32>
      %select_n3A_1846 = arith.select %lt3A_1844, %scan3A_1791, %scan3A_1799 : vector<16xi1>, vector<16xi32>
      %mul3A_1847 = arith.constant 128 : i32
      %mul3A_1848 = arith.muli %scan3A_1790, %mul3A_1847 : i32
      %add3A_1849 = arith.constant 64 : i32
      %add3A_1850 = arith.addi %mul3A_1848, %add3A_1849 : i32
      %get3A_1851 = arith.index_cast %add3A_1850 : i32 to index
      %get3A_1852 = tpu.vector_load %arg4[%get3A_1851] {strides = array<i32>} : memref<8192xf32, #tpu.memory_space<vmem>>, vector<16xf32>,
      %get3A_1853 = vector.shape_cast %get3A_1852 : vector<16xf32> to vector<16xf32>
      %lt3A_1854 = arith.cmpf olt, %get3A_1853, %scan3A_1800 : vector<16xf32>
      %select_n3A_1855 = arith.select %lt3A_1854, %get3A_1853, %scan3A_1800 : vector<16xi1>, vector<16xf32>
      %select_n3A_1856 = arith.select %lt3A_1854, %scan3A_1791, %scan3A_1801 : vector<16xi1>, vector<16xi32>
      %mul3A_1857 = arith.constant 128 : i32
      %mul3A_1858 = arith.muli %scan3A_1790, %mul3A_1857 : i32
      %add3A_1859 = arith.constant 80 : i32
      %add3A_1860 = arith.addi %mul3A_1858, %add3A_1859 : i32
      %get3A_1861 = arith.index_cast %add3A_1860 : i32 to index
      %get3A_1862 = tpu.vector_load %arg4[%get3A_1861] {strides = array<i32>} : memref<8192xf32, #tpu.memory_space<vmem>>, vector<16xf32>,
      %get3A_1863 = vector.shape_cast %get3A_1862 : vector<16xf32> to vector<16xf32>
      %lt3A_1864 = arith.cmpf olt, %get3A_1863, %scan3A_1802 : vector<16xf32>
      %select_n3A_1865 = arith.select %lt3A_1864, %get3A_1863, %scan3A_1802 : vector<16xi1>, vector<16xf32>
      %select_n3A_1866 = arith.select %lt3A_1864, %scan3A_1791, %scan3A_1803 : vector<16xi1>, vector<16xi32>
      %mul3A_1867 = arith.constant 128 : i32
      %mul3A_1868 = arith.muli %scan3A_1790, %mul3A_1867 : i32
      %add3A_1869 = arith.constant 96 : i32
      %add3A_1870 = arith.addi %mul3A_1868, %add3A_1869 : i32
      %get3A_1871 = arith.index_cast %add3A_1870 : i32 to index
      %get3A_1872 = tpu.vector_load %arg4[%get3A_1871] {strides = array<i32>} : memref<8192xf32, #tpu.memory_space<vmem>>, vector<16xf32>,
      %get3A_1873 = vector.shape_cast %get3A_1872 : vector<16xf32> to vector<16xf32>
      %lt3A_1874 = arith.cmpf olt, %get3A_1873, %scan3A_1804 : vector<16xf32>
      %select_n3A_1875 = arith.select %lt3A_1874, %get3A_1873, %scan3A_1804 : vector<16xi1>, vector<16xf32>
      %select_n3A_1876 = arith.select %lt3A_1874, %scan3A_1791, %scan3A_1805 : vector<16xi1>, vector<16xi32>
      %mul3A_1877 = arith.constant 128 : i32
      %mul3A_1878 = arith.muli %scan3A_1790, %mul3A_1877 : i32
      %add3A_1879 = arith.constant 112 : i32
      %add3A_1880 = arith.addi %mul3A_1878, %add3A_1879 : i32
      %get3A_1881 = arith.index_cast %add3A_1880 : i32 to index
      %get3A_1882 = tpu.vector_load %arg4[%get3A_1881] {strides = array<i32>} : memref<8192xf32, #tpu.memory_space<vmem>>, vector<16xf32>,
      %get3A_1883 = vector.shape_cast %get3A_1882 : vector<16xf32> to vector<16xf32>
      %lt3A_1884 = arith.cmpf olt, %get3A_1883, %scan3A_1806 : vector<16xf32>
      %select_n3A_1885 = arith.select %lt3A_1884, %get3A_1883, %scan3A_1806 : vector<16xi1>, vector<16xf32>
      %select_n3A_1886 = arith.select %lt3A_1884, %scan3A_1791, %scan3A_1807 : vector<16xi1>, vector<16xi32>
      %add3A_1887 = arith.constant 1 : i32
      %add3A_1888 = vector.broadcast %add3A_1887 : i32 to vector<16xi32>
      %add3A_1889 = arith.addi %scan3A_1791, %add3A_1888 : vector<16xi32>
      scf.yield %add3A_1889, %select_n3A_1815, %select_n3A_1816, %select_n3A_1825, %select_n3A_1826, %select_n3A_1835, %select_n3A_1836, %select_n3A_1845, %select_n3A_1846, %select_n3A_1855, %select_n3A_1856, %select_n3A_1865, %select_n3A_1866, %select_n3A_1875, %select_n3A_1876, %select_n3A_1885, %select_n3A_1886 : vector<16xi32>, vector<16xf32>, vector<16xi32>, vector<16xf32>, vector<16xi32>, vector<16xf32>, vector<16xi32>, vector<16xf32>, vector<16xi32>, vector<16xf32>, vector<16xi32>, vector<16xf32>, vector<16xi32>, vector<16xf32>, vector<16xi32>, vector<16xf32>, vector<16xi32>
    }
    %scan3A_97 = arith.constant 64 : i32
    %dma_wait3A_98 = tpu.memref_slice %arg2[%multiple_of3A_87] : memref<4194304xf32, #tpu.memory_space<hbm>> -> memref<8192xf32, #tpu.memory_space<hbm>>
    %dma_wait3A_99 = tpu.memref_slice %arg2[%multiple_of3A_87] : memref<4194304xf32, #tpu.memory_space<hbm>> -> memref<8192xf32, #tpu.memory_space<hbm>>
    tpu.wait_dma2 semaphore(%arg8 : memref<!tpu.dma_semaphore, #tpu.memory_space<semaphore_mem>>) src(%dma_wait3A_99 : memref<8192xf32, #tpu.memory_space<hbm>>) dst(%arg5 : memref<8192xf32, #tpu.memory_space<vmem>>)
    %add3A_100 = arith.constant 1 : i32
    %add3A_101 = arith.addi %mul3A_2, %add3A_100 : i32
    %mul3A_102 = arith.constant 32768 : i32
    %mul3A_103 = arith.muli %add3A_101, %mul3A_102 : i32
    %add3A_104 = arith.constant 0 : i32
    %add3A_105 = arith.addi %mul3A_103, %add3A_104 : i32
    %multiple_of3A_106 = tpu.assume_multiple %add3A_105, 8192 : i32
    %dma_start3A_107 = tpu.memref_slice %arg2[%multiple_of3A_106] : memref<4194304xf32, #tpu.memory_space<hbm>> -> memref<8192xf32, #tpu.memory_space<hbm>>
    %dma_start3A_108 = tpu.memref_slice %arg2[%multiple_of3A_106] : memref<4194304xf32, #tpu.memory_space<hbm>> -> memref<8192xf32, #tpu.memory_space<hbm>>
    tpu.enqueue_dma source(%dma_start3A_108 : memref<8192xf32, #tpu.memory_space<hbm>>) target(%arg4 : memref<8192xf32, #tpu.memory_space<vmem>>) target_semaphore(%arg7 : memref<!tpu.dma_semaphore, #tpu.memory_space<semaphore_mem>>)
    %broadcast_in_dim3A_109 = arith.constant 192 : i32
    %broadcast_in_dim3A_110 = vector.broadcast %broadcast_in_dim3A_109 : i32 to vector<16xi32>
    %scan3A_111 = arith.constant 0 : i32
    %scan3A_112 = arith.constant 64 : i32
    %scan3A_113 = arith.addi %scan3A_111, %scan3A_112 : i32
    %scan3A_114 = arith.constant 1 : i32
    %scan3A_115:17 = scf.for %scan3A_1790 = %scan3A_111 to %scan3A_113 step %scan3A_114 iter_args(%scan3A_1791 = %broadcast_in_dim3A_110, %scan3A_1792 = %scan3A_96#1, %scan3A_1793 = %scan3A_96#2, %scan3A_1794 = %scan3A_96#3, %scan3A_1795 = %scan3A_96#4, %scan3A_1796 = %scan3A_96#5, %scan3A_1797 = %scan3A_96#6, %scan3A_1798 = %scan3A_96#7, %scan3A_1799 = %scan3A_96#8, %scan3A_1800 = %scan3A_96#9, %scan3A_1801 = %scan3A_96#10, %scan3A_1802 = %scan3A_96#11, %scan3A_1803 = %scan3A_96#12, %scan3A_1804 = %scan3A_96#13, %scan3A_1805 = %scan3A_96#14, %scan3A_1806 = %scan3A_96#15, %scan3A_1807 = %scan3A_96#16) -> (vector<16xi32>, vector<16xf32>, vector<16xi32>, vector<16xf32>, vector<16xi32>, vector<16xf32>, vector<16xi32>, vector<16xf32>, vector<16xi32>, vector<16xf32>, vector<16xi32>, vector<16xf32>, vector<16xi32>, vector<16xf32>, vector<16xi32>, vector<16xf32>, vector<16xi32>)  : i32 {
      %mul3A_1808 = arith.constant 128 : i32
      %mul3A_1809 = arith.muli %scan3A_1790, %mul3A_1808 : i32
      %add3A_1810 = arith.constant 0 : i32
      %add3A_1811 = arith.addi %mul3A_1809, %add3A_1810 : i32
      %get3A = arith.index_cast %add3A_1811 : i32 to index
      %get3A_1812 = tpu.vector_load %arg5[%get3A] {strides = array<i32>} : memref<8192xf32, #tpu.memory_space<vmem>>, vector<16xf32>,
      %get3A_1813 = vector.shape_cast %get3A_1812 : vector<16xf32> to vector<16xf32>
      %lt3A_1814 = arith.cmpf olt, %get3A_1813, %scan3A_1792 : vector<16xf32>
      %select_n3A_1815 = arith.select %lt3A_1814, %get3A_1813, %scan3A_1792 : vector<16xi1>, vector<16xf32>
      %select_n3A_1816 = arith.select %lt3A_1814, %scan3A_1791, %scan3A_1793 : vector<16xi1>, vector<16xi32>
      %mul3A_1817 = arith.constant 128 : i32
      %mul3A_1818 = arith.muli %scan3A_1790, %mul3A_1817 : i32
      %add3A_1819 = arith.constant 16 : i32
      %add3A_1820 = arith.addi %mul3A_1818, %add3A_1819 : i32
      %get3A_1821 = arith.index_cast %add3A_1820 : i32 to index
      %get3A_1822 = tpu.vector_load %arg5[%get3A_1821] {strides = array<i32>} : memref<8192xf32, #tpu.memory_space<vmem>>, vector<16xf32>,
      %get3A_1823 = vector.shape_cast %get3A_1822 : vector<16xf32> to vector<16xf32>
      %lt3A_1824 = arith.cmpf olt, %get3A_1823, %scan3A_1794 : vector<16xf32>
      %select_n3A_1825 = arith.select %lt3A_1824, %get3A_1823, %scan3A_1794 : vector<16xi1>, vector<16xf32>
      %select_n3A_1826 = arith.select %lt3A_1824, %scan3A_1791, %scan3A_1795 : vector<16xi1>, vector<16xi32>
      %mul3A_1827 = arith.constant 128 : i32
      %mul3A_1828 = arith.muli %scan3A_1790, %mul3A_1827 : i32
      %add3A_1829 = arith.constant 32 : i32
      %add3A_1830 = arith.addi %mul3A_1828, %add3A_1829 : i32
      %get3A_1831 = arith.index_cast %add3A_1830 : i32 to index
      %get3A_1832 = tpu.vector_load %arg5[%get3A_1831] {strides = array<i32>} : memref<8192xf32, #tpu.memory_space<vmem>>, vector<16xf32>,
      %get3A_1833 = vector.shape_cast %get3A_1832 : vector<16xf32> to vector<16xf32>
      %lt3A_1834 = arith.cmpf olt, %get3A_1833, %scan3A_1796 : vector<16xf32>
      %select_n3A_1835 = arith.select %lt3A_1834, %get3A_1833, %scan3A_1796 : vector<16xi1>, vector<16xf32>
      %select_n3A_1836 = arith.select %lt3A_1834, %scan3A_1791, %scan3A_1797 : vector<16xi1>, vector<16xi32>
      %mul3A_1837 = arith.constant 128 : i32
      %mul3A_1838 = arith.muli %scan3A_1790, %mul3A_1837 : i32
      %add3A_1839 = arith.constant 48 : i32
      %add3A_1840 = arith.addi %mul3A_1838, %add3A_1839 : i32
      %get3A_1841 = arith.index_cast %add3A_1840 : i32 to index
      %get3A_1842 = tpu.vector_load %arg5[%get3A_1841] {strides = array<i32>} : memref<8192xf32, #tpu.memory_space<vmem>>, vector<16xf32>,
      %get3A_1843 = vector.shape_cast %get3A_1842 : vector<16xf32> to vector<16xf32>
      %lt3A_1844 = arith.cmpf olt, %get3A_1843, %scan3A_1798 : vector<16xf32>
      %select_n3A_1845 = arith.select %lt3A_1844, %get3A_1843, %scan3A_1798 : vector<16xi1>, vector<16xf32>
      %select_n3A_1846 = arith.select %lt3A_1844, %scan3A_1791, %scan3A_1799 : vector<16xi1>, vector<16xi32>
      %mul3A_1847 = arith.constant 128 : i32
      %mul3A_1848 = arith.muli %scan3A_1790, %mul3A_1847 : i32
      %add3A_1849 = arith.constant 64 : i32
      %add3A_1850 = arith.addi %mul3A_1848, %add3A_1849 : i32
      %get3A_1851 = arith.index_cast %add3A_1850 : i32 to index
      %get3A_1852 = tpu.vector_load %arg5[%get3A_1851] {strides = array<i32>} : memref<8192xf32, #tpu.memory_space<vmem>>, vector<16xf32>,
      %get3A_1853 = vector.shape_cast %get3A_1852 : vector<16xf32> to vector<16xf32>
      %lt3A_1854 = arith.cmpf olt, %get3A_1853, %scan3A_1800 : vector<16xf32>
      %select_n3A_1855 = arith.select %lt3A_1854, %get3A_1853, %scan3A_1800 : vector<16xi1>, vector<16xf32>
      %select_n3A_1856 = arith.select %lt3A_1854, %scan3A_1791, %scan3A_1801 : vector<16xi1>, vector<16xi32>
      %mul3A_1857 = arith.constant 128 : i32
      %mul3A_1858 = arith.muli %scan3A_1790, %mul3A_1857 : i32
      %add3A_1859 = arith.constant 80 : i32
      %add3A_1860 = arith.addi %mul3A_1858, %add3A_1859 : i32
      %get3A_1861 = arith.index_cast %add3A_1860 : i32 to index
      %get3A_1862 = tpu.vector_load %arg5[%get3A_1861] {strides = array<i32>} : memref<8192xf32, #tpu.memory_space<vmem>>, vector<16xf32>,
      %get3A_1863 = vector.shape_cast %get3A_1862 : vector<16xf32> to vector<16xf32>
      %lt3A_1864 = arith.cmpf olt, %get3A_1863, %scan3A_1802 : vector<16xf32>
      %select_n3A_1865 = arith.select %lt3A_1864, %get3A_1863, %scan3A_1802 : vector<16xi1>, vector<16xf32>
      %select_n3A_1866 = arith.select %lt3A_1864, %scan3A_1791, %scan3A_1803 : vector<16xi1>, vector<16xi32>
      %mul3A_1867 = arith.constant 128 : i32
      %mul3A_1868 = arith.muli %scan3A_1790, %mul3A_1867 : i32
      %add3A_1869 = arith.constant 96 : i32
      %add3A_1870 = arith.addi %mul3A_1868, %add3A_1869 : i32
      %get3A_1871 = arith.index_cast %add3A_1870 : i32 to index
      %get3A_1872 = tpu.vector_load %arg5[%get3A_1871] {strides = array<i32>} : memref<8192xf32, #tpu.memory_space<vmem>>, vector<16xf32>,
      %get3A_1873 = vector.shape_cast %get3A_1872 : vector<16xf32> to vector<16xf32>
      %lt3A_1874 = arith.cmpf olt, %get3A_1873, %scan3A_1804 : vector<16xf32>
      %select_n3A_1875 = arith.select %lt3A_1874, %get3A_1873, %scan3A_1804 : vector<16xi1>, vector<16xf32>
      %select_n3A_1876 = arith.select %lt3A_1874, %scan3A_1791, %scan3A_1805 : vector<16xi1>, vector<16xi32>
      %mul3A_1877 = arith.constant 128 : i32
      %mul3A_1878 = arith.muli %scan3A_1790, %mul3A_1877 : i32
      %add3A_1879 = arith.constant 112 : i32
      %add3A_1880 = arith.addi %mul3A_1878, %add3A_1879 : i32
      %get3A_1881 = arith.index_cast %add3A_1880 : i32 to index
      %get3A_1882 = tpu.vector_load %arg5[%get3A_1881] {strides = array<i32>} : memref<8192xf32, #tpu.memory_space<vmem>>, vector<16xf32>,
      %get3A_1883 = vector.shape_cast %get3A_1882 : vector<16xf32> to vector<16xf32>
      %lt3A_1884 = arith.cmpf olt, %get3A_1883, %scan3A_1806 : vector<16xf32>
      %select_n3A_1885 = arith.select %lt3A_1884, %get3A_1883, %scan3A_1806 : vector<16xi1>, vector<16xf32>
      %select_n3A_1886 = arith.select %lt3A_1884, %scan3A_1791, %scan3A_1807 : vector<16xi1>, vector<16xi32>
      %add3A_1887 = arith.constant 1 : i32
      %add3A_1888 = vector.broadcast %add3A_1887 : i32 to vector<16xi32>
      %add3A_1889 = arith.addi %scan3A_1791, %add3A_1888 : vector<16xi32>
      scf.yield %add3A_1889, %select_n3A_1815, %select_n3A_1816, %select_n3A_1825, %select_n3A_1826, %select_n3A_1835, %select_n3A_1836, %select_n3A_1845, %select_n3A_1846, %select_n3A_1855, %select_n3A_1856, %select_n3A_1865, %select_n3A_1866, %select_n3A_1875, %select_n3A_1876, %select_n3A_1885, %select_n3A_1886 : vector<16xi32>, vector<16xf32>, vector<16xi32>, vector<16xf32>, vector<16xi32>, vector<16xf32>, vector<16xi32>, vector<16xf32>, vector<16xi32>, vector<16xf32>, vector<16xi32>, vector<16xf32>, vector<16xi32>, vector<16xf32>, vector<16xi32>, vector<16xf32>, vector<16xi32>
    }
    %scan3A_116 = arith.constant 64 : i32
    %mul3A_117 = arith.constant 8 : i32
    %mul3A_118 = vector.broadcast %mul3A_117 : i32 to vector<16xi32>
    %mul3A_119 = arith.muli %scan3A_115#2, %mul3A_118 : vector<16xi32>
    %add3A_120 = arith.constant 0 : i32
    %add3A_121 = vector.broadcast %add3A_120 : i32 to vector<16xi32>
    %add3A_122 = arith.addi %mul3A_119, %add3A_121 : vector<16xi32>
    %mul3A_123 = arith.constant 16 : i32
    %mul3A_124 = vector.broadcast %mul3A_123 : i32 to vector<16xi32>
    %mul3A_125 = arith.muli %add3A_122, %mul3A_124 : vector<16xi32>
    %add3A_126 = arith.addi %mul3A_125, %iota3A : vector<16xi32>
    %mul3A_127 = arith.constant 8 : i32
    %mul3A_128 = vector.broadcast %mul3A_127 : i32 to vector<16xi32>
    %mul3A_129 = arith.muli %scan3A_115#4, %mul3A_128 : vector<16xi32>
    %add3A_130 = arith.constant 1 : i32
    %add3A_131 = vector.broadcast %add3A_130 : i32 to vector<16xi32>
    %add3A_132 = arith.addi %mul3A_129, %add3A_131 : vector<16xi32>
    %mul3A_133 = arith.constant 16 : i32
    %mul3A_134 = vector.broadcast %mul3A_133 : i32 to vector<16xi32>
    %mul3A_135 = arith.muli %add3A_132, %mul3A_134 : vector<16xi32>
    %add3A_136 = arith.addi %mul3A_135, %iota3A : vector<16xi32>
    %mul3A_137 = arith.constant 8 : i32
    %mul3A_138 = vector.broadcast %mul3A_137 : i32 to vector<16xi32>
    %mul3A_139 = arith.muli %scan3A_115#6, %mul3A_138 : vector<16xi32>
    %add3A_140 = arith.constant 2 : i32
    %add3A_141 = vector.broadcast %add3A_140 : i32 to vector<16xi32>
    %add3A_142 = arith.addi %mul3A_139, %add3A_141 : vector<16xi32>
    %mul3A_143 = arith.constant 16 : i32
    %mul3A_144 = vector.broadcast %mul3A_143 : i32 to vector<16xi32>
    %mul3A_145 = arith.muli %add3A_142, %mul3A_144 : vector<16xi32>
    %add3A_146 = arith.addi %mul3A_145, %iota3A : vector<16xi32>
    %mul3A_147 = arith.constant 8 : i32
    %mul3A_148 = vector.broadcast %mul3A_147 : i32 to vector<16xi32>
    %mul3A_149 = arith.muli %scan3A_115#8, %mul3A_148 : vector<16xi32>
    %add3A_150 = arith.constant 3 : i32
    %add3A_151 = vector.broadcast %add3A_150 : i32 to vector<16xi32>
    %add3A_152 = arith.addi %mul3A_149, %add3A_151 : vector<16xi32>
    %mul3A_153 = arith.constant 16 : i32
    %mul3A_154 = vector.broadcast %mul3A_153 : i32 to vector<16xi32>
    %mul3A_155 = arith.muli %add3A_152, %mul3A_154 : vector<16xi32>
    %add3A_156 = arith.addi %mul3A_155, %iota3A : vector<16xi32>
    %mul3A_157 = arith.constant 8 : i32
    %mul3A_158 = vector.broadcast %mul3A_157 : i32 to vector<16xi32>
    %mul3A_159 = arith.muli %scan3A_115#10, %mul3A_158 : vector<16xi32>
    %add3A_160 = arith.constant 4 : i32
    %add3A_161 = vector.broadcast %add3A_160 : i32 to vector<16xi32>
    %add3A_162 = arith.addi %mul3A_159, %add3A_161 : vector<16xi32>
    %mul3A_163 = arith.constant 16 : i32
    %mul3A_164 = vector.broadcast %mul3A_163 : i32 to vector<16xi32>
    %mul3A_165 = arith.muli %add3A_162, %mul3A_164 : vector<16xi32>
    %add3A_166 = arith.addi %mul3A_165, %iota3A : vector<16xi32>
    %mul3A_167 = arith.constant 8 : i32
    %mul3A_168 = vector.broadcast %mul3A_167 : i32 to vector<16xi32>
    %mul3A_169 = arith.muli %scan3A_115#12, %mul3A_168 : vector<16xi32>
    %add3A_170 = arith.constant 5 : i32
    %add3A_171 = vector.broadcast %add3A_170 : i32 to vector<16xi32>
    %add3A_172 = arith.addi %mul3A_169, %add3A_171 : vector<16xi32>
    %mul3A_173 = arith.constant 16 : i32
    %mul3A_174 = vector.broadcast %mul3A_173 : i32 to vector<16xi32>
    %mul3A_175 = arith.muli %add3A_172, %mul3A_174 : vector<16xi32>
    %add3A_176 = arith.addi %mul3A_175, %iota3A : vector<16xi32>
    %mul3A_177 = arith.constant 8 : i32
    %mul3A_178 = vector.broadcast %mul3A_177 : i32 to vector<16xi32>
    %mul3A_179 = arith.muli %scan3A_115#14, %mul3A_178 : vector<16xi32>
    %add3A_180 = arith.constant 6 : i32
    %add3A_181 = vector.broadcast %add3A_180 : i32 to vector<16xi32>
    %add3A_182 = arith.addi %mul3A_179, %add3A_181 : vector<16xi32>
    %mul3A_183 = arith.constant 16 : i32
    %mul3A_184 = vector.broadcast %mul3A_183 : i32 to vector<16xi32>
    %mul3A_185 = arith.muli %add3A_182, %mul3A_184 : vector<16xi32>
    %add3A_186 = arith.addi %mul3A_185, %iota3A : vector<16xi32>
    %mul3A_187 = arith.constant 8 : i32
    %mul3A_188 = vector.broadcast %mul3A_187 : i32 to vector<16xi32>
    %mul3A_189 = arith.muli %scan3A_115#16, %mul3A_188 : vector<16xi32>
    %add3A_190 = arith.constant 7 : i32
    %add3A_191 = vector.broadcast %add3A_190 : i32 to vector<16xi32>
    %add3A_192 = arith.addi %mul3A_189, %add3A_191 : vector<16xi32>
    %mul3A_193 = arith.constant 16 : i32
    %mul3A_194 = vector.broadcast %mul3A_193 : i32 to vector<16xi32>
    %mul3A_195 = arith.muli %add3A_192, %mul3A_194 : vector<16xi32>
    %add3A_196 = arith.addi %mul3A_195, %iota3A : vector<16xi32>
    %lt3A = arith.cmpf olt, %scan3A_115#3, %scan3A_115#1 : vector<16xf32>
    %eq3A = arith.cmpf oeq, %scan3A_115#3, %scan3A_115#1 : vector<16xf32>
    %lt3A_197 = arith.cmpi slt, %add3A_136, %add3A_126 : vector<16xi32>
    %and3A = arith.andi %eq3A, %lt3A_197 : vector<16xi1>
    %or3A = arith.ori %lt3A, %and3A : vector<16xi1>
    %select_n3A = arith.select %or3A, %scan3A_115#3, %scan3A_115#1 : vector<16xi1>, vector<16xf32>
    %select_n3A_198 = arith.select %or3A, %add3A_136, %add3A_126 : vector<16xi1>, vector<16xi32>
    %lt3A_199 = arith.cmpf olt, %scan3A_115#5, %select_n3A : vector<16xf32>
    %eq3A_200 = arith.cmpf oeq, %scan3A_115#5, %select_n3A : vector<16xf32>
    %lt3A_201 = arith.cmpi slt, %add3A_146, %select_n3A_198 : vector<16xi32>
    %and3A_202 = arith.andi %eq3A_200, %lt3A_201 : vector<16xi1>
    %or3A_203 = arith.ori %lt3A_199, %and3A_202 : vector<16xi1>
    %select_n3A_204 = arith.select %or3A_203, %scan3A_115#5, %select_n3A : vector<16xi1>, vector<16xf32>
    %select_n3A_205 = arith.select %or3A_203, %add3A_146, %select_n3A_198 : vector<16xi1>, vector<16xi32>
    %lt3A_206 = arith.cmpf olt, %scan3A_115#7, %select_n3A_204 : vector<16xf32>
    %eq3A_207 = arith.cmpf oeq, %scan3A_115#7, %select_n3A_204 : vector<16xf32>
    %lt3A_208 = arith.cmpi slt, %add3A_156, %select_n3A_205 : vector<16xi32>
    %and3A_209 = arith.andi %eq3A_207, %lt3A_208 : vector<16xi1>
    %or3A_210 = arith.ori %lt3A_206, %and3A_209 : vector<16xi1>
    %select_n3A_211 = arith.select %or3A_210, %scan3A_115#7, %select_n3A_204 : vector<16xi1>, vector<16xf32>
    %select_n3A_212 = arith.select %or3A_210, %add3A_156, %select_n3A_205 : vector<16xi1>, vector<16xi32>
    %lt3A_213 = arith.cmpf olt, %scan3A_115#9, %select_n3A_211 : vector<16xf32>
    %eq3A_214 = arith.cmpf oeq, %scan3A_115#9, %select_n3A_211 : vector<16xf32>
    %lt3A_215 = arith.cmpi slt, %add3A_166, %select_n3A_212 : vector<16xi32>
    %and3A_216 = arith.andi %eq3A_214, %lt3A_215 : vector<16xi1>
    %or3A_217 = arith.ori %lt3A_213, %and3A_216 : vector<16xi1>
    %select_n3A_218 = arith.select %or3A_217, %scan3A_115#9, %select_n3A_211 : vector<16xi1>, vector<16xf32>
    %select_n3A_219 = arith.select %or3A_217, %add3A_166, %select_n3A_212 : vector<16xi1>, vector<16xi32>
    %lt3A_220 = arith.cmpf olt, %scan3A_115#11, %select_n3A_218 : vector<16xf32>
    %eq3A_221 = arith.cmpf oeq, %scan3A_115#11, %select_n3A_218 : vector<16xf32>
    %lt3A_222 = arith.cmpi slt, %add3A_176, %select_n3A_219 : vector<16xi32>
    %and3A_223 = arith.andi %eq3A_221, %lt3A_222 : vector<16xi1>
    %or3A_224 = arith.ori %lt3A_220, %and3A_223 : vector<16xi1>
    %select_n3A_225 = arith.select %or3A_224, %scan3A_115#11, %select_n3A_218 : vector<16xi1>, vector<16xf32>
    %select_n3A_226 = arith.select %or3A_224, %add3A_176, %select_n3A_219 : vector<16xi1>, vector<16xi32>
    %lt3A_227 = arith.cmpf olt, %scan3A_115#13, %select_n3A_225 : vector<16xf32>
    %eq3A_228 = arith.cmpf oeq, %scan3A_115#13, %select_n3A_225 : vector<16xf32>
    %lt3A_229 = arith.cmpi slt, %add3A_186, %select_n3A_226 : vector<16xi32>
    %and3A_230 = arith.andi %eq3A_228, %lt3A_229 : vector<16xi1>
    %or3A_231 = arith.ori %lt3A_227, %and3A_230 : vector<16xi1>
    %select_n3A_232 = arith.select %or3A_231, %scan3A_115#13, %select_n3A_225 : vector<16xi1>, vector<16xf32>
    %select_n3A_233 = arith.select %or3A_231, %add3A_186, %select_n3A_226 : vector<16xi1>, vector<16xi32>
    %lt3A_234 = arith.cmpf olt, %scan3A_115#15, %select_n3A_232 : vector<16xf32>
    %eq3A_235 = arith.cmpf oeq, %scan3A_115#15, %select_n3A_232 : vector<16xf32>
    %lt3A_236 = arith.cmpi slt, %add3A_196, %select_n3A_233 : vector<16xi32>
    %and3A_237 = arith.andi %eq3A_235, %lt3A_236 : vector<16xi1>
    %or3A_238 = arith.ori %lt3A_234, %and3A_237 : vector<16xi1>
    %select_n3A_239 = arith.select %or3A_238, %scan3A_115#15, %select_n3A_232 : vector<16xi1>, vector<16xf32>
    %select_n3A_240 = arith.select %or3A_238, %add3A_196, %select_n3A_233 : vector<16xi1>, vector<16xi32>
    %add3A_241 = arith.constant 1 : i32
    %add3A_242 = vector.broadcast %add3A_241 : i32 to vector<16xi32>
    %add3A_243 = arith.addi %iota3A, %add3A_242 : vector<16xi32>
    %jit3A = arith.constant 16 : i32
    %eq3A_244 = arith.constant 0 : i32
    %eq3A_245 = arith.cmpi eq, %jit3A, %eq3A_244 : i32
    %jit3A_246 = arith.constant 1 : i32
    %select_n3A_247 = arith.select %eq3A_245, %jit3A_246, %jit3A : i32
    %rem3A = vector.broadcast %select_n3A_247 : i32 to vector<16xi32>
    %rem3A_248 = arith.remsi %add3A_243, %rem3A : vector<16xi32>
    %ne3A = arith.constant 0 : i32
    %ne3A_249 = vector.broadcast %ne3A : i32 to vector<16xi32>
    %ne3A_250 = arith.cmpi ne, %rem3A_248, %ne3A_249 : vector<16xi32>
    %lt3A_251 = arith.constant 0 : i32
    %lt3A_252 = vector.broadcast %lt3A_251 : i32 to vector<16xi32>
    %lt3A_253 = arith.cmpi slt, %rem3A_248, %lt3A_252 : vector<16xi32>
    %lt3A_254 = arith.constant 0 : i32
    %lt3A_255 = arith.cmpi slt, %select_n3A_247, %lt3A_254 : i32
    %ne3A_256 = vector.broadcast %lt3A_255 : i1 to vector<16xi1>
    %ne3A_257 = vector.broadcast %ne3A_256 : vector<16xi1> to vector<16xi1>
    %ne3A_258 = arith.xori %lt3A_253, %ne3A_257 : vector<16xi1>
    %and3A_259 = arith.andi %ne3A_258, %ne3A_250 : vector<16xi1>
    %add3A_260 = vector.broadcast %select_n3A_247 : i32 to vector<16xi32>
    %add3A_261 = arith.addi %rem3A_248, %add3A_260 : vector<16xi32>
    %select_n3A_262 = arith.select %and3A_259, %add3A_261, %rem3A_248 : vector<16xi1>, vector<16xi32>
    %lt3A_263 = arith.constant 0 : i32
    %lt3A_264 = vector.broadcast %lt3A_263 : i32 to vector<16xi32>
    %lt3A_265 = arith.cmpi slt, %select_n3A_262, %lt3A_264 : vector<16xi32>
    %add3A_266 = arith.constant 16 : i32
    %add3A_267 = vector.broadcast %add3A_266 : i32 to vector<16xi32>
    %add3A_268 = arith.addi %select_n3A_262, %add3A_267 : vector<16xi32>
    %select_n3A_269 = arith.select %lt3A_265, %add3A_268, %select_n3A_262 : vector<16xi1>, vector<16xi32>
    %broadcast_in_dim3A_270 = vector.shape_cast %select_n3A_269 : vector<16xi32> to vector<16x1xi32>
    %gather3A = vector.shape_cast %broadcast_in_dim3A_270 : vector<16x1xi32> to vector<16xi32>
    %gather3A_271 = tpu.dynamic_gather %select_n3A_239[%gather3A] in [0] : vector<16xf32>, vector<16xi32> -> vector<16xf32>
    %lt3A_272 = arith.constant 0 : i32
    %lt3A_273 = vector.broadcast %lt3A_272 : i32 to vector<16xi32>
    %lt3A_274 = arith.cmpi slt, %select_n3A_262, %lt3A_273 : vector<16xi32>
    %add3A_275 = arith.constant 16 : i32
    %add3A_276 = vector.broadcast %add3A_275 : i32 to vector<16xi32>
    %add3A_277 = arith.addi %select_n3A_262, %add3A_276 : vector<16xi32>
    %select_n3A_278 = arith.select %lt3A_274, %add3A_277, %select_n3A_262 : vector<16xi1>, vector<16xi32>
    %broadcast_in_dim3A_279 = vector.shape_cast %select_n3A_278 : vector<16xi32> to vector<16x1xi32>
    %gather3A_280 = vector.shape_cast %broadcast_in_dim3A_279 : vector<16x1xi32> to vector<16xi32>
    %gather3A_281 = tpu.dynamic_gather %select_n3A_240[%gather3A_280] in [0] : vector<16xi32>, vector<16xi32> -> vector<16xi32>
    %lt3A_282 = arith.cmpf olt, %gather3A_271, %select_n3A_239 : vector<16xf32>
    %eq3A_283 = arith.cmpf oeq, %gather3A_271, %select_n3A_239 : vector<16xf32>
    %lt3A_284 = arith.cmpi slt, %gather3A_281, %select_n3A_240 : vector<16xi32>
    %and3A_285 = arith.andi %eq3A_283, %lt3A_284 : vector<16xi1>
    %or3A_286 = arith.ori %lt3A_282, %and3A_285 : vector<16xi1>
    %select_n3A_287 = arith.select %or3A_286, %gather3A_271, %select_n3A_239 : vector<16xi1>, vector<16xf32>
    %select_n3A_288 = arith.select %or3A_286, %gather3A_281, %select_n3A_240 : vector<16xi1>, vector<16xi32>
    %add3A_289 = arith.constant 2 : i32
    %add3A_290 = vector.broadcast %add3A_289 : i32 to vector<16xi32>
    %add3A_291 = arith.addi %iota3A, %add3A_290 : vector<16xi32>
    %jit3A_292 = arith.constant 16 : i32
    %eq3A_293 = arith.constant 0 : i32
    %eq3A_294 = arith.cmpi eq, %jit3A_292, %eq3A_293 : i32
    %jit3A_295 = arith.constant 1 : i32
    %select_n3A_296 = arith.select %eq3A_294, %jit3A_295, %jit3A_292 : i32
    %rem3A_297 = vector.broadcast %select_n3A_296 : i32 to vector<16xi32>
    %rem3A_298 = arith.remsi %add3A_291, %rem3A_297 : vector<16xi32>
    %ne3A_299 = arith.constant 0 : i32
    %ne3A_300 = vector.broadcast %ne3A_299 : i32 to vector<16xi32>
    %ne3A_301 = arith.cmpi ne, %rem3A_298, %ne3A_300 : vector<16xi32>
    %lt3A_302 = arith.constant 0 : i32
    %lt3A_303 = vector.broadcast %lt3A_302 : i32 to vector<16xi32>
    %lt3A_304 = arith.cmpi slt, %rem3A_298, %lt3A_303 : vector<16xi32>
    %lt3A_305 = arith.constant 0 : i32
    %lt3A_306 = arith.cmpi slt, %select_n3A_296, %lt3A_305 : i32
    %ne3A_307 = vector.broadcast %lt3A_306 : i1 to vector<16xi1>
    %ne3A_308 = vector.broadcast %ne3A_307 : vector<16xi1> to vector<16xi1>
    %ne3A_309 = arith.xori %lt3A_304, %ne3A_308 : vector<16xi1>
    %and3A_310 = arith.andi %ne3A_309, %ne3A_301 : vector<16xi1>
    %add3A_311 = vector.broadcast %select_n3A_296 : i32 to vector<16xi32>
    %add3A_312 = arith.addi %rem3A_298, %add3A_311 : vector<16xi32>
    %select_n3A_313 = arith.select %and3A_310, %add3A_312, %rem3A_298 : vector<16xi1>, vector<16xi32>
    %lt3A_314 = arith.constant 0 : i32
    %lt3A_315 = vector.broadcast %lt3A_314 : i32 to vector<16xi32>
    %lt3A_316 = arith.cmpi slt, %select_n3A_313, %lt3A_315 : vector<16xi32>
    %add3A_317 = arith.constant 16 : i32
    %add3A_318 = vector.broadcast %add3A_317 : i32 to vector<16xi32>
    %add3A_319 = arith.addi %select_n3A_313, %add3A_318 : vector<16xi32>
    %select_n3A_320 = arith.select %lt3A_316, %add3A_319, %select_n3A_313 : vector<16xi1>, vector<16xi32>
    %broadcast_in_dim3A_321 = vector.shape_cast %select_n3A_320 : vector<16xi32> to vector<16x1xi32>
    %gather3A_322 = vector.shape_cast %broadcast_in_dim3A_321 : vector<16x1xi32> to vector<16xi32>
    %gather3A_323 = tpu.dynamic_gather %select_n3A_287[%gather3A_322] in [0] : vector<16xf32>, vector<16xi32> -> vector<16xf32>
    %lt3A_324 = arith.constant 0 : i32
    %lt3A_325 = vector.broadcast %lt3A_324 : i32 to vector<16xi32>
    %lt3A_326 = arith.cmpi slt, %select_n3A_313, %lt3A_325 : vector<16xi32>
    %add3A_327 = arith.constant 16 : i32
    %add3A_328 = vector.broadcast %add3A_327 : i32 to vector<16xi32>
    %add3A_329 = arith.addi %select_n3A_313, %add3A_328 : vector<16xi32>
    %select_n3A_330 = arith.select %lt3A_326, %add3A_329, %select_n3A_313 : vector<16xi1>, vector<16xi32>
    %broadcast_in_dim3A_331 = vector.shape_cast %select_n3A_330 : vector<16xi32> to vector<16x1xi32>
    %gather3A_332 = vector.shape_cast %broadcast_in_dim3A_331 : vector<16x1xi32> to vector<16xi32>
    %gather3A_333 = tpu.dynamic_gather %select_n3A_288[%gather3A_332] in [0] : vector<16xi32>, vector<16xi32> -> vector<16xi32>
    %lt3A_334 = arith.cmpf olt, %gather3A_323, %select_n3A_287 : vector<16xf32>
    %eq3A_335 = arith.cmpf oeq, %gather3A_323, %select_n3A_287 : vector<16xf32>
    %lt3A_336 = arith.cmpi slt, %gather3A_333, %select_n3A_288 : vector<16xi32>
    %and3A_337 = arith.andi %eq3A_335, %lt3A_336 : vector<16xi1>
    %or3A_338 = arith.ori %lt3A_334, %and3A_337 : vector<16xi1>
    %select_n3A_339 = arith.select %or3A_338, %gather3A_323, %select_n3A_287 : vector<16xi1>, vector<16xf32>
    %select_n3A_340 = arith.select %or3A_338, %gather3A_333, %select_n3A_288 : vector<16xi1>, vector<16xi32>
    %add3A_341 = arith.constant 4 : i32
    %add3A_342 = vector.broadcast %add3A_341 : i32 to vector<16xi32>
    %add3A_343 = arith.addi %iota3A, %add3A_342 : vector<16xi32>
    %jit3A_344 = arith.constant 16 : i32
    %eq3A_345 = arith.constant 0 : i32
    %eq3A_346 = arith.cmpi eq, %jit3A_344, %eq3A_345 : i32
    %jit3A_347 = arith.constant 1 : i32
    %select_n3A_348 = arith.select %eq3A_346, %jit3A_347, %jit3A_344 : i32
    %rem3A_349 = vector.broadcast %select_n3A_348 : i32 to vector<16xi32>
    %rem3A_350 = arith.remsi %add3A_343, %rem3A_349 : vector<16xi32>
    %ne3A_351 = arith.constant 0 : i32
    %ne3A_352 = vector.broadcast %ne3A_351 : i32 to vector<16xi32>
    %ne3A_353 = arith.cmpi ne, %rem3A_350, %ne3A_352 : vector<16xi32>
    %lt3A_354 = arith.constant 0 : i32
    %lt3A_355 = vector.broadcast %lt3A_354 : i32 to vector<16xi32>
    %lt3A_356 = arith.cmpi slt, %rem3A_350, %lt3A_355 : vector<16xi32>
    %lt3A_357 = arith.constant 0 : i32
    %lt3A_358 = arith.cmpi slt, %select_n3A_348, %lt3A_357 : i32
    %ne3A_359 = vector.broadcast %lt3A_358 : i1 to vector<16xi1>
    %ne3A_360 = vector.broadcast %ne3A_359 : vector<16xi1> to vector<16xi1>
    %ne3A_361 = arith.xori %lt3A_356, %ne3A_360 : vector<16xi1>
    %and3A_362 = arith.andi %ne3A_361, %ne3A_353 : vector<16xi1>
    %add3A_363 = vector.broadcast %select_n3A_348 : i32 to vector<16xi32>
    %add3A_364 = arith.addi %rem3A_350, %add3A_363 : vector<16xi32>
    %select_n3A_365 = arith.select %and3A_362, %add3A_364, %rem3A_350 : vector<16xi1>, vector<16xi32>
    %lt3A_366 = arith.constant 0 : i32
    %lt3A_367 = vector.broadcast %lt3A_366 : i32 to vector<16xi32>
    %lt3A_368 = arith.cmpi slt, %select_n3A_365, %lt3A_367 : vector<16xi32>
    %add3A_369 = arith.constant 16 : i32
    %add3A_370 = vector.broadcast %add3A_369 : i32 to vector<16xi32>
    %add3A_371 = arith.addi %select_n3A_365, %add3A_370 : vector<16xi32>
    %select_n3A_372 = arith.select %lt3A_368, %add3A_371, %select_n3A_365 : vector<16xi1>, vector<16xi32>
    %broadcast_in_dim3A_373 = vector.shape_cast %select_n3A_372 : vector<16xi32> to vector<16x1xi32>
    %gather3A_374 = vector.shape_cast %broadcast_in_dim3A_373 : vector<16x1xi32> to vector<16xi32>
    %gather3A_375 = tpu.dynamic_gather %select_n3A_339[%gather3A_374] in [0] : vector<16xf32>, vector<16xi32> -> vector<16xf32>
    %lt3A_376 = arith.constant 0 : i32
    %lt3A_377 = vector.broadcast %lt3A_376 : i32 to vector<16xi32>
    %lt3A_378 = arith.cmpi slt, %select_n3A_365, %lt3A_377 : vector<16xi32>
    %add3A_379 = arith.constant 16 : i32
    %add3A_380 = vector.broadcast %add3A_379 : i32 to vector<16xi32>
    %add3A_381 = arith.addi %select_n3A_365, %add3A_380 : vector<16xi32>
    %select_n3A_382 = arith.select %lt3A_378, %add3A_381, %select_n3A_365 : vector<16xi1>, vector<16xi32>
    %broadcast_in_dim3A_383 = vector.shape_cast %select_n3A_382 : vector<16xi32> to vector<16x1xi32>
    %gather3A_384 = vector.shape_cast %broadcast_in_dim3A_383 : vector<16x1xi32> to vector<16xi32>
    %gather3A_385 = tpu.dynamic_gather %select_n3A_340[%gather3A_384] in [0] : vector<16xi32>, vector<16xi32> -> vector<16xi32>
    %lt3A_386 = arith.cmpf olt, %gather3A_375, %select_n3A_339 : vector<16xf32>
    %eq3A_387 = arith.cmpf oeq, %gather3A_375, %select_n3A_339 : vector<16xf32>
    %lt3A_388 = arith.cmpi slt, %gather3A_385, %select_n3A_340 : vector<16xi32>
    %and3A_389 = arith.andi %eq3A_387, %lt3A_388 : vector<16xi1>
    %or3A_390 = arith.ori %lt3A_386, %and3A_389 : vector<16xi1>
    %select_n3A_391 = arith.select %or3A_390, %gather3A_375, %select_n3A_339 : vector<16xi1>, vector<16xf32>
    %select_n3A_392 = arith.select %or3A_390, %gather3A_385, %select_n3A_340 : vector<16xi1>, vector<16xi32>
    %add3A_393 = arith.constant 8 : i32
    %add3A_394 = vector.broadcast %add3A_393 : i32 to vector<16xi32>
    %add3A_395 = arith.addi %iota3A, %add3A_394 : vector<16xi32>
    %jit3A_396 = arith.constant 16 : i32
    %eq3A_397 = arith.constant 0 : i32
    %eq3A_398 = arith.cmpi eq, %jit3A_396, %eq3A_397 : i32
    %jit3A_399 = arith.constant 1 : i32
    %select_n3A_400 = arith.select %eq3A_398, %jit3A_399, %jit3A_396 : i32
    %rem3A_401 = vector.broadcast %select_n3A_400 : i32 to vector<16xi32>
    %rem3A_402 = arith.remsi %add3A_395, %rem3A_401 : vector<16xi32>
    %ne3A_403 = arith.constant 0 : i32
    %ne3A_404 = vector.broadcast %ne3A_403 : i32 to vector<16xi32>
    %ne3A_405 = arith.cmpi ne, %rem3A_402, %ne3A_404 : vector<16xi32>
    %lt3A_406 = arith.constant 0 : i32
    %lt3A_407 = vector.broadcast %lt3A_406 : i32 to vector<16xi32>
    %lt3A_408 = arith.cmpi slt, %rem3A_402, %lt3A_407 : vector<16xi32>
    %lt3A_409 = arith.constant 0 : i32
    %lt3A_410 = arith.cmpi slt, %select_n3A_400, %lt3A_409 : i32
    %ne3A_411 = vector.broadcast %lt3A_410 : i1 to vector<16xi1>
    %ne3A_412 = vector.broadcast %ne3A_411 : vector<16xi1> to vector<16xi1>
    %ne3A_413 = arith.xori %lt3A_408, %ne3A_412 : vector<16xi1>
    %and3A_414 = arith.andi %ne3A_413, %ne3A_405 : vector<16xi1>
    %add3A_415 = vector.broadcast %select_n3A_400 : i32 to vector<16xi32>
    %add3A_416 = arith.addi %rem3A_402, %add3A_415 : vector<16xi32>
    %select_n3A_417 = arith.select %and3A_414, %add3A_416, %rem3A_402 : vector<16xi1>, vector<16xi32>
    %lt3A_418 = arith.constant 0 : i32
    %lt3A_419 = vector.broadcast %lt3A_418 : i32 to vector<16xi32>
    %lt3A_420 = arith.cmpi slt, %select_n3A_417, %lt3A_419 : vector<16xi32>
    %add3A_421 = arith.constant 16 : i32
    %add3A_422 = vector.broadcast %add3A_421 : i32 to vector<16xi32>
    %add3A_423 = arith.addi %select_n3A_417, %add3A_422 : vector<16xi32>
    %select_n3A_424 = arith.select %lt3A_420, %add3A_423, %select_n3A_417 : vector<16xi1>, vector<16xi32>
    %broadcast_in_dim3A_425 = vector.shape_cast %select_n3A_424 : vector<16xi32> to vector<16x1xi32>
    %gather3A_426 = vector.shape_cast %broadcast_in_dim3A_425 : vector<16x1xi32> to vector<16xi32>
    %gather3A_427 = tpu.dynamic_gather %select_n3A_391[%gather3A_426] in [0] : vector<16xf32>, vector<16xi32> -> vector<16xf32>
    %lt3A_428 = arith.constant 0 : i32
    %lt3A_429 = vector.broadcast %lt3A_428 : i32 to vector<16xi32>
    %lt3A_430 = arith.cmpi slt, %select_n3A_417, %lt3A_429 : vector<16xi32>
    %add3A_431 = arith.constant 16 : i32
    %add3A_432 = vector.broadcast %add3A_431 : i32 to vector<16xi32>
    %add3A_433 = arith.addi %select_n3A_417, %add3A_432 : vector<16xi32>
    %select_n3A_434 = arith.select %lt3A_430, %add3A_433, %select_n3A_417 : vector<16xi1>, vector<16xi32>
    %broadcast_in_dim3A_435 = vector.shape_cast %select_n3A_434 : vector<16xi32> to vector<16x1xi32>
    %gather3A_436 = vector.shape_cast %broadcast_in_dim3A_435 : vector<16x1xi32> to vector<16xi32>
    %gather3A_437 = tpu.dynamic_gather %select_n3A_392[%gather3A_436] in [0] : vector<16xi32>, vector<16xi32> -> vector<16xi32>
    %lt3A_438 = arith.cmpf olt, %gather3A_427, %select_n3A_391 : vector<16xf32>
    %eq3A_439 = arith.cmpf oeq, %gather3A_427, %select_n3A_391 : vector<16xf32>
    %lt3A_440 = arith.cmpi slt, %gather3A_437, %select_n3A_392 : vector<16xi32>
    %and3A_441 = arith.andi %eq3A_439, %lt3A_440 : vector<16xi1>
    %or3A_442 = arith.ori %lt3A_438, %and3A_441 : vector<16xi1>
    %select_n3A_443 = arith.select %or3A_442, %gather3A_427, %select_n3A_391 : vector<16xi1>, vector<16xf32>
    %select_n3A_444 = arith.select %or3A_442, %gather3A_437, %select_n3A_392 : vector<16xi1>, vector<16xi32>
    %eq3A_445 = arith.constant 0 : i32
    %eq3A_446 = vector.broadcast %eq3A_445 : i32 to vector<16xi32>
    %eq3A_447 = arith.cmpi eq, %iota3A, %eq3A_446 : vector<16xi32>
    %select_n3A_448 = arith.select %eq3A_447, %select_n3A_444, %broadcast_in_dim3A_10 : vector<16xi1>, vector<16xi32>
    %broadcast_in_dim3A_449 = arith.constant 0x7F800000 : f32
    %broadcast_in_dim3A_450 = vector.broadcast %broadcast_in_dim3A_449 : f32 to vector<16xf32>
    %broadcast_in_dim3A_451 = arith.constant 0 : i32
    %broadcast_in_dim3A_452 = vector.broadcast %broadcast_in_dim3A_451 : i32 to vector<16xi32>
    %broadcast_in_dim3A_453 = arith.constant 0x7F800000 : f32
    %broadcast_in_dim3A_454 = vector.broadcast %broadcast_in_dim3A_453 : f32 to vector<16xf32>
    %broadcast_in_dim3A_455 = arith.constant 0 : i32
    %broadcast_in_dim3A_456 = vector.broadcast %broadcast_in_dim3A_455 : i32 to vector<16xi32>
    %broadcast_in_dim3A_457 = arith.constant 0x7F800000 : f32
    %broadcast_in_dim3A_458 = vector.broadcast %broadcast_in_dim3A_457 : f32 to vector<16xf32>
    %broadcast_in_dim3A_459 = arith.constant 0 : i32
    %broadcast_in_dim3A_460 = vector.broadcast %broadcast_in_dim3A_459 : i32 to vector<16xi32>
    %broadcast_in_dim3A_461 = arith.constant 0x7F800000 : f32
    %broadcast_in_dim3A_462 = vector.broadcast %broadcast_in_dim3A_461 : f32 to vector<16xf32>
    %broadcast_in_dim3A_463 = arith.constant 0 : i32
    %broadcast_in_dim3A_464 = vector.broadcast %broadcast_in_dim3A_463 : i32 to vector<16xi32>
    %broadcast_in_dim3A_465 = arith.constant 0x7F800000 : f32
    %broadcast_in_dim3A_466 = vector.broadcast %broadcast_in_dim3A_465 : f32 to vector<16xf32>
    %broadcast_in_dim3A_467 = arith.constant 0 : i32
    %broadcast_in_dim3A_468 = vector.broadcast %broadcast_in_dim3A_467 : i32 to vector<16xi32>
    %broadcast_in_dim3A_469 = arith.constant 0x7F800000 : f32
    %broadcast_in_dim3A_470 = vector.broadcast %broadcast_in_dim3A_469 : f32 to vector<16xf32>
    %broadcast_in_dim3A_471 = arith.constant 0 : i32
    %broadcast_in_dim3A_472 = vector.broadcast %broadcast_in_dim3A_471 : i32 to vector<16xi32>
    %broadcast_in_dim3A_473 = arith.constant 0x7F800000 : f32
    %broadcast_in_dim3A_474 = vector.broadcast %broadcast_in_dim3A_473 : f32 to vector<16xf32>
    %broadcast_in_dim3A_475 = arith.constant 0 : i32
    %broadcast_in_dim3A_476 = vector.broadcast %broadcast_in_dim3A_475 : i32 to vector<16xi32>
    %broadcast_in_dim3A_477 = arith.constant 0x7F800000 : f32
    %broadcast_in_dim3A_478 = vector.broadcast %broadcast_in_dim3A_477 : f32 to vector<16xf32>
    %broadcast_in_dim3A_479 = arith.constant 0 : i32
    %broadcast_in_dim3A_480 = vector.broadcast %broadcast_in_dim3A_479 : i32 to vector<16xi32>
    %dma_wait3A_481 = tpu.memref_slice %arg2[%multiple_of3A_106] : memref<4194304xf32, #tpu.memory_space<hbm>> -> memref<8192xf32, #tpu.memory_space<hbm>>
    %dma_wait3A_482 = tpu.memref_slice %arg2[%multiple_of3A_106] : memref<4194304xf32, #tpu.memory_space<hbm>> -> memref<8192xf32, #tpu.memory_space<hbm>>
    tpu.wait_dma2 semaphore(%arg7 : memref<!tpu.dma_semaphore, #tpu.memory_space<semaphore_mem>>) src(%dma_wait3A_482 : memref<8192xf32, #tpu.memory_space<hbm>>) dst(%arg4 : memref<8192xf32, #tpu.memory_space<vmem>>)
    %add3A_483 = arith.constant 1 : i32
    %add3A_484 = arith.addi %mul3A_2, %add3A_483 : i32
    %mul3A_485 = arith.constant 32768 : i32
    %mul3A_486 = arith.muli %add3A_484, %mul3A_485 : i32
    %add3A_487 = arith.constant 8192 : i32
    %add3A_488 = arith.addi %mul3A_486, %add3A_487 : i32
    %multiple_of3A_489 = tpu.assume_multiple %add3A_488, 8192 : i32
    %dma_start3A_490 = tpu.memref_slice %arg2[%multiple_of3A_489] : memref<4194304xf32, #tpu.memory_space<hbm>> -> memref<8192xf32, #tpu.memory_space<hbm>>
    %dma_start3A_491 = tpu.memref_slice %arg2[%multiple_of3A_489] : memref<4194304xf32, #tpu.memory_space<hbm>> -> memref<8192xf32, #tpu.memory_space<hbm>>
    tpu.enqueue_dma source(%dma_start3A_491 : memref<8192xf32, #tpu.memory_space<hbm>>) target(%arg5 : memref<8192xf32, #tpu.memory_space<vmem>>) target_semaphore(%arg8 : memref<!tpu.dma_semaphore, #tpu.memory_space<semaphore_mem>>)
    %broadcast_in_dim3A_492 = arith.constant 0 : i32
    %broadcast_in_dim3A_493 = vector.broadcast %broadcast_in_dim3A_492 : i32 to vector<16xi32>
    %scan3A_494 = arith.constant 0 : i32
    %scan3A_495 = arith.constant 64 : i32
    %scan3A_496 = arith.addi %scan3A_494, %scan3A_495 : i32
    %scan3A_497 = arith.constant 1 : i32
    %scan3A_498:17 = scf.for %scan3A_1790 = %scan3A_494 to %scan3A_496 step %scan3A_497 iter_args(%scan3A_1791 = %broadcast_in_dim3A_493, %scan3A_1792 = %broadcast_in_dim3A_450, %scan3A_1793 = %broadcast_in_dim3A_452, %scan3A_1794 = %broadcast_in_dim3A_454, %scan3A_1795 = %broadcast_in_dim3A_456, %scan3A_1796 = %broadcast_in_dim3A_458, %scan3A_1797 = %broadcast_in_dim3A_460, %scan3A_1798 = %broadcast_in_dim3A_462, %scan3A_1799 = %broadcast_in_dim3A_464, %scan3A_1800 = %broadcast_in_dim3A_466, %scan3A_1801 = %broadcast_in_dim3A_468, %scan3A_1802 = %broadcast_in_dim3A_470, %scan3A_1803 = %broadcast_in_dim3A_472, %scan3A_1804 = %broadcast_in_dim3A_474, %scan3A_1805 = %broadcast_in_dim3A_476, %scan3A_1806 = %broadcast_in_dim3A_478, %scan3A_1807 = %broadcast_in_dim3A_480) -> (vector<16xi32>, vector<16xf32>, vector<16xi32>, vector<16xf32>, vector<16xi32>, vector<16xf32>, vector<16xi32>, vector<16xf32>, vector<16xi32>, vector<16xf32>, vector<16xi32>, vector<16xf32>, vector<16xi32>, vector<16xf32>, vector<16xi32>, vector<16xf32>, vector<16xi32>)  : i32 {
      %mul3A_1808 = arith.constant 128 : i32
      %mul3A_1809 = arith.muli %scan3A_1790, %mul3A_1808 : i32
      %add3A_1810 = arith.constant 0 : i32
      %add3A_1811 = arith.addi %mul3A_1809, %add3A_1810 : i32
      %get3A = arith.index_cast %add3A_1811 : i32 to index
      %get3A_1812 = tpu.vector_load %arg4[%get3A] {strides = array<i32>} : memref<8192xf32, #tpu.memory_space<vmem>>, vector<16xf32>,
      %get3A_1813 = vector.shape_cast %get3A_1812 : vector<16xf32> to vector<16xf32>
      %lt3A_1814 = arith.cmpf olt, %get3A_1813, %scan3A_1792 : vector<16xf32>
      %select_n3A_1815 = arith.select %lt3A_1814, %get3A_1813, %scan3A_1792 : vector<16xi1>, vector<16xf32>
      %select_n3A_1816 = arith.select %lt3A_1814, %scan3A_1791, %scan3A_1793 : vector<16xi1>, vector<16xi32>
      %mul3A_1817 = arith.constant 128 : i32
      %mul3A_1818 = arith.muli %scan3A_1790, %mul3A_1817 : i32
      %add3A_1819 = arith.constant 16 : i32
      %add3A_1820 = arith.addi %mul3A_1818, %add3A_1819 : i32
      %get3A_1821 = arith.index_cast %add3A_1820 : i32 to index
      %get3A_1822 = tpu.vector_load %arg4[%get3A_1821] {strides = array<i32>} : memref<8192xf32, #tpu.memory_space<vmem>>, vector<16xf32>,
      %get3A_1823 = vector.shape_cast %get3A_1822 : vector<16xf32> to vector<16xf32>
      %lt3A_1824 = arith.cmpf olt, %get3A_1823, %scan3A_1794 : vector<16xf32>
      %select_n3A_1825 = arith.select %lt3A_1824, %get3A_1823, %scan3A_1794 : vector<16xi1>, vector<16xf32>
      %select_n3A_1826 = arith.select %lt3A_1824, %scan3A_1791, %scan3A_1795 : vector<16xi1>, vector<16xi32>
      %mul3A_1827 = arith.constant 128 : i32
      %mul3A_1828 = arith.muli %scan3A_1790, %mul3A_1827 : i32
      %add3A_1829 = arith.constant 32 : i32
      %add3A_1830 = arith.addi %mul3A_1828, %add3A_1829 : i32
      %get3A_1831 = arith.index_cast %add3A_1830 : i32 to index
      %get3A_1832 = tpu.vector_load %arg4[%get3A_1831] {strides = array<i32>} : memref<8192xf32, #tpu.memory_space<vmem>>, vector<16xf32>,
      %get3A_1833 = vector.shape_cast %get3A_1832 : vector<16xf32> to vector<16xf32>
      %lt3A_1834 = arith.cmpf olt, %get3A_1833, %scan3A_1796 : vector<16xf32>
      %select_n3A_1835 = arith.select %lt3A_1834, %get3A_1833, %scan3A_1796 : vector<16xi1>, vector<16xf32>
      %select_n3A_1836 = arith.select %lt3A_1834, %scan3A_1791, %scan3A_1797 : vector<16xi1>, vector<16xi32>
      %mul3A_1837 = arith.constant 128 : i32
      %mul3A_1838 = arith.muli %scan3A_1790, %mul3A_1837 : i32
      %add3A_1839 = arith.constant 48 : i32
      %add3A_1840 = arith.addi %mul3A_1838, %add3A_1839 : i32
      %get3A_1841 = arith.index_cast %add3A_1840 : i32 to index
      %get3A_1842 = tpu.vector_load %arg4[%get3A_1841] {strides = array<i32>} : memref<8192xf32, #tpu.memory_space<vmem>>, vector<16xf32>,
      %get3A_1843 = vector.shape_cast %get3A_1842 : vector<16xf32> to vector<16xf32>
      %lt3A_1844 = arith.cmpf olt, %get3A_1843, %scan3A_1798 : vector<16xf32>
      %select_n3A_1845 = arith.select %lt3A_1844, %get3A_1843, %scan3A_1798 : vector<16xi1>, vector<16xf32>
      %select_n3A_1846 = arith.select %lt3A_1844, %scan3A_1791, %scan3A_1799 : vector<16xi1>, vector<16xi32>
      %mul3A_1847 = arith.constant 128 : i32
      %mul3A_1848 = arith.muli %scan3A_1790, %mul3A_1847 : i32
      %add3A_1849 = arith.constant 64 : i32
      %add3A_1850 = arith.addi %mul3A_1848, %add3A_1849 : i32
      %get3A_1851 = arith.index_cast %add3A_1850 : i32 to index
      %get3A_1852 = tpu.vector_load %arg4[%get3A_1851] {strides = array<i32>} : memref<8192xf32, #tpu.memory_space<vmem>>, vector<16xf32>,
      %get3A_1853 = vector.shape_cast %get3A_1852 : vector<16xf32> to vector<16xf32>
      %lt3A_1854 = arith.cmpf olt, %get3A_1853, %scan3A_1800 : vector<16xf32>
      %select_n3A_1855 = arith.select %lt3A_1854, %get3A_1853, %scan3A_1800 : vector<16xi1>, vector<16xf32>
      %select_n3A_1856 = arith.select %lt3A_1854, %scan3A_1791, %scan3A_1801 : vector<16xi1>, vector<16xi32>
      %mul3A_1857 = arith.constant 128 : i32
      %mul3A_1858 = arith.muli %scan3A_1790, %mul3A_1857 : i32
      %add3A_1859 = arith.constant 80 : i32
      %add3A_1860 = arith.addi %mul3A_1858, %add3A_1859 : i32
      %get3A_1861 = arith.index_cast %add3A_1860 : i32 to index
      %get3A_1862 = tpu.vector_load %arg4[%get3A_1861] {strides = array<i32>} : memref<8192xf32, #tpu.memory_space<vmem>>, vector<16xf32>,
      %get3A_1863 = vector.shape_cast %get3A_1862 : vector<16xf32> to vector<16xf32>
      %lt3A_1864 = arith.cmpf olt, %get3A_1863, %scan3A_1802 : vector<16xf32>
      %select_n3A_1865 = arith.select %lt3A_1864, %get3A_1863, %scan3A_1802 : vector<16xi1>, vector<16xf32>
      %select_n3A_1866 = arith.select %lt3A_1864, %scan3A_1791, %scan3A_1803 : vector<16xi1>, vector<16xi32>
      %mul3A_1867 = arith.constant 128 : i32
      %mul3A_1868 = arith.muli %scan3A_1790, %mul3A_1867 : i32
      %add3A_1869 = arith.constant 96 : i32
      %add3A_1870 = arith.addi %mul3A_1868, %add3A_1869 : i32
      %get3A_1871 = arith.index_cast %add3A_1870 : i32 to index
      %get3A_1872 = tpu.vector_load %arg4[%get3A_1871] {strides = array<i32>} : memref<8192xf32, #tpu.memory_space<vmem>>, vector<16xf32>,
      %get3A_1873 = vector.shape_cast %get3A_1872 : vector<16xf32> to vector<16xf32>
      %lt3A_1874 = arith.cmpf olt, %get3A_1873, %scan3A_1804 : vector<16xf32>
      %select_n3A_1875 = arith.select %lt3A_1874, %get3A_1873, %scan3A_1804 : vector<16xi1>, vector<16xf32>
      %select_n3A_1876 = arith.select %lt3A_1874, %scan3A_1791, %scan3A_1805 : vector<16xi1>, vector<16xi32>
      %mul3A_1877 = arith.constant 128 : i32
      %mul3A_1878 = arith.muli %scan3A_1790, %mul3A_1877 : i32
      %add3A_1879 = arith.constant 112 : i32
      %add3A_1880 = arith.addi %mul3A_1878, %add3A_1879 : i32
      %get3A_1881 = arith.index_cast %add3A_1880 : i32 to index
      %get3A_1882 = tpu.vector_load %arg4[%get3A_1881] {strides = array<i32>} : memref<8192xf32, #tpu.memory_space<vmem>>, vector<16xf32>,
      %get3A_1883 = vector.shape_cast %get3A_1882 : vector<16xf32> to vector<16xf32>
      %lt3A_1884 = arith.cmpf olt, %get3A_1883, %scan3A_1806 : vector<16xf32>
      %select_n3A_1885 = arith.select %lt3A_1884, %get3A_1883, %scan3A_1806 : vector<16xi1>, vector<16xf32>
      %select_n3A_1886 = arith.select %lt3A_1884, %scan3A_1791, %scan3A_1807 : vector<16xi1>, vector<16xi32>
      %add3A_1887 = arith.constant 1 : i32
      %add3A_1888 = vector.broadcast %add3A_1887 : i32 to vector<16xi32>
      %add3A_1889 = arith.addi %scan3A_1791, %add3A_1888 : vector<16xi32>
      scf.yield %add3A_1889, %select_n3A_1815, %select_n3A_1816, %select_n3A_1825, %select_n3A_1826, %select_n3A_1835, %select_n3A_1836, %select_n3A_1845, %select_n3A_1846, %select_n3A_1855, %select_n3A_1856, %select_n3A_1865, %select_n3A_1866, %select_n3A_1875, %select_n3A_1876, %select_n3A_1885, %select_n3A_1886 : vector<16xi32>, vector<16xf32>, vector<16xi32>, vector<16xf32>, vector<16xi32>, vector<16xf32>, vector<16xi32>, vector<16xf32>, vector<16xi32>, vector<16xf32>, vector<16xi32>, vector<16xf32>, vector<16xi32>, vector<16xf32>, vector<16xi32>, vector<16xf32>, vector<16xi32>
    }
    %scan3A_499 = arith.constant 64 : i32
    %dma_wait3A_500 = tpu.memref_slice %arg2[%multiple_of3A_489] : memref<4194304xf32, #tpu.memory_space<hbm>> -> memref<8192xf32, #tpu.memory_space<hbm>>
    %dma_wait3A_501 = tpu.memref_slice %arg2[%multiple_of3A_489] : memref<4194304xf32, #tpu.memory_space<hbm>> -> memref<8192xf32, #tpu.memory_space<hbm>>
    tpu.wait_dma2 semaphore(%arg8 : memref<!tpu.dma_semaphore, #tpu.memory_space<semaphore_mem>>) src(%dma_wait3A_501 : memref<8192xf32, #tpu.memory_space<hbm>>) dst(%arg5 : memref<8192xf32, #tpu.memory_space<vmem>>)
    %add3A_502 = arith.constant 1 : i32
    %add3A_503 = arith.addi %mul3A_2, %add3A_502 : i32
    %mul3A_504 = arith.constant 32768 : i32
    %mul3A_505 = arith.muli %add3A_503, %mul3A_504 : i32
    %add3A_506 = arith.constant 16384 : i32
    %add3A_507 = arith.addi %mul3A_505, %add3A_506 : i32
    %multiple_of3A_508 = tpu.assume_multiple %add3A_507, 8192 : i32
    %dma_start3A_509 = tpu.memref_slice %arg2[%multiple_of3A_508] : memref<4194304xf32, #tpu.memory_space<hbm>> -> memref<8192xf32, #tpu.memory_space<hbm>>
    %dma_start3A_510 = tpu.memref_slice %arg2[%multiple_of3A_508] : memref<4194304xf32, #tpu.memory_space<hbm>> -> memref<8192xf32, #tpu.memory_space<hbm>>
    tpu.enqueue_dma source(%dma_start3A_510 : memref<8192xf32, #tpu.memory_space<hbm>>) target(%arg4 : memref<8192xf32, #tpu.memory_space<vmem>>) target_semaphore(%arg7 : memref<!tpu.dma_semaphore, #tpu.memory_space<semaphore_mem>>)
    %broadcast_in_dim3A_511 = arith.constant 64 : i32
    %broadcast_in_dim3A_512 = vector.broadcast %broadcast_in_dim3A_511 : i32 to vector<16xi32>
    %scan3A_513 = arith.constant 0 : i32
    %scan3A_514 = arith.constant 64 : i32
    %scan3A_515 = arith.addi %scan3A_513, %scan3A_514 : i32
    %scan3A_516 = arith.constant 1 : i32
    %scan3A_517:17 = scf.for %scan3A_1790 = %scan3A_513 to %scan3A_515 step %scan3A_516 iter_args(%scan3A_1791 = %broadcast_in_dim3A_512, %scan3A_1792 = %scan3A_498#1, %scan3A_1793 = %scan3A_498#2, %scan3A_1794 = %scan3A_498#3, %scan3A_1795 = %scan3A_498#4, %scan3A_1796 = %scan3A_498#5, %scan3A_1797 = %scan3A_498#6, %scan3A_1798 = %scan3A_498#7, %scan3A_1799 = %scan3A_498#8, %scan3A_1800 = %scan3A_498#9, %scan3A_1801 = %scan3A_498#10, %scan3A_1802 = %scan3A_498#11, %scan3A_1803 = %scan3A_498#12, %scan3A_1804 = %scan3A_498#13, %scan3A_1805 = %scan3A_498#14, %scan3A_1806 = %scan3A_498#15, %scan3A_1807 = %scan3A_498#16) -> (vector<16xi32>, vector<16xf32>, vector<16xi32>, vector<16xf32>, vector<16xi32>, vector<16xf32>, vector<16xi32>, vector<16xf32>, vector<16xi32>, vector<16xf32>, vector<16xi32>, vector<16xf32>, vector<16xi32>, vector<16xf32>, vector<16xi32>, vector<16xf32>, vector<16xi32>)  : i32 {
      %mul3A_1808 = arith.constant 128 : i32
      %mul3A_1809 = arith.muli %scan3A_1790, %mul3A_1808 : i32
      %add3A_1810 = arith.constant 0 : i32
      %add3A_1811 = arith.addi %mul3A_1809, %add3A_1810 : i32
      %get3A = arith.index_cast %add3A_1811 : i32 to index
      %get3A_1812 = tpu.vector_load %arg5[%get3A] {strides = array<i32>} : memref<8192xf32, #tpu.memory_space<vmem>>, vector<16xf32>,
      %get3A_1813 = vector.shape_cast %get3A_1812 : vector<16xf32> to vector<16xf32>
      %lt3A_1814 = arith.cmpf olt, %get3A_1813, %scan3A_1792 : vector<16xf32>
      %select_n3A_1815 = arith.select %lt3A_1814, %get3A_1813, %scan3A_1792 : vector<16xi1>, vector<16xf32>
      %select_n3A_1816 = arith.select %lt3A_1814, %scan3A_1791, %scan3A_1793 : vector<16xi1>, vector<16xi32>
      %mul3A_1817 = arith.constant 128 : i32
      %mul3A_1818 = arith.muli %scan3A_1790, %mul3A_1817 : i32
      %add3A_1819 = arith.constant 16 : i32
      %add3A_1820 = arith.addi %mul3A_1818, %add3A_1819 : i32
      %get3A_1821 = arith.index_cast %add3A_1820 : i32 to index
      %get3A_1822 = tpu.vector_load %arg5[%get3A_1821] {strides = array<i32>} : memref<8192xf32, #tpu.memory_space<vmem>>, vector<16xf32>,
      %get3A_1823 = vector.shape_cast %get3A_1822 : vector<16xf32> to vector<16xf32>
      %lt3A_1824 = arith.cmpf olt, %get3A_1823, %scan3A_1794 : vector<16xf32>
      %select_n3A_1825 = arith.select %lt3A_1824, %get3A_1823, %scan3A_1794 : vector<16xi1>, vector<16xf32>
      %select_n3A_1826 = arith.select %lt3A_1824, %scan3A_1791, %scan3A_1795 : vector<16xi1>, vector<16xi32>
      %mul3A_1827 = arith.constant 128 : i32
      %mul3A_1828 = arith.muli %scan3A_1790, %mul3A_1827 : i32
      %add3A_1829 = arith.constant 32 : i32
      %add3A_1830 = arith.addi %mul3A_1828, %add3A_1829 : i32
      %get3A_1831 = arith.index_cast %add3A_1830 : i32 to index
      %get3A_1832 = tpu.vector_load %arg5[%get3A_1831] {strides = array<i32>} : memref<8192xf32, #tpu.memory_space<vmem>>, vector<16xf32>,
      %get3A_1833 = vector.shape_cast %get3A_1832 : vector<16xf32> to vector<16xf32>
      %lt3A_1834 = arith.cmpf olt, %get3A_1833, %scan3A_1796 : vector<16xf32>
      %select_n3A_1835 = arith.select %lt3A_1834, %get3A_1833, %scan3A_1796 : vector<16xi1>, vector<16xf32>
      %select_n3A_1836 = arith.select %lt3A_1834, %scan3A_1791, %scan3A_1797 : vector<16xi1>, vector<16xi32>
      %mul3A_1837 = arith.constant 128 : i32
      %mul3A_1838 = arith.muli %scan3A_1790, %mul3A_1837 : i32
      %add3A_1839 = arith.constant 48 : i32
      %add3A_1840 = arith.addi %mul3A_1838, %add3A_1839 : i32
      %get3A_1841 = arith.index_cast %add3A_1840 : i32 to index
      %get3A_1842 = tpu.vector_load %arg5[%get3A_1841] {strides = array<i32>} : memref<8192xf32, #tpu.memory_space<vmem>>, vector<16xf32>,
      %get3A_1843 = vector.shape_cast %get3A_1842 : vector<16xf32> to vector<16xf32>
      %lt3A_1844 = arith.cmpf olt, %get3A_1843, %scan3A_1798 : vector<16xf32>
      %select_n3A_1845 = arith.select %lt3A_1844, %get3A_1843, %scan3A_1798 : vector<16xi1>, vector<16xf32>
      %select_n3A_1846 = arith.select %lt3A_1844, %scan3A_1791, %scan3A_1799 : vector<16xi1>, vector<16xi32>
      %mul3A_1847 = arith.constant 128 : i32
      %mul3A_1848 = arith.muli %scan3A_1790, %mul3A_1847 : i32
      %add3A_1849 = arith.constant 64 : i32
      %add3A_1850 = arith.addi %mul3A_1848, %add3A_1849 : i32
      %get3A_1851 = arith.index_cast %add3A_1850 : i32 to index
      %get3A_1852 = tpu.vector_load %arg5[%get3A_1851] {strides = array<i32>} : memref<8192xf32, #tpu.memory_space<vmem>>, vector<16xf32>,
      %get3A_1853 = vector.shape_cast %get3A_1852 : vector<16xf32> to vector<16xf32>
      %lt3A_1854 = arith.cmpf olt, %get3A_1853, %scan3A_1800 : vector<16xf32>
      %select_n3A_1855 = arith.select %lt3A_1854, %get3A_1853, %scan3A_1800 : vector<16xi1>, vector<16xf32>
      %select_n3A_1856 = arith.select %lt3A_1854, %scan3A_1791, %scan3A_1801 : vector<16xi1>, vector<16xi32>
      %mul3A_1857 = arith.constant 128 : i32
      %mul3A_1858 = arith.muli %scan3A_1790, %mul3A_1857 : i32
      %add3A_1859 = arith.constant 80 : i32
      %add3A_1860 = arith.addi %mul3A_1858, %add3A_1859 : i32
      %get3A_1861 = arith.index_cast %add3A_1860 : i32 to index
      %get3A_1862 = tpu.vector_load %arg5[%get3A_1861] {strides = array<i32>} : memref<8192xf32, #tpu.memory_space<vmem>>, vector<16xf32>,
      %get3A_1863 = vector.shape_cast %get3A_1862 : vector<16xf32> to vector<16xf32>
      %lt3A_1864 = arith.cmpf olt, %get3A_1863, %scan3A_1802 : vector<16xf32>
      %select_n3A_1865 = arith.select %lt3A_1864, %get3A_1863, %scan3A_1802 : vector<16xi1>, vector<16xf32>
      %select_n3A_1866 = arith.select %lt3A_1864, %scan3A_1791, %scan3A_1803 : vector<16xi1>, vector<16xi32>
      %mul3A_1867 = arith.constant 128 : i32
      %mul3A_1868 = arith.muli %scan3A_1790, %mul3A_1867 : i32
      %add3A_1869 = arith.constant 96 : i32
      %add3A_1870 = arith.addi %mul3A_1868, %add3A_1869 : i32
      %get3A_1871 = arith.index_cast %add3A_1870 : i32 to index
      %get3A_1872 = tpu.vector_load %arg5[%get3A_1871] {strides = array<i32>} : memref<8192xf32, #tpu.memory_space<vmem>>, vector<16xf32>,
      %get3A_1873 = vector.shape_cast %get3A_1872 : vector<16xf32> to vector<16xf32>
      %lt3A_1874 = arith.cmpf olt, %get3A_1873, %scan3A_1804 : vector<16xf32>
      %select_n3A_1875 = arith.select %lt3A_1874, %get3A_1873, %scan3A_1804 : vector<16xi1>, vector<16xf32>
      %select_n3A_1876 = arith.select %lt3A_1874, %scan3A_1791, %scan3A_1805 : vector<16xi1>, vector<16xi32>
      %mul3A_1877 = arith.constant 128 : i32
      %mul3A_1878 = arith.muli %scan3A_1790, %mul3A_1877 : i32
      %add3A_1879 = arith.constant 112 : i32
      %add3A_1880 = arith.addi %mul3A_1878, %add3A_1879 : i32
      %get3A_1881 = arith.index_cast %add3A_1880 : i32 to index
      %get3A_1882 = tpu.vector_load %arg5[%get3A_1881] {strides = array<i32>} : memref<8192xf32, #tpu.memory_space<vmem>>, vector<16xf32>,
      %get3A_1883 = vector.shape_cast %get3A_1882 : vector<16xf32> to vector<16xf32>
      %lt3A_1884 = arith.cmpf olt, %get3A_1883, %scan3A_1806 : vector<16xf32>
      %select_n3A_1885 = arith.select %lt3A_1884, %get3A_1883, %scan3A_1806 : vector<16xi1>, vector<16xf32>
      %select_n3A_1886 = arith.select %lt3A_1884, %scan3A_1791, %scan3A_1807 : vector<16xi1>, vector<16xi32>
      %add3A_1887 = arith.constant 1 : i32
      %add3A_1888 = vector.broadcast %add3A_1887 : i32 to vector<16xi32>
      %add3A_1889 = arith.addi %scan3A_1791, %add3A_1888 : vector<16xi32>
      scf.yield %add3A_1889, %select_n3A_1815, %select_n3A_1816, %select_n3A_1825, %select_n3A_1826, %select_n3A_1835, %select_n3A_1836, %select_n3A_1845, %select_n3A_1846, %select_n3A_1855, %select_n3A_1856, %select_n3A_1865, %select_n3A_1866, %select_n3A_1875, %select_n3A_1876, %select_n3A_1885, %select_n3A_1886 : vector<16xi32>, vector<16xf32>, vector<16xi32>, vector<16xf32>, vector<16xi32>, vector<16xf32>, vector<16xi32>, vector<16xf32>, vector<16xi32>, vector<16xf32>, vector<16xi32>, vector<16xf32>, vector<16xi32>, vector<16xf32>, vector<16xi32>, vector<16xf32>, vector<16xi32>
    }
    %scan3A_518 = arith.constant 64 : i32
    %dma_wait3A_519 = tpu.memref_slice %arg2[%multiple_of3A_508] : memref<4194304xf32, #tpu.memory_space<hbm>> -> memref<8192xf32, #tpu.memory_space<hbm>>
    %dma_wait3A_520 = tpu.memref_slice %arg2[%multiple_of3A_508] : memref<4194304xf32, #tpu.memory_space<hbm>> -> memref<8192xf32, #tpu.memory_space<hbm>>
    tpu.wait_dma2 semaphore(%arg7 : memref<!tpu.dma_semaphore, #tpu.memory_space<semaphore_mem>>) src(%dma_wait3A_520 : memref<8192xf32, #tpu.memory_space<hbm>>) dst(%arg4 : memref<8192xf32, #tpu.memory_space<vmem>>)
    %add3A_521 = arith.constant 1 : i32
    %add3A_522 = arith.addi %mul3A_2, %add3A_521 : i32
    %mul3A_523 = arith.constant 32768 : i32
    %mul3A_524 = arith.muli %add3A_522, %mul3A_523 : i32
    %add3A_525 = arith.constant 24576 : i32
    %add3A_526 = arith.addi %mul3A_524, %add3A_525 : i32
    %multiple_of3A_527 = tpu.assume_multiple %add3A_526, 8192 : i32
    %dma_start3A_528 = tpu.memref_slice %arg2[%multiple_of3A_527] : memref<4194304xf32, #tpu.memory_space<hbm>> -> memref<8192xf32, #tpu.memory_space<hbm>>
    %dma_start3A_529 = tpu.memref_slice %arg2[%multiple_of3A_527] : memref<4194304xf32, #tpu.memory_space<hbm>> -> memref<8192xf32, #tpu.memory_space<hbm>>
    tpu.enqueue_dma source(%dma_start3A_529 : memref<8192xf32, #tpu.memory_space<hbm>>) target(%arg5 : memref<8192xf32, #tpu.memory_space<vmem>>) target_semaphore(%arg8 : memref<!tpu.dma_semaphore, #tpu.memory_space<semaphore_mem>>)
    %broadcast_in_dim3A_530 = arith.constant 128 : i32
    %broadcast_in_dim3A_531 = vector.broadcast %broadcast_in_dim3A_530 : i32 to vector<16xi32>
    %scan3A_532 = arith.constant 0 : i32
    %scan3A_533 = arith.constant 64 : i32
    %scan3A_534 = arith.addi %scan3A_532, %scan3A_533 : i32
    %scan3A_535 = arith.constant 1 : i32
    %scan3A_536:17 = scf.for %scan3A_1790 = %scan3A_532 to %scan3A_534 step %scan3A_535 iter_args(%scan3A_1791 = %broadcast_in_dim3A_531, %scan3A_1792 = %scan3A_517#1, %scan3A_1793 = %scan3A_517#2, %scan3A_1794 = %scan3A_517#3, %scan3A_1795 = %scan3A_517#4, %scan3A_1796 = %scan3A_517#5, %scan3A_1797 = %scan3A_517#6, %scan3A_1798 = %scan3A_517#7, %scan3A_1799 = %scan3A_517#8, %scan3A_1800 = %scan3A_517#9, %scan3A_1801 = %scan3A_517#10, %scan3A_1802 = %scan3A_517#11, %scan3A_1803 = %scan3A_517#12, %scan3A_1804 = %scan3A_517#13, %scan3A_1805 = %scan3A_517#14, %scan3A_1806 = %scan3A_517#15, %scan3A_1807 = %scan3A_517#16) -> (vector<16xi32>, vector<16xf32>, vector<16xi32>, vector<16xf32>, vector<16xi32>, vector<16xf32>, vector<16xi32>, vector<16xf32>, vector<16xi32>, vector<16xf32>, vector<16xi32>, vector<16xf32>, vector<16xi32>, vector<16xf32>, vector<16xi32>, vector<16xf32>, vector<16xi32>)  : i32 {
      %mul3A_1808 = arith.constant 128 : i32
      %mul3A_1809 = arith.muli %scan3A_1790, %mul3A_1808 : i32
      %add3A_1810 = arith.constant 0 : i32
      %add3A_1811 = arith.addi %mul3A_1809, %add3A_1810 : i32
      %get3A = arith.index_cast %add3A_1811 : i32 to index
      %get3A_1812 = tpu.vector_load %arg4[%get3A] {strides = array<i32>} : memref<8192xf32, #tpu.memory_space<vmem>>, vector<16xf32>,
      %get3A_1813 = vector.shape_cast %get3A_1812 : vector<16xf32> to vector<16xf32>
      %lt3A_1814 = arith.cmpf olt, %get3A_1813, %scan3A_1792 : vector<16xf32>
      %select_n3A_1815 = arith.select %lt3A_1814, %get3A_1813, %scan3A_1792 : vector<16xi1>, vector<16xf32>
      %select_n3A_1816 = arith.select %lt3A_1814, %scan3A_1791, %scan3A_1793 : vector<16xi1>, vector<16xi32>
      %mul3A_1817 = arith.constant 128 : i32
      %mul3A_1818 = arith.muli %scan3A_1790, %mul3A_1817 : i32
      %add3A_1819 = arith.constant 16 : i32
      %add3A_1820 = arith.addi %mul3A_1818, %add3A_1819 : i32
      %get3A_1821 = arith.index_cast %add3A_1820 : i32 to index
      %get3A_1822 = tpu.vector_load %arg4[%get3A_1821] {strides = array<i32>} : memref<8192xf32, #tpu.memory_space<vmem>>, vector<16xf32>,
      %get3A_1823 = vector.shape_cast %get3A_1822 : vector<16xf32> to vector<16xf32>
      %lt3A_1824 = arith.cmpf olt, %get3A_1823, %scan3A_1794 : vector<16xf32>
      %select_n3A_1825 = arith.select %lt3A_1824, %get3A_1823, %scan3A_1794 : vector<16xi1>, vector<16xf32>
      %select_n3A_1826 = arith.select %lt3A_1824, %scan3A_1791, %scan3A_1795 : vector<16xi1>, vector<16xi32>
      %mul3A_1827 = arith.constant 128 : i32
      %mul3A_1828 = arith.muli %scan3A_1790, %mul3A_1827 : i32
      %add3A_1829 = arith.constant 32 : i32
      %add3A_1830 = arith.addi %mul3A_1828, %add3A_1829 : i32
      %get3A_1831 = arith.index_cast %add3A_1830 : i32 to index
      %get3A_1832 = tpu.vector_load %arg4[%get3A_1831] {strides = array<i32>} : memref<8192xf32, #tpu.memory_space<vmem>>, vector<16xf32>,
      %get3A_1833 = vector.shape_cast %get3A_1832 : vector<16xf32> to vector<16xf32>
      %lt3A_1834 = arith.cmpf olt, %get3A_1833, %scan3A_1796 : vector<16xf32>
      %select_n3A_1835 = arith.select %lt3A_1834, %get3A_1833, %scan3A_1796 : vector<16xi1>, vector<16xf32>
      %select_n3A_1836 = arith.select %lt3A_1834, %scan3A_1791, %scan3A_1797 : vector<16xi1>, vector<16xi32>
      %mul3A_1837 = arith.constant 128 : i32
      %mul3A_1838 = arith.muli %scan3A_1790, %mul3A_1837 : i32
      %add3A_1839 = arith.constant 48 : i32
      %add3A_1840 = arith.addi %mul3A_1838, %add3A_1839 : i32
      %get3A_1841 = arith.index_cast %add3A_1840 : i32 to index
      %get3A_1842 = tpu.vector_load %arg4[%get3A_1841] {strides = array<i32>} : memref<8192xf32, #tpu.memory_space<vmem>>, vector<16xf32>,
      %get3A_1843 = vector.shape_cast %get3A_1842 : vector<16xf32> to vector<16xf32>
      %lt3A_1844 = arith.cmpf olt, %get3A_1843, %scan3A_1798 : vector<16xf32>
      %select_n3A_1845 = arith.select %lt3A_1844, %get3A_1843, %scan3A_1798 : vector<16xi1>, vector<16xf32>
      %select_n3A_1846 = arith.select %lt3A_1844, %scan3A_1791, %scan3A_1799 : vector<16xi1>, vector<16xi32>
      %mul3A_1847 = arith.constant 128 : i32
      %mul3A_1848 = arith.muli %scan3A_1790, %mul3A_1847 : i32
      %add3A_1849 = arith.constant 64 : i32
      %add3A_1850 = arith.addi %mul3A_1848, %add3A_1849 : i32
      %get3A_1851 = arith.index_cast %add3A_1850 : i32 to index
      %get3A_1852 = tpu.vector_load %arg4[%get3A_1851] {strides = array<i32>} : memref<8192xf32, #tpu.memory_space<vmem>>, vector<16xf32>,
      %get3A_1853 = vector.shape_cast %get3A_1852 : vector<16xf32> to vector<16xf32>
      %lt3A_1854 = arith.cmpf olt, %get3A_1853, %scan3A_1800 : vector<16xf32>
      %select_n3A_1855 = arith.select %lt3A_1854, %get3A_1853, %scan3A_1800 : vector<16xi1>, vector<16xf32>
      %select_n3A_1856 = arith.select %lt3A_1854, %scan3A_1791, %scan3A_1801 : vector<16xi1>, vector<16xi32>
      %mul3A_1857 = arith.constant 128 : i32
      %mul3A_1858 = arith.muli %scan3A_1790, %mul3A_1857 : i32
      %add3A_1859 = arith.constant 80 : i32
      %add3A_1860 = arith.addi %mul3A_1858, %add3A_1859 : i32
      %get3A_1861 = arith.index_cast %add3A_1860 : i32 to index
      %get3A_1862 = tpu.vector_load %arg4[%get3A_1861] {strides = array<i32>} : memref<8192xf32, #tpu.memory_space<vmem>>, vector<16xf32>,
      %get3A_1863 = vector.shape_cast %get3A_1862 : vector<16xf32> to vector<16xf32>
      %lt3A_1864 = arith.cmpf olt, %get3A_1863, %scan3A_1802 : vector<16xf32>
      %select_n3A_1865 = arith.select %lt3A_1864, %get3A_1863, %scan3A_1802 : vector<16xi1>, vector<16xf32>
      %select_n3A_1866 = arith.select %lt3A_1864, %scan3A_1791, %scan3A_1803 : vector<16xi1>, vector<16xi32>
      %mul3A_1867 = arith.constant 128 : i32
      %mul3A_1868 = arith.muli %scan3A_1790, %mul3A_1867 : i32
      %add3A_1869 = arith.constant 96 : i32
      %add3A_1870 = arith.addi %mul3A_1868, %add3A_1869 : i32
      %get3A_1871 = arith.index_cast %add3A_1870 : i32 to index
      %get3A_1872 = tpu.vector_load %arg4[%get3A_1871] {strides = array<i32>} : memref<8192xf32, #tpu.memory_space<vmem>>, vector<16xf32>,
      %get3A_1873 = vector.shape_cast %get3A_1872 : vector<16xf32> to vector<16xf32>
      %lt3A_1874 = arith.cmpf olt, %get3A_1873, %scan3A_1804 : vector<16xf32>
      %select_n3A_1875 = arith.select %lt3A_1874, %get3A_1873, %scan3A_1804 : vector<16xi1>, vector<16xf32>
      %select_n3A_1876 = arith.select %lt3A_1874, %scan3A_1791, %scan3A_1805 : vector<16xi1>, vector<16xi32>
      %mul3A_1877 = arith.constant 128 : i32
      %mul3A_1878 = arith.muli %scan3A_1790, %mul3A_1877 : i32
      %add3A_1879 = arith.constant 112 : i32
      %add3A_1880 = arith.addi %mul3A_1878, %add3A_1879 : i32
      %get3A_1881 = arith.index_cast %add3A_1880 : i32 to index
      %get3A_1882 = tpu.vector_load %arg4[%get3A_1881] {strides = array<i32>} : memref<8192xf32, #tpu.memory_space<vmem>>, vector<16xf32>,
      %get3A_1883 = vector.shape_cast %get3A_1882 : vector<16xf32> to vector<16xf32>
      %lt3A_1884 = arith.cmpf olt, %get3A_1883, %scan3A_1806 : vector<16xf32>
      %select_n3A_1885 = arith.select %lt3A_1884, %get3A_1883, %scan3A_1806 : vector<16xi1>, vector<16xf32>
      %select_n3A_1886 = arith.select %lt3A_1884, %scan3A_1791, %scan3A_1807 : vector<16xi1>, vector<16xi32>
      %add3A_1887 = arith.constant 1 : i32
      %add3A_1888 = vector.broadcast %add3A_1887 : i32 to vector<16xi32>
      %add3A_1889 = arith.addi %scan3A_1791, %add3A_1888 : vector<16xi32>
      scf.yield %add3A_1889, %select_n3A_1815, %select_n3A_1816, %select_n3A_1825, %select_n3A_1826, %select_n3A_1835, %select_n3A_1836, %select_n3A_1845, %select_n3A_1846, %select_n3A_1855, %select_n3A_1856, %select_n3A_1865, %select_n3A_1866, %select_n3A_1875, %select_n3A_1876, %select_n3A_1885, %select_n3A_1886 : vector<16xi32>, vector<16xf32>, vector<16xi32>, vector<16xf32>, vector<16xi32>, vector<16xf32>, vector<16xi32>, vector<16xf32>, vector<16xi32>, vector<16xf32>, vector<16xi32>, vector<16xf32>, vector<16xi32>, vector<16xf32>, vector<16xi32>, vector<16xf32>, vector<16xi32>
    }
    %scan3A_537 = arith.constant 64 : i32
    %dma_wait3A_538 = tpu.memref_slice %arg2[%multiple_of3A_527] : memref<4194304xf32, #tpu.memory_space<hbm>> -> memref<8192xf32, #tpu.memory_space<hbm>>
    %dma_wait3A_539 = tpu.memref_slice %arg2[%multiple_of3A_527] : memref<4194304xf32, #tpu.memory_space<hbm>> -> memref<8192xf32, #tpu.memory_space<hbm>>
    tpu.wait_dma2 semaphore(%arg8 : memref<!tpu.dma_semaphore, #tpu.memory_space<semaphore_mem>>) src(%dma_wait3A_539 : memref<8192xf32, #tpu.memory_space<hbm>>) dst(%arg5 : memref<8192xf32, #tpu.memory_space<vmem>>)
    %add3A_540 = arith.constant 2 : i32
    %add3A_541 = arith.addi %mul3A_2, %add3A_540 : i32
    %mul3A_542 = arith.constant 32768 : i32
    %mul3A_543 = arith.muli %add3A_541, %mul3A_542 : i32
    %add3A_544 = arith.constant 0 : i32
    %add3A_545 = arith.addi %mul3A_543, %add3A_544 : i32
    %multiple_of3A_546 = tpu.assume_multiple %add3A_545, 8192 : i32
    %dma_start3A_547 = tpu.memref_slice %arg2[%multiple_of3A_546] : memref<4194304xf32, #tpu.memory_space<hbm>> -> memref<8192xf32, #tpu.memory_space<hbm>>
    %dma_start3A_548 = tpu.memref_slice %arg2[%multiple_of3A_546] : memref<4194304xf32, #tpu.memory_space<hbm>> -> memref<8192xf32, #tpu.memory_space<hbm>>
    tpu.enqueue_dma source(%dma_start3A_548 : memref<8192xf32, #tpu.memory_space<hbm>>) target(%arg4 : memref<8192xf32, #tpu.memory_space<vmem>>) target_semaphore(%arg7 : memref<!tpu.dma_semaphore, #tpu.memory_space<semaphore_mem>>)
    %broadcast_in_dim3A_549 = arith.constant 192 : i32
    %broadcast_in_dim3A_550 = vector.broadcast %broadcast_in_dim3A_549 : i32 to vector<16xi32>
    %scan3A_551 = arith.constant 0 : i32
    %scan3A_552 = arith.constant 64 : i32
    %scan3A_553 = arith.addi %scan3A_551, %scan3A_552 : i32
    %scan3A_554 = arith.constant 1 : i32
    %scan3A_555:17 = scf.for %scan3A_1790 = %scan3A_551 to %scan3A_553 step %scan3A_554 iter_args(%scan3A_1791 = %broadcast_in_dim3A_550, %scan3A_1792 = %scan3A_536#1, %scan3A_1793 = %scan3A_536#2, %scan3A_1794 = %scan3A_536#3, %scan3A_1795 = %scan3A_536#4, %scan3A_1796 = %scan3A_536#5, %scan3A_1797 = %scan3A_536#6, %scan3A_1798 = %scan3A_536#7, %scan3A_1799 = %scan3A_536#8, %scan3A_1800 = %scan3A_536#9, %scan3A_1801 = %scan3A_536#10, %scan3A_1802 = %scan3A_536#11, %scan3A_1803 = %scan3A_536#12, %scan3A_1804 = %scan3A_536#13, %scan3A_1805 = %scan3A_536#14, %scan3A_1806 = %scan3A_536#15, %scan3A_1807 = %scan3A_536#16) -> (vector<16xi32>, vector<16xf32>, vector<16xi32>, vector<16xf32>, vector<16xi32>, vector<16xf32>, vector<16xi32>, vector<16xf32>, vector<16xi32>, vector<16xf32>, vector<16xi32>, vector<16xf32>, vector<16xi32>, vector<16xf32>, vector<16xi32>, vector<16xf32>, vector<16xi32>)  : i32 {
      %mul3A_1808 = arith.constant 128 : i32
      %mul3A_1809 = arith.muli %scan3A_1790, %mul3A_1808 : i32
      %add3A_1810 = arith.constant 0 : i32
      %add3A_1811 = arith.addi %mul3A_1809, %add3A_1810 : i32
      %get3A = arith.index_cast %add3A_1811 : i32 to index
      %get3A_1812 = tpu.vector_load %arg5[%get3A] {strides = array<i32>} : memref<8192xf32, #tpu.memory_space<vmem>>, vector<16xf32>,
      %get3A_1813 = vector.shape_cast %get3A_1812 : vector<16xf32> to vector<16xf32>
      %lt3A_1814 = arith.cmpf olt, %get3A_1813, %scan3A_1792 : vector<16xf32>
      %select_n3A_1815 = arith.select %lt3A_1814, %get3A_1813, %scan3A_1792 : vector<16xi1>, vector<16xf32>
      %select_n3A_1816 = arith.select %lt3A_1814, %scan3A_1791, %scan3A_1793 : vector<16xi1>, vector<16xi32>
      %mul3A_1817 = arith.constant 128 : i32
      %mul3A_1818 = arith.muli %scan3A_1790, %mul3A_1817 : i32
      %add3A_1819 = arith.constant 16 : i32
      %add3A_1820 = arith.addi %mul3A_1818, %add3A_1819 : i32
      %get3A_1821 = arith.index_cast %add3A_1820 : i32 to index
      %get3A_1822 = tpu.vector_load %arg5[%get3A_1821] {strides = array<i32>} : memref<8192xf32, #tpu.memory_space<vmem>>, vector<16xf32>,
      %get3A_1823 = vector.shape_cast %get3A_1822 : vector<16xf32> to vector<16xf32>
      %lt3A_1824 = arith.cmpf olt, %get3A_1823, %scan3A_1794 : vector<16xf32>
      %select_n3A_1825 = arith.select %lt3A_1824, %get3A_1823, %scan3A_1794 : vector<16xi1>, vector<16xf32>
      %select_n3A_1826 = arith.select %lt3A_1824, %scan3A_1791, %scan3A_1795 : vector<16xi1>, vector<16xi32>
      %mul3A_1827 = arith.constant 128 : i32
      %mul3A_1828 = arith.muli %scan3A_1790, %mul3A_1827 : i32
      %add3A_1829 = arith.constant 32 : i32
      %add3A_1830 = arith.addi %mul3A_1828, %add3A_1829 : i32
      %get3A_1831 = arith.index_cast %add3A_1830 : i32 to index
      %get3A_1832 = tpu.vector_load %arg5[%get3A_1831] {strides = array<i32>} : memref<8192xf32, #tpu.memory_space<vmem>>, vector<16xf32>,
      %get3A_1833 = vector.shape_cast %get3A_1832 : vector<16xf32> to vector<16xf32>
      %lt3A_1834 = arith.cmpf olt, %get3A_1833, %scan3A_1796 : vector<16xf32>
      %select_n3A_1835 = arith.select %lt3A_1834, %get3A_1833, %scan3A_1796 : vector<16xi1>, vector<16xf32>
      %select_n3A_1836 = arith.select %lt3A_1834, %scan3A_1791, %scan3A_1797 : vector<16xi1>, vector<16xi32>
      %mul3A_1837 = arith.constant 128 : i32
      %mul3A_1838 = arith.muli %scan3A_1790, %mul3A_1837 : i32
      %add3A_1839 = arith.constant 48 : i32
      %add3A_1840 = arith.addi %mul3A_1838, %add3A_1839 : i32
      %get3A_1841 = arith.index_cast %add3A_1840 : i32 to index
      %get3A_1842 = tpu.vector_load %arg5[%get3A_1841] {strides = array<i32>} : memref<8192xf32, #tpu.memory_space<vmem>>, vector<16xf32>,
      %get3A_1843 = vector.shape_cast %get3A_1842 : vector<16xf32> to vector<16xf32>
      %lt3A_1844 = arith.cmpf olt, %get3A_1843, %scan3A_1798 : vector<16xf32>
      %select_n3A_1845 = arith.select %lt3A_1844, %get3A_1843, %scan3A_1798 : vector<16xi1>, vector<16xf32>
      %select_n3A_1846 = arith.select %lt3A_1844, %scan3A_1791, %scan3A_1799 : vector<16xi1>, vector<16xi32>
      %mul3A_1847 = arith.constant 128 : i32
      %mul3A_1848 = arith.muli %scan3A_1790, %mul3A_1847 : i32
      %add3A_1849 = arith.constant 64 : i32
      %add3A_1850 = arith.addi %mul3A_1848, %add3A_1849 : i32
      %get3A_1851 = arith.index_cast %add3A_1850 : i32 to index
      %get3A_1852 = tpu.vector_load %arg5[%get3A_1851] {strides = array<i32>} : memref<8192xf32, #tpu.memory_space<vmem>>, vector<16xf32>,
      %get3A_1853 = vector.shape_cast %get3A_1852 : vector<16xf32> to vector<16xf32>
      %lt3A_1854 = arith.cmpf olt, %get3A_1853, %scan3A_1800 : vector<16xf32>
      %select_n3A_1855 = arith.select %lt3A_1854, %get3A_1853, %scan3A_1800 : vector<16xi1>, vector<16xf32>
      %select_n3A_1856 = arith.select %lt3A_1854, %scan3A_1791, %scan3A_1801 : vector<16xi1>, vector<16xi32>
      %mul3A_1857 = arith.constant 128 : i32
      %mul3A_1858 = arith.muli %scan3A_1790, %mul3A_1857 : i32
      %add3A_1859 = arith.constant 80 : i32
      %add3A_1860 = arith.addi %mul3A_1858, %add3A_1859 : i32
      %get3A_1861 = arith.index_cast %add3A_1860 : i32 to index
      %get3A_1862 = tpu.vector_load %arg5[%get3A_1861] {strides = array<i32>} : memref<8192xf32, #tpu.memory_space<vmem>>, vector<16xf32>,
      %get3A_1863 = vector.shape_cast %get3A_1862 : vector<16xf32> to vector<16xf32>
      %lt3A_1864 = arith.cmpf olt, %get3A_1863, %scan3A_1802 : vector<16xf32>
      %select_n3A_1865 = arith.select %lt3A_1864, %get3A_1863, %scan3A_1802 : vector<16xi1>, vector<16xf32>
      %select_n3A_1866 = arith.select %lt3A_1864, %scan3A_1791, %scan3A_1803 : vector<16xi1>, vector<16xi32>
      %mul3A_1867 = arith.constant 128 : i32
      %mul3A_1868 = arith.muli %scan3A_1790, %mul3A_1867 : i32
      %add3A_1869 = arith.constant 96 : i32
      %add3A_1870 = arith.addi %mul3A_1868, %add3A_1869 : i32
      %get3A_1871 = arith.index_cast %add3A_1870 : i32 to index
      %get3A_1872 = tpu.vector_load %arg5[%get3A_1871] {strides = array<i32>} : memref<8192xf32, #tpu.memory_space<vmem>>, vector<16xf32>,
      %get3A_1873 = vector.shape_cast %get3A_1872 : vector<16xf32> to vector<16xf32>
      %lt3A_1874 = arith.cmpf olt, %get3A_1873, %scan3A_1804 : vector<16xf32>
      %select_n3A_1875 = arith.select %lt3A_1874, %get3A_1873, %scan3A_1804 : vector<16xi1>, vector<16xf32>
      %select_n3A_1876 = arith.select %lt3A_1874, %scan3A_1791, %scan3A_1805 : vector<16xi1>, vector<16xi32>
      %mul3A_1877 = arith.constant 128 : i32
      %mul3A_1878 = arith.muli %scan3A_1790, %mul3A_1877 : i32
      %add3A_1879 = arith.constant 112 : i32
      %add3A_1880 = arith.addi %mul3A_1878, %add3A_1879 : i32
      %get3A_1881 = arith.index_cast %add3A_1880 : i32 to index
      %get3A_1882 = tpu.vector_load %arg5[%get3A_1881] {strides = array<i32>} : memref<8192xf32, #tpu.memory_space<vmem>>, vector<16xf32>,
      %get3A_1883 = vector.shape_cast %get3A_1882 : vector<16xf32> to vector<16xf32>
      %lt3A_1884 = arith.cmpf olt, %get3A_1883, %scan3A_1806 : vector<16xf32>
      %select_n3A_1885 = arith.select %lt3A_1884, %get3A_1883, %scan3A_1806 : vector<16xi1>, vector<16xf32>
      %select_n3A_1886 = arith.select %lt3A_1884, %scan3A_1791, %scan3A_1807 : vector<16xi1>, vector<16xi32>
      %add3A_1887 = arith.constant 1 : i32
      %add3A_1888 = vector.broadcast %add3A_1887 : i32 to vector<16xi32>
      %add3A_1889 = arith.addi %scan3A_1791, %add3A_1888 : vector<16xi32>
      scf.yield %add3A_1889, %select_n3A_1815, %select_n3A_1816, %select_n3A_1825, %select_n3A_1826, %select_n3A_1835, %select_n3A_1836, %select_n3A_1845, %select_n3A_1846, %select_n3A_1855, %select_n3A_1856, %select_n3A_1865, %select_n3A_1866, %select_n3A_1875, %select_n3A_1876, %select_n3A_1885, %select_n3A_1886 : vector<16xi32>, vector<16xf32>, vector<16xi32>, vector<16xf32>, vector<16xi32>, vector<16xf32>, vector<16xi32>, vector<16xf32>, vector<16xi32>, vector<16xf32>, vector<16xi32>, vector<16xf32>, vector<16xi32>, vector<16xf32>, vector<16xi32>, vector<16xf32>, vector<16xi32>
    }
    %scan3A_556 = arith.constant 64 : i32
    %mul3A_557 = arith.constant 8 : i32
    %mul3A_558 = vector.broadcast %mul3A_557 : i32 to vector<16xi32>
    %mul3A_559 = arith.muli %scan3A_555#2, %mul3A_558 : vector<16xi32>
    %add3A_560 = arith.constant 0 : i32
    %add3A_561 = vector.broadcast %add3A_560 : i32 to vector<16xi32>
    %add3A_562 = arith.addi %mul3A_559, %add3A_561 : vector<16xi32>
    %mul3A_563 = arith.constant 16 : i32
    %mul3A_564 = vector.broadcast %mul3A_563 : i32 to vector<16xi32>
    %mul3A_565 = arith.muli %add3A_562, %mul3A_564 : vector<16xi32>
    %add3A_566 = arith.addi %mul3A_565, %iota3A : vector<16xi32>
    %mul3A_567 = arith.constant 8 : i32
    %mul3A_568 = vector.broadcast %mul3A_567 : i32 to vector<16xi32>
    %mul3A_569 = arith.muli %scan3A_555#4, %mul3A_568 : vector<16xi32>
    %add3A_570 = arith.constant 1 : i32
    %add3A_571 = vector.broadcast %add3A_570 : i32 to vector<16xi32>
    %add3A_572 = arith.addi %mul3A_569, %add3A_571 : vector<16xi32>
    %mul3A_573 = arith.constant 16 : i32
    %mul3A_574 = vector.broadcast %mul3A_573 : i32 to vector<16xi32>
    %mul3A_575 = arith.muli %add3A_572, %mul3A_574 : vector<16xi32>
    %add3A_576 = arith.addi %mul3A_575, %iota3A : vector<16xi32>
    %mul3A_577 = arith.constant 8 : i32
    %mul3A_578 = vector.broadcast %mul3A_577 : i32 to vector<16xi32>
    %mul3A_579 = arith.muli %scan3A_555#6, %mul3A_578 : vector<16xi32>
    %add3A_580 = arith.constant 2 : i32
    %add3A_581 = vector.broadcast %add3A_580 : i32 to vector<16xi32>
    %add3A_582 = arith.addi %mul3A_579, %add3A_581 : vector<16xi32>
    %mul3A_583 = arith.constant 16 : i32
    %mul3A_584 = vector.broadcast %mul3A_583 : i32 to vector<16xi32>
    %mul3A_585 = arith.muli %add3A_582, %mul3A_584 : vector<16xi32>
    %add3A_586 = arith.addi %mul3A_585, %iota3A : vector<16xi32>
    %mul3A_587 = arith.constant 8 : i32
    %mul3A_588 = vector.broadcast %mul3A_587 : i32 to vector<16xi32>
    %mul3A_589 = arith.muli %scan3A_555#8, %mul3A_588 : vector<16xi32>
    %add3A_590 = arith.constant 3 : i32
    %add3A_591 = vector.broadcast %add3A_590 : i32 to vector<16xi32>
    %add3A_592 = arith.addi %mul3A_589, %add3A_591 : vector<16xi32>
    %mul3A_593 = arith.constant 16 : i32
    %mul3A_594 = vector.broadcast %mul3A_593 : i32 to vector<16xi32>
    %mul3A_595 = arith.muli %add3A_592, %mul3A_594 : vector<16xi32>
    %add3A_596 = arith.addi %mul3A_595, %iota3A : vector<16xi32>
    %mul3A_597 = arith.constant 8 : i32
    %mul3A_598 = vector.broadcast %mul3A_597 : i32 to vector<16xi32>
    %mul3A_599 = arith.muli %scan3A_555#10, %mul3A_598 : vector<16xi32>
    %add3A_600 = arith.constant 4 : i32
    %add3A_601 = vector.broadcast %add3A_600 : i32 to vector<16xi32>
    %add3A_602 = arith.addi %mul3A_599, %add3A_601 : vector<16xi32>
    %mul3A_603 = arith.constant 16 : i32
    %mul3A_604 = vector.broadcast %mul3A_603 : i32 to vector<16xi32>
    %mul3A_605 = arith.muli %add3A_602, %mul3A_604 : vector<16xi32>
    %add3A_606 = arith.addi %mul3A_605, %iota3A : vector<16xi32>
    %mul3A_607 = arith.constant 8 : i32
    %mul3A_608 = vector.broadcast %mul3A_607 : i32 to vector<16xi32>
    %mul3A_609 = arith.muli %scan3A_555#12, %mul3A_608 : vector<16xi32>
    %add3A_610 = arith.constant 5 : i32
    %add3A_611 = vector.broadcast %add3A_610 : i32 to vector<16xi32>
    %add3A_612 = arith.addi %mul3A_609, %add3A_611 : vector<16xi32>
    %mul3A_613 = arith.constant 16 : i32
    %mul3A_614 = vector.broadcast %mul3A_613 : i32 to vector<16xi32>
    %mul3A_615 = arith.muli %add3A_612, %mul3A_614 : vector<16xi32>
    %add3A_616 = arith.addi %mul3A_615, %iota3A : vector<16xi32>
    %mul3A_617 = arith.constant 8 : i32
    %mul3A_618 = vector.broadcast %mul3A_617 : i32 to vector<16xi32>
    %mul3A_619 = arith.muli %scan3A_555#14, %mul3A_618 : vector<16xi32>
    %add3A_620 = arith.constant 6 : i32
    %add3A_621 = vector.broadcast %add3A_620 : i32 to vector<16xi32>
    %add3A_622 = arith.addi %mul3A_619, %add3A_621 : vector<16xi32>
    %mul3A_623 = arith.constant 16 : i32
    %mul3A_624 = vector.broadcast %mul3A_623 : i32 to vector<16xi32>
    %mul3A_625 = arith.muli %add3A_622, %mul3A_624 : vector<16xi32>
    %add3A_626 = arith.addi %mul3A_625, %iota3A : vector<16xi32>
    %mul3A_627 = arith.constant 8 : i32
    %mul3A_628 = vector.broadcast %mul3A_627 : i32 to vector<16xi32>
    %mul3A_629 = arith.muli %scan3A_555#16, %mul3A_628 : vector<16xi32>
    %add3A_630 = arith.constant 7 : i32
    %add3A_631 = vector.broadcast %add3A_630 : i32 to vector<16xi32>
    %add3A_632 = arith.addi %mul3A_629, %add3A_631 : vector<16xi32>
    %mul3A_633 = arith.constant 16 : i32
    %mul3A_634 = vector.broadcast %mul3A_633 : i32 to vector<16xi32>
    %mul3A_635 = arith.muli %add3A_632, %mul3A_634 : vector<16xi32>
    %add3A_636 = arith.addi %mul3A_635, %iota3A : vector<16xi32>
    %lt3A_637 = arith.cmpf olt, %scan3A_555#3, %scan3A_555#1 : vector<16xf32>
    %eq3A_638 = arith.cmpf oeq, %scan3A_555#3, %scan3A_555#1 : vector<16xf32>
    %lt3A_639 = arith.cmpi slt, %add3A_576, %add3A_566 : vector<16xi32>
    %and3A_640 = arith.andi %eq3A_638, %lt3A_639 : vector<16xi1>
    %or3A_641 = arith.ori %lt3A_637, %and3A_640 : vector<16xi1>
    %select_n3A_642 = arith.select %or3A_641, %scan3A_555#3, %scan3A_555#1 : vector<16xi1>, vector<16xf32>
    %select_n3A_643 = arith.select %or3A_641, %add3A_576, %add3A_566 : vector<16xi1>, vector<16xi32>
    %lt3A_644 = arith.cmpf olt, %scan3A_555#5, %select_n3A_642 : vector<16xf32>
    %eq3A_645 = arith.cmpf oeq, %scan3A_555#5, %select_n3A_642 : vector<16xf32>
    %lt3A_646 = arith.cmpi slt, %add3A_586, %select_n3A_643 : vector<16xi32>
    %and3A_647 = arith.andi %eq3A_645, %lt3A_646 : vector<16xi1>
    %or3A_648 = arith.ori %lt3A_644, %and3A_647 : vector<16xi1>
    %select_n3A_649 = arith.select %or3A_648, %scan3A_555#5, %select_n3A_642 : vector<16xi1>, vector<16xf32>
    %select_n3A_650 = arith.select %or3A_648, %add3A_586, %select_n3A_643 : vector<16xi1>, vector<16xi32>
    %lt3A_651 = arith.cmpf olt, %scan3A_555#7, %select_n3A_649 : vector<16xf32>
    %eq3A_652 = arith.cmpf oeq, %scan3A_555#7, %select_n3A_649 : vector<16xf32>
    %lt3A_653 = arith.cmpi slt, %add3A_596, %select_n3A_650 : vector<16xi32>
    %and3A_654 = arith.andi %eq3A_652, %lt3A_653 : vector<16xi1>
    %or3A_655 = arith.ori %lt3A_651, %and3A_654 : vector<16xi1>
    %select_n3A_656 = arith.select %or3A_655, %scan3A_555#7, %select_n3A_649 : vector<16xi1>, vector<16xf32>
    %select_n3A_657 = arith.select %or3A_655, %add3A_596, %select_n3A_650 : vector<16xi1>, vector<16xi32>
    %lt3A_658 = arith.cmpf olt, %scan3A_555#9, %select_n3A_656 : vector<16xf32>
    %eq3A_659 = arith.cmpf oeq, %scan3A_555#9, %select_n3A_656 : vector<16xf32>
    %lt3A_660 = arith.cmpi slt, %add3A_606, %select_n3A_657 : vector<16xi32>
    %and3A_661 = arith.andi %eq3A_659, %lt3A_660 : vector<16xi1>
    %or3A_662 = arith.ori %lt3A_658, %and3A_661 : vector<16xi1>
    %select_n3A_663 = arith.select %or3A_662, %scan3A_555#9, %select_n3A_656 : vector<16xi1>, vector<16xf32>
    %select_n3A_664 = arith.select %or3A_662, %add3A_606, %select_n3A_657 : vector<16xi1>, vector<16xi32>
    %lt3A_665 = arith.cmpf olt, %scan3A_555#11, %select_n3A_663 : vector<16xf32>
    %eq3A_666 = arith.cmpf oeq, %scan3A_555#11, %select_n3A_663 : vector<16xf32>
    %lt3A_667 = arith.cmpi slt, %add3A_616, %select_n3A_664 : vector<16xi32>
    %and3A_668 = arith.andi %eq3A_666, %lt3A_667 : vector<16xi1>
    %or3A_669 = arith.ori %lt3A_665, %and3A_668 : vector<16xi1>
    %select_n3A_670 = arith.select %or3A_669, %scan3A_555#11, %select_n3A_663 : vector<16xi1>, vector<16xf32>
    %select_n3A_671 = arith.select %or3A_669, %add3A_616, %select_n3A_664 : vector<16xi1>, vector<16xi32>
    %lt3A_672 = arith.cmpf olt, %scan3A_555#13, %select_n3A_670 : vector<16xf32>
    %eq3A_673 = arith.cmpf oeq, %scan3A_555#13, %select_n3A_670 : vector<16xf32>
    %lt3A_674 = arith.cmpi slt, %add3A_626, %select_n3A_671 : vector<16xi32>
    %and3A_675 = arith.andi %eq3A_673, %lt3A_674 : vector<16xi1>
    %or3A_676 = arith.ori %lt3A_672, %and3A_675 : vector<16xi1>
    %select_n3A_677 = arith.select %or3A_676, %scan3A_555#13, %select_n3A_670 : vector<16xi1>, vector<16xf32>
    %select_n3A_678 = arith.select %or3A_676, %add3A_626, %select_n3A_671 : vector<16xi1>, vector<16xi32>
    %lt3A_679 = arith.cmpf olt, %scan3A_555#15, %select_n3A_677 : vector<16xf32>
    %eq3A_680 = arith.cmpf oeq, %scan3A_555#15, %select_n3A_677 : vector<16xf32>
    %lt3A_681 = arith.cmpi slt, %add3A_636, %select_n3A_678 : vector<16xi32>
    %and3A_682 = arith.andi %eq3A_680, %lt3A_681 : vector<16xi1>
    %or3A_683 = arith.ori %lt3A_679, %and3A_682 : vector<16xi1>
    %select_n3A_684 = arith.select %or3A_683, %scan3A_555#15, %select_n3A_677 : vector<16xi1>, vector<16xf32>
    %select_n3A_685 = arith.select %or3A_683, %add3A_636, %select_n3A_678 : vector<16xi1>, vector<16xi32>
    %add3A_686 = arith.constant 1 : i32
    %add3A_687 = vector.broadcast %add3A_686 : i32 to vector<16xi32>
    %add3A_688 = arith.addi %iota3A, %add3A_687 : vector<16xi32>
    %jit3A_689 = arith.constant 16 : i32
    %eq3A_690 = arith.constant 0 : i32
    %eq3A_691 = arith.cmpi eq, %jit3A_689, %eq3A_690 : i32
    %jit3A_692 = arith.constant 1 : i32
    %select_n3A_693 = arith.select %eq3A_691, %jit3A_692, %jit3A_689 : i32
    %rem3A_694 = vector.broadcast %select_n3A_693 : i32 to vector<16xi32>
    %rem3A_695 = arith.remsi %add3A_688, %rem3A_694 : vector<16xi32>
    %ne3A_696 = arith.constant 0 : i32
    %ne3A_697 = vector.broadcast %ne3A_696 : i32 to vector<16xi32>
    %ne3A_698 = arith.cmpi ne, %rem3A_695, %ne3A_697 : vector<16xi32>
    %lt3A_699 = arith.constant 0 : i32
    %lt3A_700 = vector.broadcast %lt3A_699 : i32 to vector<16xi32>
    %lt3A_701 = arith.cmpi slt, %rem3A_695, %lt3A_700 : vector<16xi32>
    %lt3A_702 = arith.constant 0 : i32
    %lt3A_703 = arith.cmpi slt, %select_n3A_693, %lt3A_702 : i32
    %ne3A_704 = vector.broadcast %lt3A_703 : i1 to vector<16xi1>
    %ne3A_705 = vector.broadcast %ne3A_704 : vector<16xi1> to vector<16xi1>
    %ne3A_706 = arith.xori %lt3A_701, %ne3A_705 : vector<16xi1>
    %and3A_707 = arith.andi %ne3A_706, %ne3A_698 : vector<16xi1>
    %add3A_708 = vector.broadcast %select_n3A_693 : i32 to vector<16xi32>
    %add3A_709 = arith.addi %rem3A_695, %add3A_708 : vector<16xi32>
    %select_n3A_710 = arith.select %and3A_707, %add3A_709, %rem3A_695 : vector<16xi1>, vector<16xi32>
    %lt3A_711 = arith.constant 0 : i32
    %lt3A_712 = vector.broadcast %lt3A_711 : i32 to vector<16xi32>
    %lt3A_713 = arith.cmpi slt, %select_n3A_710, %lt3A_712 : vector<16xi32>
    %add3A_714 = arith.constant 16 : i32
    %add3A_715 = vector.broadcast %add3A_714 : i32 to vector<16xi32>
    %add3A_716 = arith.addi %select_n3A_710, %add3A_715 : vector<16xi32>
    %select_n3A_717 = arith.select %lt3A_713, %add3A_716, %select_n3A_710 : vector<16xi1>, vector<16xi32>
    %broadcast_in_dim3A_718 = vector.shape_cast %select_n3A_717 : vector<16xi32> to vector<16x1xi32>
    %gather3A_719 = vector.shape_cast %broadcast_in_dim3A_718 : vector<16x1xi32> to vector<16xi32>
    %gather3A_720 = tpu.dynamic_gather %select_n3A_684[%gather3A_719] in [0] : vector<16xf32>, vector<16xi32> -> vector<16xf32>
    %lt3A_721 = arith.constant 0 : i32
    %lt3A_722 = vector.broadcast %lt3A_721 : i32 to vector<16xi32>
    %lt3A_723 = arith.cmpi slt, %select_n3A_710, %lt3A_722 : vector<16xi32>
    %add3A_724 = arith.constant 16 : i32
    %add3A_725 = vector.broadcast %add3A_724 : i32 to vector<16xi32>
    %add3A_726 = arith.addi %select_n3A_710, %add3A_725 : vector<16xi32>
    %select_n3A_727 = arith.select %lt3A_723, %add3A_726, %select_n3A_710 : vector<16xi1>, vector<16xi32>
    %broadcast_in_dim3A_728 = vector.shape_cast %select_n3A_727 : vector<16xi32> to vector<16x1xi32>
    %gather3A_729 = vector.shape_cast %broadcast_in_dim3A_728 : vector<16x1xi32> to vector<16xi32>
    %gather3A_730 = tpu.dynamic_gather %select_n3A_685[%gather3A_729] in [0] : vector<16xi32>, vector<16xi32> -> vector<16xi32>
    %lt3A_731 = arith.cmpf olt, %gather3A_720, %select_n3A_684 : vector<16xf32>
    %eq3A_732 = arith.cmpf oeq, %gather3A_720, %select_n3A_684 : vector<16xf32>
    %lt3A_733 = arith.cmpi slt, %gather3A_730, %select_n3A_685 : vector<16xi32>
    %and3A_734 = arith.andi %eq3A_732, %lt3A_733 : vector<16xi1>
    %or3A_735 = arith.ori %lt3A_731, %and3A_734 : vector<16xi1>
    %select_n3A_736 = arith.select %or3A_735, %gather3A_720, %select_n3A_684 : vector<16xi1>, vector<16xf32>
    %select_n3A_737 = arith.select %or3A_735, %gather3A_730, %select_n3A_685 : vector<16xi1>, vector<16xi32>
    %add3A_738 = arith.constant 2 : i32
    %add3A_739 = vector.broadcast %add3A_738 : i32 to vector<16xi32>
    %add3A_740 = arith.addi %iota3A, %add3A_739 : vector<16xi32>
    %jit3A_741 = arith.constant 16 : i32
    %eq3A_742 = arith.constant 0 : i32
    %eq3A_743 = arith.cmpi eq, %jit3A_741, %eq3A_742 : i32
    %jit3A_744 = arith.constant 1 : i32
    %select_n3A_745 = arith.select %eq3A_743, %jit3A_744, %jit3A_741 : i32
    %rem3A_746 = vector.broadcast %select_n3A_745 : i32 to vector<16xi32>
    %rem3A_747 = arith.remsi %add3A_740, %rem3A_746 : vector<16xi32>
    %ne3A_748 = arith.constant 0 : i32
    %ne3A_749 = vector.broadcast %ne3A_748 : i32 to vector<16xi32>
    %ne3A_750 = arith.cmpi ne, %rem3A_747, %ne3A_749 : vector<16xi32>
    %lt3A_751 = arith.constant 0 : i32
    %lt3A_752 = vector.broadcast %lt3A_751 : i32 to vector<16xi32>
    %lt3A_753 = arith.cmpi slt, %rem3A_747, %lt3A_752 : vector<16xi32>
    %lt3A_754 = arith.constant 0 : i32
    %lt3A_755 = arith.cmpi slt, %select_n3A_745, %lt3A_754 : i32
    %ne3A_756 = vector.broadcast %lt3A_755 : i1 to vector<16xi1>
    %ne3A_757 = vector.broadcast %ne3A_756 : vector<16xi1> to vector<16xi1>
    %ne3A_758 = arith.xori %lt3A_753, %ne3A_757 : vector<16xi1>
    %and3A_759 = arith.andi %ne3A_758, %ne3A_750 : vector<16xi1>
    %add3A_760 = vector.broadcast %select_n3A_745 : i32 to vector<16xi32>
    %add3A_761 = arith.addi %rem3A_747, %add3A_760 : vector<16xi32>
    %select_n3A_762 = arith.select %and3A_759, %add3A_761, %rem3A_747 : vector<16xi1>, vector<16xi32>
    %lt3A_763 = arith.constant 0 : i32
    %lt3A_764 = vector.broadcast %lt3A_763 : i32 to vector<16xi32>
    %lt3A_765 = arith.cmpi slt, %select_n3A_762, %lt3A_764 : vector<16xi32>
    %add3A_766 = arith.constant 16 : i32
    %add3A_767 = vector.broadcast %add3A_766 : i32 to vector<16xi32>
    %add3A_768 = arith.addi %select_n3A_762, %add3A_767 : vector<16xi32>
    %select_n3A_769 = arith.select %lt3A_765, %add3A_768, %select_n3A_762 : vector<16xi1>, vector<16xi32>
    %broadcast_in_dim3A_770 = vector.shape_cast %select_n3A_769 : vector<16xi32> to vector<16x1xi32>
    %gather3A_771 = vector.shape_cast %broadcast_in_dim3A_770 : vector<16x1xi32> to vector<16xi32>
    %gather3A_772 = tpu.dynamic_gather %select_n3A_736[%gather3A_771] in [0] : vector<16xf32>, vector<16xi32> -> vector<16xf32>
    %lt3A_773 = arith.constant 0 : i32
    %lt3A_774 = vector.broadcast %lt3A_773 : i32 to vector<16xi32>
    %lt3A_775 = arith.cmpi slt, %select_n3A_762, %lt3A_774 : vector<16xi32>
    %add3A_776 = arith.constant 16 : i32
    %add3A_777 = vector.broadcast %add3A_776 : i32 to vector<16xi32>
    %add3A_778 = arith.addi %select_n3A_762, %add3A_777 : vector<16xi32>
    %select_n3A_779 = arith.select %lt3A_775, %add3A_778, %select_n3A_762 : vector<16xi1>, vector<16xi32>
    %broadcast_in_dim3A_780 = vector.shape_cast %select_n3A_779 : vector<16xi32> to vector<16x1xi32>
    %gather3A_781 = vector.shape_cast %broadcast_in_dim3A_780 : vector<16x1xi32> to vector<16xi32>
    %gather3A_782 = tpu.dynamic_gather %select_n3A_737[%gather3A_781] in [0] : vector<16xi32>, vector<16xi32> -> vector<16xi32>
    %lt3A_783 = arith.cmpf olt, %gather3A_772, %select_n3A_736 : vector<16xf32>
    %eq3A_784 = arith.cmpf oeq, %gather3A_772, %select_n3A_736 : vector<16xf32>
    %lt3A_785 = arith.cmpi slt, %gather3A_782, %select_n3A_737 : vector<16xi32>
    %and3A_786 = arith.andi %eq3A_784, %lt3A_785 : vector<16xi1>
    %or3A_787 = arith.ori %lt3A_783, %and3A_786 : vector<16xi1>
    %select_n3A_788 = arith.select %or3A_787, %gather3A_772, %select_n3A_736 : vector<16xi1>, vector<16xf32>
    %select_n3A_789 = arith.select %or3A_787, %gather3A_782, %select_n3A_737 : vector<16xi1>, vector<16xi32>
    %add3A_790 = arith.constant 4 : i32
    %add3A_791 = vector.broadcast %add3A_790 : i32 to vector<16xi32>
    %add3A_792 = arith.addi %iota3A, %add3A_791 : vector<16xi32>
    %jit3A_793 = arith.constant 16 : i32
    %eq3A_794 = arith.constant 0 : i32
    %eq3A_795 = arith.cmpi eq, %jit3A_793, %eq3A_794 : i32
    %jit3A_796 = arith.constant 1 : i32
    %select_n3A_797 = arith.select %eq3A_795, %jit3A_796, %jit3A_793 : i32
    %rem3A_798 = vector.broadcast %select_n3A_797 : i32 to vector<16xi32>
    %rem3A_799 = arith.remsi %add3A_792, %rem3A_798 : vector<16xi32>
    %ne3A_800 = arith.constant 0 : i32
    %ne3A_801 = vector.broadcast %ne3A_800 : i32 to vector<16xi32>
    %ne3A_802 = arith.cmpi ne, %rem3A_799, %ne3A_801 : vector<16xi32>
    %lt3A_803 = arith.constant 0 : i32
    %lt3A_804 = vector.broadcast %lt3A_803 : i32 to vector<16xi32>
    %lt3A_805 = arith.cmpi slt, %rem3A_799, %lt3A_804 : vector<16xi32>
    %lt3A_806 = arith.constant 0 : i32
    %lt3A_807 = arith.cmpi slt, %select_n3A_797, %lt3A_806 : i32
    %ne3A_808 = vector.broadcast %lt3A_807 : i1 to vector<16xi1>
    %ne3A_809 = vector.broadcast %ne3A_808 : vector<16xi1> to vector<16xi1>
    %ne3A_810 = arith.xori %lt3A_805, %ne3A_809 : vector<16xi1>
    %and3A_811 = arith.andi %ne3A_810, %ne3A_802 : vector<16xi1>
    %add3A_812 = vector.broadcast %select_n3A_797 : i32 to vector<16xi32>
    %add3A_813 = arith.addi %rem3A_799, %add3A_812 : vector<16xi32>
    %select_n3A_814 = arith.select %and3A_811, %add3A_813, %rem3A_799 : vector<16xi1>, vector<16xi32>
    %lt3A_815 = arith.constant 0 : i32
    %lt3A_816 = vector.broadcast %lt3A_815 : i32 to vector<16xi32>
    %lt3A_817 = arith.cmpi slt, %select_n3A_814, %lt3A_816 : vector<16xi32>
    %add3A_818 = arith.constant 16 : i32
    %add3A_819 = vector.broadcast %add3A_818 : i32 to vector<16xi32>
    %add3A_820 = arith.addi %select_n3A_814, %add3A_819 : vector<16xi32>
    %select_n3A_821 = arith.select %lt3A_817, %add3A_820, %select_n3A_814 : vector<16xi1>, vector<16xi32>
    %broadcast_in_dim3A_822 = vector.shape_cast %select_n3A_821 : vector<16xi32> to vector<16x1xi32>
    %gather3A_823 = vector.shape_cast %broadcast_in_dim3A_822 : vector<16x1xi32> to vector<16xi32>
    %gather3A_824 = tpu.dynamic_gather %select_n3A_788[%gather3A_823] in [0] : vector<16xf32>, vector<16xi32> -> vector<16xf32>
    %lt3A_825 = arith.constant 0 : i32
    %lt3A_826 = vector.broadcast %lt3A_825 : i32 to vector<16xi32>
    %lt3A_827 = arith.cmpi slt, %select_n3A_814, %lt3A_826 : vector<16xi32>
    %add3A_828 = arith.constant 16 : i32
    %add3A_829 = vector.broadcast %add3A_828 : i32 to vector<16xi32>
    %add3A_830 = arith.addi %select_n3A_814, %add3A_829 : vector<16xi32>
    %select_n3A_831 = arith.select %lt3A_827, %add3A_830, %select_n3A_814 : vector<16xi1>, vector<16xi32>
    %broadcast_in_dim3A_832 = vector.shape_cast %select_n3A_831 : vector<16xi32> to vector<16x1xi32>
    %gather3A_833 = vector.shape_cast %broadcast_in_dim3A_832 : vector<16x1xi32> to vector<16xi32>
    %gather3A_834 = tpu.dynamic_gather %select_n3A_789[%gather3A_833] in [0] : vector<16xi32>, vector<16xi32> -> vector<16xi32>
    %lt3A_835 = arith.cmpf olt, %gather3A_824, %select_n3A_788 : vector<16xf32>
    %eq3A_836 = arith.cmpf oeq, %gather3A_824, %select_n3A_788 : vector<16xf32>
    %lt3A_837 = arith.cmpi slt, %gather3A_834, %select_n3A_789 : vector<16xi32>
    %and3A_838 = arith.andi %eq3A_836, %lt3A_837 : vector<16xi1>
    %or3A_839 = arith.ori %lt3A_835, %and3A_838 : vector<16xi1>
    %select_n3A_840 = arith.select %or3A_839, %gather3A_824, %select_n3A_788 : vector<16xi1>, vector<16xf32>
    %select_n3A_841 = arith.select %or3A_839, %gather3A_834, %select_n3A_789 : vector<16xi1>, vector<16xi32>
    %add3A_842 = arith.constant 8 : i32
    %add3A_843 = vector.broadcast %add3A_842 : i32 to vector<16xi32>
    %add3A_844 = arith.addi %iota3A, %add3A_843 : vector<16xi32>
    %jit3A_845 = arith.constant 16 : i32
    %eq3A_846 = arith.constant 0 : i32
    %eq3A_847 = arith.cmpi eq, %jit3A_845, %eq3A_846 : i32
    %jit3A_848 = arith.constant 1 : i32
    %select_n3A_849 = arith.select %eq3A_847, %jit3A_848, %jit3A_845 : i32
    %rem3A_850 = vector.broadcast %select_n3A_849 : i32 to vector<16xi32>
    %rem3A_851 = arith.remsi %add3A_844, %rem3A_850 : vector<16xi32>
    %ne3A_852 = arith.constant 0 : i32
    %ne3A_853 = vector.broadcast %ne3A_852 : i32 to vector<16xi32>
    %ne3A_854 = arith.cmpi ne, %rem3A_851, %ne3A_853 : vector<16xi32>
    %lt3A_855 = arith.constant 0 : i32
    %lt3A_856 = vector.broadcast %lt3A_855 : i32 to vector<16xi32>
    %lt3A_857 = arith.cmpi slt, %rem3A_851, %lt3A_856 : vector<16xi32>
    %lt3A_858 = arith.constant 0 : i32
    %lt3A_859 = arith.cmpi slt, %select_n3A_849, %lt3A_858 : i32
    %ne3A_860 = vector.broadcast %lt3A_859 : i1 to vector<16xi1>
    %ne3A_861 = vector.broadcast %ne3A_860 : vector<16xi1> to vector<16xi1>
    %ne3A_862 = arith.xori %lt3A_857, %ne3A_861 : vector<16xi1>
    %and3A_863 = arith.andi %ne3A_862, %ne3A_854 : vector<16xi1>
    %add3A_864 = vector.broadcast %select_n3A_849 : i32 to vector<16xi32>
    %add3A_865 = arith.addi %rem3A_851, %add3A_864 : vector<16xi32>
    %select_n3A_866 = arith.select %and3A_863, %add3A_865, %rem3A_851 : vector<16xi1>, vector<16xi32>
    %lt3A_867 = arith.constant 0 : i32
    %lt3A_868 = vector.broadcast %lt3A_867 : i32 to vector<16xi32>
    %lt3A_869 = arith.cmpi slt, %select_n3A_866, %lt3A_868 : vector<16xi32>
    %add3A_870 = arith.constant 16 : i32
    %add3A_871 = vector.broadcast %add3A_870 : i32 to vector<16xi32>
    %add3A_872 = arith.addi %select_n3A_866, %add3A_871 : vector<16xi32>
    %select_n3A_873 = arith.select %lt3A_869, %add3A_872, %select_n3A_866 : vector<16xi1>, vector<16xi32>
    %broadcast_in_dim3A_874 = vector.shape_cast %select_n3A_873 : vector<16xi32> to vector<16x1xi32>
    %gather3A_875 = vector.shape_cast %broadcast_in_dim3A_874 : vector<16x1xi32> to vector<16xi32>
    %gather3A_876 = tpu.dynamic_gather %select_n3A_840[%gather3A_875] in [0] : vector<16xf32>, vector<16xi32> -> vector<16xf32>
    %lt3A_877 = arith.constant 0 : i32
    %lt3A_878 = vector.broadcast %lt3A_877 : i32 to vector<16xi32>
    %lt3A_879 = arith.cmpi slt, %select_n3A_866, %lt3A_878 : vector<16xi32>
    %add3A_880 = arith.constant 16 : i32
    %add3A_881 = vector.broadcast %add3A_880 : i32 to vector<16xi32>
    %add3A_882 = arith.addi %select_n3A_866, %add3A_881 : vector<16xi32>
    %select_n3A_883 = arith.select %lt3A_879, %add3A_882, %select_n3A_866 : vector<16xi1>, vector<16xi32>
    %broadcast_in_dim3A_884 = vector.shape_cast %select_n3A_883 : vector<16xi32> to vector<16x1xi32>
    %gather3A_885 = vector.shape_cast %broadcast_in_dim3A_884 : vector<16x1xi32> to vector<16xi32>
    %gather3A_886 = tpu.dynamic_gather %select_n3A_841[%gather3A_885] in [0] : vector<16xi32>, vector<16xi32> -> vector<16xi32>
    %lt3A_887 = arith.cmpf olt, %gather3A_876, %select_n3A_840 : vector<16xf32>
    %eq3A_888 = arith.cmpf oeq, %gather3A_876, %select_n3A_840 : vector<16xf32>
    %lt3A_889 = arith.cmpi slt, %gather3A_886, %select_n3A_841 : vector<16xi32>
    %and3A_890 = arith.andi %eq3A_888, %lt3A_889 : vector<16xi1>
    %or3A_891 = arith.ori %lt3A_887, %and3A_890 : vector<16xi1>
    %select_n3A_892 = arith.select %or3A_891, %gather3A_876, %select_n3A_840 : vector<16xi1>, vector<16xf32>
    %select_n3A_893 = arith.select %or3A_891, %gather3A_886, %select_n3A_841 : vector<16xi1>, vector<16xi32>
    %eq3A_894 = arith.constant 1 : i32
    %eq3A_895 = vector.broadcast %eq3A_894 : i32 to vector<16xi32>
    %eq3A_896 = arith.cmpi eq, %iota3A, %eq3A_895 : vector<16xi32>
    %select_n3A_897 = arith.select %eq3A_896, %select_n3A_893, %select_n3A_448 : vector<16xi1>, vector<16xi32>
    %broadcast_in_dim3A_898 = arith.constant 0x7F800000 : f32
    %broadcast_in_dim3A_899 = vector.broadcast %broadcast_in_dim3A_898 : f32 to vector<16xf32>
    %broadcast_in_dim3A_900 = arith.constant 0 : i32
    %broadcast_in_dim3A_901 = vector.broadcast %broadcast_in_dim3A_900 : i32 to vector<16xi32>
    %broadcast_in_dim3A_902 = arith.constant 0x7F800000 : f32
    %broadcast_in_dim3A_903 = vector.broadcast %broadcast_in_dim3A_902 : f32 to vector<16xf32>
    %broadcast_in_dim3A_904 = arith.constant 0 : i32
    %broadcast_in_dim3A_905 = vector.broadcast %broadcast_in_dim3A_904 : i32 to vector<16xi32>
    %broadcast_in_dim3A_906 = arith.constant 0x7F800000 : f32
    %broadcast_in_dim3A_907 = vector.broadcast %broadcast_in_dim3A_906 : f32 to vector<16xf32>
    %broadcast_in_dim3A_908 = arith.constant 0 : i32
    %broadcast_in_dim3A_909 = vector.broadcast %broadcast_in_dim3A_908 : i32 to vector<16xi32>
    %broadcast_in_dim3A_910 = arith.constant 0x7F800000 : f32
    %broadcast_in_dim3A_911 = vector.broadcast %broadcast_in_dim3A_910 : f32 to vector<16xf32>
    %broadcast_in_dim3A_912 = arith.constant 0 : i32
    %broadcast_in_dim3A_913 = vector.broadcast %broadcast_in_dim3A_912 : i32 to vector<16xi32>
    %broadcast_in_dim3A_914 = arith.constant 0x7F800000 : f32
    %broadcast_in_dim3A_915 = vector.broadcast %broadcast_in_dim3A_914 : f32 to vector<16xf32>
    %broadcast_in_dim3A_916 = arith.constant 0 : i32
    %broadcast_in_dim3A_917 = vector.broadcast %broadcast_in_dim3A_916 : i32 to vector<16xi32>
    %broadcast_in_dim3A_918 = arith.constant 0x7F800000 : f32
    %broadcast_in_dim3A_919 = vector.broadcast %broadcast_in_dim3A_918 : f32 to vector<16xf32>
    %broadcast_in_dim3A_920 = arith.constant 0 : i32
    %broadcast_in_dim3A_921 = vector.broadcast %broadcast_in_dim3A_920 : i32 to vector<16xi32>
    %broadcast_in_dim3A_922 = arith.constant 0x7F800000 : f32
    %broadcast_in_dim3A_923 = vector.broadcast %broadcast_in_dim3A_922 : f32 to vector<16xf32>
    %broadcast_in_dim3A_924 = arith.constant 0 : i32
    %broadcast_in_dim3A_925 = vector.broadcast %broadcast_in_dim3A_924 : i32 to vector<16xi32>
    %broadcast_in_dim3A_926 = arith.constant 0x7F800000 : f32
    %broadcast_in_dim3A_927 = vector.broadcast %broadcast_in_dim3A_926 : f32 to vector<16xf32>
    %broadcast_in_dim3A_928 = arith.constant 0 : i32
    %broadcast_in_dim3A_929 = vector.broadcast %broadcast_in_dim3A_928 : i32 to vector<16xi32>
    %dma_wait3A_930 = tpu.memref_slice %arg2[%multiple_of3A_546] : memref<4194304xf32, #tpu.memory_space<hbm>> -> memref<8192xf32, #tpu.memory_space<hbm>>
    %dma_wait3A_931 = tpu.memref_slice %arg2[%multiple_of3A_546] : memref<4194304xf32, #tpu.memory_space<hbm>> -> memref<8192xf32, #tpu.memory_space<hbm>>
    tpu.wait_dma2 semaphore(%arg7 : memref<!tpu.dma_semaphore, #tpu.memory_space<semaphore_mem>>) src(%dma_wait3A_931 : memref<8192xf32, #tpu.memory_space<hbm>>) dst(%arg4 : memref<8192xf32, #tpu.memory_space<vmem>>)
    %add3A_932 = arith.constant 2 : i32
    %add3A_933 = arith.addi %mul3A_2, %add3A_932 : i32
    %mul3A_934 = arith.constant 32768 : i32
    %mul3A_935 = arith.muli %add3A_933, %mul3A_934 : i32
    %add3A_936 = arith.constant 8192 : i32
    %add3A_937 = arith.addi %mul3A_935, %add3A_936 : i32
    %multiple_of3A_938 = tpu.assume_multiple %add3A_937, 8192 : i32
    %dma_start3A_939 = tpu.memref_slice %arg2[%multiple_of3A_938] : memref<4194304xf32, #tpu.memory_space<hbm>> -> memref<8192xf32, #tpu.memory_space<hbm>>
    %dma_start3A_940 = tpu.memref_slice %arg2[%multiple_of3A_938] : memref<4194304xf32, #tpu.memory_space<hbm>> -> memref<8192xf32, #tpu.memory_space<hbm>>
    tpu.enqueue_dma source(%dma_start3A_940 : memref<8192xf32, #tpu.memory_space<hbm>>) target(%arg5 : memref<8192xf32, #tpu.memory_space<vmem>>) target_semaphore(%arg8 : memref<!tpu.dma_semaphore, #tpu.memory_space<semaphore_mem>>)
    %broadcast_in_dim3A_941 = arith.constant 0 : i32
    %broadcast_in_dim3A_942 = vector.broadcast %broadcast_in_dim3A_941 : i32 to vector<16xi32>
    %scan3A_943 = arith.constant 0 : i32
    %scan3A_944 = arith.constant 64 : i32
    %scan3A_945 = arith.addi %scan3A_943, %scan3A_944 : i32
    %scan3A_946 = arith.constant 1 : i32
    %scan3A_947:17 = scf.for %scan3A_1790 = %scan3A_943 to %scan3A_945 step %scan3A_946 iter_args(%scan3A_1791 = %broadcast_in_dim3A_942, %scan3A_1792 = %broadcast_in_dim3A_899, %scan3A_1793 = %broadcast_in_dim3A_901, %scan3A_1794 = %broadcast_in_dim3A_903, %scan3A_1795 = %broadcast_in_dim3A_905, %scan3A_1796 = %broadcast_in_dim3A_907, %scan3A_1797 = %broadcast_in_dim3A_909, %scan3A_1798 = %broadcast_in_dim3A_911, %scan3A_1799 = %broadcast_in_dim3A_913, %scan3A_1800 = %broadcast_in_dim3A_915, %scan3A_1801 = %broadcast_in_dim3A_917, %scan3A_1802 = %broadcast_in_dim3A_919, %scan3A_1803 = %broadcast_in_dim3A_921, %scan3A_1804 = %broadcast_in_dim3A_923, %scan3A_1805 = %broadcast_in_dim3A_925, %scan3A_1806 = %broadcast_in_dim3A_927, %scan3A_1807 = %broadcast_in_dim3A_929) -> (vector<16xi32>, vector<16xf32>, vector<16xi32>, vector<16xf32>, vector<16xi32>, vector<16xf32>, vector<16xi32>, vector<16xf32>, vector<16xi32>, vector<16xf32>, vector<16xi32>, vector<16xf32>, vector<16xi32>, vector<16xf32>, vector<16xi32>, vector<16xf32>, vector<16xi32>)  : i32 {
      %mul3A_1808 = arith.constant 128 : i32
      %mul3A_1809 = arith.muli %scan3A_1790, %mul3A_1808 : i32
      %add3A_1810 = arith.constant 0 : i32
      %add3A_1811 = arith.addi %mul3A_1809, %add3A_1810 : i32
      %get3A = arith.index_cast %add3A_1811 : i32 to index
      %get3A_1812 = tpu.vector_load %arg4[%get3A] {strides = array<i32>} : memref<8192xf32, #tpu.memory_space<vmem>>, vector<16xf32>,
      %get3A_1813 = vector.shape_cast %get3A_1812 : vector<16xf32> to vector<16xf32>
      %lt3A_1814 = arith.cmpf olt, %get3A_1813, %scan3A_1792 : vector<16xf32>
      %select_n3A_1815 = arith.select %lt3A_1814, %get3A_1813, %scan3A_1792 : vector<16xi1>, vector<16xf32>
      %select_n3A_1816 = arith.select %lt3A_1814, %scan3A_1791, %scan3A_1793 : vector<16xi1>, vector<16xi32>
      %mul3A_1817 = arith.constant 128 : i32
      %mul3A_1818 = arith.muli %scan3A_1790, %mul3A_1817 : i32
      %add3A_1819 = arith.constant 16 : i32
      %add3A_1820 = arith.addi %mul3A_1818, %add3A_1819 : i32
      %get3A_1821 = arith.index_cast %add3A_1820 : i32 to index
      %get3A_1822 = tpu.vector_load %arg4[%get3A_1821] {strides = array<i32>} : memref<8192xf32, #tpu.memory_space<vmem>>, vector<16xf32>,
      %get3A_1823 = vector.shape_cast %get3A_1822 : vector<16xf32> to vector<16xf32>
      %lt3A_1824 = arith.cmpf olt, %get3A_1823, %scan3A_1794 : vector<16xf32>
      %select_n3A_1825 = arith.select %lt3A_1824, %get3A_1823, %scan3A_1794 : vector<16xi1>, vector<16xf32>
      %select_n3A_1826 = arith.select %lt3A_1824, %scan3A_1791, %scan3A_1795 : vector<16xi1>, vector<16xi32>
      %mul3A_1827 = arith.constant 128 : i32
      %mul3A_1828 = arith.muli %scan3A_1790, %mul3A_1827 : i32
      %add3A_1829 = arith.constant 32 : i32
      %add3A_1830 = arith.addi %mul3A_1828, %add3A_1829 : i32
      %get3A_1831 = arith.index_cast %add3A_1830 : i32 to index
      %get3A_1832 = tpu.vector_load %arg4[%get3A_1831] {strides = array<i32>} : memref<8192xf32, #tpu.memory_space<vmem>>, vector<16xf32>,
      %get3A_1833 = vector.shape_cast %get3A_1832 : vector<16xf32> to vector<16xf32>
      %lt3A_1834 = arith.cmpf olt, %get3A_1833, %scan3A_1796 : vector<16xf32>
      %select_n3A_1835 = arith.select %lt3A_1834, %get3A_1833, %scan3A_1796 : vector<16xi1>, vector<16xf32>
      %select_n3A_1836 = arith.select %lt3A_1834, %scan3A_1791, %scan3A_1797 : vector<16xi1>, vector<16xi32>
      %mul3A_1837 = arith.constant 128 : i32
      %mul3A_1838 = arith.muli %scan3A_1790, %mul3A_1837 : i32
      %add3A_1839 = arith.constant 48 : i32
      %add3A_1840 = arith.addi %mul3A_1838, %add3A_1839 : i32
      %get3A_1841 = arith.index_cast %add3A_1840 : i32 to index
      %get3A_1842 = tpu.vector_load %arg4[%get3A_1841] {strides = array<i32>} : memref<8192xf32, #tpu.memory_space<vmem>>, vector<16xf32>,
      %get3A_1843 = vector.shape_cast %get3A_1842 : vector<16xf32> to vector<16xf32>
      %lt3A_1844 = arith.cmpf olt, %get3A_1843, %scan3A_1798 : vector<16xf32>
      %select_n3A_1845 = arith.select %lt3A_1844, %get3A_1843, %scan3A_1798 : vector<16xi1>, vector<16xf32>
      %select_n3A_1846 = arith.select %lt3A_1844, %scan3A_1791, %scan3A_1799 : vector<16xi1>, vector<16xi32>
      %mul3A_1847 = arith.constant 128 : i32
      %mul3A_1848 = arith.muli %scan3A_1790, %mul3A_1847 : i32
      %add3A_1849 = arith.constant 64 : i32
      %add3A_1850 = arith.addi %mul3A_1848, %add3A_1849 : i32
      %get3A_1851 = arith.index_cast %add3A_1850 : i32 to index
      %get3A_1852 = tpu.vector_load %arg4[%get3A_1851] {strides = array<i32>} : memref<8192xf32, #tpu.memory_space<vmem>>, vector<16xf32>,
      %get3A_1853 = vector.shape_cast %get3A_1852 : vector<16xf32> to vector<16xf32>
      %lt3A_1854 = arith.cmpf olt, %get3A_1853, %scan3A_1800 : vector<16xf32>
      %select_n3A_1855 = arith.select %lt3A_1854, %get3A_1853, %scan3A_1800 : vector<16xi1>, vector<16xf32>
      %select_n3A_1856 = arith.select %lt3A_1854, %scan3A_1791, %scan3A_1801 : vector<16xi1>, vector<16xi32>
      %mul3A_1857 = arith.constant 128 : i32
      %mul3A_1858 = arith.muli %scan3A_1790, %mul3A_1857 : i32
      %add3A_1859 = arith.constant 80 : i32
      %add3A_1860 = arith.addi %mul3A_1858, %add3A_1859 : i32
      %get3A_1861 = arith.index_cast %add3A_1860 : i32 to index
      %get3A_1862 = tpu.vector_load %arg4[%get3A_1861] {strides = array<i32>} : memref<8192xf32, #tpu.memory_space<vmem>>, vector<16xf32>,
      %get3A_1863 = vector.shape_cast %get3A_1862 : vector<16xf32> to vector<16xf32>
      %lt3A_1864 = arith.cmpf olt, %get3A_1863, %scan3A_1802 : vector<16xf32>
      %select_n3A_1865 = arith.select %lt3A_1864, %get3A_1863, %scan3A_1802 : vector<16xi1>, vector<16xf32>
      %select_n3A_1866 = arith.select %lt3A_1864, %scan3A_1791, %scan3A_1803 : vector<16xi1>, vector<16xi32>
      %mul3A_1867 = arith.constant 128 : i32
      %mul3A_1868 = arith.muli %scan3A_1790, %mul3A_1867 : i32
      %add3A_1869 = arith.constant 96 : i32
      %add3A_1870 = arith.addi %mul3A_1868, %add3A_1869 : i32
      %get3A_1871 = arith.index_cast %add3A_1870 : i32 to index
      %get3A_1872 = tpu.vector_load %arg4[%get3A_1871] {strides = array<i32>} : memref<8192xf32, #tpu.memory_space<vmem>>, vector<16xf32>,
      %get3A_1873 = vector.shape_cast %get3A_1872 : vector<16xf32> to vector<16xf32>
      %lt3A_1874 = arith.cmpf olt, %get3A_1873, %scan3A_1804 : vector<16xf32>
      %select_n3A_1875 = arith.select %lt3A_1874, %get3A_1873, %scan3A_1804 : vector<16xi1>, vector<16xf32>
      %select_n3A_1876 = arith.select %lt3A_1874, %scan3A_1791, %scan3A_1805 : vector<16xi1>, vector<16xi32>
      %mul3A_1877 = arith.constant 128 : i32
      %mul3A_1878 = arith.muli %scan3A_1790, %mul3A_1877 : i32
      %add3A_1879 = arith.constant 112 : i32
      %add3A_1880 = arith.addi %mul3A_1878, %add3A_1879 : i32
      %get3A_1881 = arith.index_cast %add3A_1880 : i32 to index
      %get3A_1882 = tpu.vector_load %arg4[%get3A_1881] {strides = array<i32>} : memref<8192xf32, #tpu.memory_space<vmem>>, vector<16xf32>,
      %get3A_1883 = vector.shape_cast %get3A_1882 : vector<16xf32> to vector<16xf32>
      %lt3A_1884 = arith.cmpf olt, %get3A_1883, %scan3A_1806 : vector<16xf32>
      %select_n3A_1885 = arith.select %lt3A_1884, %get3A_1883, %scan3A_1806 : vector<16xi1>, vector<16xf32>
      %select_n3A_1886 = arith.select %lt3A_1884, %scan3A_1791, %scan3A_1807 : vector<16xi1>, vector<16xi32>
      %add3A_1887 = arith.constant 1 : i32
      %add3A_1888 = vector.broadcast %add3A_1887 : i32 to vector<16xi32>
      %add3A_1889 = arith.addi %scan3A_1791, %add3A_1888 : vector<16xi32>
      scf.yield %add3A_1889, %select_n3A_1815, %select_n3A_1816, %select_n3A_1825, %select_n3A_1826, %select_n3A_1835, %select_n3A_1836, %select_n3A_1845, %select_n3A_1846, %select_n3A_1855, %select_n3A_1856, %select_n3A_1865, %select_n3A_1866, %select_n3A_1875, %select_n3A_1876, %select_n3A_1885, %select_n3A_1886 : vector<16xi32>, vector<16xf32>, vector<16xi32>, vector<16xf32>, vector<16xi32>, vector<16xf32>, vector<16xi32>, vector<16xf32>, vector<16xi32>, vector<16xf32>, vector<16xi32>, vector<16xf32>, vector<16xi32>, vector<16xf32>, vector<16xi32>, vector<16xf32>, vector<16xi32>
    }
    %scan3A_948 = arith.constant 64 : i32
    %dma_wait3A_949 = tpu.memref_slice %arg2[%multiple_of3A_938] : memref<4194304xf32, #tpu.memory_space<hbm>> -> memref<8192xf32, #tpu.memory_space<hbm>>
    %dma_wait3A_950 = tpu.memref_slice %arg2[%multiple_of3A_938] : memref<4194304xf32, #tpu.memory_space<hbm>> -> memref<8192xf32, #tpu.memory_space<hbm>>
    tpu.wait_dma2 semaphore(%arg8 : memref<!tpu.dma_semaphore, #tpu.memory_space<semaphore_mem>>) src(%dma_wait3A_950 : memref<8192xf32, #tpu.memory_space<hbm>>) dst(%arg5 : memref<8192xf32, #tpu.memory_space<vmem>>)
    %add3A_951 = arith.constant 2 : i32
    %add3A_952 = arith.addi %mul3A_2, %add3A_951 : i32
    %mul3A_953 = arith.constant 32768 : i32
    %mul3A_954 = arith.muli %add3A_952, %mul3A_953 : i32
    %add3A_955 = arith.constant 16384 : i32
    %add3A_956 = arith.addi %mul3A_954, %add3A_955 : i32
    %multiple_of3A_957 = tpu.assume_multiple %add3A_956, 8192 : i32
    %dma_start3A_958 = tpu.memref_slice %arg2[%multiple_of3A_957] : memref<4194304xf32, #tpu.memory_space<hbm>> -> memref<8192xf32, #tpu.memory_space<hbm>>
    %dma_start3A_959 = tpu.memref_slice %arg2[%multiple_of3A_957] : memref<4194304xf32, #tpu.memory_space<hbm>> -> memref<8192xf32, #tpu.memory_space<hbm>>
    tpu.enqueue_dma source(%dma_start3A_959 : memref<8192xf32, #tpu.memory_space<hbm>>) target(%arg4 : memref<8192xf32, #tpu.memory_space<vmem>>) target_semaphore(%arg7 : memref<!tpu.dma_semaphore, #tpu.memory_space<semaphore_mem>>)
    %broadcast_in_dim3A_960 = arith.constant 64 : i32
    %broadcast_in_dim3A_961 = vector.broadcast %broadcast_in_dim3A_960 : i32 to vector<16xi32>
    %scan3A_962 = arith.constant 0 : i32
    %scan3A_963 = arith.constant 64 : i32
    %scan3A_964 = arith.addi %scan3A_962, %scan3A_963 : i32
    %scan3A_965 = arith.constant 1 : i32
    %scan3A_966:17 = scf.for %scan3A_1790 = %scan3A_962 to %scan3A_964 step %scan3A_965 iter_args(%scan3A_1791 = %broadcast_in_dim3A_961, %scan3A_1792 = %scan3A_947#1, %scan3A_1793 = %scan3A_947#2, %scan3A_1794 = %scan3A_947#3, %scan3A_1795 = %scan3A_947#4, %scan3A_1796 = %scan3A_947#5, %scan3A_1797 = %scan3A_947#6, %scan3A_1798 = %scan3A_947#7, %scan3A_1799 = %scan3A_947#8, %scan3A_1800 = %scan3A_947#9, %scan3A_1801 = %scan3A_947#10, %scan3A_1802 = %scan3A_947#11, %scan3A_1803 = %scan3A_947#12, %scan3A_1804 = %scan3A_947#13, %scan3A_1805 = %scan3A_947#14, %scan3A_1806 = %scan3A_947#15, %scan3A_1807 = %scan3A_947#16) -> (vector<16xi32>, vector<16xf32>, vector<16xi32>, vector<16xf32>, vector<16xi32>, vector<16xf32>, vector<16xi32>, vector<16xf32>, vector<16xi32>, vector<16xf32>, vector<16xi32>, vector<16xf32>, vector<16xi32>, vector<16xf32>, vector<16xi32>, vector<16xf32>, vector<16xi32>)  : i32 {
      %mul3A_1808 = arith.constant 128 : i32
      %mul3A_1809 = arith.muli %scan3A_1790, %mul3A_1808 : i32
      %add3A_1810 = arith.constant 0 : i32
      %add3A_1811 = arith.addi %mul3A_1809, %add3A_1810 : i32
      %get3A = arith.index_cast %add3A_1811 : i32 to index
      %get3A_1812 = tpu.vector_load %arg5[%get3A] {strides = array<i32>} : memref<8192xf32, #tpu.memory_space<vmem>>, vector<16xf32>,
      %get3A_1813 = vector.shape_cast %get3A_1812 : vector<16xf32> to vector<16xf32>
      %lt3A_1814 = arith.cmpf olt, %get3A_1813, %scan3A_1792 : vector<16xf32>
      %select_n3A_1815 = arith.select %lt3A_1814, %get3A_1813, %scan3A_1792 : vector<16xi1>, vector<16xf32>
      %select_n3A_1816 = arith.select %lt3A_1814, %scan3A_1791, %scan3A_1793 : vector<16xi1>, vector<16xi32>
      %mul3A_1817 = arith.constant 128 : i32
      %mul3A_1818 = arith.muli %scan3A_1790, %mul3A_1817 : i32
      %add3A_1819 = arith.constant 16 : i32
      %add3A_1820 = arith.addi %mul3A_1818, %add3A_1819 : i32
      %get3A_1821 = arith.index_cast %add3A_1820 : i32 to index
      %get3A_1822 = tpu.vector_load %arg5[%get3A_1821] {strides = array<i32>} : memref<8192xf32, #tpu.memory_space<vmem>>, vector<16xf32>,
      %get3A_1823 = vector.shape_cast %get3A_1822 : vector<16xf32> to vector<16xf32>
      %lt3A_1824 = arith.cmpf olt, %get3A_1823, %scan3A_1794 : vector<16xf32>
      %select_n3A_1825 = arith.select %lt3A_1824, %get3A_1823, %scan3A_1794 : vector<16xi1>, vector<16xf32>
      %select_n3A_1826 = arith.select %lt3A_1824, %scan3A_1791, %scan3A_1795 : vector<16xi1>, vector<16xi32>
      %mul3A_1827 = arith.constant 128 : i32
      %mul3A_1828 = arith.muli %scan3A_1790, %mul3A_1827 : i32
      %add3A_1829 = arith.constant 32 : i32
      %add3A_1830 = arith.addi %mul3A_1828, %add3A_1829 : i32
      %get3A_1831 = arith.index_cast %add3A_1830 : i32 to index
      %get3A_1832 = tpu.vector_load %arg5[%get3A_1831] {strides = array<i32>} : memref<8192xf32, #tpu.memory_space<vmem>>, vector<16xf32>,
      %get3A_1833 = vector.shape_cast %get3A_1832 : vector<16xf32> to vector<16xf32>
      %lt3A_1834 = arith.cmpf olt, %get3A_1833, %scan3A_1796 : vector<16xf32>
      %select_n3A_1835 = arith.select %lt3A_1834, %get3A_1833, %scan3A_1796 : vector<16xi1>, vector<16xf32>
      %select_n3A_1836 = arith.select %lt3A_1834, %scan3A_1791, %scan3A_1797 : vector<16xi1>, vector<16xi32>
      %mul3A_1837 = arith.constant 128 : i32
      %mul3A_1838 = arith.muli %scan3A_1790, %mul3A_1837 : i32
      %add3A_1839 = arith.constant 48 : i32
      %add3A_1840 = arith.addi %mul3A_1838, %add3A_1839 : i32
      %get3A_1841 = arith.index_cast %add3A_1840 : i32 to index
      %get3A_1842 = tpu.vector_load %arg5[%get3A_1841] {strides = array<i32>} : memref<8192xf32, #tpu.memory_space<vmem>>, vector<16xf32>,
      %get3A_1843 = vector.shape_cast %get3A_1842 : vector<16xf32> to vector<16xf32>
      %lt3A_1844 = arith.cmpf olt, %get3A_1843, %scan3A_1798 : vector<16xf32>
      %select_n3A_1845 = arith.select %lt3A_1844, %get3A_1843, %scan3A_1798 : vector<16xi1>, vector<16xf32>
      %select_n3A_1846 = arith.select %lt3A_1844, %scan3A_1791, %scan3A_1799 : vector<16xi1>, vector<16xi32>
      %mul3A_1847 = arith.constant 128 : i32
      %mul3A_1848 = arith.muli %scan3A_1790, %mul3A_1847 : i32
      %add3A_1849 = arith.constant 64 : i32
      %add3A_1850 = arith.addi %mul3A_1848, %add3A_1849 : i32
      %get3A_1851 = arith.index_cast %add3A_1850 : i32 to index
      %get3A_1852 = tpu.vector_load %arg5[%get3A_1851] {strides = array<i32>} : memref<8192xf32, #tpu.memory_space<vmem>>, vector<16xf32>,
      %get3A_1853 = vector.shape_cast %get3A_1852 : vector<16xf32> to vector<16xf32>
      %lt3A_1854 = arith.cmpf olt, %get3A_1853, %scan3A_1800 : vector<16xf32>
      %select_n3A_1855 = arith.select %lt3A_1854, %get3A_1853, %scan3A_1800 : vector<16xi1>, vector<16xf32>
      %select_n3A_1856 = arith.select %lt3A_1854, %scan3A_1791, %scan3A_1801 : vector<16xi1>, vector<16xi32>
      %mul3A_1857 = arith.constant 128 : i32
      %mul3A_1858 = arith.muli %scan3A_1790, %mul3A_1857 : i32
      %add3A_1859 = arith.constant 80 : i32
      %add3A_1860 = arith.addi %mul3A_1858, %add3A_1859 : i32
      %get3A_1861 = arith.index_cast %add3A_1860 : i32 to index
      %get3A_1862 = tpu.vector_load %arg5[%get3A_1861] {strides = array<i32>} : memref<8192xf32, #tpu.memory_space<vmem>>, vector<16xf32>,
      %get3A_1863 = vector.shape_cast %get3A_1862 : vector<16xf32> to vector<16xf32>
      %lt3A_1864 = arith.cmpf olt, %get3A_1863, %scan3A_1802 : vector<16xf32>
      %select_n3A_1865 = arith.select %lt3A_1864, %get3A_1863, %scan3A_1802 : vector<16xi1>, vector<16xf32>
      %select_n3A_1866 = arith.select %lt3A_1864, %scan3A_1791, %scan3A_1803 : vector<16xi1>, vector<16xi32>
      %mul3A_1867 = arith.constant 128 : i32
      %mul3A_1868 = arith.muli %scan3A_1790, %mul3A_1867 : i32
      %add3A_1869 = arith.constant 96 : i32
      %add3A_1870 = arith.addi %mul3A_1868, %add3A_1869 : i32
      %get3A_1871 = arith.index_cast %add3A_1870 : i32 to index
      %get3A_1872 = tpu.vector_load %arg5[%get3A_1871] {strides = array<i32>} : memref<8192xf32, #tpu.memory_space<vmem>>, vector<16xf32>,
      %get3A_1873 = vector.shape_cast %get3A_1872 : vector<16xf32> to vector<16xf32>
      %lt3A_1874 = arith.cmpf olt, %get3A_1873, %scan3A_1804 : vector<16xf32>
      %select_n3A_1875 = arith.select %lt3A_1874, %get3A_1873, %scan3A_1804 : vector<16xi1>, vector<16xf32>
      %select_n3A_1876 = arith.select %lt3A_1874, %scan3A_1791, %scan3A_1805 : vector<16xi1>, vector<16xi32>
      %mul3A_1877 = arith.constant 128 : i32
      %mul3A_1878 = arith.muli %scan3A_1790, %mul3A_1877 : i32
      %add3A_1879 = arith.constant 112 : i32
      %add3A_1880 = arith.addi %mul3A_1878, %add3A_1879 : i32
      %get3A_1881 = arith.index_cast %add3A_1880 : i32 to index
      %get3A_1882 = tpu.vector_load %arg5[%get3A_1881] {strides = array<i32>} : memref<8192xf32, #tpu.memory_space<vmem>>, vector<16xf32>,
      %get3A_1883 = vector.shape_cast %get3A_1882 : vector<16xf32> to vector<16xf32>
      %lt3A_1884 = arith.cmpf olt, %get3A_1883, %scan3A_1806 : vector<16xf32>
      %select_n3A_1885 = arith.select %lt3A_1884, %get3A_1883, %scan3A_1806 : vector<16xi1>, vector<16xf32>
      %select_n3A_1886 = arith.select %lt3A_1884, %scan3A_1791, %scan3A_1807 : vector<16xi1>, vector<16xi32>
      %add3A_1887 = arith.constant 1 : i32
      %add3A_1888 = vector.broadcast %add3A_1887 : i32 to vector<16xi32>
      %add3A_1889 = arith.addi %scan3A_1791, %add3A_1888 : vector<16xi32>
      scf.yield %add3A_1889, %select_n3A_1815, %select_n3A_1816, %select_n3A_1825, %select_n3A_1826, %select_n3A_1835, %select_n3A_1836, %select_n3A_1845, %select_n3A_1846, %select_n3A_1855, %select_n3A_1856, %select_n3A_1865, %select_n3A_1866, %select_n3A_1875, %select_n3A_1876, %select_n3A_1885, %select_n3A_1886 : vector<16xi32>, vector<16xf32>, vector<16xi32>, vector<16xf32>, vector<16xi32>, vector<16xf32>, vector<16xi32>, vector<16xf32>, vector<16xi32>, vector<16xf32>, vector<16xi32>, vector<16xf32>, vector<16xi32>, vector<16xf32>, vector<16xi32>, vector<16xf32>, vector<16xi32>
    }
    %scan3A_967 = arith.constant 64 : i32
    %dma_wait3A_968 = tpu.memref_slice %arg2[%multiple_of3A_957] : memref<4194304xf32, #tpu.memory_space<hbm>> -> memref<8192xf32, #tpu.memory_space<hbm>>
    %dma_wait3A_969 = tpu.memref_slice %arg2[%multiple_of3A_957] : memref<4194304xf32, #tpu.memory_space<hbm>> -> memref<8192xf32, #tpu.memory_space<hbm>>
    tpu.wait_dma2 semaphore(%arg7 : memref<!tpu.dma_semaphore, #tpu.memory_space<semaphore_mem>>) src(%dma_wait3A_969 : memref<8192xf32, #tpu.memory_space<hbm>>) dst(%arg4 : memref<8192xf32, #tpu.memory_space<vmem>>)
    %add3A_970 = arith.constant 2 : i32
    %add3A_971 = arith.addi %mul3A_2, %add3A_970 : i32
    %mul3A_972 = arith.constant 32768 : i32
    %mul3A_973 = arith.muli %add3A_971, %mul3A_972 : i32
    %add3A_974 = arith.constant 24576 : i32
    %add3A_975 = arith.addi %mul3A_973, %add3A_974 : i32
    %multiple_of3A_976 = tpu.assume_multiple %add3A_975, 8192 : i32
    %dma_start3A_977 = tpu.memref_slice %arg2[%multiple_of3A_976] : memref<4194304xf32, #tpu.memory_space<hbm>> -> memref<8192xf32, #tpu.memory_space<hbm>>
    %dma_start3A_978 = tpu.memref_slice %arg2[%multiple_of3A_976] : memref<4194304xf32, #tpu.memory_space<hbm>> -> memref<8192xf32, #tpu.memory_space<hbm>>
    tpu.enqueue_dma source(%dma_start3A_978 : memref<8192xf32, #tpu.memory_space<hbm>>) target(%arg5 : memref<8192xf32, #tpu.memory_space<vmem>>) target_semaphore(%arg8 : memref<!tpu.dma_semaphore, #tpu.memory_space<semaphore_mem>>)
    %broadcast_in_dim3A_979 = arith.constant 128 : i32
    %broadcast_in_dim3A_980 = vector.broadcast %broadcast_in_dim3A_979 : i32 to vector<16xi32>
    %scan3A_981 = arith.constant 0 : i32
    %scan3A_982 = arith.constant 64 : i32
    %scan3A_983 = arith.addi %scan3A_981, %scan3A_982 : i32
    %scan3A_984 = arith.constant 1 : i32
    %scan3A_985:17 = scf.for %scan3A_1790 = %scan3A_981 to %scan3A_983 step %scan3A_984 iter_args(%scan3A_1791 = %broadcast_in_dim3A_980, %scan3A_1792 = %scan3A_966#1, %scan3A_1793 = %scan3A_966#2, %scan3A_1794 = %scan3A_966#3, %scan3A_1795 = %scan3A_966#4, %scan3A_1796 = %scan3A_966#5, %scan3A_1797 = %scan3A_966#6, %scan3A_1798 = %scan3A_966#7, %scan3A_1799 = %scan3A_966#8, %scan3A_1800 = %scan3A_966#9, %scan3A_1801 = %scan3A_966#10, %scan3A_1802 = %scan3A_966#11, %scan3A_1803 = %scan3A_966#12, %scan3A_1804 = %scan3A_966#13, %scan3A_1805 = %scan3A_966#14, %scan3A_1806 = %scan3A_966#15, %scan3A_1807 = %scan3A_966#16) -> (vector<16xi32>, vector<16xf32>, vector<16xi32>, vector<16xf32>, vector<16xi32>, vector<16xf32>, vector<16xi32>, vector<16xf32>, vector<16xi32>, vector<16xf32>, vector<16xi32>, vector<16xf32>, vector<16xi32>, vector<16xf32>, vector<16xi32>, vector<16xf32>, vector<16xi32>)  : i32 {
      %mul3A_1808 = arith.constant 128 : i32
      %mul3A_1809 = arith.muli %scan3A_1790, %mul3A_1808 : i32
      %add3A_1810 = arith.constant 0 : i32
      %add3A_1811 = arith.addi %mul3A_1809, %add3A_1810 : i32
      %get3A = arith.index_cast %add3A_1811 : i32 to index
      %get3A_1812 = tpu.vector_load %arg4[%get3A] {strides = array<i32>} : memref<8192xf32, #tpu.memory_space<vmem>>, vector<16xf32>,
      %get3A_1813 = vector.shape_cast %get3A_1812 : vector<16xf32> to vector<16xf32>
      %lt3A_1814 = arith.cmpf olt, %get3A_1813, %scan3A_1792 : vector<16xf32>
      %select_n3A_1815 = arith.select %lt3A_1814, %get3A_1813, %scan3A_1792 : vector<16xi1>, vector<16xf32>
      %select_n3A_1816 = arith.select %lt3A_1814, %scan3A_1791, %scan3A_1793 : vector<16xi1>, vector<16xi32>
      %mul3A_1817 = arith.constant 128 : i32
      %mul3A_1818 = arith.muli %scan3A_1790, %mul3A_1817 : i32
      %add3A_1819 = arith.constant 16 : i32
      %add3A_1820 = arith.addi %mul3A_1818, %add3A_1819 : i32
      %get3A_1821 = arith.index_cast %add3A_1820 : i32 to index
      %get3A_1822 = tpu.vector_load %arg4[%get3A_1821] {strides = array<i32>} : memref<8192xf32, #tpu.memory_space<vmem>>, vector<16xf32>,
      %get3A_1823 = vector.shape_cast %get3A_1822 : vector<16xf32> to vector<16xf32>
      %lt3A_1824 = arith.cmpf olt, %get3A_1823, %scan3A_1794 : vector<16xf32>
      %select_n3A_1825 = arith.select %lt3A_1824, %get3A_1823, %scan3A_1794 : vector<16xi1>, vector<16xf32>
      %select_n3A_1826 = arith.select %lt3A_1824, %scan3A_1791, %scan3A_1795 : vector<16xi1>, vector<16xi32>
      %mul3A_1827 = arith.constant 128 : i32
      %mul3A_1828 = arith.muli %scan3A_1790, %mul3A_1827 : i32
      %add3A_1829 = arith.constant 32 : i32
      %add3A_1830 = arith.addi %mul3A_1828, %add3A_1829 : i32
      %get3A_1831 = arith.index_cast %add3A_1830 : i32 to index
      %get3A_1832 = tpu.vector_load %arg4[%get3A_1831] {strides = array<i32>} : memref<8192xf32, #tpu.memory_space<vmem>>, vector<16xf32>,
      %get3A_1833 = vector.shape_cast %get3A_1832 : vector<16xf32> to vector<16xf32>
      %lt3A_1834 = arith.cmpf olt, %get3A_1833, %scan3A_1796 : vector<16xf32>
      %select_n3A_1835 = arith.select %lt3A_1834, %get3A_1833, %scan3A_1796 : vector<16xi1>, vector<16xf32>
      %select_n3A_1836 = arith.select %lt3A_1834, %scan3A_1791, %scan3A_1797 : vector<16xi1>, vector<16xi32>
      %mul3A_1837 = arith.constant 128 : i32
      %mul3A_1838 = arith.muli %scan3A_1790, %mul3A_1837 : i32
      %add3A_1839 = arith.constant 48 : i32
      %add3A_1840 = arith.addi %mul3A_1838, %add3A_1839 : i32
      %get3A_1841 = arith.index_cast %add3A_1840 : i32 to index
      %get3A_1842 = tpu.vector_load %arg4[%get3A_1841] {strides = array<i32>} : memref<8192xf32, #tpu.memory_space<vmem>>, vector<16xf32>,
      %get3A_1843 = vector.shape_cast %get3A_1842 : vector<16xf32> to vector<16xf32>
      %lt3A_1844 = arith.cmpf olt, %get3A_1843, %scan3A_1798 : vector<16xf32>
      %select_n3A_1845 = arith.select %lt3A_1844, %get3A_1843, %scan3A_1798 : vector<16xi1>, vector<16xf32>
      %select_n3A_1846 = arith.select %lt3A_1844, %scan3A_1791, %scan3A_1799 : vector<16xi1>, vector<16xi32>
      %mul3A_1847 = arith.constant 128 : i32
      %mul3A_1848 = arith.muli %scan3A_1790, %mul3A_1847 : i32
      %add3A_1849 = arith.constant 64 : i32
      %add3A_1850 = arith.addi %mul3A_1848, %add3A_1849 : i32
      %get3A_1851 = arith.index_cast %add3A_1850 : i32 to index
      %get3A_1852 = tpu.vector_load %arg4[%get3A_1851] {strides = array<i32>} : memref<8192xf32, #tpu.memory_space<vmem>>, vector<16xf32>,
      %get3A_1853 = vector.shape_cast %get3A_1852 : vector<16xf32> to vector<16xf32>
      %lt3A_1854 = arith.cmpf olt, %get3A_1853, %scan3A_1800 : vector<16xf32>
      %select_n3A_1855 = arith.select %lt3A_1854, %get3A_1853, %scan3A_1800 : vector<16xi1>, vector<16xf32>
      %select_n3A_1856 = arith.select %lt3A_1854, %scan3A_1791, %scan3A_1801 : vector<16xi1>, vector<16xi32>
      %mul3A_1857 = arith.constant 128 : i32
      %mul3A_1858 = arith.muli %scan3A_1790, %mul3A_1857 : i32
      %add3A_1859 = arith.constant 80 : i32
      %add3A_1860 = arith.addi %mul3A_1858, %add3A_1859 : i32
      %get3A_1861 = arith.index_cast %add3A_1860 : i32 to index
      %get3A_1862 = tpu.vector_load %arg4[%get3A_1861] {strides = array<i32>} : memref<8192xf32, #tpu.memory_space<vmem>>, vector<16xf32>,
      %get3A_1863 = vector.shape_cast %get3A_1862 : vector<16xf32> to vector<16xf32>
      %lt3A_1864 = arith.cmpf olt, %get3A_1863, %scan3A_1802 : vector<16xf32>
      %select_n3A_1865 = arith.select %lt3A_1864, %get3A_1863, %scan3A_1802 : vector<16xi1>, vector<16xf32>
      %select_n3A_1866 = arith.select %lt3A_1864, %scan3A_1791, %scan3A_1803 : vector<16xi1>, vector<16xi32>
      %mul3A_1867 = arith.constant 128 : i32
      %mul3A_1868 = arith.muli %scan3A_1790, %mul3A_1867 : i32
      %add3A_1869 = arith.constant 96 : i32
      %add3A_1870 = arith.addi %mul3A_1868, %add3A_1869 : i32
      %get3A_1871 = arith.index_cast %add3A_1870 : i32 to index
      %get3A_1872 = tpu.vector_load %arg4[%get3A_1871] {strides = array<i32>} : memref<8192xf32, #tpu.memory_space<vmem>>, vector<16xf32>,
      %get3A_1873 = vector.shape_cast %get3A_1872 : vector<16xf32> to vector<16xf32>
      %lt3A_1874 = arith.cmpf olt, %get3A_1873, %scan3A_1804 : vector<16xf32>
      %select_n3A_1875 = arith.select %lt3A_1874, %get3A_1873, %scan3A_1804 : vector<16xi1>, vector<16xf32>
      %select_n3A_1876 = arith.select %lt3A_1874, %scan3A_1791, %scan3A_1805 : vector<16xi1>, vector<16xi32>
      %mul3A_1877 = arith.constant 128 : i32
      %mul3A_1878 = arith.muli %scan3A_1790, %mul3A_1877 : i32
      %add3A_1879 = arith.constant 112 : i32
      %add3A_1880 = arith.addi %mul3A_1878, %add3A_1879 : i32
      %get3A_1881 = arith.index_cast %add3A_1880 : i32 to index
      %get3A_1882 = tpu.vector_load %arg4[%get3A_1881] {strides = array<i32>} : memref<8192xf32, #tpu.memory_space<vmem>>, vector<16xf32>,
      %get3A_1883 = vector.shape_cast %get3A_1882 : vector<16xf32> to vector<16xf32>
      %lt3A_1884 = arith.cmpf olt, %get3A_1883, %scan3A_1806 : vector<16xf32>
      %select_n3A_1885 = arith.select %lt3A_1884, %get3A_1883, %scan3A_1806 : vector<16xi1>, vector<16xf32>
      %select_n3A_1886 = arith.select %lt3A_1884, %scan3A_1791, %scan3A_1807 : vector<16xi1>, vector<16xi32>
      %add3A_1887 = arith.constant 1 : i32
      %add3A_1888 = vector.broadcast %add3A_1887 : i32 to vector<16xi32>
      %add3A_1889 = arith.addi %scan3A_1791, %add3A_1888 : vector<16xi32>
      scf.yield %add3A_1889, %select_n3A_1815, %select_n3A_1816, %select_n3A_1825, %select_n3A_1826, %select_n3A_1835, %select_n3A_1836, %select_n3A_1845, %select_n3A_1846, %select_n3A_1855, %select_n3A_1856, %select_n3A_1865, %select_n3A_1866, %select_n3A_1875, %select_n3A_1876, %select_n3A_1885, %select_n3A_1886 : vector<16xi32>, vector<16xf32>, vector<16xi32>, vector<16xf32>, vector<16xi32>, vector<16xf32>, vector<16xi32>, vector<16xf32>, vector<16xi32>, vector<16xf32>, vector<16xi32>, vector<16xf32>, vector<16xi32>, vector<16xf32>, vector<16xi32>, vector<16xf32>, vector<16xi32>
    }
    %scan3A_986 = arith.constant 64 : i32
    %dma_wait3A_987 = tpu.memref_slice %arg2[%multiple_of3A_976] : memref<4194304xf32, #tpu.memory_space<hbm>> -> memref<8192xf32, #tpu.memory_space<hbm>>
    %dma_wait3A_988 = tpu.memref_slice %arg2[%multiple_of3A_976] : memref<4194304xf32, #tpu.memory_space<hbm>> -> memref<8192xf32, #tpu.memory_space<hbm>>
    tpu.wait_dma2 semaphore(%arg8 : memref<!tpu.dma_semaphore, #tpu.memory_space<semaphore_mem>>) src(%dma_wait3A_988 : memref<8192xf32, #tpu.memory_space<hbm>>) dst(%arg5 : memref<8192xf32, #tpu.memory_space<vmem>>)
    %add3A_989 = arith.constant 3 : i32
    %add3A_990 = arith.addi %mul3A_2, %add3A_989 : i32
    %mul3A_991 = arith.constant 32768 : i32
    %mul3A_992 = arith.muli %add3A_990, %mul3A_991 : i32
    %add3A_993 = arith.constant 0 : i32
    %add3A_994 = arith.addi %mul3A_992, %add3A_993 : i32
    %multiple_of3A_995 = tpu.assume_multiple %add3A_994, 8192 : i32
    %dma_start3A_996 = tpu.memref_slice %arg2[%multiple_of3A_995] : memref<4194304xf32, #tpu.memory_space<hbm>> -> memref<8192xf32, #tpu.memory_space<hbm>>
    %dma_start3A_997 = tpu.memref_slice %arg2[%multiple_of3A_995] : memref<4194304xf32, #tpu.memory_space<hbm>> -> memref<8192xf32, #tpu.memory_space<hbm>>
    tpu.enqueue_dma source(%dma_start3A_997 : memref<8192xf32, #tpu.memory_space<hbm>>) target(%arg4 : memref<8192xf32, #tpu.memory_space<vmem>>) target_semaphore(%arg7 : memref<!tpu.dma_semaphore, #tpu.memory_space<semaphore_mem>>)
    %broadcast_in_dim3A_998 = arith.constant 192 : i32
    %broadcast_in_dim3A_999 = vector.broadcast %broadcast_in_dim3A_998 : i32 to vector<16xi32>
    %scan3A_1000 = arith.constant 0 : i32
    %scan3A_1001 = arith.constant 64 : i32
    %scan3A_1002 = arith.addi %scan3A_1000, %scan3A_1001 : i32
    %scan3A_1003 = arith.constant 1 : i32
    %scan3A_1004:17 = scf.for %scan3A_1790 = %scan3A_1000 to %scan3A_1002 step %scan3A_1003 iter_args(%scan3A_1791 = %broadcast_in_dim3A_999, %scan3A_1792 = %scan3A_985#1, %scan3A_1793 = %scan3A_985#2, %scan3A_1794 = %scan3A_985#3, %scan3A_1795 = %scan3A_985#4, %scan3A_1796 = %scan3A_985#5, %scan3A_1797 = %scan3A_985#6, %scan3A_1798 = %scan3A_985#7, %scan3A_1799 = %scan3A_985#8, %scan3A_1800 = %scan3A_985#9, %scan3A_1801 = %scan3A_985#10, %scan3A_1802 = %scan3A_985#11, %scan3A_1803 = %scan3A_985#12, %scan3A_1804 = %scan3A_985#13, %scan3A_1805 = %scan3A_985#14, %scan3A_1806 = %scan3A_985#15, %scan3A_1807 = %scan3A_985#16) -> (vector<16xi32>, vector<16xf32>, vector<16xi32>, vector<16xf32>, vector<16xi32>, vector<16xf32>, vector<16xi32>, vector<16xf32>, vector<16xi32>, vector<16xf32>, vector<16xi32>, vector<16xf32>, vector<16xi32>, vector<16xf32>, vector<16xi32>, vector<16xf32>, vector<16xi32>)  : i32 {
      %mul3A_1808 = arith.constant 128 : i32
      %mul3A_1809 = arith.muli %scan3A_1790, %mul3A_1808 : i32
      %add3A_1810 = arith.constant 0 : i32
      %add3A_1811 = arith.addi %mul3A_1809, %add3A_1810 : i32
      %get3A = arith.index_cast %add3A_1811 : i32 to index
      %get3A_1812 = tpu.vector_load %arg5[%get3A] {strides = array<i32>} : memref<8192xf32, #tpu.memory_space<vmem>>, vector<16xf32>,
      %get3A_1813 = vector.shape_cast %get3A_1812 : vector<16xf32> to vector<16xf32>
      %lt3A_1814 = arith.cmpf olt, %get3A_1813, %scan3A_1792 : vector<16xf32>
      %select_n3A_1815 = arith.select %lt3A_1814, %get3A_1813, %scan3A_1792 : vector<16xi1>, vector<16xf32>
      %select_n3A_1816 = arith.select %lt3A_1814, %scan3A_1791, %scan3A_1793 : vector<16xi1>, vector<16xi32>
      %mul3A_1817 = arith.constant 128 : i32
      %mul3A_1818 = arith.muli %scan3A_1790, %mul3A_1817 : i32
      %add3A_1819 = arith.constant 16 : i32
      %add3A_1820 = arith.addi %mul3A_1818, %add3A_1819 : i32
      %get3A_1821 = arith.index_cast %add3A_1820 : i32 to index
      %get3A_1822 = tpu.vector_load %arg5[%get3A_1821] {strides = array<i32>} : memref<8192xf32, #tpu.memory_space<vmem>>, vector<16xf32>,
      %get3A_1823 = vector.shape_cast %get3A_1822 : vector<16xf32> to vector<16xf32>
      %lt3A_1824 = arith.cmpf olt, %get3A_1823, %scan3A_1794 : vector<16xf32>
      %select_n3A_1825 = arith.select %lt3A_1824, %get3A_1823, %scan3A_1794 : vector<16xi1>, vector<16xf32>
      %select_n3A_1826 = arith.select %lt3A_1824, %scan3A_1791, %scan3A_1795 : vector<16xi1>, vector<16xi32>
      %mul3A_1827 = arith.constant 128 : i32
      %mul3A_1828 = arith.muli %scan3A_1790, %mul3A_1827 : i32
      %add3A_1829 = arith.constant 32 : i32
      %add3A_1830 = arith.addi %mul3A_1828, %add3A_1829 : i32
      %get3A_1831 = arith.index_cast %add3A_1830 : i32 to index
      %get3A_1832 = tpu.vector_load %arg5[%get3A_1831] {strides = array<i32>} : memref<8192xf32, #tpu.memory_space<vmem>>, vector<16xf32>,
      %get3A_1833 = vector.shape_cast %get3A_1832 : vector<16xf32> to vector<16xf32>
      %lt3A_1834 = arith.cmpf olt, %get3A_1833, %scan3A_1796 : vector<16xf32>
      %select_n3A_1835 = arith.select %lt3A_1834, %get3A_1833, %scan3A_1796 : vector<16xi1>, vector<16xf32>
      %select_n3A_1836 = arith.select %lt3A_1834, %scan3A_1791, %scan3A_1797 : vector<16xi1>, vector<16xi32>
      %mul3A_1837 = arith.constant 128 : i32
      %mul3A_1838 = arith.muli %scan3A_1790, %mul3A_1837 : i32
      %add3A_1839 = arith.constant 48 : i32
      %add3A_1840 = arith.addi %mul3A_1838, %add3A_1839 : i32
      %get3A_1841 = arith.index_cast %add3A_1840 : i32 to index
      %get3A_1842 = tpu.vector_load %arg5[%get3A_1841] {strides = array<i32>} : memref<8192xf32, #tpu.memory_space<vmem>>, vector<16xf32>,
      %get3A_1843 = vector.shape_cast %get3A_1842 : vector<16xf32> to vector<16xf32>
      %lt3A_1844 = arith.cmpf olt, %get3A_1843, %scan3A_1798 : vector<16xf32>
      %select_n3A_1845 = arith.select %lt3A_1844, %get3A_1843, %scan3A_1798 : vector<16xi1>, vector<16xf32>
      %select_n3A_1846 = arith.select %lt3A_1844, %scan3A_1791, %scan3A_1799 : vector<16xi1>, vector<16xi32>
      %mul3A_1847 = arith.constant 128 : i32
      %mul3A_1848 = arith.muli %scan3A_1790, %mul3A_1847 : i32
      %add3A_1849 = arith.constant 64 : i32
      %add3A_1850 = arith.addi %mul3A_1848, %add3A_1849 : i32
      %get3A_1851 = arith.index_cast %add3A_1850 : i32 to index
      %get3A_1852 = tpu.vector_load %arg5[%get3A_1851] {strides = array<i32>} : memref<8192xf32, #tpu.memory_space<vmem>>, vector<16xf32>,
      %get3A_1853 = vector.shape_cast %get3A_1852 : vector<16xf32> to vector<16xf32>
      %lt3A_1854 = arith.cmpf olt, %get3A_1853, %scan3A_1800 : vector<16xf32>
      %select_n3A_1855 = arith.select %lt3A_1854, %get3A_1853, %scan3A_1800 : vector<16xi1>, vector<16xf32>
      %select_n3A_1856 = arith.select %lt3A_1854, %scan3A_1791, %scan3A_1801 : vector<16xi1>, vector<16xi32>
      %mul3A_1857 = arith.constant 128 : i32
      %mul3A_1858 = arith.muli %scan3A_1790, %mul3A_1857 : i32
      %add3A_1859 = arith.constant 80 : i32
      %add3A_1860 = arith.addi %mul3A_1858, %add3A_1859 : i32
      %get3A_1861 = arith.index_cast %add3A_1860 : i32 to index
      %get3A_1862 = tpu.vector_load %arg5[%get3A_1861] {strides = array<i32>} : memref<8192xf32, #tpu.memory_space<vmem>>, vector<16xf32>,
      %get3A_1863 = vector.shape_cast %get3A_1862 : vector<16xf32> to vector<16xf32>
      %lt3A_1864 = arith.cmpf olt, %get3A_1863, %scan3A_1802 : vector<16xf32>
      %select_n3A_1865 = arith.select %lt3A_1864, %get3A_1863, %scan3A_1802 : vector<16xi1>, vector<16xf32>
      %select_n3A_1866 = arith.select %lt3A_1864, %scan3A_1791, %scan3A_1803 : vector<16xi1>, vector<16xi32>
      %mul3A_1867 = arith.constant 128 : i32
      %mul3A_1868 = arith.muli %scan3A_1790, %mul3A_1867 : i32
      %add3A_1869 = arith.constant 96 : i32
      %add3A_1870 = arith.addi %mul3A_1868, %add3A_1869 : i32
      %get3A_1871 = arith.index_cast %add3A_1870 : i32 to index
      %get3A_1872 = tpu.vector_load %arg5[%get3A_1871] {strides = array<i32>} : memref<8192xf32, #tpu.memory_space<vmem>>, vector<16xf32>,
      %get3A_1873 = vector.shape_cast %get3A_1872 : vector<16xf32> to vector<16xf32>
      %lt3A_1874 = arith.cmpf olt, %get3A_1873, %scan3A_1804 : vector<16xf32>
      %select_n3A_1875 = arith.select %lt3A_1874, %get3A_1873, %scan3A_1804 : vector<16xi1>, vector<16xf32>
      %select_n3A_1876 = arith.select %lt3A_1874, %scan3A_1791, %scan3A_1805 : vector<16xi1>, vector<16xi32>
      %mul3A_1877 = arith.constant 128 : i32
      %mul3A_1878 = arith.muli %scan3A_1790, %mul3A_1877 : i32
      %add3A_1879 = arith.constant 112 : i32
      %add3A_1880 = arith.addi %mul3A_1878, %add3A_1879 : i32
      %get3A_1881 = arith.index_cast %add3A_1880 : i32 to index
      %get3A_1882 = tpu.vector_load %arg5[%get3A_1881] {strides = array<i32>} : memref<8192xf32, #tpu.memory_space<vmem>>, vector<16xf32>,
      %get3A_1883 = vector.shape_cast %get3A_1882 : vector<16xf32> to vector<16xf32>
      %lt3A_1884 = arith.cmpf olt, %get3A_1883, %scan3A_1806 : vector<16xf32>
      %select_n3A_1885 = arith.select %lt3A_1884, %get3A_1883, %scan3A_1806 : vector<16xi1>, vector<16xf32>
      %select_n3A_1886 = arith.select %lt3A_1884, %scan3A_1791, %scan3A_1807 : vector<16xi1>, vector<16xi32>
      %add3A_1887 = arith.constant 1 : i32
      %add3A_1888 = vector.broadcast %add3A_1887 : i32 to vector<16xi32>
      %add3A_1889 = arith.addi %scan3A_1791, %add3A_1888 : vector<16xi32>
      scf.yield %add3A_1889, %select_n3A_1815, %select_n3A_1816, %select_n3A_1825, %select_n3A_1826, %select_n3A_1835, %select_n3A_1836, %select_n3A_1845, %select_n3A_1846, %select_n3A_1855, %select_n3A_1856, %select_n3A_1865, %select_n3A_1866, %select_n3A_1875, %select_n3A_1876, %select_n3A_1885, %select_n3A_1886 : vector<16xi32>, vector<16xf32>, vector<16xi32>, vector<16xf32>, vector<16xi32>, vector<16xf32>, vector<16xi32>, vector<16xf32>, vector<16xi32>, vector<16xf32>, vector<16xi32>, vector<16xf32>, vector<16xi32>, vector<16xf32>, vector<16xi32>, vector<16xf32>, vector<16xi32>
    }
    %scan3A_1005 = arith.constant 64 : i32
    %mul3A_1006 = arith.constant 8 : i32
    %mul3A_1007 = vector.broadcast %mul3A_1006 : i32 to vector<16xi32>
    %mul3A_1008 = arith.muli %scan3A_1004#2, %mul3A_1007 : vector<16xi32>
    %add3A_1009 = arith.constant 0 : i32
    %add3A_1010 = vector.broadcast %add3A_1009 : i32 to vector<16xi32>
    %add3A_1011 = arith.addi %mul3A_1008, %add3A_1010 : vector<16xi32>
    %mul3A_1012 = arith.constant 16 : i32
    %mul3A_1013 = vector.broadcast %mul3A_1012 : i32 to vector<16xi32>
    %mul3A_1014 = arith.muli %add3A_1011, %mul3A_1013 : vector<16xi32>
    %add3A_1015 = arith.addi %mul3A_1014, %iota3A : vector<16xi32>
    %mul3A_1016 = arith.constant 8 : i32
    %mul3A_1017 = vector.broadcast %mul3A_1016 : i32 to vector<16xi32>
    %mul3A_1018 = arith.muli %scan3A_1004#4, %mul3A_1017 : vector<16xi32>
    %add3A_1019 = arith.constant 1 : i32
    %add3A_1020 = vector.broadcast %add3A_1019 : i32 to vector<16xi32>
    %add3A_1021 = arith.addi %mul3A_1018, %add3A_1020 : vector<16xi32>
    %mul3A_1022 = arith.constant 16 : i32
    %mul3A_1023 = vector.broadcast %mul3A_1022 : i32 to vector<16xi32>
    %mul3A_1024 = arith.muli %add3A_1021, %mul3A_1023 : vector<16xi32>
    %add3A_1025 = arith.addi %mul3A_1024, %iota3A : vector<16xi32>
    %mul3A_1026 = arith.constant 8 : i32
    %mul3A_1027 = vector.broadcast %mul3A_1026 : i32 to vector<16xi32>
    %mul3A_1028 = arith.muli %scan3A_1004#6, %mul3A_1027 : vector<16xi32>
    %add3A_1029 = arith.constant 2 : i32
    %add3A_1030 = vector.broadcast %add3A_1029 : i32 to vector<16xi32>
    %add3A_1031 = arith.addi %mul3A_1028, %add3A_1030 : vector<16xi32>
    %mul3A_1032 = arith.constant 16 : i32
    %mul3A_1033 = vector.broadcast %mul3A_1032 : i32 to vector<16xi32>
    %mul3A_1034 = arith.muli %add3A_1031, %mul3A_1033 : vector<16xi32>
    %add3A_1035 = arith.addi %mul3A_1034, %iota3A : vector<16xi32>
    %mul3A_1036 = arith.constant 8 : i32
    %mul3A_1037 = vector.broadcast %mul3A_1036 : i32 to vector<16xi32>
    %mul3A_1038 = arith.muli %scan3A_1004#8, %mul3A_1037 : vector<16xi32>
    %add3A_1039 = arith.constant 3 : i32
    %add3A_1040 = vector.broadcast %add3A_1039 : i32 to vector<16xi32>
    %add3A_1041 = arith.addi %mul3A_1038, %add3A_1040 : vector<16xi32>
    %mul3A_1042 = arith.constant 16 : i32
    %mul3A_1043 = vector.broadcast %mul3A_1042 : i32 to vector<16xi32>
    %mul3A_1044 = arith.muli %add3A_1041, %mul3A_1043 : vector<16xi32>
    %add3A_1045 = arith.addi %mul3A_1044, %iota3A : vector<16xi32>
    %mul3A_1046 = arith.constant 8 : i32
    %mul3A_1047 = vector.broadcast %mul3A_1046 : i32 to vector<16xi32>
    %mul3A_1048 = arith.muli %scan3A_1004#10, %mul3A_1047 : vector<16xi32>
    %add3A_1049 = arith.constant 4 : i32
    %add3A_1050 = vector.broadcast %add3A_1049 : i32 to vector<16xi32>
    %add3A_1051 = arith.addi %mul3A_1048, %add3A_1050 : vector<16xi32>
    %mul3A_1052 = arith.constant 16 : i32
    %mul3A_1053 = vector.broadcast %mul3A_1052 : i32 to vector<16xi32>
    %mul3A_1054 = arith.muli %add3A_1051, %mul3A_1053 : vector<16xi32>
    %add3A_1055 = arith.addi %mul3A_1054, %iota3A : vector<16xi32>
    %mul3A_1056 = arith.constant 8 : i32
    %mul3A_1057 = vector.broadcast %mul3A_1056 : i32 to vector<16xi32>
    %mul3A_1058 = arith.muli %scan3A_1004#12, %mul3A_1057 : vector<16xi32>
    %add3A_1059 = arith.constant 5 : i32
    %add3A_1060 = vector.broadcast %add3A_1059 : i32 to vector<16xi32>
    %add3A_1061 = arith.addi %mul3A_1058, %add3A_1060 : vector<16xi32>
    %mul3A_1062 = arith.constant 16 : i32
    %mul3A_1063 = vector.broadcast %mul3A_1062 : i32 to vector<16xi32>
    %mul3A_1064 = arith.muli %add3A_1061, %mul3A_1063 : vector<16xi32>
    %add3A_1065 = arith.addi %mul3A_1064, %iota3A : vector<16xi32>
    %mul3A_1066 = arith.constant 8 : i32
    %mul3A_1067 = vector.broadcast %mul3A_1066 : i32 to vector<16xi32>
    %mul3A_1068 = arith.muli %scan3A_1004#14, %mul3A_1067 : vector<16xi32>
    %add3A_1069 = arith.constant 6 : i32
    %add3A_1070 = vector.broadcast %add3A_1069 : i32 to vector<16xi32>
    %add3A_1071 = arith.addi %mul3A_1068, %add3A_1070 : vector<16xi32>
    %mul3A_1072 = arith.constant 16 : i32
    %mul3A_1073 = vector.broadcast %mul3A_1072 : i32 to vector<16xi32>
    %mul3A_1074 = arith.muli %add3A_1071, %mul3A_1073 : vector<16xi32>
    %add3A_1075 = arith.addi %mul3A_1074, %iota3A : vector<16xi32>
    %mul3A_1076 = arith.constant 8 : i32
    %mul3A_1077 = vector.broadcast %mul3A_1076 : i32 to vector<16xi32>
    %mul3A_1078 = arith.muli %scan3A_1004#16, %mul3A_1077 : vector<16xi32>
    %add3A_1079 = arith.constant 7 : i32
    %add3A_1080 = vector.broadcast %add3A_1079 : i32 to vector<16xi32>
    %add3A_1081 = arith.addi %mul3A_1078, %add3A_1080 : vector<16xi32>
    %mul3A_1082 = arith.constant 16 : i32
    %mul3A_1083 = vector.broadcast %mul3A_1082 : i32 to vector<16xi32>
    %mul3A_1084 = arith.muli %add3A_1081, %mul3A_1083 : vector<16xi32>
    %add3A_1085 = arith.addi %mul3A_1084, %iota3A : vector<16xi32>
    %lt3A_1086 = arith.cmpf olt, %scan3A_1004#3, %scan3A_1004#1 : vector<16xf32>
    %eq3A_1087 = arith.cmpf oeq, %scan3A_1004#3, %scan3A_1004#1 : vector<16xf32>
    %lt3A_1088 = arith.cmpi slt, %add3A_1025, %add3A_1015 : vector<16xi32>
    %and3A_1089 = arith.andi %eq3A_1087, %lt3A_1088 : vector<16xi1>
    %or3A_1090 = arith.ori %lt3A_1086, %and3A_1089 : vector<16xi1>
    %select_n3A_1091 = arith.select %or3A_1090, %scan3A_1004#3, %scan3A_1004#1 : vector<16xi1>, vector<16xf32>
    %select_n3A_1092 = arith.select %or3A_1090, %add3A_1025, %add3A_1015 : vector<16xi1>, vector<16xi32>
    %lt3A_1093 = arith.cmpf olt, %scan3A_1004#5, %select_n3A_1091 : vector<16xf32>
    %eq3A_1094 = arith.cmpf oeq, %scan3A_1004#5, %select_n3A_1091 : vector<16xf32>
    %lt3A_1095 = arith.cmpi slt, %add3A_1035, %select_n3A_1092 : vector<16xi32>
    %and3A_1096 = arith.andi %eq3A_1094, %lt3A_1095 : vector<16xi1>
    %or3A_1097 = arith.ori %lt3A_1093, %and3A_1096 : vector<16xi1>
    %select_n3A_1098 = arith.select %or3A_1097, %scan3A_1004#5, %select_n3A_1091 : vector<16xi1>, vector<16xf32>
    %select_n3A_1099 = arith.select %or3A_1097, %add3A_1035, %select_n3A_1092 : vector<16xi1>, vector<16xi32>
    %lt3A_1100 = arith.cmpf olt, %scan3A_1004#7, %select_n3A_1098 : vector<16xf32>
    %eq3A_1101 = arith.cmpf oeq, %scan3A_1004#7, %select_n3A_1098 : vector<16xf32>
    %lt3A_1102 = arith.cmpi slt, %add3A_1045, %select_n3A_1099 : vector<16xi32>
    %and3A_1103 = arith.andi %eq3A_1101, %lt3A_1102 : vector<16xi1>
    %or3A_1104 = arith.ori %lt3A_1100, %and3A_1103 : vector<16xi1>
    %select_n3A_1105 = arith.select %or3A_1104, %scan3A_1004#7, %select_n3A_1098 : vector<16xi1>, vector<16xf32>
    %select_n3A_1106 = arith.select %or3A_1104, %add3A_1045, %select_n3A_1099 : vector<16xi1>, vector<16xi32>
    %lt3A_1107 = arith.cmpf olt, %scan3A_1004#9, %select_n3A_1105 : vector<16xf32>
    %eq3A_1108 = arith.cmpf oeq, %scan3A_1004#9, %select_n3A_1105 : vector<16xf32>
    %lt3A_1109 = arith.cmpi slt, %add3A_1055, %select_n3A_1106 : vector<16xi32>
    %and3A_1110 = arith.andi %eq3A_1108, %lt3A_1109 : vector<16xi1>
    %or3A_1111 = arith.ori %lt3A_1107, %and3A_1110 : vector<16xi1>
    %select_n3A_1112 = arith.select %or3A_1111, %scan3A_1004#9, %select_n3A_1105 : vector<16xi1>, vector<16xf32>
    %select_n3A_1113 = arith.select %or3A_1111, %add3A_1055, %select_n3A_1106 : vector<16xi1>, vector<16xi32>
    %lt3A_1114 = arith.cmpf olt, %scan3A_1004#11, %select_n3A_1112 : vector<16xf32>
    %eq3A_1115 = arith.cmpf oeq, %scan3A_1004#11, %select_n3A_1112 : vector<16xf32>
    %lt3A_1116 = arith.cmpi slt, %add3A_1065, %select_n3A_1113 : vector<16xi32>
    %and3A_1117 = arith.andi %eq3A_1115, %lt3A_1116 : vector<16xi1>
    %or3A_1118 = arith.ori %lt3A_1114, %and3A_1117 : vector<16xi1>
    %select_n3A_1119 = arith.select %or3A_1118, %scan3A_1004#11, %select_n3A_1112 : vector<16xi1>, vector<16xf32>
    %select_n3A_1120 = arith.select %or3A_1118, %add3A_1065, %select_n3A_1113 : vector<16xi1>, vector<16xi32>
    %lt3A_1121 = arith.cmpf olt, %scan3A_1004#13, %select_n3A_1119 : vector<16xf32>
    %eq3A_1122 = arith.cmpf oeq, %scan3A_1004#13, %select_n3A_1119 : vector<16xf32>
    %lt3A_1123 = arith.cmpi slt, %add3A_1075, %select_n3A_1120 : vector<16xi32>
    %and3A_1124 = arith.andi %eq3A_1122, %lt3A_1123 : vector<16xi1>
    %or3A_1125 = arith.ori %lt3A_1121, %and3A_1124 : vector<16xi1>
    %select_n3A_1126 = arith.select %or3A_1125, %scan3A_1004#13, %select_n3A_1119 : vector<16xi1>, vector<16xf32>
    %select_n3A_1127 = arith.select %or3A_1125, %add3A_1075, %select_n3A_1120 : vector<16xi1>, vector<16xi32>
    %lt3A_1128 = arith.cmpf olt, %scan3A_1004#15, %select_n3A_1126 : vector<16xf32>
    %eq3A_1129 = arith.cmpf oeq, %scan3A_1004#15, %select_n3A_1126 : vector<16xf32>
    %lt3A_1130 = arith.cmpi slt, %add3A_1085, %select_n3A_1127 : vector<16xi32>
    %and3A_1131 = arith.andi %eq3A_1129, %lt3A_1130 : vector<16xi1>
    %or3A_1132 = arith.ori %lt3A_1128, %and3A_1131 : vector<16xi1>
    %select_n3A_1133 = arith.select %or3A_1132, %scan3A_1004#15, %select_n3A_1126 : vector<16xi1>, vector<16xf32>
    %select_n3A_1134 = arith.select %or3A_1132, %add3A_1085, %select_n3A_1127 : vector<16xi1>, vector<16xi32>
    %add3A_1135 = arith.constant 1 : i32
    %add3A_1136 = vector.broadcast %add3A_1135 : i32 to vector<16xi32>
    %add3A_1137 = arith.addi %iota3A, %add3A_1136 : vector<16xi32>
    %jit3A_1138 = arith.constant 16 : i32
    %eq3A_1139 = arith.constant 0 : i32
    %eq3A_1140 = arith.cmpi eq, %jit3A_1138, %eq3A_1139 : i32
    %jit3A_1141 = arith.constant 1 : i32
    %select_n3A_1142 = arith.select %eq3A_1140, %jit3A_1141, %jit3A_1138 : i32
    %rem3A_1143 = vector.broadcast %select_n3A_1142 : i32 to vector<16xi32>
    %rem3A_1144 = arith.remsi %add3A_1137, %rem3A_1143 : vector<16xi32>
    %ne3A_1145 = arith.constant 0 : i32
    %ne3A_1146 = vector.broadcast %ne3A_1145 : i32 to vector<16xi32>
    %ne3A_1147 = arith.cmpi ne, %rem3A_1144, %ne3A_1146 : vector<16xi32>
    %lt3A_1148 = arith.constant 0 : i32
    %lt3A_1149 = vector.broadcast %lt3A_1148 : i32 to vector<16xi32>
    %lt3A_1150 = arith.cmpi slt, %rem3A_1144, %lt3A_1149 : vector<16xi32>
    %lt3A_1151 = arith.constant 0 : i32
    %lt3A_1152 = arith.cmpi slt, %select_n3A_1142, %lt3A_1151 : i32
    %ne3A_1153 = vector.broadcast %lt3A_1152 : i1 to vector<16xi1>
    %ne3A_1154 = vector.broadcast %ne3A_1153 : vector<16xi1> to vector<16xi1>
    %ne3A_1155 = arith.xori %lt3A_1150, %ne3A_1154 : vector<16xi1>
    %and3A_1156 = arith.andi %ne3A_1155, %ne3A_1147 : vector<16xi1>
    %add3A_1157 = vector.broadcast %select_n3A_1142 : i32 to vector<16xi32>
    %add3A_1158 = arith.addi %rem3A_1144, %add3A_1157 : vector<16xi32>
    %select_n3A_1159 = arith.select %and3A_1156, %add3A_1158, %rem3A_1144 : vector<16xi1>, vector<16xi32>
    %lt3A_1160 = arith.constant 0 : i32
    %lt3A_1161 = vector.broadcast %lt3A_1160 : i32 to vector<16xi32>
    %lt3A_1162 = arith.cmpi slt, %select_n3A_1159, %lt3A_1161 : vector<16xi32>
    %add3A_1163 = arith.constant 16 : i32
    %add3A_1164 = vector.broadcast %add3A_1163 : i32 to vector<16xi32>
    %add3A_1165 = arith.addi %select_n3A_1159, %add3A_1164 : vector<16xi32>
    %select_n3A_1166 = arith.select %lt3A_1162, %add3A_1165, %select_n3A_1159 : vector<16xi1>, vector<16xi32>
    %broadcast_in_dim3A_1167 = vector.shape_cast %select_n3A_1166 : vector<16xi32> to vector<16x1xi32>
    %gather3A_1168 = vector.shape_cast %broadcast_in_dim3A_1167 : vector<16x1xi32> to vector<16xi32>
    %gather3A_1169 = tpu.dynamic_gather %select_n3A_1133[%gather3A_1168] in [0] : vector<16xf32>, vector<16xi32> -> vector<16xf32>
    %lt3A_1170 = arith.constant 0 : i32
    %lt3A_1171 = vector.broadcast %lt3A_1170 : i32 to vector<16xi32>
    %lt3A_1172 = arith.cmpi slt, %select_n3A_1159, %lt3A_1171 : vector<16xi32>
    %add3A_1173 = arith.constant 16 : i32
    %add3A_1174 = vector.broadcast %add3A_1173 : i32 to vector<16xi32>
    %add3A_1175 = arith.addi %select_n3A_1159, %add3A_1174 : vector<16xi32>
    %select_n3A_1176 = arith.select %lt3A_1172, %add3A_1175, %select_n3A_1159 : vector<16xi1>, vector<16xi32>
    %broadcast_in_dim3A_1177 = vector.shape_cast %select_n3A_1176 : vector<16xi32> to vector<16x1xi32>
    %gather3A_1178 = vector.shape_cast %broadcast_in_dim3A_1177 : vector<16x1xi32> to vector<16xi32>
    %gather3A_1179 = tpu.dynamic_gather %select_n3A_1134[%gather3A_1178] in [0] : vector<16xi32>, vector<16xi32> -> vector<16xi32>
    %lt3A_1180 = arith.cmpf olt, %gather3A_1169, %select_n3A_1133 : vector<16xf32>
    %eq3A_1181 = arith.cmpf oeq, %gather3A_1169, %select_n3A_1133 : vector<16xf32>
    %lt3A_1182 = arith.cmpi slt, %gather3A_1179, %select_n3A_1134 : vector<16xi32>
    %and3A_1183 = arith.andi %eq3A_1181, %lt3A_1182 : vector<16xi1>
    %or3A_1184 = arith.ori %lt3A_1180, %and3A_1183 : vector<16xi1>
    %select_n3A_1185 = arith.select %or3A_1184, %gather3A_1169, %select_n3A_1133 : vector<16xi1>, vector<16xf32>
    %select_n3A_1186 = arith.select %or3A_1184, %gather3A_1179, %select_n3A_1134 : vector<16xi1>, vector<16xi32>
    %add3A_1187 = arith.constant 2 : i32
    %add3A_1188 = vector.broadcast %add3A_1187 : i32 to vector<16xi32>
    %add3A_1189 = arith.addi %iota3A, %add3A_1188 : vector<16xi32>
    %jit3A_1190 = arith.constant 16 : i32
    %eq3A_1191 = arith.constant 0 : i32
    %eq3A_1192 = arith.cmpi eq, %jit3A_1190, %eq3A_1191 : i32
    %jit3A_1193 = arith.constant 1 : i32
    %select_n3A_1194 = arith.select %eq3A_1192, %jit3A_1193, %jit3A_1190 : i32
    %rem3A_1195 = vector.broadcast %select_n3A_1194 : i32 to vector<16xi32>
    %rem3A_1196 = arith.remsi %add3A_1189, %rem3A_1195 : vector<16xi32>
    %ne3A_1197 = arith.constant 0 : i32
    %ne3A_1198 = vector.broadcast %ne3A_1197 : i32 to vector<16xi32>
    %ne3A_1199 = arith.cmpi ne, %rem3A_1196, %ne3A_1198 : vector<16xi32>
    %lt3A_1200 = arith.constant 0 : i32
    %lt3A_1201 = vector.broadcast %lt3A_1200 : i32 to vector<16xi32>
    %lt3A_1202 = arith.cmpi slt, %rem3A_1196, %lt3A_1201 : vector<16xi32>
    %lt3A_1203 = arith.constant 0 : i32
    %lt3A_1204 = arith.cmpi slt, %select_n3A_1194, %lt3A_1203 : i32
    %ne3A_1205 = vector.broadcast %lt3A_1204 : i1 to vector<16xi1>
    %ne3A_1206 = vector.broadcast %ne3A_1205 : vector<16xi1> to vector<16xi1>
    %ne3A_1207 = arith.xori %lt3A_1202, %ne3A_1206 : vector<16xi1>
    %and3A_1208 = arith.andi %ne3A_1207, %ne3A_1199 : vector<16xi1>
    %add3A_1209 = vector.broadcast %select_n3A_1194 : i32 to vector<16xi32>
    %add3A_1210 = arith.addi %rem3A_1196, %add3A_1209 : vector<16xi32>
    %select_n3A_1211 = arith.select %and3A_1208, %add3A_1210, %rem3A_1196 : vector<16xi1>, vector<16xi32>
    %lt3A_1212 = arith.constant 0 : i32
    %lt3A_1213 = vector.broadcast %lt3A_1212 : i32 to vector<16xi32>
    %lt3A_1214 = arith.cmpi slt, %select_n3A_1211, %lt3A_1213 : vector<16xi32>
    %add3A_1215 = arith.constant 16 : i32
    %add3A_1216 = vector.broadcast %add3A_1215 : i32 to vector<16xi32>
    %add3A_1217 = arith.addi %select_n3A_1211, %add3A_1216 : vector<16xi32>
    %select_n3A_1218 = arith.select %lt3A_1214, %add3A_1217, %select_n3A_1211 : vector<16xi1>, vector<16xi32>
    %broadcast_in_dim3A_1219 = vector.shape_cast %select_n3A_1218 : vector<16xi32> to vector<16x1xi32>
    %gather3A_1220 = vector.shape_cast %broadcast_in_dim3A_1219 : vector<16x1xi32> to vector<16xi32>
    %gather3A_1221 = tpu.dynamic_gather %select_n3A_1185[%gather3A_1220] in [0] : vector<16xf32>, vector<16xi32> -> vector<16xf32>
    %lt3A_1222 = arith.constant 0 : i32
    %lt3A_1223 = vector.broadcast %lt3A_1222 : i32 to vector<16xi32>
    %lt3A_1224 = arith.cmpi slt, %select_n3A_1211, %lt3A_1223 : vector<16xi32>
    %add3A_1225 = arith.constant 16 : i32
    %add3A_1226 = vector.broadcast %add3A_1225 : i32 to vector<16xi32>
    %add3A_1227 = arith.addi %select_n3A_1211, %add3A_1226 : vector<16xi32>
    %select_n3A_1228 = arith.select %lt3A_1224, %add3A_1227, %select_n3A_1211 : vector<16xi1>, vector<16xi32>
    %broadcast_in_dim3A_1229 = vector.shape_cast %select_n3A_1228 : vector<16xi32> to vector<16x1xi32>
    %gather3A_1230 = vector.shape_cast %broadcast_in_dim3A_1229 : vector<16x1xi32> to vector<16xi32>
    %gather3A_1231 = tpu.dynamic_gather %select_n3A_1186[%gather3A_1230] in [0] : vector<16xi32>, vector<16xi32> -> vector<16xi32>
    %lt3A_1232 = arith.cmpf olt, %gather3A_1221, %select_n3A_1185 : vector<16xf32>
    %eq3A_1233 = arith.cmpf oeq, %gather3A_1221, %select_n3A_1185 : vector<16xf32>
    %lt3A_1234 = arith.cmpi slt, %gather3A_1231, %select_n3A_1186 : vector<16xi32>
    %and3A_1235 = arith.andi %eq3A_1233, %lt3A_1234 : vector<16xi1>
    %or3A_1236 = arith.ori %lt3A_1232, %and3A_1235 : vector<16xi1>
    %select_n3A_1237 = arith.select %or3A_1236, %gather3A_1221, %select_n3A_1185 : vector<16xi1>, vector<16xf32>
    %select_n3A_1238 = arith.select %or3A_1236, %gather3A_1231, %select_n3A_1186 : vector<16xi1>, vector<16xi32>
    %add3A_1239 = arith.constant 4 : i32
    %add3A_1240 = vector.broadcast %add3A_1239 : i32 to vector<16xi32>
    %add3A_1241 = arith.addi %iota3A, %add3A_1240 : vector<16xi32>
    %jit3A_1242 = arith.constant 16 : i32
    %eq3A_1243 = arith.constant 0 : i32
    %eq3A_1244 = arith.cmpi eq, %jit3A_1242, %eq3A_1243 : i32
    %jit3A_1245 = arith.constant 1 : i32
    %select_n3A_1246 = arith.select %eq3A_1244, %jit3A_1245, %jit3A_1242 : i32
    %rem3A_1247 = vector.broadcast %select_n3A_1246 : i32 to vector<16xi32>
    %rem3A_1248 = arith.remsi %add3A_1241, %rem3A_1247 : vector<16xi32>
    %ne3A_1249 = arith.constant 0 : i32
    %ne3A_1250 = vector.broadcast %ne3A_1249 : i32 to vector<16xi32>
    %ne3A_1251 = arith.cmpi ne, %rem3A_1248, %ne3A_1250 : vector<16xi32>
    %lt3A_1252 = arith.constant 0 : i32
    %lt3A_1253 = vector.broadcast %lt3A_1252 : i32 to vector<16xi32>
    %lt3A_1254 = arith.cmpi slt, %rem3A_1248, %lt3A_1253 : vector<16xi32>
    %lt3A_1255 = arith.constant 0 : i32
    %lt3A_1256 = arith.cmpi slt, %select_n3A_1246, %lt3A_1255 : i32
    %ne3A_1257 = vector.broadcast %lt3A_1256 : i1 to vector<16xi1>
    %ne3A_1258 = vector.broadcast %ne3A_1257 : vector<16xi1> to vector<16xi1>
    %ne3A_1259 = arith.xori %lt3A_1254, %ne3A_1258 : vector<16xi1>
    %and3A_1260 = arith.andi %ne3A_1259, %ne3A_1251 : vector<16xi1>
    %add3A_1261 = vector.broadcast %select_n3A_1246 : i32 to vector<16xi32>
    %add3A_1262 = arith.addi %rem3A_1248, %add3A_1261 : vector<16xi32>
    %select_n3A_1263 = arith.select %and3A_1260, %add3A_1262, %rem3A_1248 : vector<16xi1>, vector<16xi32>
    %lt3A_1264 = arith.constant 0 : i32
    %lt3A_1265 = vector.broadcast %lt3A_1264 : i32 to vector<16xi32>
    %lt3A_1266 = arith.cmpi slt, %select_n3A_1263, %lt3A_1265 : vector<16xi32>
    %add3A_1267 = arith.constant 16 : i32
    %add3A_1268 = vector.broadcast %add3A_1267 : i32 to vector<16xi32>
    %add3A_1269 = arith.addi %select_n3A_1263, %add3A_1268 : vector<16xi32>
    %select_n3A_1270 = arith.select %lt3A_1266, %add3A_1269, %select_n3A_1263 : vector<16xi1>, vector<16xi32>
    %broadcast_in_dim3A_1271 = vector.shape_cast %select_n3A_1270 : vector<16xi32> to vector<16x1xi32>
    %gather3A_1272 = vector.shape_cast %broadcast_in_dim3A_1271 : vector<16x1xi32> to vector<16xi32>
    %gather3A_1273 = tpu.dynamic_gather %select_n3A_1237[%gather3A_1272] in [0] : vector<16xf32>, vector<16xi32> -> vector<16xf32>
    %lt3A_1274 = arith.constant 0 : i32
    %lt3A_1275 = vector.broadcast %lt3A_1274 : i32 to vector<16xi32>
    %lt3A_1276 = arith.cmpi slt, %select_n3A_1263, %lt3A_1275 : vector<16xi32>
    %add3A_1277 = arith.constant 16 : i32
    %add3A_1278 = vector.broadcast %add3A_1277 : i32 to vector<16xi32>
    %add3A_1279 = arith.addi %select_n3A_1263, %add3A_1278 : vector<16xi32>
    %select_n3A_1280 = arith.select %lt3A_1276, %add3A_1279, %select_n3A_1263 : vector<16xi1>, vector<16xi32>
    %broadcast_in_dim3A_1281 = vector.shape_cast %select_n3A_1280 : vector<16xi32> to vector<16x1xi32>
    %gather3A_1282 = vector.shape_cast %broadcast_in_dim3A_1281 : vector<16x1xi32> to vector<16xi32>
    %gather3A_1283 = tpu.dynamic_gather %select_n3A_1238[%gather3A_1282] in [0] : vector<16xi32>, vector<16xi32> -> vector<16xi32>
    %lt3A_1284 = arith.cmpf olt, %gather3A_1273, %select_n3A_1237 : vector<16xf32>
    %eq3A_1285 = arith.cmpf oeq, %gather3A_1273, %select_n3A_1237 : vector<16xf32>
    %lt3A_1286 = arith.cmpi slt, %gather3A_1283, %select_n3A_1238 : vector<16xi32>
    %and3A_1287 = arith.andi %eq3A_1285, %lt3A_1286 : vector<16xi1>
    %or3A_1288 = arith.ori %lt3A_1284, %and3A_1287 : vector<16xi1>
    %select_n3A_1289 = arith.select %or3A_1288, %gather3A_1273, %select_n3A_1237 : vector<16xi1>, vector<16xf32>
    %select_n3A_1290 = arith.select %or3A_1288, %gather3A_1283, %select_n3A_1238 : vector<16xi1>, vector<16xi32>
    %add3A_1291 = arith.constant 8 : i32
    %add3A_1292 = vector.broadcast %add3A_1291 : i32 to vector<16xi32>
    %add3A_1293 = arith.addi %iota3A, %add3A_1292 : vector<16xi32>
    %jit3A_1294 = arith.constant 16 : i32
    %eq3A_1295 = arith.constant 0 : i32
    %eq3A_1296 = arith.cmpi eq, %jit3A_1294, %eq3A_1295 : i32
    %jit3A_1297 = arith.constant 1 : i32
    %select_n3A_1298 = arith.select %eq3A_1296, %jit3A_1297, %jit3A_1294 : i32
    %rem3A_1299 = vector.broadcast %select_n3A_1298 : i32 to vector<16xi32>
    %rem3A_1300 = arith.remsi %add3A_1293, %rem3A_1299 : vector<16xi32>
    %ne3A_1301 = arith.constant 0 : i32
    %ne3A_1302 = vector.broadcast %ne3A_1301 : i32 to vector<16xi32>
    %ne3A_1303 = arith.cmpi ne, %rem3A_1300, %ne3A_1302 : vector<16xi32>
    %lt3A_1304 = arith.constant 0 : i32
    %lt3A_1305 = vector.broadcast %lt3A_1304 : i32 to vector<16xi32>
    %lt3A_1306 = arith.cmpi slt, %rem3A_1300, %lt3A_1305 : vector<16xi32>
    %lt3A_1307 = arith.constant 0 : i32
    %lt3A_1308 = arith.cmpi slt, %select_n3A_1298, %lt3A_1307 : i32
    %ne3A_1309 = vector.broadcast %lt3A_1308 : i1 to vector<16xi1>
    %ne3A_1310 = vector.broadcast %ne3A_1309 : vector<16xi1> to vector<16xi1>
    %ne3A_1311 = arith.xori %lt3A_1306, %ne3A_1310 : vector<16xi1>
    %and3A_1312 = arith.andi %ne3A_1311, %ne3A_1303 : vector<16xi1>
    %add3A_1313 = vector.broadcast %select_n3A_1298 : i32 to vector<16xi32>
    %add3A_1314 = arith.addi %rem3A_1300, %add3A_1313 : vector<16xi32>
    %select_n3A_1315 = arith.select %and3A_1312, %add3A_1314, %rem3A_1300 : vector<16xi1>, vector<16xi32>
    %lt3A_1316 = arith.constant 0 : i32
    %lt3A_1317 = vector.broadcast %lt3A_1316 : i32 to vector<16xi32>
    %lt3A_1318 = arith.cmpi slt, %select_n3A_1315, %lt3A_1317 : vector<16xi32>
    %add3A_1319 = arith.constant 16 : i32
    %add3A_1320 = vector.broadcast %add3A_1319 : i32 to vector<16xi32>
    %add3A_1321 = arith.addi %select_n3A_1315, %add3A_1320 : vector<16xi32>
    %select_n3A_1322 = arith.select %lt3A_1318, %add3A_1321, %select_n3A_1315 : vector<16xi1>, vector<16xi32>
    %broadcast_in_dim3A_1323 = vector.shape_cast %select_n3A_1322 : vector<16xi32> to vector<16x1xi32>
    %gather3A_1324 = vector.shape_cast %broadcast_in_dim3A_1323 : vector<16x1xi32> to vector<16xi32>
    %gather3A_1325 = tpu.dynamic_gather %select_n3A_1289[%gather3A_1324] in [0] : vector<16xf32>, vector<16xi32> -> vector<16xf32>
    %lt3A_1326 = arith.constant 0 : i32
    %lt3A_1327 = vector.broadcast %lt3A_1326 : i32 to vector<16xi32>
    %lt3A_1328 = arith.cmpi slt, %select_n3A_1315, %lt3A_1327 : vector<16xi32>
    %add3A_1329 = arith.constant 16 : i32
    %add3A_1330 = vector.broadcast %add3A_1329 : i32 to vector<16xi32>
    %add3A_1331 = arith.addi %select_n3A_1315, %add3A_1330 : vector<16xi32>
    %select_n3A_1332 = arith.select %lt3A_1328, %add3A_1331, %select_n3A_1315 : vector<16xi1>, vector<16xi32>
    %broadcast_in_dim3A_1333 = vector.shape_cast %select_n3A_1332 : vector<16xi32> to vector<16x1xi32>
    %gather3A_1334 = vector.shape_cast %broadcast_in_dim3A_1333 : vector<16x1xi32> to vector<16xi32>
    %gather3A_1335 = tpu.dynamic_gather %select_n3A_1290[%gather3A_1334] in [0] : vector<16xi32>, vector<16xi32> -> vector<16xi32>
    %lt3A_1336 = arith.cmpf olt, %gather3A_1325, %select_n3A_1289 : vector<16xf32>
    %eq3A_1337 = arith.cmpf oeq, %gather3A_1325, %select_n3A_1289 : vector<16xf32>
    %lt3A_1338 = arith.cmpi slt, %gather3A_1335, %select_n3A_1290 : vector<16xi32>
    %and3A_1339 = arith.andi %eq3A_1337, %lt3A_1338 : vector<16xi1>
    %or3A_1340 = arith.ori %lt3A_1336, %and3A_1339 : vector<16xi1>
    %select_n3A_1341 = arith.select %or3A_1340, %gather3A_1325, %select_n3A_1289 : vector<16xi1>, vector<16xf32>
    %select_n3A_1342 = arith.select %or3A_1340, %gather3A_1335, %select_n3A_1290 : vector<16xi1>, vector<16xi32>
    %eq3A_1343 = arith.constant 2 : i32
    %eq3A_1344 = vector.broadcast %eq3A_1343 : i32 to vector<16xi32>
    %eq3A_1345 = arith.cmpi eq, %iota3A, %eq3A_1344 : vector<16xi32>
    %select_n3A_1346 = arith.select %eq3A_1345, %select_n3A_1342, %select_n3A_897 : vector<16xi1>, vector<16xi32>
    %broadcast_in_dim3A_1347 = arith.constant 0x7F800000 : f32
    %broadcast_in_dim3A_1348 = vector.broadcast %broadcast_in_dim3A_1347 : f32 to vector<16xf32>
    %broadcast_in_dim3A_1349 = arith.constant 0 : i32
    %broadcast_in_dim3A_1350 = vector.broadcast %broadcast_in_dim3A_1349 : i32 to vector<16xi32>
    %broadcast_in_dim3A_1351 = arith.constant 0x7F800000 : f32
    %broadcast_in_dim3A_1352 = vector.broadcast %broadcast_in_dim3A_1351 : f32 to vector<16xf32>
    %broadcast_in_dim3A_1353 = arith.constant 0 : i32
    %broadcast_in_dim3A_1354 = vector.broadcast %broadcast_in_dim3A_1353 : i32 to vector<16xi32>
    %broadcast_in_dim3A_1355 = arith.constant 0x7F800000 : f32
    %broadcast_in_dim3A_1356 = vector.broadcast %broadcast_in_dim3A_1355 : f32 to vector<16xf32>
    %broadcast_in_dim3A_1357 = arith.constant 0 : i32
    %broadcast_in_dim3A_1358 = vector.broadcast %broadcast_in_dim3A_1357 : i32 to vector<16xi32>
    %broadcast_in_dim3A_1359 = arith.constant 0x7F800000 : f32
    %broadcast_in_dim3A_1360 = vector.broadcast %broadcast_in_dim3A_1359 : f32 to vector<16xf32>
    %broadcast_in_dim3A_1361 = arith.constant 0 : i32
    %broadcast_in_dim3A_1362 = vector.broadcast %broadcast_in_dim3A_1361 : i32 to vector<16xi32>
    %broadcast_in_dim3A_1363 = arith.constant 0x7F800000 : f32
    %broadcast_in_dim3A_1364 = vector.broadcast %broadcast_in_dim3A_1363 : f32 to vector<16xf32>
    %broadcast_in_dim3A_1365 = arith.constant 0 : i32
    %broadcast_in_dim3A_1366 = vector.broadcast %broadcast_in_dim3A_1365 : i32 to vector<16xi32>
    %broadcast_in_dim3A_1367 = arith.constant 0x7F800000 : f32
    %broadcast_in_dim3A_1368 = vector.broadcast %broadcast_in_dim3A_1367 : f32 to vector<16xf32>
    %broadcast_in_dim3A_1369 = arith.constant 0 : i32
    %broadcast_in_dim3A_1370 = vector.broadcast %broadcast_in_dim3A_1369 : i32 to vector<16xi32>
    %broadcast_in_dim3A_1371 = arith.constant 0x7F800000 : f32
    %broadcast_in_dim3A_1372 = vector.broadcast %broadcast_in_dim3A_1371 : f32 to vector<16xf32>
    %broadcast_in_dim3A_1373 = arith.constant 0 : i32
    %broadcast_in_dim3A_1374 = vector.broadcast %broadcast_in_dim3A_1373 : i32 to vector<16xi32>
    %broadcast_in_dim3A_1375 = arith.constant 0x7F800000 : f32
    %broadcast_in_dim3A_1376 = vector.broadcast %broadcast_in_dim3A_1375 : f32 to vector<16xf32>
    %broadcast_in_dim3A_1377 = arith.constant 0 : i32
    %broadcast_in_dim3A_1378 = vector.broadcast %broadcast_in_dim3A_1377 : i32 to vector<16xi32>
    %dma_wait3A_1379 = tpu.memref_slice %arg2[%multiple_of3A_995] : memref<4194304xf32, #tpu.memory_space<hbm>> -> memref<8192xf32, #tpu.memory_space<hbm>>
    %dma_wait3A_1380 = tpu.memref_slice %arg2[%multiple_of3A_995] : memref<4194304xf32, #tpu.memory_space<hbm>> -> memref<8192xf32, #tpu.memory_space<hbm>>
    tpu.wait_dma2 semaphore(%arg7 : memref<!tpu.dma_semaphore, #tpu.memory_space<semaphore_mem>>) src(%dma_wait3A_1380 : memref<8192xf32, #tpu.memory_space<hbm>>) dst(%arg4 : memref<8192xf32, #tpu.memory_space<vmem>>)
    %add3A_1381 = arith.constant 3 : i32
    %add3A_1382 = arith.addi %mul3A_2, %add3A_1381 : i32
    %mul3A_1383 = arith.constant 32768 : i32
    %mul3A_1384 = arith.muli %add3A_1382, %mul3A_1383 : i32
    %add3A_1385 = arith.constant 8192 : i32
    %add3A_1386 = arith.addi %mul3A_1384, %add3A_1385 : i32
    %multiple_of3A_1387 = tpu.assume_multiple %add3A_1386, 8192 : i32
    %dma_start3A_1388 = tpu.memref_slice %arg2[%multiple_of3A_1387] : memref<4194304xf32, #tpu.memory_space<hbm>> -> memref<8192xf32, #tpu.memory_space<hbm>>
    %dma_start3A_1389 = tpu.memref_slice %arg2[%multiple_of3A_1387] : memref<4194304xf32, #tpu.memory_space<hbm>> -> memref<8192xf32, #tpu.memory_space<hbm>>
    tpu.enqueue_dma source(%dma_start3A_1389 : memref<8192xf32, #tpu.memory_space<hbm>>) target(%arg5 : memref<8192xf32, #tpu.memory_space<vmem>>) target_semaphore(%arg8 : memref<!tpu.dma_semaphore, #tpu.memory_space<semaphore_mem>>)
    %broadcast_in_dim3A_1390 = arith.constant 0 : i32
    %broadcast_in_dim3A_1391 = vector.broadcast %broadcast_in_dim3A_1390 : i32 to vector<16xi32>
    %scan3A_1392 = arith.constant 0 : i32
    %scan3A_1393 = arith.constant 64 : i32
    %scan3A_1394 = arith.addi %scan3A_1392, %scan3A_1393 : i32
    %scan3A_1395 = arith.constant 1 : i32
    %scan3A_1396:17 = scf.for %scan3A_1790 = %scan3A_1392 to %scan3A_1394 step %scan3A_1395 iter_args(%scan3A_1791 = %broadcast_in_dim3A_1391, %scan3A_1792 = %broadcast_in_dim3A_1348, %scan3A_1793 = %broadcast_in_dim3A_1350, %scan3A_1794 = %broadcast_in_dim3A_1352, %scan3A_1795 = %broadcast_in_dim3A_1354, %scan3A_1796 = %broadcast_in_dim3A_1356, %scan3A_1797 = %broadcast_in_dim3A_1358, %scan3A_1798 = %broadcast_in_dim3A_1360, %scan3A_1799 = %broadcast_in_dim3A_1362, %scan3A_1800 = %broadcast_in_dim3A_1364, %scan3A_1801 = %broadcast_in_dim3A_1366, %scan3A_1802 = %broadcast_in_dim3A_1368, %scan3A_1803 = %broadcast_in_dim3A_1370, %scan3A_1804 = %broadcast_in_dim3A_1372, %scan3A_1805 = %broadcast_in_dim3A_1374, %scan3A_1806 = %broadcast_in_dim3A_1376, %scan3A_1807 = %broadcast_in_dim3A_1378) -> (vector<16xi32>, vector<16xf32>, vector<16xi32>, vector<16xf32>, vector<16xi32>, vector<16xf32>, vector<16xi32>, vector<16xf32>, vector<16xi32>, vector<16xf32>, vector<16xi32>, vector<16xf32>, vector<16xi32>, vector<16xf32>, vector<16xi32>, vector<16xf32>, vector<16xi32>)  : i32 {
      %mul3A_1808 = arith.constant 128 : i32
      %mul3A_1809 = arith.muli %scan3A_1790, %mul3A_1808 : i32
      %add3A_1810 = arith.constant 0 : i32
      %add3A_1811 = arith.addi %mul3A_1809, %add3A_1810 : i32
      %get3A = arith.index_cast %add3A_1811 : i32 to index
      %get3A_1812 = tpu.vector_load %arg4[%get3A] {strides = array<i32>} : memref<8192xf32, #tpu.memory_space<vmem>>, vector<16xf32>,
      %get3A_1813 = vector.shape_cast %get3A_1812 : vector<16xf32> to vector<16xf32>
      %lt3A_1814 = arith.cmpf olt, %get3A_1813, %scan3A_1792 : vector<16xf32>
      %select_n3A_1815 = arith.select %lt3A_1814, %get3A_1813, %scan3A_1792 : vector<16xi1>, vector<16xf32>
      %select_n3A_1816 = arith.select %lt3A_1814, %scan3A_1791, %scan3A_1793 : vector<16xi1>, vector<16xi32>
      %mul3A_1817 = arith.constant 128 : i32
      %mul3A_1818 = arith.muli %scan3A_1790, %mul3A_1817 : i32
      %add3A_1819 = arith.constant 16 : i32
      %add3A_1820 = arith.addi %mul3A_1818, %add3A_1819 : i32
      %get3A_1821 = arith.index_cast %add3A_1820 : i32 to index
      %get3A_1822 = tpu.vector_load %arg4[%get3A_1821] {strides = array<i32>} : memref<8192xf32, #tpu.memory_space<vmem>>, vector<16xf32>,
      %get3A_1823 = vector.shape_cast %get3A_1822 : vector<16xf32> to vector<16xf32>
      %lt3A_1824 = arith.cmpf olt, %get3A_1823, %scan3A_1794 : vector<16xf32>
      %select_n3A_1825 = arith.select %lt3A_1824, %get3A_1823, %scan3A_1794 : vector<16xi1>, vector<16xf32>
      %select_n3A_1826 = arith.select %lt3A_1824, %scan3A_1791, %scan3A_1795 : vector<16xi1>, vector<16xi32>
      %mul3A_1827 = arith.constant 128 : i32
      %mul3A_1828 = arith.muli %scan3A_1790, %mul3A_1827 : i32
      %add3A_1829 = arith.constant 32 : i32
      %add3A_1830 = arith.addi %mul3A_1828, %add3A_1829 : i32
      %get3A_1831 = arith.index_cast %add3A_1830 : i32 to index
      %get3A_1832 = tpu.vector_load %arg4[%get3A_1831] {strides = array<i32>} : memref<8192xf32, #tpu.memory_space<vmem>>, vector<16xf32>,
      %get3A_1833 = vector.shape_cast %get3A_1832 : vector<16xf32> to vector<16xf32>
      %lt3A_1834 = arith.cmpf olt, %get3A_1833, %scan3A_1796 : vector<16xf32>
      %select_n3A_1835 = arith.select %lt3A_1834, %get3A_1833, %scan3A_1796 : vector<16xi1>, vector<16xf32>
      %select_n3A_1836 = arith.select %lt3A_1834, %scan3A_1791, %scan3A_1797 : vector<16xi1>, vector<16xi32>
      %mul3A_1837 = arith.constant 128 : i32
      %mul3A_1838 = arith.muli %scan3A_1790, %mul3A_1837 : i32
      %add3A_1839 = arith.constant 48 : i32
      %add3A_1840 = arith.addi %mul3A_1838, %add3A_1839 : i32
      %get3A_1841 = arith.index_cast %add3A_1840 : i32 to index
      %get3A_1842 = tpu.vector_load %arg4[%get3A_1841] {strides = array<i32>} : memref<8192xf32, #tpu.memory_space<vmem>>, vector<16xf32>,
      %get3A_1843 = vector.shape_cast %get3A_1842 : vector<16xf32> to vector<16xf32>
      %lt3A_1844 = arith.cmpf olt, %get3A_1843, %scan3A_1798 : vector<16xf32>
      %select_n3A_1845 = arith.select %lt3A_1844, %get3A_1843, %scan3A_1798 : vector<16xi1>, vector<16xf32>
      %select_n3A_1846 = arith.select %lt3A_1844, %scan3A_1791, %scan3A_1799 : vector<16xi1>, vector<16xi32>
      %mul3A_1847 = arith.constant 128 : i32
      %mul3A_1848 = arith.muli %scan3A_1790, %mul3A_1847 : i32
      %add3A_1849 = arith.constant 64 : i32
      %add3A_1850 = arith.addi %mul3A_1848, %add3A_1849 : i32
      %get3A_1851 = arith.index_cast %add3A_1850 : i32 to index
      %get3A_1852 = tpu.vector_load %arg4[%get3A_1851] {strides = array<i32>} : memref<8192xf32, #tpu.memory_space<vmem>>, vector<16xf32>,
      %get3A_1853 = vector.shape_cast %get3A_1852 : vector<16xf32> to vector<16xf32>
      %lt3A_1854 = arith.cmpf olt, %get3A_1853, %scan3A_1800 : vector<16xf32>
      %select_n3A_1855 = arith.select %lt3A_1854, %get3A_1853, %scan3A_1800 : vector<16xi1>, vector<16xf32>
      %select_n3A_1856 = arith.select %lt3A_1854, %scan3A_1791, %scan3A_1801 : vector<16xi1>, vector<16xi32>
      %mul3A_1857 = arith.constant 128 : i32
      %mul3A_1858 = arith.muli %scan3A_1790, %mul3A_1857 : i32
      %add3A_1859 = arith.constant 80 : i32
      %add3A_1860 = arith.addi %mul3A_1858, %add3A_1859 : i32
      %get3A_1861 = arith.index_cast %add3A_1860 : i32 to index
      %get3A_1862 = tpu.vector_load %arg4[%get3A_1861] {strides = array<i32>} : memref<8192xf32, #tpu.memory_space<vmem>>, vector<16xf32>,
      %get3A_1863 = vector.shape_cast %get3A_1862 : vector<16xf32> to vector<16xf32>
      %lt3A_1864 = arith.cmpf olt, %get3A_1863, %scan3A_1802 : vector<16xf32>
      %select_n3A_1865 = arith.select %lt3A_1864, %get3A_1863, %scan3A_1802 : vector<16xi1>, vector<16xf32>
      %select_n3A_1866 = arith.select %lt3A_1864, %scan3A_1791, %scan3A_1803 : vector<16xi1>, vector<16xi32>
      %mul3A_1867 = arith.constant 128 : i32
      %mul3A_1868 = arith.muli %scan3A_1790, %mul3A_1867 : i32
      %add3A_1869 = arith.constant 96 : i32
      %add3A_1870 = arith.addi %mul3A_1868, %add3A_1869 : i32
      %get3A_1871 = arith.index_cast %add3A_1870 : i32 to index
      %get3A_1872 = tpu.vector_load %arg4[%get3A_1871] {strides = array<i32>} : memref<8192xf32, #tpu.memory_space<vmem>>, vector<16xf32>,
      %get3A_1873 = vector.shape_cast %get3A_1872 : vector<16xf32> to vector<16xf32>
      %lt3A_1874 = arith.cmpf olt, %get3A_1873, %scan3A_1804 : vector<16xf32>
      %select_n3A_1875 = arith.select %lt3A_1874, %get3A_1873, %scan3A_1804 : vector<16xi1>, vector<16xf32>
      %select_n3A_1876 = arith.select %lt3A_1874, %scan3A_1791, %scan3A_1805 : vector<16xi1>, vector<16xi32>
      %mul3A_1877 = arith.constant 128 : i32
      %mul3A_1878 = arith.muli %scan3A_1790, %mul3A_1877 : i32
      %add3A_1879 = arith.constant 112 : i32
      %add3A_1880 = arith.addi %mul3A_1878, %add3A_1879 : i32
      %get3A_1881 = arith.index_cast %add3A_1880 : i32 to index
      %get3A_1882 = tpu.vector_load %arg4[%get3A_1881] {strides = array<i32>} : memref<8192xf32, #tpu.memory_space<vmem>>, vector<16xf32>,
      %get3A_1883 = vector.shape_cast %get3A_1882 : vector<16xf32> to vector<16xf32>
      %lt3A_1884 = arith.cmpf olt, %get3A_1883, %scan3A_1806 : vector<16xf32>
      %select_n3A_1885 = arith.select %lt3A_1884, %get3A_1883, %scan3A_1806 : vector<16xi1>, vector<16xf32>
      %select_n3A_1886 = arith.select %lt3A_1884, %scan3A_1791, %scan3A_1807 : vector<16xi1>, vector<16xi32>
      %add3A_1887 = arith.constant 1 : i32
      %add3A_1888 = vector.broadcast %add3A_1887 : i32 to vector<16xi32>
      %add3A_1889 = arith.addi %scan3A_1791, %add3A_1888 : vector<16xi32>
      scf.yield %add3A_1889, %select_n3A_1815, %select_n3A_1816, %select_n3A_1825, %select_n3A_1826, %select_n3A_1835, %select_n3A_1836, %select_n3A_1845, %select_n3A_1846, %select_n3A_1855, %select_n3A_1856, %select_n3A_1865, %select_n3A_1866, %select_n3A_1875, %select_n3A_1876, %select_n3A_1885, %select_n3A_1886 : vector<16xi32>, vector<16xf32>, vector<16xi32>, vector<16xf32>, vector<16xi32>, vector<16xf32>, vector<16xi32>, vector<16xf32>, vector<16xi32>, vector<16xf32>, vector<16xi32>, vector<16xf32>, vector<16xi32>, vector<16xf32>, vector<16xi32>, vector<16xf32>, vector<16xi32>
    }
    %scan3A_1397 = arith.constant 64 : i32
    %dma_wait3A_1398 = tpu.memref_slice %arg2[%multiple_of3A_1387] : memref<4194304xf32, #tpu.memory_space<hbm>> -> memref<8192xf32, #tpu.memory_space<hbm>>
    %dma_wait3A_1399 = tpu.memref_slice %arg2[%multiple_of3A_1387] : memref<4194304xf32, #tpu.memory_space<hbm>> -> memref<8192xf32, #tpu.memory_space<hbm>>
    tpu.wait_dma2 semaphore(%arg8 : memref<!tpu.dma_semaphore, #tpu.memory_space<semaphore_mem>>) src(%dma_wait3A_1399 : memref<8192xf32, #tpu.memory_space<hbm>>) dst(%arg5 : memref<8192xf32, #tpu.memory_space<vmem>>)
    %add3A_1400 = arith.constant 3 : i32
    %add3A_1401 = arith.addi %mul3A_2, %add3A_1400 : i32
    %mul3A_1402 = arith.constant 32768 : i32
    %mul3A_1403 = arith.muli %add3A_1401, %mul3A_1402 : i32
    %add3A_1404 = arith.constant 16384 : i32
    %add3A_1405 = arith.addi %mul3A_1403, %add3A_1404 : i32
    %multiple_of3A_1406 = tpu.assume_multiple %add3A_1405, 8192 : i32
    %dma_start3A_1407 = tpu.memref_slice %arg2[%multiple_of3A_1406] : memref<4194304xf32, #tpu.memory_space<hbm>> -> memref<8192xf32, #tpu.memory_space<hbm>>
    %dma_start3A_1408 = tpu.memref_slice %arg2[%multiple_of3A_1406] : memref<4194304xf32, #tpu.memory_space<hbm>> -> memref<8192xf32, #tpu.memory_space<hbm>>
    tpu.enqueue_dma source(%dma_start3A_1408 : memref<8192xf32, #tpu.memory_space<hbm>>) target(%arg4 : memref<8192xf32, #tpu.memory_space<vmem>>) target_semaphore(%arg7 : memref<!tpu.dma_semaphore, #tpu.memory_space<semaphore_mem>>)
    %broadcast_in_dim3A_1409 = arith.constant 64 : i32
    %broadcast_in_dim3A_1410 = vector.broadcast %broadcast_in_dim3A_1409 : i32 to vector<16xi32>
    %scan3A_1411 = arith.constant 0 : i32
    %scan3A_1412 = arith.constant 64 : i32
    %scan3A_1413 = arith.addi %scan3A_1411, %scan3A_1412 : i32
    %scan3A_1414 = arith.constant 1 : i32
    %scan3A_1415:17 = scf.for %scan3A_1790 = %scan3A_1411 to %scan3A_1413 step %scan3A_1414 iter_args(%scan3A_1791 = %broadcast_in_dim3A_1410, %scan3A_1792 = %scan3A_1396#1, %scan3A_1793 = %scan3A_1396#2, %scan3A_1794 = %scan3A_1396#3, %scan3A_1795 = %scan3A_1396#4, %scan3A_1796 = %scan3A_1396#5, %scan3A_1797 = %scan3A_1396#6, %scan3A_1798 = %scan3A_1396#7, %scan3A_1799 = %scan3A_1396#8, %scan3A_1800 = %scan3A_1396#9, %scan3A_1801 = %scan3A_1396#10, %scan3A_1802 = %scan3A_1396#11, %scan3A_1803 = %scan3A_1396#12, %scan3A_1804 = %scan3A_1396#13, %scan3A_1805 = %scan3A_1396#14, %scan3A_1806 = %scan3A_1396#15, %scan3A_1807 = %scan3A_1396#16) -> (vector<16xi32>, vector<16xf32>, vector<16xi32>, vector<16xf32>, vector<16xi32>, vector<16xf32>, vector<16xi32>, vector<16xf32>, vector<16xi32>, vector<16xf32>, vector<16xi32>, vector<16xf32>, vector<16xi32>, vector<16xf32>, vector<16xi32>, vector<16xf32>, vector<16xi32>)  : i32 {
      %mul3A_1808 = arith.constant 128 : i32
      %mul3A_1809 = arith.muli %scan3A_1790, %mul3A_1808 : i32
      %add3A_1810 = arith.constant 0 : i32
      %add3A_1811 = arith.addi %mul3A_1809, %add3A_1810 : i32
      %get3A = arith.index_cast %add3A_1811 : i32 to index
      %get3A_1812 = tpu.vector_load %arg5[%get3A] {strides = array<i32>} : memref<8192xf32, #tpu.memory_space<vmem>>, vector<16xf32>,
      %get3A_1813 = vector.shape_cast %get3A_1812 : vector<16xf32> to vector<16xf32>
      %lt3A_1814 = arith.cmpf olt, %get3A_1813, %scan3A_1792 : vector<16xf32>
      %select_n3A_1815 = arith.select %lt3A_1814, %get3A_1813, %scan3A_1792 : vector<16xi1>, vector<16xf32>
      %select_n3A_1816 = arith.select %lt3A_1814, %scan3A_1791, %scan3A_1793 : vector<16xi1>, vector<16xi32>
      %mul3A_1817 = arith.constant 128 : i32
      %mul3A_1818 = arith.muli %scan3A_1790, %mul3A_1817 : i32
      %add3A_1819 = arith.constant 16 : i32
      %add3A_1820 = arith.addi %mul3A_1818, %add3A_1819 : i32
      %get3A_1821 = arith.index_cast %add3A_1820 : i32 to index
      %get3A_1822 = tpu.vector_load %arg5[%get3A_1821] {strides = array<i32>} : memref<8192xf32, #tpu.memory_space<vmem>>, vector<16xf32>,
      %get3A_1823 = vector.shape_cast %get3A_1822 : vector<16xf32> to vector<16xf32>
      %lt3A_1824 = arith.cmpf olt, %get3A_1823, %scan3A_1794 : vector<16xf32>
      %select_n3A_1825 = arith.select %lt3A_1824, %get3A_1823, %scan3A_1794 : vector<16xi1>, vector<16xf32>
      %select_n3A_1826 = arith.select %lt3A_1824, %scan3A_1791, %scan3A_1795 : vector<16xi1>, vector<16xi32>
      %mul3A_1827 = arith.constant 128 : i32
      %mul3A_1828 = arith.muli %scan3A_1790, %mul3A_1827 : i32
      %add3A_1829 = arith.constant 32 : i32
      %add3A_1830 = arith.addi %mul3A_1828, %add3A_1829 : i32
      %get3A_1831 = arith.index_cast %add3A_1830 : i32 to index
      %get3A_1832 = tpu.vector_load %arg5[%get3A_1831] {strides = array<i32>} : memref<8192xf32, #tpu.memory_space<vmem>>, vector<16xf32>,
      %get3A_1833 = vector.shape_cast %get3A_1832 : vector<16xf32> to vector<16xf32>
      %lt3A_1834 = arith.cmpf olt, %get3A_1833, %scan3A_1796 : vector<16xf32>
      %select_n3A_1835 = arith.select %lt3A_1834, %get3A_1833, %scan3A_1796 : vector<16xi1>, vector<16xf32>
      %select_n3A_1836 = arith.select %lt3A_1834, %scan3A_1791, %scan3A_1797 : vector<16xi1>, vector<16xi32>
      %mul3A_1837 = arith.constant 128 : i32
      %mul3A_1838 = arith.muli %scan3A_1790, %mul3A_1837 : i32
      %add3A_1839 = arith.constant 48 : i32
      %add3A_1840 = arith.addi %mul3A_1838, %add3A_1839 : i32
      %get3A_1841 = arith.index_cast %add3A_1840 : i32 to index
      %get3A_1842 = tpu.vector_load %arg5[%get3A_1841] {strides = array<i32>} : memref<8192xf32, #tpu.memory_space<vmem>>, vector<16xf32>,
      %get3A_1843 = vector.shape_cast %get3A_1842 : vector<16xf32> to vector<16xf32>
      %lt3A_1844 = arith.cmpf olt, %get3A_1843, %scan3A_1798 : vector<16xf32>
      %select_n3A_1845 = arith.select %lt3A_1844, %get3A_1843, %scan3A_1798 : vector<16xi1>, vector<16xf32>
      %select_n3A_1846 = arith.select %lt3A_1844, %scan3A_1791, %scan3A_1799 : vector<16xi1>, vector<16xi32>
      %mul3A_1847 = arith.constant 128 : i32
      %mul3A_1848 = arith.muli %scan3A_1790, %mul3A_1847 : i32
      %add3A_1849 = arith.constant 64 : i32
      %add3A_1850 = arith.addi %mul3A_1848, %add3A_1849 : i32
      %get3A_1851 = arith.index_cast %add3A_1850 : i32 to index
      %get3A_1852 = tpu.vector_load %arg5[%get3A_1851] {strides = array<i32>} : memref<8192xf32, #tpu.memory_space<vmem>>, vector<16xf32>,
      %get3A_1853 = vector.shape_cast %get3A_1852 : vector<16xf32> to vector<16xf32>
      %lt3A_1854 = arith.cmpf olt, %get3A_1853, %scan3A_1800 : vector<16xf32>
      %select_n3A_1855 = arith.select %lt3A_1854, %get3A_1853, %scan3A_1800 : vector<16xi1>, vector<16xf32>
      %select_n3A_1856 = arith.select %lt3A_1854, %scan3A_1791, %scan3A_1801 : vector<16xi1>, vector<16xi32>
      %mul3A_1857 = arith.constant 128 : i32
      %mul3A_1858 = arith.muli %scan3A_1790, %mul3A_1857 : i32
      %add3A_1859 = arith.constant 80 : i32
      %add3A_1860 = arith.addi %mul3A_1858, %add3A_1859 : i32
      %get3A_1861 = arith.index_cast %add3A_1860 : i32 to index
      %get3A_1862 = tpu.vector_load %arg5[%get3A_1861] {strides = array<i32>} : memref<8192xf32, #tpu.memory_space<vmem>>, vector<16xf32>,
      %get3A_1863 = vector.shape_cast %get3A_1862 : vector<16xf32> to vector<16xf32>
      %lt3A_1864 = arith.cmpf olt, %get3A_1863, %scan3A_1802 : vector<16xf32>
      %select_n3A_1865 = arith.select %lt3A_1864, %get3A_1863, %scan3A_1802 : vector<16xi1>, vector<16xf32>
      %select_n3A_1866 = arith.select %lt3A_1864, %scan3A_1791, %scan3A_1803 : vector<16xi1>, vector<16xi32>
      %mul3A_1867 = arith.constant 128 : i32
      %mul3A_1868 = arith.muli %scan3A_1790, %mul3A_1867 : i32
      %add3A_1869 = arith.constant 96 : i32
      %add3A_1870 = arith.addi %mul3A_1868, %add3A_1869 : i32
      %get3A_1871 = arith.index_cast %add3A_1870 : i32 to index
      %get3A_1872 = tpu.vector_load %arg5[%get3A_1871] {strides = array<i32>} : memref<8192xf32, #tpu.memory_space<vmem>>, vector<16xf32>,
      %get3A_1873 = vector.shape_cast %get3A_1872 : vector<16xf32> to vector<16xf32>
      %lt3A_1874 = arith.cmpf olt, %get3A_1873, %scan3A_1804 : vector<16xf32>
      %select_n3A_1875 = arith.select %lt3A_1874, %get3A_1873, %scan3A_1804 : vector<16xi1>, vector<16xf32>
      %select_n3A_1876 = arith.select %lt3A_1874, %scan3A_1791, %scan3A_1805 : vector<16xi1>, vector<16xi32>
      %mul3A_1877 = arith.constant 128 : i32
      %mul3A_1878 = arith.muli %scan3A_1790, %mul3A_1877 : i32
      %add3A_1879 = arith.constant 112 : i32
      %add3A_1880 = arith.addi %mul3A_1878, %add3A_1879 : i32
      %get3A_1881 = arith.index_cast %add3A_1880 : i32 to index
      %get3A_1882 = tpu.vector_load %arg5[%get3A_1881] {strides = array<i32>} : memref<8192xf32, #tpu.memory_space<vmem>>, vector<16xf32>,
      %get3A_1883 = vector.shape_cast %get3A_1882 : vector<16xf32> to vector<16xf32>
      %lt3A_1884 = arith.cmpf olt, %get3A_1883, %scan3A_1806 : vector<16xf32>
      %select_n3A_1885 = arith.select %lt3A_1884, %get3A_1883, %scan3A_1806 : vector<16xi1>, vector<16xf32>
      %select_n3A_1886 = arith.select %lt3A_1884, %scan3A_1791, %scan3A_1807 : vector<16xi1>, vector<16xi32>
      %add3A_1887 = arith.constant 1 : i32
      %add3A_1888 = vector.broadcast %add3A_1887 : i32 to vector<16xi32>
      %add3A_1889 = arith.addi %scan3A_1791, %add3A_1888 : vector<16xi32>
      scf.yield %add3A_1889, %select_n3A_1815, %select_n3A_1816, %select_n3A_1825, %select_n3A_1826, %select_n3A_1835, %select_n3A_1836, %select_n3A_1845, %select_n3A_1846, %select_n3A_1855, %select_n3A_1856, %select_n3A_1865, %select_n3A_1866, %select_n3A_1875, %select_n3A_1876, %select_n3A_1885, %select_n3A_1886 : vector<16xi32>, vector<16xf32>, vector<16xi32>, vector<16xf32>, vector<16xi32>, vector<16xf32>, vector<16xi32>, vector<16xf32>, vector<16xi32>, vector<16xf32>, vector<16xi32>, vector<16xf32>, vector<16xi32>, vector<16xf32>, vector<16xi32>, vector<16xf32>, vector<16xi32>
    }
    %scan3A_1416 = arith.constant 64 : i32
    %dma_wait3A_1417 = tpu.memref_slice %arg2[%multiple_of3A_1406] : memref<4194304xf32, #tpu.memory_space<hbm>> -> memref<8192xf32, #tpu.memory_space<hbm>>
    %dma_wait3A_1418 = tpu.memref_slice %arg2[%multiple_of3A_1406] : memref<4194304xf32, #tpu.memory_space<hbm>> -> memref<8192xf32, #tpu.memory_space<hbm>>
    tpu.wait_dma2 semaphore(%arg7 : memref<!tpu.dma_semaphore, #tpu.memory_space<semaphore_mem>>) src(%dma_wait3A_1418 : memref<8192xf32, #tpu.memory_space<hbm>>) dst(%arg4 : memref<8192xf32, #tpu.memory_space<vmem>>)
    %add3A_1419 = arith.constant 3 : i32
    %add3A_1420 = arith.addi %mul3A_2, %add3A_1419 : i32
    %mul3A_1421 = arith.constant 32768 : i32
    %mul3A_1422 = arith.muli %add3A_1420, %mul3A_1421 : i32
    %add3A_1423 = arith.constant 24576 : i32
    %add3A_1424 = arith.addi %mul3A_1422, %add3A_1423 : i32
    %multiple_of3A_1425 = tpu.assume_multiple %add3A_1424, 8192 : i32
    %dma_start3A_1426 = tpu.memref_slice %arg2[%multiple_of3A_1425] : memref<4194304xf32, #tpu.memory_space<hbm>> -> memref<8192xf32, #tpu.memory_space<hbm>>
    %dma_start3A_1427 = tpu.memref_slice %arg2[%multiple_of3A_1425] : memref<4194304xf32, #tpu.memory_space<hbm>> -> memref<8192xf32, #tpu.memory_space<hbm>>
    tpu.enqueue_dma source(%dma_start3A_1427 : memref<8192xf32, #tpu.memory_space<hbm>>) target(%arg5 : memref<8192xf32, #tpu.memory_space<vmem>>) target_semaphore(%arg8 : memref<!tpu.dma_semaphore, #tpu.memory_space<semaphore_mem>>)
    %broadcast_in_dim3A_1428 = arith.constant 128 : i32
    %broadcast_in_dim3A_1429 = vector.broadcast %broadcast_in_dim3A_1428 : i32 to vector<16xi32>
    %scan3A_1430 = arith.constant 0 : i32
    %scan3A_1431 = arith.constant 64 : i32
    %scan3A_1432 = arith.addi %scan3A_1430, %scan3A_1431 : i32
    %scan3A_1433 = arith.constant 1 : i32
    %scan3A_1434:17 = scf.for %scan3A_1790 = %scan3A_1430 to %scan3A_1432 step %scan3A_1433 iter_args(%scan3A_1791 = %broadcast_in_dim3A_1429, %scan3A_1792 = %scan3A_1415#1, %scan3A_1793 = %scan3A_1415#2, %scan3A_1794 = %scan3A_1415#3, %scan3A_1795 = %scan3A_1415#4, %scan3A_1796 = %scan3A_1415#5, %scan3A_1797 = %scan3A_1415#6, %scan3A_1798 = %scan3A_1415#7, %scan3A_1799 = %scan3A_1415#8, %scan3A_1800 = %scan3A_1415#9, %scan3A_1801 = %scan3A_1415#10, %scan3A_1802 = %scan3A_1415#11, %scan3A_1803 = %scan3A_1415#12, %scan3A_1804 = %scan3A_1415#13, %scan3A_1805 = %scan3A_1415#14, %scan3A_1806 = %scan3A_1415#15, %scan3A_1807 = %scan3A_1415#16) -> (vector<16xi32>, vector<16xf32>, vector<16xi32>, vector<16xf32>, vector<16xi32>, vector<16xf32>, vector<16xi32>, vector<16xf32>, vector<16xi32>, vector<16xf32>, vector<16xi32>, vector<16xf32>, vector<16xi32>, vector<16xf32>, vector<16xi32>, vector<16xf32>, vector<16xi32>)  : i32 {
      %mul3A_1808 = arith.constant 128 : i32
      %mul3A_1809 = arith.muli %scan3A_1790, %mul3A_1808 : i32
      %add3A_1810 = arith.constant 0 : i32
      %add3A_1811 = arith.addi %mul3A_1809, %add3A_1810 : i32
      %get3A = arith.index_cast %add3A_1811 : i32 to index
      %get3A_1812 = tpu.vector_load %arg4[%get3A] {strides = array<i32>} : memref<8192xf32, #tpu.memory_space<vmem>>, vector<16xf32>,
      %get3A_1813 = vector.shape_cast %get3A_1812 : vector<16xf32> to vector<16xf32>
      %lt3A_1814 = arith.cmpf olt, %get3A_1813, %scan3A_1792 : vector<16xf32>
      %select_n3A_1815 = arith.select %lt3A_1814, %get3A_1813, %scan3A_1792 : vector<16xi1>, vector<16xf32>
      %select_n3A_1816 = arith.select %lt3A_1814, %scan3A_1791, %scan3A_1793 : vector<16xi1>, vector<16xi32>
      %mul3A_1817 = arith.constant 128 : i32
      %mul3A_1818 = arith.muli %scan3A_1790, %mul3A_1817 : i32
      %add3A_1819 = arith.constant 16 : i32
      %add3A_1820 = arith.addi %mul3A_1818, %add3A_1819 : i32
      %get3A_1821 = arith.index_cast %add3A_1820 : i32 to index
      %get3A_1822 = tpu.vector_load %arg4[%get3A_1821] {strides = array<i32>} : memref<8192xf32, #tpu.memory_space<vmem>>, vector<16xf32>,
      %get3A_1823 = vector.shape_cast %get3A_1822 : vector<16xf32> to vector<16xf32>
      %lt3A_1824 = arith.cmpf olt, %get3A_1823, %scan3A_1794 : vector<16xf32>
      %select_n3A_1825 = arith.select %lt3A_1824, %get3A_1823, %scan3A_1794 : vector<16xi1>, vector<16xf32>
      %select_n3A_1826 = arith.select %lt3A_1824, %scan3A_1791, %scan3A_1795 : vector<16xi1>, vector<16xi32>
      %mul3A_1827 = arith.constant 128 : i32
      %mul3A_1828 = arith.muli %scan3A_1790, %mul3A_1827 : i32
      %add3A_1829 = arith.constant 32 : i32
      %add3A_1830 = arith.addi %mul3A_1828, %add3A_1829 : i32
      %get3A_1831 = arith.index_cast %add3A_1830 : i32 to index
      %get3A_1832 = tpu.vector_load %arg4[%get3A_1831] {strides = array<i32>} : memref<8192xf32, #tpu.memory_space<vmem>>, vector<16xf32>,
      %get3A_1833 = vector.shape_cast %get3A_1832 : vector<16xf32> to vector<16xf32>
      %lt3A_1834 = arith.cmpf olt, %get3A_1833, %scan3A_1796 : vector<16xf32>
      %select_n3A_1835 = arith.select %lt3A_1834, %get3A_1833, %scan3A_1796 : vector<16xi1>, vector<16xf32>
      %select_n3A_1836 = arith.select %lt3A_1834, %scan3A_1791, %scan3A_1797 : vector<16xi1>, vector<16xi32>
      %mul3A_1837 = arith.constant 128 : i32
      %mul3A_1838 = arith.muli %scan3A_1790, %mul3A_1837 : i32
      %add3A_1839 = arith.constant 48 : i32
      %add3A_1840 = arith.addi %mul3A_1838, %add3A_1839 : i32
      %get3A_1841 = arith.index_cast %add3A_1840 : i32 to index
      %get3A_1842 = tpu.vector_load %arg4[%get3A_1841] {strides = array<i32>} : memref<8192xf32, #tpu.memory_space<vmem>>, vector<16xf32>,
      %get3A_1843 = vector.shape_cast %get3A_1842 : vector<16xf32> to vector<16xf32>
      %lt3A_1844 = arith.cmpf olt, %get3A_1843, %scan3A_1798 : vector<16xf32>
      %select_n3A_1845 = arith.select %lt3A_1844, %get3A_1843, %scan3A_1798 : vector<16xi1>, vector<16xf32>
      %select_n3A_1846 = arith.select %lt3A_1844, %scan3A_1791, %scan3A_1799 : vector<16xi1>, vector<16xi32>
      %mul3A_1847 = arith.constant 128 : i32
      %mul3A_1848 = arith.muli %scan3A_1790, %mul3A_1847 : i32
      %add3A_1849 = arith.constant 64 : i32
      %add3A_1850 = arith.addi %mul3A_1848, %add3A_1849 : i32
      %get3A_1851 = arith.index_cast %add3A_1850 : i32 to index
      %get3A_1852 = tpu.vector_load %arg4[%get3A_1851] {strides = array<i32>} : memref<8192xf32, #tpu.memory_space<vmem>>, vector<16xf32>,
      %get3A_1853 = vector.shape_cast %get3A_1852 : vector<16xf32> to vector<16xf32>
      %lt3A_1854 = arith.cmpf olt, %get3A_1853, %scan3A_1800 : vector<16xf32>
      %select_n3A_1855 = arith.select %lt3A_1854, %get3A_1853, %scan3A_1800 : vector<16xi1>, vector<16xf32>
      %select_n3A_1856 = arith.select %lt3A_1854, %scan3A_1791, %scan3A_1801 : vector<16xi1>, vector<16xi32>
      %mul3A_1857 = arith.constant 128 : i32
      %mul3A_1858 = arith.muli %scan3A_1790, %mul3A_1857 : i32
      %add3A_1859 = arith.constant 80 : i32
      %add3A_1860 = arith.addi %mul3A_1858, %add3A_1859 : i32
      %get3A_1861 = arith.index_cast %add3A_1860 : i32 to index
      %get3A_1862 = tpu.vector_load %arg4[%get3A_1861] {strides = array<i32>} : memref<8192xf32, #tpu.memory_space<vmem>>, vector<16xf32>,
      %get3A_1863 = vector.shape_cast %get3A_1862 : vector<16xf32> to vector<16xf32>
      %lt3A_1864 = arith.cmpf olt, %get3A_1863, %scan3A_1802 : vector<16xf32>
      %select_n3A_1865 = arith.select %lt3A_1864, %get3A_1863, %scan3A_1802 : vector<16xi1>, vector<16xf32>
      %select_n3A_1866 = arith.select %lt3A_1864, %scan3A_1791, %scan3A_1803 : vector<16xi1>, vector<16xi32>
      %mul3A_1867 = arith.constant 128 : i32
      %mul3A_1868 = arith.muli %scan3A_1790, %mul3A_1867 : i32
      %add3A_1869 = arith.constant 96 : i32
      %add3A_1870 = arith.addi %mul3A_1868, %add3A_1869 : i32
      %get3A_1871 = arith.index_cast %add3A_1870 : i32 to index
      %get3A_1872 = tpu.vector_load %arg4[%get3A_1871] {strides = array<i32>} : memref<8192xf32, #tpu.memory_space<vmem>>, vector<16xf32>,
      %get3A_1873 = vector.shape_cast %get3A_1872 : vector<16xf32> to vector<16xf32>
      %lt3A_1874 = arith.cmpf olt, %get3A_1873, %scan3A_1804 : vector<16xf32>
      %select_n3A_1875 = arith.select %lt3A_1874, %get3A_1873, %scan3A_1804 : vector<16xi1>, vector<16xf32>
      %select_n3A_1876 = arith.select %lt3A_1874, %scan3A_1791, %scan3A_1805 : vector<16xi1>, vector<16xi32>
      %mul3A_1877 = arith.constant 128 : i32
      %mul3A_1878 = arith.muli %scan3A_1790, %mul3A_1877 : i32
      %add3A_1879 = arith.constant 112 : i32
      %add3A_1880 = arith.addi %mul3A_1878, %add3A_1879 : i32
      %get3A_1881 = arith.index_cast %add3A_1880 : i32 to index
      %get3A_1882 = tpu.vector_load %arg4[%get3A_1881] {strides = array<i32>} : memref<8192xf32, #tpu.memory_space<vmem>>, vector<16xf32>,
      %get3A_1883 = vector.shape_cast %get3A_1882 : vector<16xf32> to vector<16xf32>
      %lt3A_1884 = arith.cmpf olt, %get3A_1883, %scan3A_1806 : vector<16xf32>
      %select_n3A_1885 = arith.select %lt3A_1884, %get3A_1883, %scan3A_1806 : vector<16xi1>, vector<16xf32>
      %select_n3A_1886 = arith.select %lt3A_1884, %scan3A_1791, %scan3A_1807 : vector<16xi1>, vector<16xi32>
      %add3A_1887 = arith.constant 1 : i32
      %add3A_1888 = vector.broadcast %add3A_1887 : i32 to vector<16xi32>
      %add3A_1889 = arith.addi %scan3A_1791, %add3A_1888 : vector<16xi32>
      scf.yield %add3A_1889, %select_n3A_1815, %select_n3A_1816, %select_n3A_1825, %select_n3A_1826, %select_n3A_1835, %select_n3A_1836, %select_n3A_1845, %select_n3A_1846, %select_n3A_1855, %select_n3A_1856, %select_n3A_1865, %select_n3A_1866, %select_n3A_1875, %select_n3A_1876, %select_n3A_1885, %select_n3A_1886 : vector<16xi32>, vector<16xf32>, vector<16xi32>, vector<16xf32>, vector<16xi32>, vector<16xf32>, vector<16xi32>, vector<16xf32>, vector<16xi32>, vector<16xf32>, vector<16xi32>, vector<16xf32>, vector<16xi32>, vector<16xf32>, vector<16xi32>, vector<16xf32>, vector<16xi32>
    }
    %scan3A_1435 = arith.constant 64 : i32
    %dma_wait3A_1436 = tpu.memref_slice %arg2[%multiple_of3A_1425] : memref<4194304xf32, #tpu.memory_space<hbm>> -> memref<8192xf32, #tpu.memory_space<hbm>>
    %dma_wait3A_1437 = tpu.memref_slice %arg2[%multiple_of3A_1425] : memref<4194304xf32, #tpu.memory_space<hbm>> -> memref<8192xf32, #tpu.memory_space<hbm>>
    tpu.wait_dma2 semaphore(%arg8 : memref<!tpu.dma_semaphore, #tpu.memory_space<semaphore_mem>>) src(%dma_wait3A_1437 : memref<8192xf32, #tpu.memory_space<hbm>>) dst(%arg5 : memref<8192xf32, #tpu.memory_space<vmem>>)
    %broadcast_in_dim3A_1438 = arith.constant 192 : i32
    %broadcast_in_dim3A_1439 = vector.broadcast %broadcast_in_dim3A_1438 : i32 to vector<16xi32>
    %scan3A_1440 = arith.constant 0 : i32
    %scan3A_1441 = arith.constant 64 : i32
    %scan3A_1442 = arith.addi %scan3A_1440, %scan3A_1441 : i32
    %scan3A_1443 = arith.constant 1 : i32
    %scan3A_1444:17 = scf.for %scan3A_1790 = %scan3A_1440 to %scan3A_1442 step %scan3A_1443 iter_args(%scan3A_1791 = %broadcast_in_dim3A_1439, %scan3A_1792 = %scan3A_1434#1, %scan3A_1793 = %scan3A_1434#2, %scan3A_1794 = %scan3A_1434#3, %scan3A_1795 = %scan3A_1434#4, %scan3A_1796 = %scan3A_1434#5, %scan3A_1797 = %scan3A_1434#6, %scan3A_1798 = %scan3A_1434#7, %scan3A_1799 = %scan3A_1434#8, %scan3A_1800 = %scan3A_1434#9, %scan3A_1801 = %scan3A_1434#10, %scan3A_1802 = %scan3A_1434#11, %scan3A_1803 = %scan3A_1434#12, %scan3A_1804 = %scan3A_1434#13, %scan3A_1805 = %scan3A_1434#14, %scan3A_1806 = %scan3A_1434#15, %scan3A_1807 = %scan3A_1434#16) -> (vector<16xi32>, vector<16xf32>, vector<16xi32>, vector<16xf32>, vector<16xi32>, vector<16xf32>, vector<16xi32>, vector<16xf32>, vector<16xi32>, vector<16xf32>, vector<16xi32>, vector<16xf32>, vector<16xi32>, vector<16xf32>, vector<16xi32>, vector<16xf32>, vector<16xi32>)  : i32 {
      %mul3A_1808 = arith.constant 128 : i32
      %mul3A_1809 = arith.muli %scan3A_1790, %mul3A_1808 : i32
      %add3A_1810 = arith.constant 0 : i32
      %add3A_1811 = arith.addi %mul3A_1809, %add3A_1810 : i32
      %get3A = arith.index_cast %add3A_1811 : i32 to index
      %get3A_1812 = tpu.vector_load %arg5[%get3A] {strides = array<i32>} : memref<8192xf32, #tpu.memory_space<vmem>>, vector<16xf32>,
      %get3A_1813 = vector.shape_cast %get3A_1812 : vector<16xf32> to vector<16xf32>
      %lt3A_1814 = arith.cmpf olt, %get3A_1813, %scan3A_1792 : vector<16xf32>
      %select_n3A_1815 = arith.select %lt3A_1814, %get3A_1813, %scan3A_1792 : vector<16xi1>, vector<16xf32>
      %select_n3A_1816 = arith.select %lt3A_1814, %scan3A_1791, %scan3A_1793 : vector<16xi1>, vector<16xi32>
      %mul3A_1817 = arith.constant 128 : i32
      %mul3A_1818 = arith.muli %scan3A_1790, %mul3A_1817 : i32
      %add3A_1819 = arith.constant 16 : i32
      %add3A_1820 = arith.addi %mul3A_1818, %add3A_1819 : i32
      %get3A_1821 = arith.index_cast %add3A_1820 : i32 to index
      %get3A_1822 = tpu.vector_load %arg5[%get3A_1821] {strides = array<i32>} : memref<8192xf32, #tpu.memory_space<vmem>>, vector<16xf32>,
      %get3A_1823 = vector.shape_cast %get3A_1822 : vector<16xf32> to vector<16xf32>
      %lt3A_1824 = arith.cmpf olt, %get3A_1823, %scan3A_1794 : vector<16xf32>
      %select_n3A_1825 = arith.select %lt3A_1824, %get3A_1823, %scan3A_1794 : vector<16xi1>, vector<16xf32>
      %select_n3A_1826 = arith.select %lt3A_1824, %scan3A_1791, %scan3A_1795 : vector<16xi1>, vector<16xi32>
      %mul3A_1827 = arith.constant 128 : i32
      %mul3A_1828 = arith.muli %scan3A_1790, %mul3A_1827 : i32
      %add3A_1829 = arith.constant 32 : i32
      %add3A_1830 = arith.addi %mul3A_1828, %add3A_1829 : i32
      %get3A_1831 = arith.index_cast %add3A_1830 : i32 to index
      %get3A_1832 = tpu.vector_load %arg5[%get3A_1831] {strides = array<i32>} : memref<8192xf32, #tpu.memory_space<vmem>>, vector<16xf32>,
      %get3A_1833 = vector.shape_cast %get3A_1832 : vector<16xf32> to vector<16xf32>
      %lt3A_1834 = arith.cmpf olt, %get3A_1833, %scan3A_1796 : vector<16xf32>
      %select_n3A_1835 = arith.select %lt3A_1834, %get3A_1833, %scan3A_1796 : vector<16xi1>, vector<16xf32>
      %select_n3A_1836 = arith.select %lt3A_1834, %scan3A_1791, %scan3A_1797 : vector<16xi1>, vector<16xi32>
      %mul3A_1837 = arith.constant 128 : i32
      %mul3A_1838 = arith.muli %scan3A_1790, %mul3A_1837 : i32
      %add3A_1839 = arith.constant 48 : i32
      %add3A_1840 = arith.addi %mul3A_1838, %add3A_1839 : i32
      %get3A_1841 = arith.index_cast %add3A_1840 : i32 to index
      %get3A_1842 = tpu.vector_load %arg5[%get3A_1841] {strides = array<i32>} : memref<8192xf32, #tpu.memory_space<vmem>>, vector<16xf32>,
      %get3A_1843 = vector.shape_cast %get3A_1842 : vector<16xf32> to vector<16xf32>
      %lt3A_1844 = arith.cmpf olt, %get3A_1843, %scan3A_1798 : vector<16xf32>
      %select_n3A_1845 = arith.select %lt3A_1844, %get3A_1843, %scan3A_1798 : vector<16xi1>, vector<16xf32>
      %select_n3A_1846 = arith.select %lt3A_1844, %scan3A_1791, %scan3A_1799 : vector<16xi1>, vector<16xi32>
      %mul3A_1847 = arith.constant 128 : i32
      %mul3A_1848 = arith.muli %scan3A_1790, %mul3A_1847 : i32
      %add3A_1849 = arith.constant 64 : i32
      %add3A_1850 = arith.addi %mul3A_1848, %add3A_1849 : i32
      %get3A_1851 = arith.index_cast %add3A_1850 : i32 to index
      %get3A_1852 = tpu.vector_load %arg5[%get3A_1851] {strides = array<i32>} : memref<8192xf32, #tpu.memory_space<vmem>>, vector<16xf32>,
      %get3A_1853 = vector.shape_cast %get3A_1852 : vector<16xf32> to vector<16xf32>
      %lt3A_1854 = arith.cmpf olt, %get3A_1853, %scan3A_1800 : vector<16xf32>
      %select_n3A_1855 = arith.select %lt3A_1854, %get3A_1853, %scan3A_1800 : vector<16xi1>, vector<16xf32>
      %select_n3A_1856 = arith.select %lt3A_1854, %scan3A_1791, %scan3A_1801 : vector<16xi1>, vector<16xi32>
      %mul3A_1857 = arith.constant 128 : i32
      %mul3A_1858 = arith.muli %scan3A_1790, %mul3A_1857 : i32
      %add3A_1859 = arith.constant 80 : i32
      %add3A_1860 = arith.addi %mul3A_1858, %add3A_1859 : i32
      %get3A_1861 = arith.index_cast %add3A_1860 : i32 to index
      %get3A_1862 = tpu.vector_load %arg5[%get3A_1861] {strides = array<i32>} : memref<8192xf32, #tpu.memory_space<vmem>>, vector<16xf32>,
      %get3A_1863 = vector.shape_cast %get3A_1862 : vector<16xf32> to vector<16xf32>
      %lt3A_1864 = arith.cmpf olt, %get3A_1863, %scan3A_1802 : vector<16xf32>
      %select_n3A_1865 = arith.select %lt3A_1864, %get3A_1863, %scan3A_1802 : vector<16xi1>, vector<16xf32>
      %select_n3A_1866 = arith.select %lt3A_1864, %scan3A_1791, %scan3A_1803 : vector<16xi1>, vector<16xi32>
      %mul3A_1867 = arith.constant 128 : i32
      %mul3A_1868 = arith.muli %scan3A_1790, %mul3A_1867 : i32
      %add3A_1869 = arith.constant 96 : i32
      %add3A_1870 = arith.addi %mul3A_1868, %add3A_1869 : i32
      %get3A_1871 = arith.index_cast %add3A_1870 : i32 to index
      %get3A_1872 = tpu.vector_load %arg5[%get3A_1871] {strides = array<i32>} : memref<8192xf32, #tpu.memory_space<vmem>>, vector<16xf32>,
      %get3A_1873 = vector.shape_cast %get3A_1872 : vector<16xf32> to vector<16xf32>
      %lt3A_1874 = arith.cmpf olt, %get3A_1873, %scan3A_1804 : vector<16xf32>
      %select_n3A_1875 = arith.select %lt3A_1874, %get3A_1873, %scan3A_1804 : vector<16xi1>, vector<16xf32>
      %select_n3A_1876 = arith.select %lt3A_1874, %scan3A_1791, %scan3A_1805 : vector<16xi1>, vector<16xi32>
      %mul3A_1877 = arith.constant 128 : i32
      %mul3A_1878 = arith.muli %scan3A_1790, %mul3A_1877 : i32
      %add3A_1879 = arith.constant 112 : i32
      %add3A_1880 = arith.addi %mul3A_1878, %add3A_1879 : i32
      %get3A_1881 = arith.index_cast %add3A_1880 : i32 to index
      %get3A_1882 = tpu.vector_load %arg5[%get3A_1881] {strides = array<i32>} : memref<8192xf32, #tpu.memory_space<vmem>>, vector<16xf32>,
      %get3A_1883 = vector.shape_cast %get3A_1882 : vector<16xf32> to vector<16xf32>
      %lt3A_1884 = arith.cmpf olt, %get3A_1883, %scan3A_1806 : vector<16xf32>
      %select_n3A_1885 = arith.select %lt3A_1884, %get3A_1883, %scan3A_1806 : vector<16xi1>, vector<16xf32>
      %select_n3A_1886 = arith.select %lt3A_1884, %scan3A_1791, %scan3A_1807 : vector<16xi1>, vector<16xi32>
      %add3A_1887 = arith.constant 1 : i32
      %add3A_1888 = vector.broadcast %add3A_1887 : i32 to vector<16xi32>
      %add3A_1889 = arith.addi %scan3A_1791, %add3A_1888 : vector<16xi32>
      scf.yield %add3A_1889, %select_n3A_1815, %select_n3A_1816, %select_n3A_1825, %select_n3A_1826, %select_n3A_1835, %select_n3A_1836, %select_n3A_1845, %select_n3A_1846, %select_n3A_1855, %select_n3A_1856, %select_n3A_1865, %select_n3A_1866, %select_n3A_1875, %select_n3A_1876, %select_n3A_1885, %select_n3A_1886 : vector<16xi32>, vector<16xf32>, vector<16xi32>, vector<16xf32>, vector<16xi32>, vector<16xf32>, vector<16xi32>, vector<16xf32>, vector<16xi32>, vector<16xf32>, vector<16xi32>, vector<16xf32>, vector<16xi32>, vector<16xf32>, vector<16xi32>, vector<16xf32>, vector<16xi32>
    }
    %scan3A_1445 = arith.constant 64 : i32
    %mul3A_1446 = arith.constant 8 : i32
    %mul3A_1447 = vector.broadcast %mul3A_1446 : i32 to vector<16xi32>
    %mul3A_1448 = arith.muli %scan3A_1444#2, %mul3A_1447 : vector<16xi32>
    %add3A_1449 = arith.constant 0 : i32
    %add3A_1450 = vector.broadcast %add3A_1449 : i32 to vector<16xi32>
    %add3A_1451 = arith.addi %mul3A_1448, %add3A_1450 : vector<16xi32>
    %mul3A_1452 = arith.constant 16 : i32
    %mul3A_1453 = vector.broadcast %mul3A_1452 : i32 to vector<16xi32>
    %mul3A_1454 = arith.muli %add3A_1451, %mul3A_1453 : vector<16xi32>
    %add3A_1455 = arith.addi %mul3A_1454, %iota3A : vector<16xi32>
    %mul3A_1456 = arith.constant 8 : i32
    %mul3A_1457 = vector.broadcast %mul3A_1456 : i32 to vector<16xi32>
    %mul3A_1458 = arith.muli %scan3A_1444#4, %mul3A_1457 : vector<16xi32>
    %add3A_1459 = arith.constant 1 : i32
    %add3A_1460 = vector.broadcast %add3A_1459 : i32 to vector<16xi32>
    %add3A_1461 = arith.addi %mul3A_1458, %add3A_1460 : vector<16xi32>
    %mul3A_1462 = arith.constant 16 : i32
    %mul3A_1463 = vector.broadcast %mul3A_1462 : i32 to vector<16xi32>
    %mul3A_1464 = arith.muli %add3A_1461, %mul3A_1463 : vector<16xi32>
    %add3A_1465 = arith.addi %mul3A_1464, %iota3A : vector<16xi32>
    %mul3A_1466 = arith.constant 8 : i32
    %mul3A_1467 = vector.broadcast %mul3A_1466 : i32 to vector<16xi32>
    %mul3A_1468 = arith.muli %scan3A_1444#6, %mul3A_1467 : vector<16xi32>
    %add3A_1469 = arith.constant 2 : i32
    %add3A_1470 = vector.broadcast %add3A_1469 : i32 to vector<16xi32>
    %add3A_1471 = arith.addi %mul3A_1468, %add3A_1470 : vector<16xi32>
    %mul3A_1472 = arith.constant 16 : i32
    %mul3A_1473 = vector.broadcast %mul3A_1472 : i32 to vector<16xi32>
    %mul3A_1474 = arith.muli %add3A_1471, %mul3A_1473 : vector<16xi32>
    %add3A_1475 = arith.addi %mul3A_1474, %iota3A : vector<16xi32>
    %mul3A_1476 = arith.constant 8 : i32
    %mul3A_1477 = vector.broadcast %mul3A_1476 : i32 to vector<16xi32>
    %mul3A_1478 = arith.muli %scan3A_1444#8, %mul3A_1477 : vector<16xi32>
    %add3A_1479 = arith.constant 3 : i32
    %add3A_1480 = vector.broadcast %add3A_1479 : i32 to vector<16xi32>
    %add3A_1481 = arith.addi %mul3A_1478, %add3A_1480 : vector<16xi32>
    %mul3A_1482 = arith.constant 16 : i32
    %mul3A_1483 = vector.broadcast %mul3A_1482 : i32 to vector<16xi32>
    %mul3A_1484 = arith.muli %add3A_1481, %mul3A_1483 : vector<16xi32>
    %add3A_1485 = arith.addi %mul3A_1484, %iota3A : vector<16xi32>
    %mul3A_1486 = arith.constant 8 : i32
    %mul3A_1487 = vector.broadcast %mul3A_1486 : i32 to vector<16xi32>
    %mul3A_1488 = arith.muli %scan3A_1444#10, %mul3A_1487 : vector<16xi32>
    %add3A_1489 = arith.constant 4 : i32
    %add3A_1490 = vector.broadcast %add3A_1489 : i32 to vector<16xi32>
    %add3A_1491 = arith.addi %mul3A_1488, %add3A_1490 : vector<16xi32>
    %mul3A_1492 = arith.constant 16 : i32
    %mul3A_1493 = vector.broadcast %mul3A_1492 : i32 to vector<16xi32>
    %mul3A_1494 = arith.muli %add3A_1491, %mul3A_1493 : vector<16xi32>
    %add3A_1495 = arith.addi %mul3A_1494, %iota3A : vector<16xi32>
    %mul3A_1496 = arith.constant 8 : i32
    %mul3A_1497 = vector.broadcast %mul3A_1496 : i32 to vector<16xi32>
    %mul3A_1498 = arith.muli %scan3A_1444#12, %mul3A_1497 : vector<16xi32>
    %add3A_1499 = arith.constant 5 : i32
    %add3A_1500 = vector.broadcast %add3A_1499 : i32 to vector<16xi32>
    %add3A_1501 = arith.addi %mul3A_1498, %add3A_1500 : vector<16xi32>
    %mul3A_1502 = arith.constant 16 : i32
    %mul3A_1503 = vector.broadcast %mul3A_1502 : i32 to vector<16xi32>
    %mul3A_1504 = arith.muli %add3A_1501, %mul3A_1503 : vector<16xi32>
    %add3A_1505 = arith.addi %mul3A_1504, %iota3A : vector<16xi32>
    %mul3A_1506 = arith.constant 8 : i32
    %mul3A_1507 = vector.broadcast %mul3A_1506 : i32 to vector<16xi32>
    %mul3A_1508 = arith.muli %scan3A_1444#14, %mul3A_1507 : vector<16xi32>
    %add3A_1509 = arith.constant 6 : i32
    %add3A_1510 = vector.broadcast %add3A_1509 : i32 to vector<16xi32>
    %add3A_1511 = arith.addi %mul3A_1508, %add3A_1510 : vector<16xi32>
    %mul3A_1512 = arith.constant 16 : i32
    %mul3A_1513 = vector.broadcast %mul3A_1512 : i32 to vector<16xi32>
    %mul3A_1514 = arith.muli %add3A_1511, %mul3A_1513 : vector<16xi32>
    %add3A_1515 = arith.addi %mul3A_1514, %iota3A : vector<16xi32>
    %mul3A_1516 = arith.constant 8 : i32
    %mul3A_1517 = vector.broadcast %mul3A_1516 : i32 to vector<16xi32>
    %mul3A_1518 = arith.muli %scan3A_1444#16, %mul3A_1517 : vector<16xi32>
    %add3A_1519 = arith.constant 7 : i32
    %add3A_1520 = vector.broadcast %add3A_1519 : i32 to vector<16xi32>
    %add3A_1521 = arith.addi %mul3A_1518, %add3A_1520 : vector<16xi32>
    %mul3A_1522 = arith.constant 16 : i32
    %mul3A_1523 = vector.broadcast %mul3A_1522 : i32 to vector<16xi32>
    %mul3A_1524 = arith.muli %add3A_1521, %mul3A_1523 : vector<16xi32>
    %add3A_1525 = arith.addi %mul3A_1524, %iota3A : vector<16xi32>
    %lt3A_1526 = arith.cmpf olt, %scan3A_1444#3, %scan3A_1444#1 : vector<16xf32>
    %eq3A_1527 = arith.cmpf oeq, %scan3A_1444#3, %scan3A_1444#1 : vector<16xf32>
    %lt3A_1528 = arith.cmpi slt, %add3A_1465, %add3A_1455 : vector<16xi32>
    %and3A_1529 = arith.andi %eq3A_1527, %lt3A_1528 : vector<16xi1>
    %or3A_1530 = arith.ori %lt3A_1526, %and3A_1529 : vector<16xi1>
    %select_n3A_1531 = arith.select %or3A_1530, %scan3A_1444#3, %scan3A_1444#1 : vector<16xi1>, vector<16xf32>
    %select_n3A_1532 = arith.select %or3A_1530, %add3A_1465, %add3A_1455 : vector<16xi1>, vector<16xi32>
    %lt3A_1533 = arith.cmpf olt, %scan3A_1444#5, %select_n3A_1531 : vector<16xf32>
    %eq3A_1534 = arith.cmpf oeq, %scan3A_1444#5, %select_n3A_1531 : vector<16xf32>
    %lt3A_1535 = arith.cmpi slt, %add3A_1475, %select_n3A_1532 : vector<16xi32>
    %and3A_1536 = arith.andi %eq3A_1534, %lt3A_1535 : vector<16xi1>
    %or3A_1537 = arith.ori %lt3A_1533, %and3A_1536 : vector<16xi1>
    %select_n3A_1538 = arith.select %or3A_1537, %scan3A_1444#5, %select_n3A_1531 : vector<16xi1>, vector<16xf32>
    %select_n3A_1539 = arith.select %or3A_1537, %add3A_1475, %select_n3A_1532 : vector<16xi1>, vector<16xi32>
    %lt3A_1540 = arith.cmpf olt, %scan3A_1444#7, %select_n3A_1538 : vector<16xf32>
    %eq3A_1541 = arith.cmpf oeq, %scan3A_1444#7, %select_n3A_1538 : vector<16xf32>
    %lt3A_1542 = arith.cmpi slt, %add3A_1485, %select_n3A_1539 : vector<16xi32>
    %and3A_1543 = arith.andi %eq3A_1541, %lt3A_1542 : vector<16xi1>
    %or3A_1544 = arith.ori %lt3A_1540, %and3A_1543 : vector<16xi1>
    %select_n3A_1545 = arith.select %or3A_1544, %scan3A_1444#7, %select_n3A_1538 : vector<16xi1>, vector<16xf32>
    %select_n3A_1546 = arith.select %or3A_1544, %add3A_1485, %select_n3A_1539 : vector<16xi1>, vector<16xi32>
    %lt3A_1547 = arith.cmpf olt, %scan3A_1444#9, %select_n3A_1545 : vector<16xf32>
    %eq3A_1548 = arith.cmpf oeq, %scan3A_1444#9, %select_n3A_1545 : vector<16xf32>
    %lt3A_1549 = arith.cmpi slt, %add3A_1495, %select_n3A_1546 : vector<16xi32>
    %and3A_1550 = arith.andi %eq3A_1548, %lt3A_1549 : vector<16xi1>
    %or3A_1551 = arith.ori %lt3A_1547, %and3A_1550 : vector<16xi1>
    %select_n3A_1552 = arith.select %or3A_1551, %scan3A_1444#9, %select_n3A_1545 : vector<16xi1>, vector<16xf32>
    %select_n3A_1553 = arith.select %or3A_1551, %add3A_1495, %select_n3A_1546 : vector<16xi1>, vector<16xi32>
    %lt3A_1554 = arith.cmpf olt, %scan3A_1444#11, %select_n3A_1552 : vector<16xf32>
    %eq3A_1555 = arith.cmpf oeq, %scan3A_1444#11, %select_n3A_1552 : vector<16xf32>
    %lt3A_1556 = arith.cmpi slt, %add3A_1505, %select_n3A_1553 : vector<16xi32>
    %and3A_1557 = arith.andi %eq3A_1555, %lt3A_1556 : vector<16xi1>
    %or3A_1558 = arith.ori %lt3A_1554, %and3A_1557 : vector<16xi1>
    %select_n3A_1559 = arith.select %or3A_1558, %scan3A_1444#11, %select_n3A_1552 : vector<16xi1>, vector<16xf32>
    %select_n3A_1560 = arith.select %or3A_1558, %add3A_1505, %select_n3A_1553 : vector<16xi1>, vector<16xi32>
    %lt3A_1561 = arith.cmpf olt, %scan3A_1444#13, %select_n3A_1559 : vector<16xf32>
    %eq3A_1562 = arith.cmpf oeq, %scan3A_1444#13, %select_n3A_1559 : vector<16xf32>
    %lt3A_1563 = arith.cmpi slt, %add3A_1515, %select_n3A_1560 : vector<16xi32>
    %and3A_1564 = arith.andi %eq3A_1562, %lt3A_1563 : vector<16xi1>
    %or3A_1565 = arith.ori %lt3A_1561, %and3A_1564 : vector<16xi1>
    %select_n3A_1566 = arith.select %or3A_1565, %scan3A_1444#13, %select_n3A_1559 : vector<16xi1>, vector<16xf32>
    %select_n3A_1567 = arith.select %or3A_1565, %add3A_1515, %select_n3A_1560 : vector<16xi1>, vector<16xi32>
    %lt3A_1568 = arith.cmpf olt, %scan3A_1444#15, %select_n3A_1566 : vector<16xf32>
    %eq3A_1569 = arith.cmpf oeq, %scan3A_1444#15, %select_n3A_1566 : vector<16xf32>
    %lt3A_1570 = arith.cmpi slt, %add3A_1525, %select_n3A_1567 : vector<16xi32>
    %and3A_1571 = arith.andi %eq3A_1569, %lt3A_1570 : vector<16xi1>
    %or3A_1572 = arith.ori %lt3A_1568, %and3A_1571 : vector<16xi1>
    %select_n3A_1573 = arith.select %or3A_1572, %scan3A_1444#15, %select_n3A_1566 : vector<16xi1>, vector<16xf32>
    %select_n3A_1574 = arith.select %or3A_1572, %add3A_1525, %select_n3A_1567 : vector<16xi1>, vector<16xi32>
    %add3A_1575 = arith.constant 1 : i32
    %add3A_1576 = vector.broadcast %add3A_1575 : i32 to vector<16xi32>
    %add3A_1577 = arith.addi %iota3A, %add3A_1576 : vector<16xi32>
    %jit3A_1578 = arith.constant 16 : i32
    %eq3A_1579 = arith.constant 0 : i32
    %eq3A_1580 = arith.cmpi eq, %jit3A_1578, %eq3A_1579 : i32
    %jit3A_1581 = arith.constant 1 : i32
    %select_n3A_1582 = arith.select %eq3A_1580, %jit3A_1581, %jit3A_1578 : i32
    %rem3A_1583 = vector.broadcast %select_n3A_1582 : i32 to vector<16xi32>
    %rem3A_1584 = arith.remsi %add3A_1577, %rem3A_1583 : vector<16xi32>
    %ne3A_1585 = arith.constant 0 : i32
    %ne3A_1586 = vector.broadcast %ne3A_1585 : i32 to vector<16xi32>
    %ne3A_1587 = arith.cmpi ne, %rem3A_1584, %ne3A_1586 : vector<16xi32>
    %lt3A_1588 = arith.constant 0 : i32
    %lt3A_1589 = vector.broadcast %lt3A_1588 : i32 to vector<16xi32>
    %lt3A_1590 = arith.cmpi slt, %rem3A_1584, %lt3A_1589 : vector<16xi32>
    %lt3A_1591 = arith.constant 0 : i32
    %lt3A_1592 = arith.cmpi slt, %select_n3A_1582, %lt3A_1591 : i32
    %ne3A_1593 = vector.broadcast %lt3A_1592 : i1 to vector<16xi1>
    %ne3A_1594 = vector.broadcast %ne3A_1593 : vector<16xi1> to vector<16xi1>
    %ne3A_1595 = arith.xori %lt3A_1590, %ne3A_1594 : vector<16xi1>
    %and3A_1596 = arith.andi %ne3A_1595, %ne3A_1587 : vector<16xi1>
    %add3A_1597 = vector.broadcast %select_n3A_1582 : i32 to vector<16xi32>
    %add3A_1598 = arith.addi %rem3A_1584, %add3A_1597 : vector<16xi32>
    %select_n3A_1599 = arith.select %and3A_1596, %add3A_1598, %rem3A_1584 : vector<16xi1>, vector<16xi32>
    %lt3A_1600 = arith.constant 0 : i32
    %lt3A_1601 = vector.broadcast %lt3A_1600 : i32 to vector<16xi32>
    %lt3A_1602 = arith.cmpi slt, %select_n3A_1599, %lt3A_1601 : vector<16xi32>
    %add3A_1603 = arith.constant 16 : i32
    %add3A_1604 = vector.broadcast %add3A_1603 : i32 to vector<16xi32>
    %add3A_1605 = arith.addi %select_n3A_1599, %add3A_1604 : vector<16xi32>
    %select_n3A_1606 = arith.select %lt3A_1602, %add3A_1605, %select_n3A_1599 : vector<16xi1>, vector<16xi32>
    %broadcast_in_dim3A_1607 = vector.shape_cast %select_n3A_1606 : vector<16xi32> to vector<16x1xi32>
    %gather3A_1608 = vector.shape_cast %broadcast_in_dim3A_1607 : vector<16x1xi32> to vector<16xi32>
    %gather3A_1609 = tpu.dynamic_gather %select_n3A_1573[%gather3A_1608] in [0] : vector<16xf32>, vector<16xi32> -> vector<16xf32>
    %lt3A_1610 = arith.constant 0 : i32
    %lt3A_1611 = vector.broadcast %lt3A_1610 : i32 to vector<16xi32>
    %lt3A_1612 = arith.cmpi slt, %select_n3A_1599, %lt3A_1611 : vector<16xi32>
    %add3A_1613 = arith.constant 16 : i32
    %add3A_1614 = vector.broadcast %add3A_1613 : i32 to vector<16xi32>
    %add3A_1615 = arith.addi %select_n3A_1599, %add3A_1614 : vector<16xi32>
    %select_n3A_1616 = arith.select %lt3A_1612, %add3A_1615, %select_n3A_1599 : vector<16xi1>, vector<16xi32>
    %broadcast_in_dim3A_1617 = vector.shape_cast %select_n3A_1616 : vector<16xi32> to vector<16x1xi32>
    %gather3A_1618 = vector.shape_cast %broadcast_in_dim3A_1617 : vector<16x1xi32> to vector<16xi32>
    %gather3A_1619 = tpu.dynamic_gather %select_n3A_1574[%gather3A_1618] in [0] : vector<16xi32>, vector<16xi32> -> vector<16xi32>
    %lt3A_1620 = arith.cmpf olt, %gather3A_1609, %select_n3A_1573 : vector<16xf32>
    %eq3A_1621 = arith.cmpf oeq, %gather3A_1609, %select_n3A_1573 : vector<16xf32>
    %lt3A_1622 = arith.cmpi slt, %gather3A_1619, %select_n3A_1574 : vector<16xi32>
    %and3A_1623 = arith.andi %eq3A_1621, %lt3A_1622 : vector<16xi1>
    %or3A_1624 = arith.ori %lt3A_1620, %and3A_1623 : vector<16xi1>
    %select_n3A_1625 = arith.select %or3A_1624, %gather3A_1609, %select_n3A_1573 : vector<16xi1>, vector<16xf32>
    %select_n3A_1626 = arith.select %or3A_1624, %gather3A_1619, %select_n3A_1574 : vector<16xi1>, vector<16xi32>
    %add3A_1627 = arith.constant 2 : i32
    %add3A_1628 = vector.broadcast %add3A_1627 : i32 to vector<16xi32>
    %add3A_1629 = arith.addi %iota3A, %add3A_1628 : vector<16xi32>
    %jit3A_1630 = arith.constant 16 : i32
    %eq3A_1631 = arith.constant 0 : i32
    %eq3A_1632 = arith.cmpi eq, %jit3A_1630, %eq3A_1631 : i32
    %jit3A_1633 = arith.constant 1 : i32
    %select_n3A_1634 = arith.select %eq3A_1632, %jit3A_1633, %jit3A_1630 : i32
    %rem3A_1635 = vector.broadcast %select_n3A_1634 : i32 to vector<16xi32>
    %rem3A_1636 = arith.remsi %add3A_1629, %rem3A_1635 : vector<16xi32>
    %ne3A_1637 = arith.constant 0 : i32
    %ne3A_1638 = vector.broadcast %ne3A_1637 : i32 to vector<16xi32>
    %ne3A_1639 = arith.cmpi ne, %rem3A_1636, %ne3A_1638 : vector<16xi32>
    %lt3A_1640 = arith.constant 0 : i32
    %lt3A_1641 = vector.broadcast %lt3A_1640 : i32 to vector<16xi32>
    %lt3A_1642 = arith.cmpi slt, %rem3A_1636, %lt3A_1641 : vector<16xi32>
    %lt3A_1643 = arith.constant 0 : i32
    %lt3A_1644 = arith.cmpi slt, %select_n3A_1634, %lt3A_1643 : i32
    %ne3A_1645 = vector.broadcast %lt3A_1644 : i1 to vector<16xi1>
    %ne3A_1646 = vector.broadcast %ne3A_1645 : vector<16xi1> to vector<16xi1>
    %ne3A_1647 = arith.xori %lt3A_1642, %ne3A_1646 : vector<16xi1>
    %and3A_1648 = arith.andi %ne3A_1647, %ne3A_1639 : vector<16xi1>
    %add3A_1649 = vector.broadcast %select_n3A_1634 : i32 to vector<16xi32>
    %add3A_1650 = arith.addi %rem3A_1636, %add3A_1649 : vector<16xi32>
    %select_n3A_1651 = arith.select %and3A_1648, %add3A_1650, %rem3A_1636 : vector<16xi1>, vector<16xi32>
    %lt3A_1652 = arith.constant 0 : i32
    %lt3A_1653 = vector.broadcast %lt3A_1652 : i32 to vector<16xi32>
    %lt3A_1654 = arith.cmpi slt, %select_n3A_1651, %lt3A_1653 : vector<16xi32>
    %add3A_1655 = arith.constant 16 : i32
    %add3A_1656 = vector.broadcast %add3A_1655 : i32 to vector<16xi32>
    %add3A_1657 = arith.addi %select_n3A_1651, %add3A_1656 : vector<16xi32>
    %select_n3A_1658 = arith.select %lt3A_1654, %add3A_1657, %select_n3A_1651 : vector<16xi1>, vector<16xi32>
    %broadcast_in_dim3A_1659 = vector.shape_cast %select_n3A_1658 : vector<16xi32> to vector<16x1xi32>
    %gather3A_1660 = vector.shape_cast %broadcast_in_dim3A_1659 : vector<16x1xi32> to vector<16xi32>
    %gather3A_1661 = tpu.dynamic_gather %select_n3A_1625[%gather3A_1660] in [0] : vector<16xf32>, vector<16xi32> -> vector<16xf32>
    %lt3A_1662 = arith.constant 0 : i32
    %lt3A_1663 = vector.broadcast %lt3A_1662 : i32 to vector<16xi32>
    %lt3A_1664 = arith.cmpi slt, %select_n3A_1651, %lt3A_1663 : vector<16xi32>
    %add3A_1665 = arith.constant 16 : i32
    %add3A_1666 = vector.broadcast %add3A_1665 : i32 to vector<16xi32>
    %add3A_1667 = arith.addi %select_n3A_1651, %add3A_1666 : vector<16xi32>
    %select_n3A_1668 = arith.select %lt3A_1664, %add3A_1667, %select_n3A_1651 : vector<16xi1>, vector<16xi32>
    %broadcast_in_dim3A_1669 = vector.shape_cast %select_n3A_1668 : vector<16xi32> to vector<16x1xi32>
    %gather3A_1670 = vector.shape_cast %broadcast_in_dim3A_1669 : vector<16x1xi32> to vector<16xi32>
    %gather3A_1671 = tpu.dynamic_gather %select_n3A_1626[%gather3A_1670] in [0] : vector<16xi32>, vector<16xi32> -> vector<16xi32>
    %lt3A_1672 = arith.cmpf olt, %gather3A_1661, %select_n3A_1625 : vector<16xf32>
    %eq3A_1673 = arith.cmpf oeq, %gather3A_1661, %select_n3A_1625 : vector<16xf32>
    %lt3A_1674 = arith.cmpi slt, %gather3A_1671, %select_n3A_1626 : vector<16xi32>
    %and3A_1675 = arith.andi %eq3A_1673, %lt3A_1674 : vector<16xi1>
    %or3A_1676 = arith.ori %lt3A_1672, %and3A_1675 : vector<16xi1>
    %select_n3A_1677 = arith.select %or3A_1676, %gather3A_1661, %select_n3A_1625 : vector<16xi1>, vector<16xf32>
    %select_n3A_1678 = arith.select %or3A_1676, %gather3A_1671, %select_n3A_1626 : vector<16xi1>, vector<16xi32>
    %add3A_1679 = arith.constant 4 : i32
    %add3A_1680 = vector.broadcast %add3A_1679 : i32 to vector<16xi32>
    %add3A_1681 = arith.addi %iota3A, %add3A_1680 : vector<16xi32>
    %jit3A_1682 = arith.constant 16 : i32
    %eq3A_1683 = arith.constant 0 : i32
    %eq3A_1684 = arith.cmpi eq, %jit3A_1682, %eq3A_1683 : i32
    %jit3A_1685 = arith.constant 1 : i32
    %select_n3A_1686 = arith.select %eq3A_1684, %jit3A_1685, %jit3A_1682 : i32
    %rem3A_1687 = vector.broadcast %select_n3A_1686 : i32 to vector<16xi32>
    %rem3A_1688 = arith.remsi %add3A_1681, %rem3A_1687 : vector<16xi32>
    %ne3A_1689 = arith.constant 0 : i32
    %ne3A_1690 = vector.broadcast %ne3A_1689 : i32 to vector<16xi32>
    %ne3A_1691 = arith.cmpi ne, %rem3A_1688, %ne3A_1690 : vector<16xi32>
    %lt3A_1692 = arith.constant 0 : i32
    %lt3A_1693 = vector.broadcast %lt3A_1692 : i32 to vector<16xi32>
    %lt3A_1694 = arith.cmpi slt, %rem3A_1688, %lt3A_1693 : vector<16xi32>
    %lt3A_1695 = arith.constant 0 : i32
    %lt3A_1696 = arith.cmpi slt, %select_n3A_1686, %lt3A_1695 : i32
    %ne3A_1697 = vector.broadcast %lt3A_1696 : i1 to vector<16xi1>
    %ne3A_1698 = vector.broadcast %ne3A_1697 : vector<16xi1> to vector<16xi1>
    %ne3A_1699 = arith.xori %lt3A_1694, %ne3A_1698 : vector<16xi1>
    %and3A_1700 = arith.andi %ne3A_1699, %ne3A_1691 : vector<16xi1>
    %add3A_1701 = vector.broadcast %select_n3A_1686 : i32 to vector<16xi32>
    %add3A_1702 = arith.addi %rem3A_1688, %add3A_1701 : vector<16xi32>
    %select_n3A_1703 = arith.select %and3A_1700, %add3A_1702, %rem3A_1688 : vector<16xi1>, vector<16xi32>
    %lt3A_1704 = arith.constant 0 : i32
    %lt3A_1705 = vector.broadcast %lt3A_1704 : i32 to vector<16xi32>
    %lt3A_1706 = arith.cmpi slt, %select_n3A_1703, %lt3A_1705 : vector<16xi32>
    %add3A_1707 = arith.constant 16 : i32
    %add3A_1708 = vector.broadcast %add3A_1707 : i32 to vector<16xi32>
    %add3A_1709 = arith.addi %select_n3A_1703, %add3A_1708 : vector<16xi32>
    %select_n3A_1710 = arith.select %lt3A_1706, %add3A_1709, %select_n3A_1703 : vector<16xi1>, vector<16xi32>
    %broadcast_in_dim3A_1711 = vector.shape_cast %select_n3A_1710 : vector<16xi32> to vector<16x1xi32>
    %gather3A_1712 = vector.shape_cast %broadcast_in_dim3A_1711 : vector<16x1xi32> to vector<16xi32>
    %gather3A_1713 = tpu.dynamic_gather %select_n3A_1677[%gather3A_1712] in [0] : vector<16xf32>, vector<16xi32> -> vector<16xf32>
    %lt3A_1714 = arith.constant 0 : i32
    %lt3A_1715 = vector.broadcast %lt3A_1714 : i32 to vector<16xi32>
    %lt3A_1716 = arith.cmpi slt, %select_n3A_1703, %lt3A_1715 : vector<16xi32>
    %add3A_1717 = arith.constant 16 : i32
    %add3A_1718 = vector.broadcast %add3A_1717 : i32 to vector<16xi32>
    %add3A_1719 = arith.addi %select_n3A_1703, %add3A_1718 : vector<16xi32>
    %select_n3A_1720 = arith.select %lt3A_1716, %add3A_1719, %select_n3A_1703 : vector<16xi1>, vector<16xi32>
    %broadcast_in_dim3A_1721 = vector.shape_cast %select_n3A_1720 : vector<16xi32> to vector<16x1xi32>
    %gather3A_1722 = vector.shape_cast %broadcast_in_dim3A_1721 : vector<16x1xi32> to vector<16xi32>
    %gather3A_1723 = tpu.dynamic_gather %select_n3A_1678[%gather3A_1722] in [0] : vector<16xi32>, vector<16xi32> -> vector<16xi32>
    %lt3A_1724 = arith.cmpf olt, %gather3A_1713, %select_n3A_1677 : vector<16xf32>
    %eq3A_1725 = arith.cmpf oeq, %gather3A_1713, %select_n3A_1677 : vector<16xf32>
    %lt3A_1726 = arith.cmpi slt, %gather3A_1723, %select_n3A_1678 : vector<16xi32>
    %and3A_1727 = arith.andi %eq3A_1725, %lt3A_1726 : vector<16xi1>
    %or3A_1728 = arith.ori %lt3A_1724, %and3A_1727 : vector<16xi1>
    %select_n3A_1729 = arith.select %or3A_1728, %gather3A_1713, %select_n3A_1677 : vector<16xi1>, vector<16xf32>
    %select_n3A_1730 = arith.select %or3A_1728, %gather3A_1723, %select_n3A_1678 : vector<16xi1>, vector<16xi32>
    %add3A_1731 = arith.constant 8 : i32
    %add3A_1732 = vector.broadcast %add3A_1731 : i32 to vector<16xi32>
    %add3A_1733 = arith.addi %iota3A, %add3A_1732 : vector<16xi32>
    %jit3A_1734 = arith.constant 16 : i32
    %eq3A_1735 = arith.constant 0 : i32
    %eq3A_1736 = arith.cmpi eq, %jit3A_1734, %eq3A_1735 : i32
    %jit3A_1737 = arith.constant 1 : i32
    %select_n3A_1738 = arith.select %eq3A_1736, %jit3A_1737, %jit3A_1734 : i32
    %rem3A_1739 = vector.broadcast %select_n3A_1738 : i32 to vector<16xi32>
    %rem3A_1740 = arith.remsi %add3A_1733, %rem3A_1739 : vector<16xi32>
    %ne3A_1741 = arith.constant 0 : i32
    %ne3A_1742 = vector.broadcast %ne3A_1741 : i32 to vector<16xi32>
    %ne3A_1743 = arith.cmpi ne, %rem3A_1740, %ne3A_1742 : vector<16xi32>
    %lt3A_1744 = arith.constant 0 : i32
    %lt3A_1745 = vector.broadcast %lt3A_1744 : i32 to vector<16xi32>
    %lt3A_1746 = arith.cmpi slt, %rem3A_1740, %lt3A_1745 : vector<16xi32>
    %lt3A_1747 = arith.constant 0 : i32
    %lt3A_1748 = arith.cmpi slt, %select_n3A_1738, %lt3A_1747 : i32
    %ne3A_1749 = vector.broadcast %lt3A_1748 : i1 to vector<16xi1>
    %ne3A_1750 = vector.broadcast %ne3A_1749 : vector<16xi1> to vector<16xi1>
    %ne3A_1751 = arith.xori %lt3A_1746, %ne3A_1750 : vector<16xi1>
    %and3A_1752 = arith.andi %ne3A_1751, %ne3A_1743 : vector<16xi1>
    %add3A_1753 = vector.broadcast %select_n3A_1738 : i32 to vector<16xi32>
    %add3A_1754 = arith.addi %rem3A_1740, %add3A_1753 : vector<16xi32>
    %select_n3A_1755 = arith.select %and3A_1752, %add3A_1754, %rem3A_1740 : vector<16xi1>, vector<16xi32>
    %lt3A_1756 = arith.constant 0 : i32
    %lt3A_1757 = vector.broadcast %lt3A_1756 : i32 to vector<16xi32>
    %lt3A_1758 = arith.cmpi slt, %select_n3A_1755, %lt3A_1757 : vector<16xi32>
    %add3A_1759 = arith.constant 16 : i32
    %add3A_1760 = vector.broadcast %add3A_1759 : i32 to vector<16xi32>
    %add3A_1761 = arith.addi %select_n3A_1755, %add3A_1760 : vector<16xi32>
    %select_n3A_1762 = arith.select %lt3A_1758, %add3A_1761, %select_n3A_1755 : vector<16xi1>, vector<16xi32>
    %broadcast_in_dim3A_1763 = vector.shape_cast %select_n3A_1762 : vector<16xi32> to vector<16x1xi32>
    %gather3A_1764 = vector.shape_cast %broadcast_in_dim3A_1763 : vector<16x1xi32> to vector<16xi32>
    %gather3A_1765 = tpu.dynamic_gather %select_n3A_1729[%gather3A_1764] in [0] : vector<16xf32>, vector<16xi32> -> vector<16xf32>
    %lt3A_1766 = arith.constant 0 : i32
    %lt3A_1767 = vector.broadcast %lt3A_1766 : i32 to vector<16xi32>
    %lt3A_1768 = arith.cmpi slt, %select_n3A_1755, %lt3A_1767 : vector<16xi32>
    %add3A_1769 = arith.constant 16 : i32
    %add3A_1770 = vector.broadcast %add3A_1769 : i32 to vector<16xi32>
    %add3A_1771 = arith.addi %select_n3A_1755, %add3A_1770 : vector<16xi32>
    %select_n3A_1772 = arith.select %lt3A_1768, %add3A_1771, %select_n3A_1755 : vector<16xi1>, vector<16xi32>
    %broadcast_in_dim3A_1773 = vector.shape_cast %select_n3A_1772 : vector<16xi32> to vector<16x1xi32>
    %gather3A_1774 = vector.shape_cast %broadcast_in_dim3A_1773 : vector<16x1xi32> to vector<16xi32>
    %gather3A_1775 = tpu.dynamic_gather %select_n3A_1730[%gather3A_1774] in [0] : vector<16xi32>, vector<16xi32> -> vector<16xi32>
    %lt3A_1776 = arith.cmpf olt, %gather3A_1765, %select_n3A_1729 : vector<16xf32>
    %eq3A_1777 = arith.cmpf oeq, %gather3A_1765, %select_n3A_1729 : vector<16xf32>
    %lt3A_1778 = arith.cmpi slt, %gather3A_1775, %select_n3A_1730 : vector<16xi32>
    %and3A_1779 = arith.andi %eq3A_1777, %lt3A_1778 : vector<16xi1>
    %or3A_1780 = arith.ori %lt3A_1776, %and3A_1779 : vector<16xi1>
    %select_n3A_1781 = arith.select %or3A_1780, %gather3A_1765, %select_n3A_1729 : vector<16xi1>, vector<16xf32>
    %select_n3A_1782 = arith.select %or3A_1780, %gather3A_1775, %select_n3A_1730 : vector<16xi1>, vector<16xi32>
    %eq3A_1783 = arith.constant 3 : i32
    %eq3A_1784 = vector.broadcast %eq3A_1783 : i32 to vector<16xi32>
    %eq3A_1785 = arith.cmpi eq, %iota3A, %eq3A_1784 : vector<16xi32>
    %select_n3A_1786 = arith.select %eq3A_1785, %select_n3A_1782, %select_n3A_1346 : vector<16xi1>, vector<16xi32>
    %swap3A = arith.constant 0 : index
    %swap3A_1787 = tpu.vector_load %arg6[%swap3A] {strides = array<i32>} : memref<16xi32, #tpu.memory_space<vmem>>, vector<16xi32>,
    %swap3A_1788 = vector.shape_cast %swap3A_1787 : vector<16xi32> to vector<16xi32>
    %swap3A_1789 = vector.shape_cast %select_n3A_1786 : vector<16xi32> to vector<16xi32>
    tpu.vector_store %arg6[%swap3A], %swap3A_1789 {strides = array<i32>} : memref<16xi32, #tpu.memory_space<vmem>>, vector<16xi32>,
    "tpu.region"() ({
      %run_scoped3A = tpu.sem_alloc : memref<!tpu.dma_semaphore, #tpu.memory_space<semaphore_mem>>
      %dma_start3A_1790 = arith.constant 0 : i32
      %dma_start3A_1791 = tpu.memref_slice %arg3[%add3A, %dma_start3A_1790] : memref<32x16xi32, #tpu.memory_space<hbm>> -> memref<1x16xi32, #tpu.memory_space<hbm>>
      %dma_start3A_1792 = tpu.memref_squeeze %dma_start3A_1791 : memref<1x16xi32, #tpu.memory_space<hbm>> -> memref<16xi32, #tpu.memory_space<hbm>>
      %dma_start3A_1793 = arith.constant 0 : i32
      %dma_start3A_1794 = tpu.memref_slice %arg3[%add3A, %dma_start3A_1793] : memref<32x16xi32, #tpu.memory_space<hbm>> -> memref<1x16xi32, #tpu.memory_space<hbm>>
      %dma_start3A_1795 = tpu.memref_squeeze %dma_start3A_1794 : memref<1x16xi32, #tpu.memory_space<hbm>> -> memref<16xi32, #tpu.memory_space<hbm>>
      tpu.enqueue_dma source(%arg6 : memref<16xi32, #tpu.memory_space<vmem>>) target(%dma_start3A_1795 : memref<16xi32, #tpu.memory_space<hbm>>) target_semaphore(%run_scoped3A : memref<!tpu.dma_semaphore, #tpu.memory_space<semaphore_mem>>)
      %dma_wait3A_1796 = arith.constant 0 : i32
      %dma_wait3A_1797 = tpu.memref_slice %arg3[%add3A, %dma_wait3A_1796] : memref<32x16xi32, #tpu.memory_space<hbm>> -> memref<1x16xi32, #tpu.memory_space<hbm>>
      %dma_wait3A_1798 = tpu.memref_squeeze %dma_wait3A_1797 : memref<1x16xi32, #tpu.memory_space<hbm>> -> memref<16xi32, #tpu.memory_space<hbm>>
      %dma_wait3A_1799 = arith.constant 0 : i32
      %dma_wait3A_1800 = tpu.memref_slice %arg3[%add3A, %dma_wait3A_1799] : memref<32x16xi32, #tpu.memory_space<hbm>> -> memref<1x16xi32, #tpu.memory_space<hbm>>
      %dma_wait3A_1801 = tpu.memref_squeeze %dma_wait3A_1800 : memref<1x16xi32, #tpu.memory_space<hbm>> -> memref<16xi32, #tpu.memory_space<hbm>>
      tpu.wait_dma2 semaphore(%run_scoped3A : memref<!tpu.dma_semaphore, #tpu.memory_space<semaphore_mem>>) src(%arg6 : memref<16xi32, #tpu.memory_space<vmem>>) dst(%dma_wait3A_1801 : memref<16xi32, #tpu.memory_space<hbm>>)
      tpu.yield
    }) : () -> ()
    return
  }
}

</mosaic_0001>

<sc_bundles>
// kernel: kernel.3.cloned.1.call-start
scs
__scs_entry_jumppad:
0x0: {  	(pc) =	sbr.rel $0x88, $3  }
0x1: {  	(tag) =	ssettag $0x0;
	lr =	simm.s32 $0x1  }
0x2: {  	[smem:$0x3FA0] =	sst lr;
	_ =	strace $0xD0000000  }
0x3: {  	_ = 	snop  }
0x4: {  	_ = 	snop  }
0x5: {  	_ = 	snop  }
0x6: {  	_ = 	snop  }
0x7: {  	_ = 	snop  }
__scs_overlays_trampoline_lowered:
0x8: {  	[smem:$0x3FAF] =	sst s0  }
0x9: {  	[smem:$0x3FB0] =	sst s1  }
0xa: {  	[smem:$0x3FB1] =	sst s2  }
0xb: {  	[smem:$0x3FB2] =	sst s3  }
0xc: {  	[smem:$0x3FB3] =	sst s4  }
0xd: {  	[smem:$0x3FB4] =	sst s5  }
0xe: {  	[smem:$0x3FB5] =	sst s6  }
0xf: {  	[smem:$0x3FB6] =	sst s7  }
0x10: {  	[smem:$0x3FB7] =	sst s8  }
0x11: {  	[smem:$0x3FB8] =	sst s9;
	s0 =	simm.s32 @!p0 $0x0  }
0x12: {  	s1 =	sld [smem:$0x3F9E];
	s0 =	simm.s32 @p0 $0x1  }
0x13: {  	[smem:$0x3FB9] =	sst s0;
	s0 =	simm.s32 @!p1 $0x0  }
0x14: {  	s2 =	sld [smem:$0x3F9D];
	s0 =	simm.s32 @p1 $0x1  }
0x15: {  	[smem:$0x3FBA] =	sst s0;
	s0 =	simm.s32 @!p2 $0x0  }
0x16: {  	s3 =	sld [smem:$0x3FDB];
	s0 =	simm.s32 @p2 $0x1  }
0x17: {  	s4 =	simm.s32 $0x1BF5;
	[smem:$0x3FBC] =	sst s0  }
0x18: {  	s0 =	sld [smem:$0x3F9F];
	_ =	swait.ge [sflag:s4], $0x0  }
0x19: {  	s7 =	sld [smem:$0x3FA0]  }
0x1a: {  	s8 =	sadd.s32 $0xFFFFE003, lr  }
0x1b: {  	s9 =	sadd.s32 $0xFFFFFEF7, lr;
	s5 =	simm.s32 $0xFFFFFFFF;
	p2 =	slt.u32 s8, $0xFFFFF086  }
0x1c: {  	p1 =	slt.u32 s9, $0xF7A;
	s5 =	simm.s32 @!p2 $0x0  }
0x1d: {  	s5 =	simm.s32 @p1 $0x1;
	p0 =	seq.s32 s7, s2  }
0x1e: {  	s7 =	smul.u32 @!p0 $0xF7A, s2;
	p2 =	seq.s32 @!p0 s5, $0x0  }
0x1f: {  	s9 =	smul.u32 $0xF7A, s1;
	s8 =	simm.s32 @!p0 $0x1BF5;
	p2 =	por !p2, p0  }
0x20: {  	[sflag:s8] =	ssyncset.s32 @!p0 $0xFFFFF086;
	s6 =	sadd.s32 @!p0 s3, s7;
	s7 =	simm.s32 @!p0 $0x108  }
0x21: {  	s3 =	sadd.s32 s3, s9;
	s6 =	sadd.s32 @!p0 $0x88, s6;
	s7 =	simm.s32 @p2 $0x1082  }
0x22: {  	[simem:s7], [sflag:s8] =	dma.local @!p0 [hbm:s6], $0xF7A  }
0x23: {  	s9 =	sor.u32 $0xD0000000, s2;
	s6 =	simm.s32 $0x108;
	_ =	swait.ge @!p0 [sflag:s8], $0x0  }
0x24: {  	s3 =	sadd.s32 $0x88, s3;
	s6 =	simm.s32 @!p1 $0x1082;
	[sflag:s4] =	ssyncset.s32 $0xFFFFF086  }
0x25: {  	[simem:s6], [sflag:s4] =	dma.local [hbm:s3], $0xF7A  }
0x26: {  	[smem:$0x3FA0] =	sst s1;
	(tag) =	ssettag s2;
	_ =	strace s9  }
0x27: {  	s1 =	sld [smem:$0x3FB0]  }
0x28: {  	s2 =	sld [smem:$0x3FB1]  }
0x29: {  	s4 =	sld [smem:$0x3FB3]  }
0x2a: {  	p0 =	seq.s32 s5, $0x0;
	s5 =	sld [smem:$0x3FB4]  }
0x2b: {  	s6 =	sld [smem:$0x3FB5]  }
0x2c: {  	s7 =	sld [smem:$0x3FB6]  }
0x2d: {  	s3 =	simm.s32 $0x108;
	s8 =	sld [smem:$0x3FB7]  }
0x2e: {  	s3 =	simm.s32 @!p0 $0x1082;
	s9 =	sld [smem:$0x3FB8]  }
0x2f: {  	lr =	sadd.s32 s0, s3;
	s0 =	sld [smem:$0x3FAF]  }
0x30: {  	s3 =	sld [smem:$0x3FB2]  }
0x31: {  	[smem:$0x3FBB] =	sst s10  }
0x32: {  	s10 =	sld [smem:$0x3FB9];
	_ =	sdelay $0x3  }
0x33: {  	p0 =	seq.s32 s10, $0x1;
	s10 =	sld [smem:$0x3FBB];
	_ =	sdelay $0x3  }
0x34: {  	[smem:$0x3FBB] =	sst s10  }
0x35: {  	s10 =	sld [smem:$0x3FBA];
	_ =	sdelay $0x3  }
0x36: {  	p1 =	seq.s32 s10, $0x1;
	s10 =	sld [smem:$0x3FBB];
	_ =	sdelay $0x3  }
0x37: {  	[smem:$0x3FBB] =	sst s10  }
0x38: {  	s10 =	sld [smem:$0x3FBC]  }
0x39: {  	_ = 	snop;
	(pc) =	sbr.ind lr, $3  }
0x3a: {  	_ = 	snop  }
0x3b: {  	_ = 	snop  }
0x3c: {  	p2 =	seq.s32 s10, $0x1;
	s10 =	sld [smem:$0x3FBB]  }
0x3d: {  	_ =	shalt  }
0x3e: {  	_ =	shalt  }
0x3f: {  	_ =	shalt  }
0x40: {  	_ =	shalt  }
0x41: {  	_ =	shalt  }
0x42: {  	_ =	shalt  }
0x43: {  	_ =	shalt  }
0x44: {  	_ =	shalt  }
0x45: {  	_ =	shalt  }
0x46: {  	_ =	shalt  }
0x47: {  	_ =	shalt  }
0x48: {  	_ =	shalt  }
0x49: {  	_ =	shalt  }
0x4a: {  	_ =	shalt  }
0x4b: {  	_ =	shalt  }
0x4c: {  	_ =	shalt  }
0x4d: {  	_ =	shalt  }
0x4e: {  	_ =	shalt  }
0x4f: {  	_ =	shalt  }
0x50: {  	_ =	shalt  }
0x51: {  	_ =	shalt  }
0x52: {  	_ =	shalt  }
0x53: {  	_ =	shalt  }
0x54: {  	_ =	shalt  }
0x55: {  	_ =	shalt  }
0x56: {  	_ =	shalt  }
0x57: {  	_ =	shalt  }
0x58: {  	_ =	shalt  }
0x59: {  	_ =	shalt  }
0x5a: {  	_ =	shalt  }
0x5b: {  	_ =	shalt  }
0x5c: {  	_ =	shalt  }
0x5d: {  	_ =	shalt  }
0x5e: {  	_ =	shalt  }
0x5f: {  	_ =	shalt  }
0x60: {  	_ =	shalt  }
0x61: {  	_ =	shalt  }
0x62: {  	_ =	shalt  }
0x63: {  	_ =	shalt  }
0x64: {  	_ =	shalt  }
0x65: {  	_ =	shalt  }
0x66: {  	_ =	shalt  }
0x67: {  	_ =	shalt  }
0x68: {  	_ =	shalt  }
0x69: {  	_ =	shalt  }
0x6a: {  	_ =	shalt  }
0x6b: {  	_ =	shalt  }
0x6c: {  	_ =	shalt  }
0x6d: {  	_ =	shalt  }
0x6e: {  	_ =	shalt  }
0x6f: {  	_ =	shalt  }
0x70: {  	_ =	shalt  }
0x71: {  	_ =	shalt  }
0x72: {  	_ =	shalt  }
0x73: {  	_ =	shalt  }
0x74: {  	_ =	shalt  }
0x75: {  	_ =	shalt  }
0x76: {  	_ =	shalt  }
0x77: {  	_ =	shalt  }
0x78: {  	_ =	shalt  }
0x79: {  	_ =	shalt  }
0x7a: {  	_ =	shalt  }
0x7b: {  	_ =	shalt  }
0x7c: {  	_ =	shalt  }
0x7d: {  	_ =	shalt  }
0x7e: {  	_ =	shalt  }
0x7f: {  	_ =	shalt  }
0x80: {  	_ =	shalt  }
0x81: {  	_ =	shalt  }
0x82: {  	_ =	shalt  }
0x83: {  	_ =	shalt  }
0x84: {  	_ =	shalt  }
0x85: {  	_ =	shalt  }
0x86: {  	_ =	shalt  }
0x87: {  	_ =	shalt  }
.Lfunc_end0:
.L_simem_size_0:
called_computation_lowered:
.L_overlay_start_0:
0x88: {  	s2 =	sld [smem:$0x3FD9]  }
0x89: {  	s3 =	sld [smem:$0x3FFE];
	_ =	sdelay $0x1  }
0x8a: {  	s1 =	srdreg.scid  }
0x8b: {  	s0 =	sand.u32 $0x1, s1  }
0x8c: {  	s16 =	sshll.u32 s0, $0xA;
	s2 =	sadd.s32 s3, s2  }
0x8d: {  	s2 =	sadd.s32 s2, s16  }
0x8e: {  	[smem:$0x3FC7] =	sst s2  }
0x8f: {  	_ = 	snop  }
0x90: {  	(tm) =	ssettm $0x1  }
0x91: {  	s17 =	sld [smem:$0x3FFB];
	_ =	sdelay $0x3  }
0x92: {  	_ =	strace s17  }
0x93: {  	s2 =	sld [smem:$0x3FFC];
	_ =	sdelay $0x3  }
0x94: {  	_ =	strace s2  }
0x95: {  	s2 =	sld [smem:$0x3FFD];
	_ =	sdelay $0x3  }
0x96: {  	_ =	strace s2  }
0x97: {  	_ =	strace $0x8FFFFFFF  }
0x98: {  	s18 =	sld [smem:$0x3FDB];
	_ =	sdelay $0x1  }
0x99: {  	s19 =	simm.s32 $_scs_section_size  }
0x9a: {  	s4 =	simm.s32 $_size__tile_overlayer_lowered;
	s5 =	simm.s32 $_tile_overlayer_lowered  }
0x9b: {  	s22 =	simm.s32 $0x1BFF;
	s21 =	sshll.u32 s5, $0x1;
	s2 =	sadd.s32 s19, s18  }
0x9c: {  	s6 =	simm.s32 $0x0;
	s20 =	sshll.u32 s4, $0x1;
	s4 =	sadd.s32 s21, s2  }
0x9d: {  	[timem:s6], [sflag:s22] =	dma.local [hbm:s4], s20  }
0x9e: {  	_ =	swait.ge [sflag:s22], s20  }
0x9f: {  	s3 =	ssub.s32 $0x0, s20;
	[sflag:s22] =	ssyncset.done $0x0  }
0xa0: {  	[sflag:s22] =	ssyncadd.s32 s3;
	_ =	sdelay $0x1  }
0xa1: {  	s23 =	simm.s32 $0x1B8B  }
0xa2: {  	_ =	swait.ge [sflag:s23], $0x1  }
0xa3: {  	[sflag:s23] =	ssyncset.done $0x0  }
0xa4: {  	s25 =	simm.s32 $0x1B8E;
	s24 =	sld [smem:$0x3FFE];
	[sflag:s23] =	ssyncadd.s32 $0xFFFFFFFF  }
0xa5: {  	s26 =	simm.s32 $execute0_lowered;
	[smem:$0x3FD2] =	sst s25  }
0xa6: {  	s4 =	sshll.u32 s26, $0x1;
	_ =	strace $0x80000046;
	[dreg:$0x1] =	wrdreg $0xFFFFFFFF  }
0xa7: {  	s28 =	simm.s32 $_size_execute0_lowered;
	s2 =	sadd.s32 s2, s4;
	[dreg:$0x0] =	wrdreg $0x0  }
0xa8: {  	s4 =	sshll.u32 s28, $0x1;
	[dreg:$0x2] =	wrdreg s2  }
0xa9: {  	[dreg:$0x3] =	wrdreg s4  }
0xaa: {  	[dreg:$0x4] =	wrdreg $0xC0  }
0xab: {  	_ =	task [dreg:s6], $0x5FFFF  }
0xac: {  	[dreg:$0x1] =	wrdreg $0xFFFFFFFF  }
0xad: {  	[dreg:$0x0] =	wrdreg $0x60  }
0xae: {  	[dreg:$0x2] =	wrdreg s24  }
0xaf: {  	[dreg:$0x3] =	wrdreg $0x9  }
0xb0: {  	_ =	task.clear_ibuf [dreg:s6], $0x4FFFF;
	_ =	strace $0x90000046  }
0xb1: {  	s29 =	simm.s32 $0x9;
	_ =	strace $0x80000048  }
0xb2: {  	_ =	swait.ge [sflag:s29], $0x1  }
0xb3: {  	[sflag:s29] =	ssyncadd.s32 $0xFFFFFFFF  }
0xb4: {  	_ =	strace $0x90000048  }
0xb5: {  	_ =	sfence  }
0xb6: {  	s30 =	sld [smem:$0x0];
	_ =	sdelay $0x2  }
0xb7: {  	s31 =	sshll.u32 s1, $0xD;
	s1 =	sshrl.u32 s1, $0x2  }
0xb8: {  	s3 =	sand.u32 $0x4000, s31;
	s1 =	sadd.s32 s1, s30  }
0xb9: {  	s0 =	sor.u32 s3, s0;
	s1 =	sshll.u32 s1, $0x11  }
0xba: {  	s0 =	sor.u32 s1, s0  }
0xbb: {  	s0 =	sadd.s32 $0x8F2B, s0  }
0xbc: {  	[sflag:s0] =	ssyncadd.remote.s32 $0x1  }
0xbd: {  	_ =	sfence.sel $0xFFFF  }
0xbe: {  	[dreg:$0x0] =	wrdreg $0xFFFFFFFF;
	(pc) =	sbr.abs _section_cstart, $3  }
0xbf: {  	[dreg:$0x1] =	wrdreg $0xFFFFFFFF  }
0xc0: {  	_ =	task.clear_ibuf [dreg:s6], $0x2FFFF;
	_ =	strace $0x9FFFFFFF  }
0xc1: {  	(tm) =	ssettm $0x7FFFFFFF  }
tec
execute0_lowered:
.L_overlay_start_1:
0x0: {  	(tag) =	ssettag $0x1  }
0x1: {  	s3 =	rddreg [dreg:$0x0]  }
0x2: {  	s0 =	rddreg [dreg:$0x1]  }
0x3: {  	v0 =	vimm.s32 $0xFEDCBA9;
	s2 =	simm.s32 $0x0;
	s4 =	srdreg.scid;
	s1 =	stileid.u32;
	v1 =	vimm.s32 $0x87654321;
	v2 =	vimm.s32 $0x10FEDCBA  }
0x4: {  	v3 =	vimm.s32 $0x98765432;
	v4 =	vimm.s32 $0x3210FEDC;
	s21 =	simm.s32 $0x1;
	s22 =	simm.s32 $0x2000;
	s23 =	simm.s32 $0x2  }
0x5: {  	v5 =	vimm.s32 $0xBA987654;
	v6 =	vimm.s32 $0xFEDCBA98;
	s24 =	simm.s32 $0x4000;
	s25 =	simm.s32 $0x3;
	s26 =	simm.s32 $0x0  }
0x6: {  	v7 =	vimm.s32 $0x76543210;
	vm0 =	vcmask $0x310;
	[smem:$0x7FF] =	sst s2;
	s4 =	sand.u32 $0x1, s4;
	s5 =	sshll.u32 s1, $0x1  }
0x7: {  	vm1 =	vcmask $0x710;
	v0 =	vunpack.c.l.s4.s8 v0;
	v1 =	vunpack.c.l.s4.s8 v1;
	_ =	strace $0x80000047;
	s5 =	sor.u32 s4, s5;
	s4 =	ssub.s32 $0x2, s4  }
0x8: {  	v2 =	vunpack.c.l.s4.s8 v2;
	v3 =	vunpack.c.l.s4.s8 v3;
	v4 =	vunpack.c.l.s4.s8 v4;
	s6 =	sshll.u32 s5, $0xE;
	s5 =	sshll.u32 s5, $0x4;
	s7 =	sshrl.u32 s4, $0x1  }
0x9: {  	v5 =	vunpack.c.l.s4.s8 v5;
	v6 =	vunpack.c.l.s4.s8 v6;
	v7 =	vunpack.c.l.s4.s8 v7;
	s18 =	sadd.s32 s6, s3;
	s19 =	sadd.s32 s5, s3;
	s20 =	ssub.s32 s4, s7  }
0xa: {  	v0 =	vunpack.c.0.s8.s32 v0;
	v1 =	vunpack.c.0.s8.s32 v1;
	v2 =	vunpack.c.0.s8.s32 v2;
	s3 =	sadd.s32 $0x400, s18;
	s4 =	sadd.s32 $0x800, s18;
	s5 =	sadd.s32 $0xC00, s18  }
0xb: {  	v3 =	vunpack.c.0.s8.s32 v3;
	v4 =	vunpack.c.0.s8.s32 v4;
	v5 =	vunpack.c.0.s8.s32 v5;
	s6 =	sadd.s32 $0x1000, s18;
	s7 =	sadd.s32 $0x1400, s18;
	s8 =	sadd.s32 $0x1800, s18  }
0xc: {  	vm2 =	vcmask $0xB10;
	v6 =	vunpack.c.0.s8.s32 v6;
	s9 =	sadd.s32 $0x1C00, s18;
	s10 =	sadd.s32 $0x2000, s18;
	s11 =	sadd.s32 $0x2400, s18;
	v1 =	vcombine.low v1, v0  }
0xd: {  	s12 =	sadd.s32 $0x2800, s18;
	s13 =	sadd.s32 $0x2C00, s18;
	s14 =	sadd.s32 $0x3000, s18;
	v2 =	vcombine.low v3, v2;
	v3 =	vcombine.low v5, v4;
	v4 =	vunpack.c.0.s8.s32 v7  }
0xe: {  	s15 =	sadd.s32 $0x3400, s18;
	s16 =	sadd.s32 $0x3800, s18;
	s17 =	sadd.s32 $0x3C00, s18;
	v0 =	vlaneseq.u32;
	v5 =	vand.u32 $0xF, v6;
	v1 =	vand.u32 $0xF, v1  }
0xf: {  	s18 =	sadd.s32 $0x4000, s18;
	s19 =	sadd.s32 $0x80400, s19;
	s20 =	smax.u32 s20, $0x1;
	v2 =	vand.u32 $0xF, v2;
	v3 =	vand.u32 $0xF, v3;
	v4 =	vcombine.low v5, v4  }
.LBB2_1:
0x10: {  	[tilespmem:s2], [sflag:$0x1] =	stream.linear.gather [hbm4b:s3+s2], $0x2000, $0x38;
	[tilespmem:$0x4080] =	vst v63  }
0x11: {  	_ =	swait.ge [sflag:s21], $0x2000  }
0x12: {  	[sflag:s21] =	ssyncset.done $0x0  }
0x13: {  	s28 =	simm.s32 $0x0;
	[sflag:s21] =	ssyncadd.s32 $0xFFFFE000  }
0x14: {  	[tilespmem:s22], [sflag:$0x2] =	stream.linear.gather [hbm4b:s4+s2], $0x2000, $0x38;
	[tilespmem:$0x4080] =	vst v63  }
0x15: {  	v6 =	vld [tilespmem:s28+$0x0]  }
0x16: {  	v7 =	vld [tilespmem:s28+$0x10]  }
0x17: {  	v9 =	vld [tilespmem:s28+$0x20]  }
0x18: {  	v10 =	vld [tilespmem:s28+$0x30]  }
0x19: {  	v11 =	vld [tilespmem:s28+$0x40]  }
0x1a: {  	v12 =	vld [tilespmem:s28+$0x50]  }
0x1b: {  	v13 =	vld [tilespmem:s28+$0x60];
	_ =	sdelay $0x1  }
0x1c: {  	v14 =	vimm.f32 $+Inf;
	v5 =	vimm.s32 $0x0;
	v15 =	vld [tilespmem:s28+$0x70]  }
0x1d: {  	v28 =	vimm.s32 $0x0;
	s28 =	simm.s32 $0x80;
	vm3 =	vlt.f32 v6, v14;
	vm4 =	vlt.f32 v7, v14  }
0x1e: {  	v21 =	vld [tilespmem:s28+$0x0];
	vm5 =	vlt.f32 v9, v14;
	vm6 =	vlt.f32 v10, v14;
	vm7 =	vlt.f32 v11, v14  }
0x1f: {  	v23 =	vld [tilespmem:s28+$0x10];
	vm8 =	vlt.f32 v12, v14;
	vm9 =	vlt.f32 v13, v14;
	v6 =	vsel vm3, v6, v14  }
0x20: {  	v22 =	vld [tilespmem:s28+$0x20];
	v8 =	vsel vm3, v5, v5;
	v7 =	vsel vm4, v7, v14;
	v9 =	vsel vm5, v9, v14  }
0x21: {  	v24 =	vld [tilespmem:s28+$0x30];
	v10 =	vsel vm6, v10, v14;
	v11 =	vsel vm7, v11, v14;
	vm3 =	vlt.f32 v15, v14  }
0x22: {  	v26 =	vld [tilespmem:s28+$0x40];
	v12 =	vsel vm8, v12, v14;
	v13 =	vsel vm9, v13, v14;
	v16 =	vsel vm5, v5, v5  }
0x23: {  	v25 =	vld [tilespmem:s28+$0x50];
	v17 =	vsel vm6, v5, v5;
	v18 =	vsel vm7, v5, v5;
	v19 =	vsel vm8, v5, v5  }
0x24: {  	s29 =	simm.s32 $0x400;
	v27 =	vld [tilespmem:s28+$0x60];
	v20 =	vsel vm9, v5, v5;
	v14 =	vsel vm3, v15, v14;
	v15 =	vsel vm4, v5, v5  }
.LBB2_2:
0x25: {  	p0 =	sne.s32 s29, $0x7E00;
	v29 =	vld [tilespmem:s28+$0x70];
	v28 =	vsel vm3, v5, v28  }
0x26: {  	s28 =	sshra.s32 s29, $0x2;
	vm3 =	vlt.f32 v21, v6;
	vm4 =	vlt.f32 v23, v7;
	v5 =	vadd.s32 $0x1, v5  }
0x27: {  	v6 =	vsel vm3, v21, v6;
	v8 =	vsel vm3, v5, v8;
	v7 =	vsel vm4, v23, v7;
	v21 =	vld [tilespmem:s28+$0x0]  }
0x28: {  	vm5 =	vlt.f32 v22, v9;
	vm6 =	vlt.f32 v24, v10;
	vm7 =	vlt.f32 v26, v11;
	v23 =	vld [tilespmem:s28+$0x10]  }
.Ltmp0:
0x29: {  	v9 =	vsel vm5, v22, v9;
	v10 =	vsel vm6, v24, v10;
	v11 =	vsel vm7, v26, v11;
	v22 =	vld [tilespmem:s28+$0x20];
	(pc) =	sbr.rel @p0 .LBB2_2-.Ltmp0, $4  }
0x2a: {  	vm8 =	vlt.f32 v25, v12;
	vm9 =	vlt.f32 v27, v13;
	v24 =	vld [tilespmem:s28+$0x30];
	vm3 =	vlt.f32 v29, v14  }
0x2b: {  	v12 =	vsel vm8, v25, v12;
	v13 =	vsel vm9, v27, v13;
	v26 =	vld [tilespmem:s28+$0x40];
	v14 =	vsel vm3, v29, v14  }
0x2c: {  	v15 =	vsel vm4, v5, v15;
	v16 =	vsel vm5, v5, v16;
	v17 =	vsel vm6, v5, v17;
	v25 =	vld [tilespmem:s28+$0x50]  }
0x2d: {  	s29 =	sadd.s32 $0x200, s29;
	v18 =	vsel vm7, v5, v18;
	v19 =	vsel vm8, v5, v19;
	v20 =	vsel vm9, v5, v20;
	v27 =	vld [tilespmem:s28+$0x60]  }
0x2e: {  	v29 =	vld [tilespmem:s28+$0x70];
	_ =	swait.ge [sflag:s23], $0x2000  }
0x2f: {  	[sflag:s23] =	ssyncset.done $0x0  }
0x30: {  	s28 =	simm.s32 $0x0;
	[sflag:s23] =	ssyncadd.s32 $0xFFFFE000  }
0x31: {  	[tilespmem:s28], [sflag:$0x1] =	stream.linear.gather [hbm4b:s5+s28], $0x2000, $0x38;
	[tilespmem:$0x4080] =	vst v63  }
0x32: {  	v28 =	vsel vm3, v5, v28;
	vm3 =	vlt.f32 v21, v6;
	s28 =	simm.s32 $0x0  }
0x33: {  	vm4 =	vlt.f32 v23, v7;
	v5 =	vadd.s32 $0x1, v5;
	v21 =	vsel vm3, v21, v6;
	v30 =	vld [tilespmem:s28+$0x2000]  }
0x34: {  	v8 =	vsel vm3, v5, v8;
	v7 =	vsel vm4, v23, v7;
	vm3 =	vlt.f32 v22, v9;
	v23 =	vld [tilespmem:s28+$0x2010]  }
0x35: {  	vm6 =	vlt.f32 v26, v11;
	v9 =	vsel vm3, v22, v9;
	v22 =	vld [tilespmem:s28+$0x2020]  }
0x36: {  	v11 =	vsel vm6, v26, v11;
	vm7 =	vlt.f32 v25, v12;
	v26 =	vld [tilespmem:s28+$0x2030]  }
0x37: {  	vm5 =	vlt.f32 v24, v10;
	v12 =	vsel vm7, v25, v12;
	v25 =	vld [tilespmem:s28+$0x2040]  }
0x38: {  	v10 =	vsel vm5, v24, v10;
	v32 =	vsel vm3, v5, v16;
	v33 =	vsel vm5, v5, v17;
	v31 =	vld [tilespmem:s28+$0x2050]  }
0x39: {  	v34 =	vsel vm6, v5, v18;
	vm8 =	vlt.f32 v27, v13;
	v35 =	vld [tilespmem:s28+$0x2060];
	v36 =	vsel vm7, v5, v19  }
0x3a: {  	vm9 =	vlt.f32 v29, v14;
	v13 =	vsel vm8, v27, v13;
	v37 =	vsel vm8, v5, v20  }
0x3b: {  	v20 =	vld [tilespmem:s28+$0x2070];
	v14 =	vsel vm9, v29, v14;
	v29 =	vsel vm4, v5, v15;
	v6 =	vsel vm9, v5, v28  }
0x3c: {  	s28 =	simm.s32 $0x80;
	v5 =	vimm.s32 $0x40;
	vm3 =	vlt.f32 v30, v21;
	vm4 =	vlt.f32 v23, v7  }
0x3d: {  	v15 =	vld [tilespmem:s28+$0x2000];
	vm5 =	vlt.f32 v22, v9;
	vm12 =	vlt.f32 v26, v10;
	vm13 =	vlt.f32 v25, v11  }
0x3e: {  	v24 =	vld [tilespmem:s28+$0x2010];
	vm14 =	vlt.f32 v31, v12;
	vm15 =	vlt.f32 v35, v13;
	v16 =	vsel vm3, v30, v21  }
0x3f: {  	v17 =	vld [tilespmem:s28+$0x2020];
	v8 =	vsel vm3, v5, v8;
	v7 =	vsel vm4, v23, v7;
	v18 =	vsel vm5, v22, v9  }
0x40: {  	v27 =	vld [tilespmem:s28+$0x2040];
	v9 =	vsel vm12, v26, v10;
	v10 =	vsel vm13, v25, v11;
	vm3 =	vlt.f32 v20, v14  }
0x41: {  	v28 =	vld [tilespmem:s28+$0x2060];
	v19 =	vsel vm14, v31, v12;
	v11 =	vsel vm15, v35, v13;
	v13 =	vsel vm5, v5, v32  }
0x42: {  	v25 =	vld [tilespmem:s28+$0x2030];
	v23 =	vsel vm13, v5, v34;
	v21 =	vsel vm14, v5, v36;
	v22 =	vsel vm15, v5, v37  }
0x43: {  	s29 =	simm.s32 $0x400;
	v26 =	vld [tilespmem:s28+$0x2050];
	v12 =	vsel vm3, v20, v14;
	v20 =	vsel vm4, v5, v29;
	v14 =	vsel vm12, v5, v33  }
.LBB2_4:
0x44: {  	p0 =	sne.s32 s29, $0x7E00;
	v29 =	vld [tilespmem:s28+$0x2070];
	v6 =	vsel vm3, v5, v6  }
0x45: {  	s28 =	sshra.s32 s29, $0x2;
	vm3 =	vlt.f32 v15, v16;
	vm4 =	vlt.f32 v24, v7;
	v5 =	vadd.s32 $0x1, v5  }
0x46: {  	v16 =	vsel vm3, v15, v16;
	v8 =	vsel vm3, v5, v8;
	v7 =	vsel vm4, v24, v7;
	v15 =	vld [tilespmem:s28+$0x2000]  }
0x47: {  	vm5 =	vlt.f32 v17, v18;
	vm6 =	vlt.f32 v25, v9;
	vm7 =	vlt.f32 v27, v10;
	v24 =	vld [tilespmem:s28+$0x2010]  }
.Ltmp1:
0x48: {  	v18 =	vsel vm5, v17, v18;
	v9 =	vsel vm6, v25, v9;
	v10 =	vsel vm7, v27, v10;
	v17 =	vld [tilespmem:s28+$0x2020];
	(pc) =	sbr.rel @p0 .LBB2_4-.Ltmp1, $4  }
0x49: {  	vm8 =	vlt.f32 v26, v19;
	vm9 =	vlt.f32 v28, v11;
	v25 =	vld [tilespmem:s28+$0x2030];
	vm3 =	vlt.f32 v29, v12  }
0x4a: {  	v19 =	vsel vm8, v26, v19;
	v11 =	vsel vm9, v28, v11;
	v27 =	vld [tilespmem:s28+$0x2040];
	v12 =	vsel vm3, v29, v12  }
0x4b: {  	v20 =	vsel vm4, v5, v20;
	v13 =	vsel vm5, v5, v13;
	v14 =	vsel vm6, v5, v14;
	v26 =	vld [tilespmem:s28+$0x2050]  }
0x4c: {  	s29 =	sadd.s32 $0x200, s29;
	v23 =	vsel vm7, v5, v23;
	v21 =	vsel vm8, v5, v21;
	v22 =	vsel vm9, v5, v22;
	v28 =	vld [tilespmem:s28+$0x2060]  }
0x4d: {  	v29 =	vld [tilespmem:s28+$0x2070];
	_ =	swait.ge [sflag:s21], $0x2000  }
0x4e: {  	[sflag:s21] =	ssyncset.done $0x0  }
0x4f: {  	s28 =	simm.s32 $0x0;
	[sflag:s21] =	ssyncadd.s32 $0xFFFFE000  }
0x50: {  	[tilespmem:s22], [sflag:$0x2] =	stream.linear.gather [hbm4b:s6+s28], $0x2000, $0x38;
	[tilespmem:$0x4080] =	vst v63  }
0x51: {  	v6 =	vsel vm3, v5, v6;
	vm3 =	vlt.f32 v15, v16;
	s28 =	simm.s32 $0x0  }
0x52: {  	vm4 =	vlt.f32 v24, v7;
	v5 =	vadd.s32 $0x1, v5;
	v16 =	vsel vm3, v15, v16;
	v30 =	vld [tilespmem:s28+$0x0]  }
0x53: {  	v8 =	vsel vm3, v5, v8;
	v7 =	vsel vm4, v24, v7;
	vm3 =	vlt.f32 v17, v18;
	v24 =	vld [tilespmem:s28+$0x10]  }
0x54: {  	vm5 =	vlt.f32 v25, v9;
	v20 =	vsel vm4, v5, v20;
	vm6 =	vlt.f32 v27, v10;
	v31 =	vld [tilespmem:s28+$0x20]  }
0x55: {  	v18 =	vsel vm3, v17, v18;
	v9 =	vsel vm5, v25, v9;
	vm7 =	vlt.f32 v26, v19;
	v25 =	vld [tilespmem:s28+$0x30]  }
0x56: {  	v13 =	vsel vm3, v5, v13;
	v14 =	vsel vm5, v5, v14;
	v19 =	vsel vm7, v26, v19;
	v26 =	vld [tilespmem:s28+$0x40]  }
0x57: {  	v10 =	vsel vm6, v27, v10;
	v23 =	vsel vm6, v5, v23;
	vm8 =	vlt.f32 v28, v11  }
0x58: {  	v21 =	vsel vm7, v5, v21;
	v32 =	vld [tilespmem:s28+$0x70];
	vm9 =	vlt.f32 v29, v12;
	v11 =	vsel vm8, v28, v11  }
0x59: {  	v28 =	vld [tilespmem:s28+$0x50];
	v22 =	vsel vm8, v5, v22;
	v12 =	vsel vm9, v29, v12;
	v6 =	vsel vm9, v5, v6  }
0x5a: {  	v29 =	vld [tilespmem:s28+$0x60];
	v5 =	vimm.s32 $0x80;
	s28 =	simm.s32 $0x80;
	vm3 =	vlt.f32 v30, v16;
	vm4 =	vlt.f32 v24, v7  }
0x5b: {  	v15 =	vld [tilespmem:s28+$0x0];
	vm5 =	vlt.f32 v31, v18;
	vm12 =	vlt.f32 v25, v9;
	vm13 =	vlt.f32 v26, v10  }
0x5c: {  	v17 =	vld [tilespmem:s28+$0x20];
	v16 =	vsel vm3, v30, v16;
	v8 =	vsel vm3, v5, v8;
	v7 =	vsel vm4, v24, v7  }
0x5d: {  	v27 =	vld [tilespmem:s28+$0x40];
	v18 =	vsel vm5, v31, v18;
	v9 =	vsel vm12, v25, v9;
	v10 =	vsel vm13, v26, v10  }
0x5e: {  	v24 =	vld [tilespmem:s28+$0x10];
	vm14 =	vlt.f32 v28, v19;
	vm3 =	vlt.f32 v32, v12;
	v20 =	vsel vm4, v5, v20  }
0x5f: {  	v25 =	vld [tilespmem:s28+$0x30];
	v13 =	vsel vm5, v5, v13;
	v14 =	vsel vm12, v5, v14;
	v23 =	vsel vm13, v5, v23  }
0x60: {  	v26 =	vld [tilespmem:s28+$0x50];
	vm15 =	vlt.f32 v29, v11;
	v19 =	vsel vm14, v28, v19;
	v12 =	vsel vm3, v32, v12  }
0x61: {  	s29 =	simm.s32 $0x400;
	v28 =	vld [tilespmem:s28+$0x60];
	v21 =	vsel vm14, v5, v21;
	v11 =	vsel vm15, v29, v11;
	v22 =	vsel vm15, v5, v22  }
.LBB2_6:
0x62: {  	p0 =	sne.s32 s29, $0x7E00;
	v29 =	vld [tilespmem:s28+$0x70];
	v6 =	vsel vm3, v5, v6  }
0x63: {  	s28 =	sshra.s32 s29, $0x2;
	vm3 =	vlt.f32 v15, v16;
	vm4 =	vlt.f32 v24, v7;
	v5 =	vadd.s32 $0x1, v5  }
0x64: {  	v16 =	vsel vm3, v15, v16;
	v8 =	vsel vm3, v5, v8;
	v7 =	vsel vm4, v24, v7;
	v15 =	vld [tilespmem:s28+$0x0]  }
0x65: {  	vm5 =	vlt.f32 v17, v18;
	vm6 =	vlt.f32 v25, v9;
	vm7 =	vlt.f32 v27, v10;
	v24 =	vld [tilespmem:s28+$0x10]  }
.Ltmp2:
0x66: {  	v18 =	vsel vm5, v17, v18;
	v9 =	vsel vm6, v25, v9;
	v10 =	vsel vm7, v27, v10;
	v17 =	vld [tilespmem:s28+$0x20];
	(pc) =	sbr.rel @p0 .LBB2_6-.Ltmp2, $4  }
0x67: {  	vm8 =	vlt.f32 v26, v19;
	vm9 =	vlt.f32 v28, v11;
	v25 =	vld [tilespmem:s28+$0x30];
	vm3 =	vlt.f32 v29, v12  }
0x68: {  	v19 =	vsel vm8, v26, v19;
	v11 =	vsel vm9, v28, v11;
	v27 =	vld [tilespmem:s28+$0x40];
	v12 =	vsel vm3, v29, v12  }
0x69: {  	v20 =	vsel vm4, v5, v20;
	v13 =	vsel vm5, v5, v13;
	v14 =	vsel vm6, v5, v14;
	v26 =	vld [tilespmem:s28+$0x50]  }
0x6a: {  	s29 =	sadd.s32 $0x200, s29;
	v23 =	vsel vm7, v5, v23;
	v21 =	vsel vm8, v5, v21;
	v22 =	vsel vm9, v5, v22;
	v28 =	vld [tilespmem:s28+$0x60]  }
0x6b: {  	v29 =	vld [tilespmem:s28+$0x70];
	_ =	swait.ge [sflag:s23], $0x2000  }
0x6c: {  	[sflag:s23] =	ssyncset.done $0x0  }
0x6d: {  	s28 =	simm.s32 $0x0;
	[sflag:s23] =	ssyncadd.s32 $0xFFFFE000  }
0x6e: {  	[tilespmem:s28], [sflag:$0x1] =	stream.linear.gather [hbm4b:s7+s28], $0x2000, $0x38;
	[tilespmem:$0x4080] =	vst v63  }
0x6f: {  	v6 =	vsel vm3, v5, v6;
	vm3 =	vlt.f32 v15, v16;
	s28 =	simm.s32 $0x0  }
0x70: {  	vm4 =	vlt.f32 v24, v7;
	v5 =	vadd.s32 $0x1, v5;
	v15 =	vsel vm3, v15, v16;
	v16 =	vld [tilespmem:s28+$0x2000]  }
0x71: {  	v8 =	vsel vm3, v5, v8;
	v7 =	vsel vm4, v24, v7;
	vm3 =	vlt.f32 v17, v18;
	v24 =	vld [tilespmem:s28+$0x2010]  }
0x72: {  	vm5 =	vlt.f32 v25, v9;
	vm6 =	vlt.f32 v27, v10;
	v30 =	vsel vm3, v17, v18;
	v31 =	vld [tilespmem:s28+$0x2020]  }
0x73: {  	v9 =	vsel vm5, v25, v9;
	v13 =	vsel vm3, v5, v13;
	vm7 =	vlt.f32 v26, v19;
	v25 =	vld [tilespmem:s28+$0x2030]  }
0x74: {  	v33 =	vsel vm5, v5, v14;
	v10 =	vsel vm6, v27, v10;
	v32 =	vsel vm7, v26, v19;
	v26 =	vld [tilespmem:s28+$0x2040]  }
0x75: {  	v34 =	vsel vm6, v5, v23;
	vm8 =	vlt.f32 v28, v11;
	v14 =	vld [tilespmem:s28+$0x2060];
	v35 =	vsel vm7, v5, v21  }
0x76: {  	vm9 =	vlt.f32 v29, v12;
	v11 =	vsel vm8, v28, v11;
	v28 =	vsel vm4, v5, v20  }
0x77: {  	v37 =	vld [tilespmem:s28+$0x2070];
	v36 =	vsel vm8, v5, v22;
	v12 =	vsel vm9, v29, v12;
	v6 =	vsel vm9, v5, v6  }
0x78: {  	v29 =	vld [tilespmem:s28+$0x2050];
	v5 =	vimm.s32 $0xC0;
	s28 =	simm.s32 $0x80;
	vm3 =	vlt.f32 v16, v15;
	vm4 =	vlt.f32 v24, v7  }
0x79: {  	v17 =	vld [tilespmem:s28+$0x2000];
	vm5 =	vlt.f32 v31, v30;
	vm12 =	vlt.f32 v25, v9;
	vm13 =	vlt.f32 v26, v10  }
0x7a: {  	v21 =	vld [tilespmem:s28+$0x2020];
	vm15 =	vlt.f32 v14, v11;
	v18 =	vsel vm3, v16, v15;
	v20 =	vsel vm3, v5, v8  }
0x7b: {  	v27 =	vld [tilespmem:s28+$0x2040];
	v19 =	vsel vm4, v24, v7;
	v22 =	vsel vm5, v31, v30;
	v23 =	vsel vm12, v25, v9  }
0x7c: {  	v24 =	vld [tilespmem:s28+$0x2010];
	v16 =	vsel vm13, v26, v10;
	vm3 =	vlt.f32 v37, v12;
	v8 =	vsel vm15, v14, v11  }
0x7d: {  	v26 =	vld [tilespmem:s28+$0x2030];
	v28 =	vsel vm4, v5, v28;
	v25 =	vsel vm5, v5, v13;
	v10 =	vsel vm12, v5, v33  }
0x7e: {  	v14 =	vld [tilespmem:s28+$0x2050];
	v11 =	vsel vm13, v5, v34;
	vm14 =	vlt.f32 v29, v32;
	v9 =	vsel vm3, v37, v12  }
0x7f: {  	s29 =	simm.s32 $0x400;
	v13 =	vld [tilespmem:s28+$0x2060];
	v12 =	vsel vm15, v5, v36;
	v7 =	vsel vm14, v29, v32;
	v15 =	vsel vm14, v5, v35  }
.LBB2_8:
0x80: {  	p0 =	sne.s32 s29, $0x7E00;
	v29 =	vld [tilespmem:s28+$0x2070];
	v6 =	vsel vm3, v5, v6  }
0x81: {  	s28 =	sshra.s32 s29, $0x2;
	vm3 =	vlt.f32 v17, v18;
	vm4 =	vlt.f32 v24, v19;
	v5 =	vadd.s32 $0x1, v5  }
0x82: {  	v18 =	vsel vm3, v17, v18;
	v20 =	vsel vm3, v5, v20;
	v19 =	vsel vm4, v24, v19;
	v17 =	vld [tilespmem:s28+$0x2000]  }
0x83: {  	vm5 =	vlt.f32 v21, v22;
	vm6 =	vlt.f32 v26, v23;
	vm7 =	vlt.f32 v27, v16;
	v24 =	vld [tilespmem:s28+$0x2010]  }
.Ltmp3:
0x84: {  	v22 =	vsel vm5, v21, v22;
	v23 =	vsel vm6, v26, v23;
	v16 =	vsel vm7, v27, v16;
	v21 =	vld [tilespmem:s28+$0x2020];
	(pc) =	sbr.rel @p0 .LBB2_8-.Ltmp3, $4  }
0x85: {  	vm8 =	vlt.f32 v14, v7;
	vm9 =	vlt.f32 v13, v8;
	v26 =	vld [tilespmem:s28+$0x2030];
	vm3 =	vlt.f32 v29, v9  }
0x86: {  	v7 =	vsel vm8, v14, v7;
	v8 =	vsel vm9, v13, v8;
	v27 =	vld [tilespmem:s28+$0x2040];
	v9 =	vsel vm3, v29, v9  }
0x87: {  	v28 =	vsel vm4, v5, v28;
	v25 =	vsel vm5, v5, v25;
	v10 =	vsel vm6, v5, v10;
	v14 =	vld [tilespmem:s28+$0x2050]  }
0x88: {  	s29 =	sadd.s32 $0x200, s29;
	v11 =	vsel vm7, v5, v11;
	v15 =	vsel vm8, v5, v15;
	v12 =	vsel vm9, v5, v12;
	v13 =	vld [tilespmem:s28+$0x2060]  }
0x89: {  	v29 =	vsel vm3, v5, v6;
	vm3 =	vlt.f32 v17, v18  }
0x8a: {  	vm4 =	vlt.f32 v24, v19;
	v30 =	vadd.s32 $0x1, v5;
	vm5 =	vlt.f32 v21, v22  }
0x8b: {  	v17 =	vsel vm3, v17, v18;
	v5 =	vsel vm3, v30, v20;
	v18 =	vsel vm4, v24, v19  }
0x8c: {  	vm7 =	vlt.f32 v26, v23;
	v19 =	vsel vm5, v21, v22;
	v6 =	vsel vm4, v30, v28  }
0x8d: {  	vm6 =	vlt.f32 v27, v16;
	v20 =	vsel vm7, v26, v23;
	v21 =	vshll.u32 v5, $0x7  }
0x8e: {  	v6 =	vshll.u32 v6, $0x7;
	v5 =	vor.u32 $0x10, v0;
	vm4 =	veq.f32 v18, v17  }
0x8f: {  	v10 =	vsel vm7, v30, v10;
	v21 =	vor.u32 v0, v21;
	v22 =	vor.u32 v5, v6  }
0x90: {  	v16 =	vsel vm6, v27, v16;
	vm3 =	vlt.f32 v14, v7;
	vm8 =	vlt.s32 v22, v21  }
0x91: {  	v6 =	vsel vm5, v30, v25;
	vm5 =	vlt.f32 v18, v17;
	vm4 =	vmand vm4, vm8  }
0x92: {  	v23 =	vshll.u32 v6, $0x7;
	v6 =	vor.u32 $0x20, v0;
	vm4 =	vmor vm5, vm4  }
0x93: {  	v23 =	vor.u32 v6, v23;
	v17 =	vsel vm4, v18, v17;
	v18 =	vsel vm4, v22, v21  }
0x94: {  	v11 =	vsel vm6, v30, v11;
	vm5 =	veq.f32 v19, v17;
	vm12 =	vlt.s32 v23, v18  }
0x95: {  	v14 =	vsel vm3, v14, v7;
	vm13 =	vlt.f32 v19, v17;
	vm5 =	vmand vm5, vm12  }
0x96: {  	v21 =	vshll.u32 v10, $0x7;
	v10 =	vor.u32 $0x30, v0;
	vm5 =	vmor vm13, vm5  }
0x97: {  	v21 =	vor.u32 v10, v21;
	v17 =	vsel vm5, v19, v17;
	v18 =	vsel vm5, v23, v18  }
0x98: {  	v7 =	vsel vm3, v30, v15;
	vm14 =	veq.f32 v20, v17;
	vm15 =	vlt.s32 v21, v18  }
0x99: {  	v15 =	vshll.u32 v7, $0x7;
	vm9 =	vlt.f32 v20, v17;
	vm7 =	vmand vm14, vm15  }
0x9a: {  	v19 =	vshll.u32 v11, $0x7;
	v11 =	vor.u32 $0x40, v0;
	vm6 =	vmor vm9, vm7  }
0x9b: {  	v19 =	vor.u32 v11, v19;
	v17 =	vsel vm6, v20, v17;
	v18 =	vsel vm6, v21, v18  }
0x9c: {  	v7 =	vor.u32 $0x50, v0;
	vm10 =	veq.f32 v16, v17;
	vm11 =	vlt.s32 v19, v18  }
0x9d: {  	vm4 =	vlt.f32 v13, v8;
	vm3 =	vlt.f32 v16, v17;
	vm6 =	vmand vm10, vm11  }
0x9e: {  	v24 =	vld [tilespmem:s28+$0x2070];
	v15 =	vor.u32 v7, v15;
	v13 =	vsel vm4, v13, v8;
	vm3 =	vmor vm3, vm6  }
0x9f: {  	v8 =	vsel vm4, v30, v12;
	v16 =	vsel vm3, v16, v17;
	v17 =	vsel vm3, v19, v18  }
0xa0: {  	v12 =	vshll.u32 v8, $0x7;
	vm3 =	veq.f32 v14, v16;
	vm12 =	vlt.s32 v15, v17  }
0xa1: {  	v8 =	vor.u32 $0x60, v0;
	vm4 =	vlt.f32 v14, v16;
	vm3 =	vmand vm3, vm12  }
0xa2: {  	v12 =	vor.u32 v8, v12;
	vm3 =	vmor vm4, vm3  }
0xa3: {  	vm5 =	vlt.f32 v24, v9;
	v14 =	vsel vm3, v14, v16;
	v15 =	vsel vm3, v15, v17  }
0xa4: {  	v16 =	vsel vm5, v24, v9;
	vm3 =	veq.f32 v13, v14;
	vm4 =	vlt.s32 v12, v15  }
0xa5: {  	v9 =	vsel vm5, v30, v29;
	vm5 =	vlt.f32 v13, v14;
	vm3 =	vmand vm3, vm4  }
0xa6: {  	v17 =	vshll.u32 v9, $0x7;
	v9 =	vor.u32 $0x70, v0;
	vm3 =	vmor vm5, vm3  }
0xa7: {  	v17 =	vor.u32 v9, v17;
	v13 =	vsel vm3, v13, v14;
	v12 =	vsel vm3, v12, v15  }
0xa8: {  	_ =	swait.ge [sflag:s21], $0x2000;
	vm3 =	veq.f32 v16, v13;
	vm4 =	vlt.s32 v17, v12  }
0xa9: {  	[sflag:s21] =	ssyncset.done $0x0;
	vm5 =	vlt.f32 v16, v13;
	vm3 =	vmand vm3, vm4  }
0xaa: {  	s28 =	simm.s32 $0x0;
	[sflag:s21] =	ssyncadd.s32 $0xFFFFE000;
	vm3 =	vmor vm5, vm3  }
0xab: {  	[tilespmem:s22], [sflag:$0x2] =	stream.linear.gather [hbm4b:s8+s28], $0x2000, $0x38;
	v13 =	vsel vm3, v16, v13;
	v12 =	vsel vm3, v17, v12;
	[tilespmem:$0x4080] =	vst v63  }
0xac: {  	s28 =	simm.s32 $0x0;
	v14 =	vperm.xlane v13, v1;
	v15 =	vperm.xlane v12, v1  }
0xad: {  	v22 =	vld [tilespmem:s28+$0x40]  }
0xae: {  	v23 =	vld [tilespmem:s28+$0x50];
	vm3 =	veq.f32 v14, v13;
	vm4 =	vlt.s32 v15, v12  }
0xaf: {  	vm5 =	vlt.f32 v14, v13;
	vm3 =	vmand vm3, vm4  }
0xb0: {  	v21 =	vld [tilespmem:s28+$0x30];
	vm3 =	vmor vm5, vm3  }
0xb1: {  	v25 =	vimm.f32 $+Inf;
	v24 =	vld [tilespmem:s28+$0x60];
	v13 =	vsel vm3, v14, v13;
	v12 =	vsel vm3, v15, v12  }
0xb2: {  	vm14 =	vlt.f32 v22, v25;
	v14 =	vperm.xlane v13, v2;
	v15 =	vperm.xlane v12, v2  }
0xb3: {  	v39 =	vimm.s32 $0x0;
	v22 =	vsel vm14, v22, v25;
	vm15 =	vlt.f32 v23, v25  }
0xb4: {  	v23 =	vsel vm15, v23, v25;
	vm3 =	veq.f32 v14, v13;
	vm4 =	vlt.s32 v15, v12  }
0xb5: {  	vm13 =	vlt.f32 v21, v25;
	vm5 =	vlt.f32 v14, v13;
	vm3 =	vmand vm3, vm4  }
0xb6: {  	v18 =	vld [tilespmem:s28+$0x10];
	v21 =	vsel vm13, v21, v25;
	vm9 =	vlt.f32 v24, v25;
	vm3 =	vmor vm5, vm3  }
0xb7: {  	v20 =	vld [tilespmem:s28+$0x20];
	v24 =	vsel vm9, v24, v25;
	v13 =	vsel vm3, v14, v13;
	v12 =	vsel vm3, v15, v12  }
0xb8: {  	v17 =	vld [tilespmem:s28+$0x0];
	v16 =	vimm.s32 $0x0;
	v14 =	vperm.xlane v13, v3;
	v15 =	vperm.xlane v12, v3  }
0xb9: {  	v26 =	vld [tilespmem:s28+$0x70];
	s28 =	simm.s32 $0x80;
	v28 =	vsel vm13, v16, v16;
	v29 =	vsel vm14, v16, v16;
	v30 =	vsel vm15, v16, v16  }
0xba: {  	v32 =	vld [tilespmem:s28+$0x0];
	v31 =	vsel vm9, v16, v16;
	vm3 =	veq.f32 v14, v13;
	vm4 =	vlt.s32 v15, v12  }
0xbb: {  	v34 =	vld [tilespmem:s28+$0x10];
	vm5 =	vlt.f32 v14, v13;
	vm3 =	vmand vm3, vm4;
	vm4 =	vlt.f32 v18, v25  }
0xbc: {  	v33 =	vld [tilespmem:s28+$0x20];
	vm3 =	vmor vm5, vm3;
	v18 =	vsel vm4, v18, v25;
	vm5 =	vlt.f32 v20, v25  }
0xbd: {  	v35 =	vld [tilespmem:s28+$0x30];
	v14 =	vsel vm3, v14, v13;
	v12 =	vsel vm3, v15, v12;
	vm3 =	vlt.f32 v17, v25  }
0xbe: {  	v37 =	vld [tilespmem:s28+$0x40];
	v20 =	vsel vm5, v20, v25;
	v27 =	vsel vm5, v16, v16;
	v15 =	vperm.xlane v14, v4  }
0xbf: {  	v36 =	vld [tilespmem:s28+$0x50];
	v17 =	vsel vm3, v17, v25;
	v19 =	vsel vm3, v16, v16;
	vm3 =	vlt.f32 v26, v25  }
0xc0: {  	s29 =	simm.s32 $0x400;
	v38 =	vld [tilespmem:s28+$0x60];
	v13 =	vperm.xlane v12, v4;
	v25 =	vsel vm3, v26, v25;
	v26 =	vsel vm4, v16, v16  }
.LBB2_10:
0xc1: {  	p0 =	sne.s32 s29, $0x7E00;
	v40 =	vld [tilespmem:s28+$0x70];
	v39 =	vsel vm3, v16, v39  }
0xc2: {  	s28 =	sshra.s32 s29, $0x2;
	vm3 =	vlt.f32 v32, v17;
	vm4 =	vlt.f32 v34, v18;
	v16 =	vadd.s32 $0x1, v16  }
0xc3: {  	v17 =	vsel vm3, v32, v17;
	v19 =	vsel vm3, v16, v19;
	v18 =	vsel vm4, v34, v18;
	v32 =	vld [tilespmem:s28+$0x0]  }
0xc4: {  	vm5 =	vlt.f32 v33, v20;
	vm6 =	vlt.f32 v35, v21;
	vm7 =	vlt.f32 v37, v22;
	v34 =	vld [tilespmem:s28+$0x10]  }
.Ltmp4:
0xc5: {  	v20 =	vsel vm5, v33, v20;
	v21 =	vsel vm6, v35, v21;
	v22 =	vsel vm7, v37, v22;
	v33 =	vld [tilespmem:s28+$0x20];
	(pc) =	sbr.rel @p0 .LBB2_10-.Ltmp4, $4  }
0xc6: {  	vm8 =	vlt.f32 v36, v23;
	vm9 =	vlt.f32 v38, v24;
	v35 =	vld [tilespmem:s28+$0x30];
	vm3 =	vlt.f32 v40, v25  }
0xc7: {  	v23 =	vsel vm8, v36, v23;
	v24 =	vsel vm9, v38, v24;
	v37 =	vld [tilespmem:s28+$0x40];
	v25 =	vsel vm3, v40, v25  }
0xc8: {  	v26 =	vsel vm4, v16, v26;
	v27 =	vsel vm5, v16, v27;
	v28 =	vsel vm6, v16, v28;
	v36 =	vld [tilespmem:s28+$0x50]  }
0xc9: {  	s29 =	sadd.s32 $0x200, s29;
	v29 =	vsel vm7, v16, v29;
	v30 =	vsel vm8, v16, v30;
	v31 =	vsel vm9, v16, v31;
	v38 =	vld [tilespmem:s28+$0x60]  }
0xca: {  	v40 =	vld [tilespmem:s28+$0x70];
	_ =	swait.ge [sflag:s23], $0x2000  }
0xcb: {  	[sflag:s23] =	ssyncset.done $0x0  }
0xcc: {  	s28 =	simm.s32 $0x0;
	[sflag:s23] =	ssyncadd.s32 $0xFFFFE000  }
0xcd: {  	[tilespmem:s28], [sflag:$0x1] =	stream.linear.gather [hbm4b:s9+s28], $0x2000, $0x38;
	[tilespmem:$0x4080] =	vst v63  }
0xce: {  	s28 =	simm.s32 $0x0  }
0xcf: {  	v39 =	vsel vm3, v16, v39;
	vm3 =	vlt.f32 v32, v17;
	v41 =	vld [tilespmem:s28+$0x2000]  }
0xd0: {  	vm4 =	vlt.f32 v34, v18;
	v16 =	vadd.s32 $0x1, v16;
	v32 =	vsel vm3, v32, v17;
	v59 =	vld [tilespmem:s28+$0x2010]  }
0xd1: {  	v19 =	vsel vm3, v16, v19;
	v18 =	vsel vm4, v34, v18;
	vm3 =	vlt.f32 v33, v20;
	v60 =	vld [tilespmem:s28+$0x2020]  }
0xd2: {  	vm5 =	vlt.f32 v35, v21;
	v63 =	vsel vm4, v16, v26;
	vm6 =	vlt.f32 v37, v22;
	v61 =	vld [tilespmem:s28+$0x2030]  }
0xd3: {  	v20 =	vsel vm3, v33, v20;
	v21 =	vsel vm5, v35, v21;
	v43 =	vsel vm3, v16, v27;
	v62 =	vld [tilespmem:s28+$0x2040]  }
0xd4: {  	v44 =	vsel vm5, v16, v28;
	v22 =	vsel vm6, v37, v22;
	vm7 =	vlt.f32 v36, v23;
	v42 =	vld [tilespmem:s28+$0x2050]  }
0xd5: {  	v45 =	vsel vm6, v16, v29;
	vm8 =	vlt.f32 v38, v24;
	v23 =	vsel vm7, v36, v23;
	v46 =	vld [tilespmem:s28+$0x2060]  }
0xd6: {  	v47 =	vsel vm7, v16, v30;
	vm9 =	vlt.f32 v40, v25;
	v24 =	vsel vm8, v38, v24  }
0xd7: {  	v48 =	vsel vm8, v16, v31;
	v31 =	vld [tilespmem:s28+$0x2070];
	v25 =	vsel vm9, v40, v25;
	v17 =	vsel vm9, v16, v39  }
0xd8: {  	s28 =	simm.s32 $0x80;
	v16 =	vimm.s32 $0x40;
	vm3 =	vlt.f32 v41, v32;
	vm4 =	vlt.f32 v59, v18  }
0xd9: {  	v26 =	vld [tilespmem:s28+$0x2000];
	vm5 =	vlt.f32 v60, v20;
	vm12 =	vlt.f32 v61, v21;
	vm13 =	vlt.f32 v62, v22  }
0xda: {  	v35 =	vld [tilespmem:s28+$0x2010];
	vm14 =	vlt.f32 v42, v23;
	vm15 =	vlt.f32 v46, v24;
	v27 =	vsel vm3, v41, v32  }
0xdb: {  	v28 =	vld [tilespmem:s28+$0x2020];
	v19 =	vsel vm3, v16, v19;
	v18 =	vsel vm4, v59, v18;
	v29 =	vsel vm5, v60, v20  }
0xdc: {  	v36 =	vld [tilespmem:s28+$0x2030];
	v20 =	vsel vm12, v61, v21;
	v21 =	vsel vm13, v62, v22;
	vm3 =	vlt.f32 v31, v25  }
0xdd: {  	v38 =	vld [tilespmem:s28+$0x2040];
	v30 =	vsel vm14, v42, v23;
	v22 =	vsel vm15, v46, v24;
	v24 =	vsel vm5, v16, v43  }
0xde: {  	v37 =	vld [tilespmem:s28+$0x2050];
	v34 =	vsel vm13, v16, v45;
	v32 =	vsel vm14, v16, v47;
	v33 =	vsel vm15, v16, v48  }
0xdf: {  	s29 =	simm.s32 $0x400;
	v39 =	vld [tilespmem:s28+$0x2060];
	v23 =	vsel vm3, v31, v25;
	v31 =	vsel vm4, v16, v63;
	v25 =	vsel vm12, v16, v44  }
.LBB2_12:
0xe0: {  	p0 =	sne.s32 s29, $0x7E00;
	v40 =	vld [tilespmem:s28+$0x2070];
	v17 =	vsel vm3, v16, v17  }
0xe1: {  	s28 =	sshra.s32 s29, $0x2;
	vm3 =	vlt.f32 v26, v27;
	vm4 =	vlt.f32 v35, v18;
	v16 =	vadd.s32 $0x1, v16  }
0xe2: {  	v27 =	vsel vm3, v26, v27;
	v19 =	vsel vm3, v16, v19;
	v18 =	vsel vm4, v35, v18;
	v26 =	vld [tilespmem:s28+$0x2000]  }
0xe3: {  	vm5 =	vlt.f32 v28, v29;
	vm6 =	vlt.f32 v36, v20;
	vm7 =	vlt.f32 v38, v21;
	v35 =	vld [tilespmem:s28+$0x2010]  }
.Ltmp5:
0xe4: {  	v29 =	vsel vm5, v28, v29;
	v20 =	vsel vm6, v36, v20;
	v21 =	vsel vm7, v38, v21;
	v28 =	vld [tilespmem:s28+$0x2020];
	(pc) =	sbr.rel @p0 .LBB2_12-.Ltmp5, $4  }
0xe5: {  	vm8 =	vlt.f32 v37, v30;
	vm9 =	vlt.f32 v39, v22;
	v36 =	vld [tilespmem:s28+$0x2030];
	vm3 =	vlt.f32 v40, v23  }
0xe6: {  	v30 =	vsel vm8, v37, v30;
	v22 =	vsel vm9, v39, v22;
	v38 =	vld [tilespmem:s28+$0x2040];
	v23 =	vsel vm3, v40, v23  }
0xe7: {  	v31 =	vsel vm4, v16, v31;
	v24 =	vsel vm5, v16, v24;
	v25 =	vsel vm6, v16, v25;
	v37 =	vld [tilespmem:s28+$0x2050]  }
0xe8: {  	s29 =	sadd.s32 $0x200, s29;
	v34 =	vsel vm7, v16, v34;
	v32 =	vsel vm8, v16, v32;
	v33 =	vsel vm9, v16, v33;
	v39 =	vld [tilespmem:s28+$0x2060]  }
0xe9: {  	v40 =	vld [tilespmem:s28+$0x2070];
	_ =	swait.ge [sflag:s21], $0x2000  }
0xea: {  	[sflag:s21] =	ssyncset.done $0x0  }
0xeb: {  	s28 =	simm.s32 $0x0;
	[sflag:s21] =	ssyncadd.s32 $0xFFFFE000  }
0xec: {  	[tilespmem:s22], [sflag:$0x2] =	stream.linear.gather [hbm4b:s10+s28], $0x2000, $0x38;
	[tilespmem:$0x4080] =	vst v63  }
0xed: {  	s28 =	simm.s32 $0x0  }
0xee: {  	v17 =	vsel vm3, v16, v17;
	vm3 =	vlt.f32 v26, v27;
	v41 =	vld [tilespmem:s28+$0x0]  }
0xef: {  	vm4 =	vlt.f32 v35, v18;
	v16 =	vadd.s32 $0x1, v16;
	v27 =	vsel vm3, v26, v27;
	v59 =	vld [tilespmem:s28+$0x10]  }
0xf0: {  	v19 =	vsel vm3, v16, v19;
	v18 =	vsel vm4, v35, v18;
	vm3 =	vlt.f32 v28, v29;
	v42 =	vld [tilespmem:s28+$0x20]  }
0xf1: {  	vm5 =	vlt.f32 v36, v20;
	v31 =	vsel vm4, v16, v31;
	vm6 =	vlt.f32 v38, v21;
	v60 =	vld [tilespmem:s28+$0x30]  }
0xf2: {  	v29 =	vsel vm3, v28, v29;
	v20 =	vsel vm5, v36, v20;
	v24 =	vsel vm3, v16, v24;
	v61 =	vld [tilespmem:s28+$0x40]  }
0xf3: {  	v25 =	vsel vm5, v16, v25;
	v21 =	vsel vm6, v38, v21;
	vm7 =	vlt.f32 v37, v30;
	v62 =	vld [tilespmem:s28+$0x50]  }
0xf4: {  	v34 =	vsel vm6, v16, v34;
	vm8 =	vlt.f32 v39, v22;
	v30 =	vsel vm7, v37, v30;
	v63 =	vld [tilespmem:s28+$0x60]  }
0xf5: {  	v32 =	vsel vm7, v16, v32;
	vm9 =	vlt.f32 v40, v23;
	v22 =	vsel vm8, v39, v22  }
0xf6: {  	v43 =	vld [tilespmem:s28+$0x70];
	v33 =	vsel vm8, v16, v33;
	v23 =	vsel vm9, v40, v23;
	v17 =	vsel vm9, v16, v17  }
0xf7: {  	s28 =	simm.s32 $0x80;
	v16 =	vimm.s32 $0x80;
	vm3 =	vlt.f32 v41, v27;
	vm4 =	vlt.f32 v59, v18  }
0xf8: {  	v26 =	vld [tilespmem:s28+$0x0];
	vm5 =	vlt.f32 v42, v29;
	vm12 =	vlt.f32 v60, v20;
	vm13 =	vlt.f32 v61, v21  }
0xf9: {  	v35 =	vld [tilespmem:s28+$0x10];
	vm14 =	vlt.f32 v62, v30;
	vm15 =	vlt.f32 v63, v22;
	v27 =	vsel vm3, v41, v27  }
0xfa: {  	v28 =	vld [tilespmem:s28+$0x20];
	v19 =	vsel vm3, v16, v19;
	v18 =	vsel vm4, v59, v18;
	v29 =	vsel vm5, v42, v29  }
0xfb: {  	v36 =	vld [tilespmem:s28+$0x30];
	v20 =	vsel vm12, v60, v20;
	v21 =	vsel vm13, v61, v21;
	vm3 =	vlt.f32 v43, v23  }
0xfc: {  	v38 =	vld [tilespmem:s28+$0x40];
	v30 =	vsel vm14, v62, v30;
	v22 =	vsel vm15, v63, v22;
	v31 =	vsel vm4, v16, v31  }
0xfd: {  	v37 =	vld [tilespmem:s28+$0x50];
	v24 =	vsel vm5, v16, v24;
	v25 =	vsel vm12, v16, v25;
	v34 =	vsel vm13, v16, v34  }
0xfe: {  	s29 =	simm.s32 $0x400;
	v39 =	vld [tilespmem:s28+$0x60];
	v32 =	vsel vm14, v16, v32;
	v33 =	vsel vm15, v16, v33;
	v23 =	vsel vm3, v43, v23  }
.LBB2_14:
0xff: {  	p0 =	sne.s32 s29, $0x7E00;
	v40 =	vld [tilespmem:s28+$0x70];
	v17 =	vsel vm3, v16, v17  }
0x100: {  	s28 =	sshra.s32 s29, $0x2;
	vm3 =	vlt.f32 v26, v27;
	vm4 =	vlt.f32 v35, v18;
	v16 =	vadd.s32 $0x1, v16  }
0x101: {  	v27 =	vsel vm3, v26, v27;
	v19 =	vsel vm3, v16, v19;
	v18 =	vsel vm4, v35, v18;
	v26 =	vld [tilespmem:s28+$0x0]  }
0x102: {  	vm5 =	vlt.f32 v28, v29;
	vm6 =	vlt.f32 v36, v20;
	vm7 =	vlt.f32 v38, v21;
	v35 =	vld [tilespmem:s28+$0x10]  }
.Ltmp6:
0x103: {  	v29 =	vsel vm5, v28, v29;
	v20 =	vsel vm6, v36, v20;
	v21 =	vsel vm7, v38, v21;
	v28 =	vld [tilespmem:s28+$0x20];
	(pc) =	sbr.rel @p0 .LBB2_14-.Ltmp6, $4  }
0x104: {  	vm8 =	vlt.f32 v37, v30;
	vm9 =	vlt.f32 v39, v22;
	v36 =	vld [tilespmem:s28+$0x30];
	vm3 =	vlt.f32 v40, v23  }
0x105: {  	v30 =	vsel vm8, v37, v30;
	v22 =	vsel vm9, v39, v22;
	v38 =	vld [tilespmem:s28+$0x40];
	v23 =	vsel vm3, v40, v23  }
0x106: {  	v31 =	vsel vm4, v16, v31;
	v24 =	vsel vm5, v16, v24;
	v25 =	vsel vm6, v16, v25;
	v37 =	vld [tilespmem:s28+$0x50]  }
0x107: {  	s29 =	sadd.s32 $0x200, s29;
	v34 =	vsel vm7, v16, v34;
	v32 =	vsel vm8, v16, v32;
	v33 =	vsel vm9, v16, v33;
	v39 =	vld [tilespmem:s28+$0x60]  }
0x108: {  	v40 =	vld [tilespmem:s28+$0x70];
	_ =	swait.ge [sflag:s23], $0x2000  }
0x109: {  	[sflag:s23] =	ssyncset.done $0x0  }
0x10a: {  	s28 =	simm.s32 $0x0;
	[sflag:s23] =	ssyncadd.s32 $0xFFFFE000  }
0x10b: {  	[tilespmem:s28], [sflag:$0x1] =	stream.linear.gather [hbm4b:s11+s28], $0x2000, $0x38;
	[tilespmem:$0x4080] =	vst v63  }
0x10c: {  	v17 =	vsel vm3, v16, v17;
	vm3 =	vlt.f32 v26, v27;
	s28 =	simm.s32 $0x0  }
0x10d: {  	v26 =	vsel vm3, v26, v27;
	v27 =	vld [tilespmem:s28+$0x2000]  }
0x10e: {  	vm4 =	vlt.f32 v35, v18;
	v16 =	vadd.s32 $0x1, v16;
	v60 =	vld [tilespmem:s28+$0x2010]  }
0x10f: {  	v19 =	vsel vm3, v16, v19;
	v18 =	vsel vm4, v35, v18;
	vm3 =	vlt.f32 v28, v29;
	v42 =	vld [tilespmem:s28+$0x2020]  }
0x110: {  	vm5 =	vlt.f32 v36, v20;
	v62 =	vsel vm4, v16, v31;
	v31 =	vimm.s32 $0xC0;
	v61 =	vld [tilespmem:s28+$0x2030]  }
0x111: {  	vm6 =	vlt.f32 v38, v21;
	v41 =	vsel vm3, v28, v29;
	v20 =	vsel vm5, v36, v20;
	v44 =	vld [tilespmem:s28+$0x2040]  }
0x112: {  	v45 =	vsel vm3, v16, v24;
	v46 =	vsel vm5, v16, v25;
	v21 =	vsel vm6, v38, v21;
	v63 =	vld [tilespmem:s28+$0x2050]  }
0x113: {  	vm7 =	vlt.f32 v37, v30;
	v47 =	vsel vm6, v16, v34;
	vm8 =	vlt.f32 v39, v22;
	v48 =	vld [tilespmem:s28+$0x2060]  }
0x114: {  	v43 =	vsel vm7, v37, v30;
	v49 =	vsel vm7, v16, v32;
	vm9 =	vlt.f32 v40, v23  }
0x115: {  	v22 =	vsel vm8, v39, v22;
	v50 =	vsel vm8, v16, v33;
	v23 =	vsel vm9, v40, v23  }
0x116: {  	v28 =	vsel vm9, v16, v17;
	v16 =	vld [tilespmem:s28+$0x2070];
	s28 =	simm.s32 $0x80;
	vm3 =	vlt.f32 v27, v26;
	vm4 =	vlt.f32 v60, v18  }
0x117: {  	v33 =	vld [tilespmem:s28+$0x2000];
	vm5 =	vlt.f32 v42, v41;
	vm12 =	vlt.f32 v61, v20;
	vm13 =	vlt.f32 v44, v21  }
0x118: {  	v36 =	vld [tilespmem:s28+$0x2010];
	vm14 =	vlt.f32 v63, v43;
	vm15 =	vlt.f32 v48, v22;
	v34 =	vsel vm3, v27, v26  }
0x119: {  	v29 =	vld [tilespmem:s28+$0x2020];
	v37 =	vsel vm3, v31, v19;
	v32 =	vsel vm4, v60, v18;
	v30 =	vsel vm5, v42, v41  }
0x11a: {  	v25 =	vld [tilespmem:s28+$0x2040];
	v24 =	vsel vm12, v61, v20;
	v21 =	vsel vm13, v44, v21;
	v18 =	vsel vm14, v63, v43  }
0x11b: {  	v26 =	vld [tilespmem:s28+$0x2030];
	v17 =	vsel vm15, v48, v22;
	v39 =	vsel vm4, v31, v62;
	v38 =	vsel vm5, v31, v45  }
0x11c: {  	v22 =	vld [tilespmem:s28+$0x2050];
	v35 =	vsel vm12, v31, v46;
	v27 =	vsel vm13, v31, v47;
	vm3 =	vlt.f32 v16, v23  }
0x11d: {  	s29 =	simm.s32 $0x400;
	v20 =	vld [tilespmem:s28+$0x2060];
	v19 =	vsel vm15, v31, v50;
	v16 =	vsel vm3, v16, v23;
	v23 =	vsel vm14, v31, v49  }
.LBB2_16:
0x11e: {  	p0 =	sne.s32 s29, $0x7E00;
	v40 =	vld [tilespmem:s28+$0x2070];
	v28 =	vsel vm3, v31, v28  }
0x11f: {  	s28 =	sshra.s32 s29, $0x2;
	vm3 =	vlt.f32 v33, v34;
	vm4 =	vlt.f32 v36, v32;
	v31 =	vadd.s32 $0x1, v31  }
0x120: {  	v34 =	vsel vm3, v33, v34;
	v37 =	vsel vm3, v31, v37;
	v32 =	vsel vm4, v36, v32;
	v33 =	vld [tilespmem:s28+$0x2000]  }
0x121: {  	vm5 =	vlt.f32 v29, v30;
	vm6 =	vlt.f32 v26, v24;
	vm7 =	vlt.f32 v25, v21;
	v36 =	vld [tilespmem:s28+$0x2010]  }
.Ltmp7:
0x122: {  	v30 =	vsel vm5, v29, v30;
	v24 =	vsel vm6, v26, v24;
	v21 =	vsel vm7, v25, v21;
	v29 =	vld [tilespmem:s28+$0x2020];
	(pc) =	sbr.rel @p0 .LBB2_16-.Ltmp7, $4  }
0x123: {  	vm8 =	vlt.f32 v22, v18;
	vm9 =	vlt.f32 v20, v17;
	v26 =	vld [tilespmem:s28+$0x2030];
	vm3 =	vlt.f32 v40, v16  }
0x124: {  	v18 =	vsel vm8, v22, v18;
	v17 =	vsel vm9, v20, v17;
	v25 =	vld [tilespmem:s28+$0x2040];
	v16 =	vsel vm3, v40, v16  }
0x125: {  	v39 =	vsel vm4, v31, v39;
	v38 =	vsel vm5, v31, v38;
	v35 =	vsel vm6, v31, v35;
	v22 =	vld [tilespmem:s28+$0x2050]  }
0x126: {  	s29 =	sadd.s32 $0x200, s29;
	v27 =	vsel vm7, v31, v27;
	v23 =	vsel vm8, v31, v23;
	v19 =	vsel vm9, v31, v19;
	v20 =	vld [tilespmem:s28+$0x2060]  }
0x127: {  	vm4 =	vlt.f32 v33, v34;
	vm5 =	vlt.f32 v36, v32;
	v40 =	vadd.s32 $0x1, v31  }
0x128: {  	v28 =	vsel vm3, v31, v28;
	v31 =	vsel vm4, v40, v37;
	v60 =	vsel vm5, v40, v39  }
0x129: {  	v33 =	vsel vm4, v33, v34;
	v31 =	vshll.u32 v31, $0x7;
	v61 =	vshll.u32 v60, $0x7  }
0x12a: {  	v32 =	vsel vm5, v36, v32;
	v31 =	vor.u32 v0, v31;
	v34 =	vor.u32 v5, v61  }
0x12b: {  	vm3 =	vlt.f32 v29, v30;
	vm4 =	veq.f32 v32, v33;
	vm5 =	vlt.s32 v34, v31  }
0x12c: {  	v62 =	vsel vm3, v40, v38;
	vm6 =	vlt.f32 v32, v33;
	vm4 =	vmand vm4, vm5  }
0x12d: {  	v29 =	vsel vm3, v29, v30;
	v30 =	vshll.u32 v62, $0x7;
	vm3 =	vmor vm6, vm4  }
0x12e: {  	v30 =	vor.u32 v6, v30;
	v32 =	vsel vm3, v32, v33;
	v31 =	vsel vm3, v34, v31  }
0x12f: {  	vm3 =	vlt.f32 v26, v24;
	vm4 =	veq.f32 v29, v32;
	vm5 =	vlt.s32 v30, v31  }
0x130: {  	v63 =	vsel vm3, v40, v35;
	vm10 =	vlt.f32 v29, v32;
	vm4 =	vmand vm4, vm5  }
0x131: {  	v24 =	vsel vm3, v26, v24;
	v26 =	vshll.u32 v63, $0x7;
	vm3 =	vmor vm10, vm4  }
0x132: {  	v26 =	vor.u32 v10, v26;
	v29 =	vsel vm3, v29, v32;
	v30 =	vsel vm3, v30, v31  }
0x133: {  	vm3 =	vlt.f32 v25, v21;
	vm4 =	veq.f32 v24, v29;
	vm5 =	vlt.s32 v26, v30  }
0x134: {  	v27 =	vsel vm3, v40, v27;
	vm11 =	vlt.f32 v24, v29;
	vm4 =	vmand vm4, vm5  }
0x135: {  	v21 =	vsel vm3, v25, v21;
	v25 =	vshll.u32 v27, $0x7;
	vm3 =	vmor vm11, vm4  }
0x136: {  	v25 =	vor.u32 v11, v25;
	v24 =	vsel vm3, v24, v29;
	v26 =	vsel vm3, v26, v30  }
0x137: {  	vm3 =	vlt.f32 v22, v18;
	vm4 =	veq.f32 v21, v24;
	vm5 =	vlt.s32 v25, v26  }
0x138: {  	v23 =	vsel vm3, v40, v23;
	vm12 =	vlt.f32 v21, v24;
	vm4 =	vmand vm4, vm5  }
0x139: {  	v18 =	vsel vm3, v22, v18;
	v22 =	vshll.u32 v23, $0x7;
	vm3 =	vmor vm12, vm4  }
0x13a: {  	v23 =	vld [tilespmem:s28+$0x2070];
	v22 =	vor.u32 v7, v22;
	v21 =	vsel vm3, v21, v24;
	v24 =	vsel vm3, v25, v26  }
0x13b: {  	vm3 =	vlt.f32 v20, v17;
	vm4 =	veq.f32 v18, v21;
	vm5 =	vlt.s32 v22, v24  }
0x13c: {  	v19 =	vsel vm3, v40, v19;
	vm13 =	vlt.f32 v18, v21;
	vm4 =	vmand vm4, vm5  }
0x13d: {  	v17 =	vsel vm3, v20, v17;
	v19 =	vshll.u32 v19, $0x7;
	vm3 =	vmor vm13, vm4  }
0x13e: {  	v19 =	vor.u32 v8, v19;
	v18 =	vsel vm3, v18, v21;
	v20 =	vsel vm3, v22, v24  }
0x13f: {  	vm3 =	vlt.f32 v23, v16;
	vm4 =	veq.f32 v17, v18;
	vm5 =	vlt.s32 v19, v20  }
0x140: {  	v21 =	vsel vm3, v40, v28;
	vm14 =	vlt.f32 v17, v18;
	vm4 =	vmand vm4, vm5  }
0x141: {  	v16 =	vsel vm3, v23, v16;
	v21 =	vshll.u32 v21, $0x7;
	vm3 =	vmor vm14, vm4  }
0x142: {  	_ =	swait.ge [sflag:s21], $0x2000;
	v21 =	vor.u32 v9, v21;
	v17 =	vsel vm3, v17, v18;
	v18 =	vsel vm3, v19, v20  }
0x143: {  	[sflag:s21] =	ssyncset.done $0x0;
	vm3 =	veq.f32 v16, v17;
	vm4 =	vlt.s32 v21, v18  }
0x144: {  	s28 =	simm.s32 $0x0;
	[sflag:s21] =	ssyncadd.s32 $0xFFFFE000;
	vm5 =	vlt.f32 v16, v17;
	vm3 =	vmand vm3, vm4  }
0x145: {  	[tilespmem:s22], [sflag:$0x2] =	stream.linear.gather [hbm4b:s12+s28], $0x2000, $0x38;
	vm3 =	vmor vm5, vm3;
	[tilespmem:$0x4080] =	vst v63  }
0x146: {  	s28 =	simm.s32 $0x0;
	v16 =	vsel vm3, v16, v17;
	v17 =	vsel vm3, v21, v18  }
0x147: {  	v25 =	vld [tilespmem:s28+$0x30];
	v18 =	vperm.xlane v16, v1;
	v19 =	vperm.xlane v17, v1  }
0x148: {  	v26 =	vld [tilespmem:s28+$0x40]  }
0x149: {  	v27 =	vld [tilespmem:s28+$0x50];
	vm3 =	veq.f32 v18, v16;
	vm4 =	vlt.s32 v19, v17  }
0x14a: {  	vm5 =	vlt.f32 v18, v16;
	vm3 =	vmand vm3, vm4  }
0x14b: {  	vm3 =	vmor vm5, vm3  }
0x14c: {  	v43 =	vimm.s32 $0x0;
	v16 =	vsel vm3, v18, v16;
	v17 =	vsel vm3, v19, v17  }
0x14d: {  	v29 =	vimm.f32 $+Inf;
	v18 =	vperm.xlane v16, v2;
	v19 =	vperm.xlane v17, v2  }
0x14e: {  	v28 =	vld [tilespmem:s28+$0x60];
	vm15 =	vlt.f32 v25, v29;
	vm7 =	vlt.f32 v26, v29;
	vm8 =	vlt.f32 v27, v29  }
0x14f: {  	v20 =	vimm.s32 $0x0;
	vm3 =	veq.f32 v18, v16;
	vm4 =	vlt.s32 v19, v17  }
0x150: {  	v25 =	vsel vm15, v25, v29;
	vm5 =	vlt.f32 v18, v16;
	vm3 =	vmand vm3, vm4  }
0x151: {  	v22 =	vld [tilespmem:s28+$0x10];
	v26 =	vsel vm7, v26, v29;
	v27 =	vsel vm8, v27, v29;
	vm3 =	vmor vm5, vm3  }
0x152: {  	v24 =	vld [tilespmem:s28+$0x20];
	v32 =	vsel vm15, v20, v20;
	v16 =	vsel vm3, v18, v16;
	v17 =	vsel vm3, v19, v17  }
0x153: {  	vm9 =	vlt.f32 v28, v29;
	v21 =	vld [tilespmem:s28+$0x0];
	v18 =	vperm.xlane v16, v3;
	v19 =	vperm.xlane v17, v3  }
0x154: {  	v30 =	vld [tilespmem:s28+$0x70];
	v33 =	vsel vm7, v20, v20;
	v34 =	vsel vm8, v20, v20;
	v28 =	vsel vm9, v28, v29;
	s28 =	simm.s32 $0x80  }
0x155: {  	v35 =	vsel vm9, v20, v20;
	v36 =	vld [tilespmem:s28+$0x0];
	vm3 =	veq.f32 v18, v16;
	vm4 =	vlt.s32 v19, v17  }
0x156: {  	v38 =	vld [tilespmem:s28+$0x10];
	vm5 =	vlt.f32 v18, v16;
	vm3 =	vmand vm3, vm4;
	vm4 =	vlt.f32 v22, v29  }
0x157: {  	v37 =	vld [tilespmem:s28+$0x20];
	vm3 =	vmor vm5, vm3;
	v22 =	vsel vm4, v22, v29;
	vm5 =	vlt.f32 v24, v29  }
0x158: {  	v39 =	vld [tilespmem:s28+$0x30];
	v18 =	vsel vm3, v18, v16;
	v16 =	vsel vm3, v19, v17;
	vm3 =	vlt.f32 v21, v29  }
0x159: {  	v41 =	vld [tilespmem:s28+$0x40];
	v24 =	vsel vm5, v24, v29;
	v31 =	vsel vm5, v20, v20;
	v19 =	vperm.xlane v18, v4  }
0x15a: {  	v40 =	vld [tilespmem:s28+$0x50];
	v21 =	vsel vm3, v21, v29;
	v23 =	vsel vm3, v20, v20;
	vm3 =	vlt.f32 v30, v29  }
0x15b: {  	s29 =	simm.s32 $0x400;
	v42 =	vld [tilespmem:s28+$0x60];
	v17 =	vperm.xlane v16, v4;
	v29 =	vsel vm3, v30, v29;
	v30 =	vsel vm4, v20, v20  }
.LBB2_18:
0x15c: {  	p0 =	sne.s32 s29, $0x7E00;
	v44 =	vld [tilespmem:s28+$0x70];
	v43 =	vsel vm3, v20, v43  }
0x15d: {  	s28 =	sshra.s32 s29, $0x2;
	vm3 =	vlt.f32 v36, v21;
	vm4 =	vlt.f32 v38, v22;
	v20 =	vadd.s32 $0x1, v20  }
0x15e: {  	v21 =	vsel vm3, v36, v21;
	v23 =	vsel vm3, v20, v23;
	v22 =	vsel vm4, v38, v22;
	v36 =	vld [tilespmem:s28+$0x0]  }
0x15f: {  	vm5 =	vlt.f32 v37, v24;
	vm6 =	vlt.f32 v39, v25;
	vm7 =	vlt.f32 v41, v26;
	v38 =	vld [tilespmem:s28+$0x10]  }
.Ltmp8:
0x160: {  	v24 =	vsel vm5, v37, v24;
	v25 =	vsel vm6, v39, v25;
	v26 =	vsel vm7, v41, v26;
	v37 =	vld [tilespmem:s28+$0x20];
	(pc) =	sbr.rel @p0 .LBB2_18-.Ltmp8, $4  }
0x161: {  	vm8 =	vlt.f32 v40, v27;
	vm9 =	vlt.f32 v42, v28;
	v39 =	vld [tilespmem:s28+$0x30];
	vm3 =	vlt.f32 v44, v29  }
0x162: {  	v27 =	vsel vm8, v40, v27;
	v28 =	vsel vm9, v42, v28;
	v41 =	vld [tilespmem:s28+$0x40];
	v29 =	vsel vm3, v44, v29  }
0x163: {  	v30 =	vsel vm4, v20, v30;
	v31 =	vsel vm5, v20, v31;
	v32 =	vsel vm6, v20, v32;
	v40 =	vld [tilespmem:s28+$0x50]  }
0x164: {  	s29 =	sadd.s32 $0x200, s29;
	v33 =	vsel vm7, v20, v33;
	v34 =	vsel vm8, v20, v34;
	v35 =	vsel vm9, v20, v35;
	v42 =	vld [tilespmem:s28+$0x60]  }
0x165: {  	v44 =	vld [tilespmem:s28+$0x70];
	_ =	swait.ge [sflag:s23], $0x2000  }
0x166: {  	[sflag:s23] =	ssyncset.done $0x0  }
0x167: {  	s28 =	simm.s32 $0x0;
	[sflag:s23] =	ssyncadd.s32 $0xFFFFE000  }
0x168: {  	[tilespmem:s28], [sflag:$0x1] =	stream.linear.gather [hbm4b:s13+s28], $0x2000, $0x38;
	[tilespmem:$0x4080] =	vst v63  }
0x169: {  	s28 =	simm.s32 $0x0  }
0x16a: {  	v43 =	vsel vm3, v20, v43;
	vm3 =	vlt.f32 v36, v21;
	v45 =	vld [tilespmem:s28+$0x2000]  }
0x16b: {  	vm4 =	vlt.f32 v38, v22;
	v20 =	vadd.s32 $0x1, v20;
	v36 =	vsel vm3, v36, v21;
	v58 =	vld [tilespmem:s28+$0x2010]  }
0x16c: {  	v23 =	vsel vm3, v20, v23;
	v22 =	vsel vm4, v38, v22;
	vm3 =	vlt.f32 v37, v24;
	v59 =	vld [tilespmem:s28+$0x2020]  }
0x16d: {  	vm5 =	vlt.f32 v39, v25;
	v62 =	vsel vm4, v20, v30;
	vm6 =	vlt.f32 v41, v26;
	v60 =	vld [tilespmem:s28+$0x2030]  }
0x16e: {  	v24 =	vsel vm3, v37, v24;
	v25 =	vsel vm5, v39, v25;
	v47 =	vsel vm3, v20, v31;
	v61 =	vld [tilespmem:s28+$0x2040]  }
0x16f: {  	v48 =	vsel vm5, v20, v32;
	v26 =	vsel vm6, v41, v26;
	vm7 =	vlt.f32 v40, v27;
	v46 =	vld [tilespmem:s28+$0x2050]  }
0x170: {  	v49 =	vsel vm6, v20, v33;
	vm8 =	vlt.f32 v42, v28;
	v27 =	vsel vm7, v40, v27;
	v50 =	vld [tilespmem:s28+$0x2060]  }
0x171: {  	v51 =	vsel vm7, v20, v34;
	vm9 =	vlt.f32 v44, v29;
	v28 =	vsel vm8, v42, v28  }
0x172: {  	v63 =	vld [tilespmem:s28+$0x2070];
	v52 =	vsel vm8, v20, v35;
	v29 =	vsel vm9, v44, v29;
	v21 =	vsel vm9, v20, v43  }
0x173: {  	s28 =	simm.s32 $0x80;
	v20 =	vimm.s32 $0x40;
	vm3 =	vlt.f32 v45, v36;
	vm4 =	vlt.f32 v58, v22  }
0x174: {  	v30 =	vld [tilespmem:s28+$0x2000];
	vm5 =	vlt.f32 v59, v24;
	vm12 =	vlt.f32 v60, v25;
	vm13 =	vlt.f32 v61, v26  }
0x175: {  	v39 =	vld [tilespmem:s28+$0x2010];
	vm14 =	vlt.f32 v46, v27;
	vm15 =	vlt.f32 v50, v28;
	v31 =	vsel vm3, v45, v36  }
0x176: {  	v32 =	vld [tilespmem:s28+$0x2020];
	v23 =	vsel vm3, v20, v23;
	v22 =	vsel vm4, v58, v22;
	v33 =	vsel vm5, v59, v24  }
0x177: {  	v40 =	vld [tilespmem:s28+$0x2030];
	v24 =	vsel vm12, v60, v25;
	v25 =	vsel vm13, v61, v26;
	vm3 =	vlt.f32 v63, v29  }
0x178: {  	v42 =	vld [tilespmem:s28+$0x2040];
	v34 =	vsel vm14, v46, v27;
	v26 =	vsel vm15, v50, v28;
	v35 =	vsel vm4, v20, v62  }
0x179: {  	v41 =	vld [tilespmem:s28+$0x2050];
	v28 =	vsel vm5, v20, v47;
	v38 =	vsel vm13, v20, v49;
	v36 =	vsel vm14, v20, v51  }
0x17a: {  	s29 =	simm.s32 $0x400;
	v43 =	vld [tilespmem:s28+$0x2060];
	v37 =	vsel vm15, v20, v52;
	v27 =	vsel vm3, v63, v29;
	v29 =	vsel vm12, v20, v48  }
.LBB2_20:
0x17b: {  	p0 =	sne.s32 s29, $0x7E00;
	v44 =	vld [tilespmem:s28+$0x2070];
	v21 =	vsel vm3, v20, v21  }
0x17c: {  	s28 =	sshra.s32 s29, $0x2;
	vm3 =	vlt.f32 v30, v31;
	vm4 =	vlt.f32 v39, v22;
	v20 =	vadd.s32 $0x1, v20  }
0x17d: {  	v31 =	vsel vm3, v30, v31;
	v23 =	vsel vm3, v20, v23;
	v22 =	vsel vm4, v39, v22;
	v30 =	vld [tilespmem:s28+$0x2000]  }
0x17e: {  	vm5 =	vlt.f32 v32, v33;
	vm6 =	vlt.f32 v40, v24;
	vm7 =	vlt.f32 v42, v25;
	v39 =	vld [tilespmem:s28+$0x2010]  }
.Ltmp9:
0x17f: {  	v33 =	vsel vm5, v32, v33;
	v24 =	vsel vm6, v40, v24;
	v25 =	vsel vm7, v42, v25;
	v32 =	vld [tilespmem:s28+$0x2020];
	(pc) =	sbr.rel @p0 .LBB2_20-.Ltmp9, $4  }
0x180: {  	vm8 =	vlt.f32 v41, v34;
	vm9 =	vlt.f32 v43, v26;
	v40 =	vld [tilespmem:s28+$0x2030];
	vm3 =	vlt.f32 v44, v27  }
0x181: {  	v34 =	vsel vm8, v41, v34;
	v26 =	vsel vm9, v43, v26;
	v42 =	vld [tilespmem:s28+$0x2040];
	v27 =	vsel vm3, v44, v27  }
0x182: {  	v35 =	vsel vm4, v20, v35;
	v28 =	vsel vm5, v20, v28;
	v29 =	vsel vm6, v20, v29;
	v41 =	vld [tilespmem:s28+$0x2050]  }
0x183: {  	s29 =	sadd.s32 $0x200, s29;
	v38 =	vsel vm7, v20, v38;
	v36 =	vsel vm8, v20, v36;
	v37 =	vsel vm9, v20, v37;
	v43 =	vld [tilespmem:s28+$0x2060]  }
0x184: {  	v44 =	vld [tilespmem:s28+$0x2070];
	_ =	swait.ge [sflag:s21], $0x2000  }
0x185: {  	[sflag:s21] =	ssyncset.done $0x0  }
0x186: {  	s28 =	simm.s32 $0x0;
	[sflag:s21] =	ssyncadd.s32 $0xFFFFE000  }
0x187: {  	[tilespmem:s22], [sflag:$0x2] =	stream.linear.gather [hbm4b:s14+s28], $0x2000, $0x38;
	[tilespmem:$0x4080] =	vst v63  }
0x188: {  	s28 =	simm.s32 $0x0  }
0x189: {  	v21 =	vsel vm3, v20, v21;
	vm3 =	vlt.f32 v30, v31;
	v45 =	vld [tilespmem:s28+$0x0]  }
0x18a: {  	vm4 =	vlt.f32 v39, v22;
	v20 =	vadd.s32 $0x1, v20;
	v31 =	vsel vm3, v30, v31;
	v59 =	vld [tilespmem:s28+$0x10]  }
0x18b: {  	v23 =	vsel vm3, v20, v23;
	v22 =	vsel vm4, v39, v22;
	vm3 =	vlt.f32 v32, v33;
	v46 =	vld [tilespmem:s28+$0x20]  }
0x18c: {  	vm5 =	vlt.f32 v40, v24;
	v35 =	vsel vm4, v20, v35;
	vm6 =	vlt.f32 v42, v25;
	v60 =	vld [tilespmem:s28+$0x30]  }
0x18d: {  	v33 =	vsel vm3, v32, v33;
	v24 =	vsel vm5, v40, v24;
	v28 =	vsel vm3, v20, v28;
	v61 =	vld [tilespmem:s28+$0x40]  }
0x18e: {  	v29 =	vsel vm5, v20, v29;
	v25 =	vsel vm6, v42, v25;
	vm7 =	vlt.f32 v41, v34;
	v62 =	vld [tilespmem:s28+$0x50]  }
0x18f: {  	v38 =	vsel vm6, v20, v38;
	vm8 =	vlt.f32 v43, v26;
	v34 =	vsel vm7, v41, v34;
	v63 =	vld [tilespmem:s28+$0x60]  }
0x190: {  	v36 =	vsel vm7, v20, v36;
	vm9 =	vlt.f32 v44, v27;
	v26 =	vsel vm8, v43, v26  }
0x191: {  	v47 =	vld [tilespmem:s28+$0x70];
	v37 =	vsel vm8, v20, v37;
	v27 =	vsel vm9, v44, v27;
	v21 =	vsel vm9, v20, v21  }
0x192: {  	s28 =	simm.s32 $0x80;
	v20 =	vimm.s32 $0x80;
	vm3 =	vlt.f32 v45, v31;
	vm4 =	vlt.f32 v59, v22  }
0x193: {  	v30 =	vld [tilespmem:s28+$0x0];
	vm5 =	vlt.f32 v46, v33;
	vm12 =	vlt.f32 v60, v24;
	vm13 =	vlt.f32 v61, v25  }
0x194: {  	v39 =	vld [tilespmem:s28+$0x10];
	vm14 =	vlt.f32 v62, v34;
	vm15 =	vlt.f32 v63, v26;
	v31 =	vsel vm3, v45, v31  }
0x195: {  	v32 =	vld [tilespmem:s28+$0x20];
	v23 =	vsel vm3, v20, v23;
	v22 =	vsel vm4, v59, v22;
	v33 =	vsel vm5, v46, v33  }
0x196: {  	v40 =	vld [tilespmem:s28+$0x30];
	v24 =	vsel vm12, v60, v24;
	v25 =	vsel vm13, v61, v25;
	vm3 =	vlt.f32 v47, v27  }
0x197: {  	v42 =	vld [tilespmem:s28+$0x40];
	v34 =	vsel vm14, v62, v34;
	v26 =	vsel vm15, v63, v26;
	v35 =	vsel vm4, v20, v35  }
0x198: {  	v41 =	vld [tilespmem:s28+$0x50];
	v28 =	vsel vm5, v20, v28;
	v29 =	vsel vm12, v20, v29;
	v38 =	vsel vm13, v20, v38  }
0x199: {  	s29 =	simm.s32 $0x400;
	v43 =	vld [tilespmem:s28+$0x60];
	v36 =	vsel vm14, v20, v36;
	v37 =	vsel vm15, v20, v37;
	v27 =	vsel vm3, v47, v27  }
.LBB2_22:
0x19a: {  	p0 =	sne.s32 s29, $0x7E00;
	v44 =	vld [tilespmem:s28+$0x70];
	v21 =	vsel vm3, v20, v21  }
0x19b: {  	s28 =	sshra.s32 s29, $0x2;
	vm3 =	vlt.f32 v30, v31;
	vm4 =	vlt.f32 v39, v22;
	v20 =	vadd.s32 $0x1, v20  }
0x19c: {  	v31 =	vsel vm3, v30, v31;
	v23 =	vsel vm3, v20, v23;
	v22 =	vsel vm4, v39, v22;
	v30 =	vld [tilespmem:s28+$0x0]  }
0x19d: {  	vm5 =	vlt.f32 v32, v33;
	vm6 =	vlt.f32 v40, v24;
	vm7 =	vlt.f32 v42, v25;
	v39 =	vld [tilespmem:s28+$0x10]  }
.Ltmp10:
0x19e: {  	v33 =	vsel vm5, v32, v33;
	v24 =	vsel vm6, v40, v24;
	v25 =	vsel vm7, v42, v25;
	v32 =	vld [tilespmem:s28+$0x20];
	(pc) =	sbr.rel @p0 .LBB2_22-.Ltmp10, $4  }
0x19f: {  	vm8 =	vlt.f32 v41, v34;
	vm9 =	vlt.f32 v43, v26;
	v40 =	vld [tilespmem:s28+$0x30];
	vm3 =	vlt.f32 v44, v27  }
0x1a0: {  	v34 =	vsel vm8, v41, v34;
	v26 =	vsel vm9, v43, v26;
	v42 =	vld [tilespmem:s28+$0x40];
	v27 =	vsel vm3, v44, v27  }
0x1a1: {  	v35 =	vsel vm4, v20, v35;
	v28 =	vsel vm5, v20, v28;
	v29 =	vsel vm6, v20, v29;
	v41 =	vld [tilespmem:s28+$0x50]  }
0x1a2: {  	s29 =	sadd.s32 $0x200, s29;
	v38 =	vsel vm7, v20, v38;
	v36 =	vsel vm8, v20, v36;
	v37 =	vsel vm9, v20, v37;
	v43 =	vld [tilespmem:s28+$0x60]  }
0x1a3: {  	v44 =	vld [tilespmem:s28+$0x70];
	_ =	swait.ge [sflag:s23], $0x2000  }
0x1a4: {  	[sflag:s23] =	ssyncset.done $0x0  }
0x1a5: {  	s28 =	simm.s32 $0x0;
	[sflag:s23] =	ssyncadd.s32 $0xFFFFE000  }
0x1a6: {  	[tilespmem:s28], [sflag:$0x1] =	stream.linear.gather [hbm4b:s15+s28], $0x2000, $0x38;
	[tilespmem:$0x4080] =	vst v63  }
0x1a7: {  	v21 =	vsel vm3, v20, v21;
	vm3 =	vlt.f32 v30, v31;
	s28 =	simm.s32 $0x0  }
0x1a8: {  	v30 =	vsel vm3, v30, v31;
	v31 =	vld [tilespmem:s28+$0x2000]  }
0x1a9: {  	vm4 =	vlt.f32 v39, v22;
	v20 =	vadd.s32 $0x1, v20;
	v60 =	vld [tilespmem:s28+$0x2010]  }
0x1aa: {  	v23 =	vsel vm3, v20, v23;
	v22 =	vsel vm4, v39, v22;
	vm3 =	vlt.f32 v32, v33;
	v46 =	vld [tilespmem:s28+$0x2020]  }
0x1ab: {  	vm5 =	vlt.f32 v40, v24;
	v62 =	vsel vm4, v20, v35;
	v35 =	vimm.s32 $0xC0;
	v61 =	vld [tilespmem:s28+$0x2030]  }
0x1ac: {  	vm6 =	vlt.f32 v42, v25;
	v45 =	vsel vm3, v32, v33;
	v24 =	vsel vm5, v40, v24;
	v48 =	vld [tilespmem:s28+$0x2040]  }
0x1ad: {  	v49 =	vsel vm3, v20, v28;
	v50 =	vsel vm5, v20, v29;
	v25 =	vsel vm6, v42, v25;
	v63 =	vld [tilespmem:s28+$0x2050]  }
0x1ae: {  	vm7 =	vlt.f32 v41, v34;
	v51 =	vsel vm6, v20, v38;
	vm8 =	vlt.f32 v43, v26;
	v52 =	vld [tilespmem:s28+$0x2060]  }
0x1af: {  	v47 =	vsel vm7, v41, v34;
	v53 =	vsel vm7, v20, v36;
	vm9 =	vlt.f32 v44, v27  }
0x1b0: {  	v26 =	vsel vm8, v43, v26;
	v54 =	vsel vm8, v20, v37;
	v27 =	vsel vm9, v44, v27  }
0x1b1: {  	v32 =	vsel vm9, v20, v21;
	v20 =	vld [tilespmem:s28+$0x2070];
	s28 =	simm.s32 $0x80;
	vm3 =	vlt.f32 v31, v30;
	vm4 =	vlt.f32 v60, v22  }
0x1b2: {  	v37 =	vld [tilespmem:s28+$0x2000];
	vm5 =	vlt.f32 v46, v45;
	vm12 =	vlt.f32 v61, v24;
	vm13 =	vlt.f32 v48, v25  }
0x1b3: {  	v40 =	vld [tilespmem:s28+$0x2010];
	vm14 =	vlt.f32 v63, v47;
	vm15 =	vlt.f32 v52, v26;
	v38 =	vsel vm3, v31, v30  }
0x1b4: {  	v33 =	vld [tilespmem:s28+$0x2020];
	v41 =	vsel vm3, v35, v23;
	v36 =	vsel vm4, v60, v22;
	v34 =	vsel vm5, v46, v45  }
0x1b5: {  	v29 =	vld [tilespmem:s28+$0x2040];
	v28 =	vsel vm12, v61, v24;
	v25 =	vsel vm13, v48, v25;
	v22 =	vsel vm14, v63, v47  }
0x1b6: {  	v30 =	vld [tilespmem:s28+$0x2030];
	v21 =	vsel vm15, v52, v26;
	v43 =	vsel vm4, v35, v62;
	v42 =	vsel vm5, v35, v49  }
0x1b7: {  	v26 =	vld [tilespmem:s28+$0x2050];
	v39 =	vsel vm12, v35, v50;
	v31 =	vsel vm13, v35, v51;
	vm3 =	vlt.f32 v20, v27  }
0x1b8: {  	s29 =	simm.s32 $0x400;
	v24 =	vld [tilespmem:s28+$0x2060];
	v23 =	vsel vm15, v35, v54;
	v20 =	vsel vm3, v20, v27;
	v27 =	vsel vm14, v35, v53  }
.LBB2_24:
0x1b9: {  	p0 =	sne.s32 s29, $0x7E00;
	v44 =	vld [tilespmem:s28+$0x2070];
	v32 =	vsel vm3, v35, v32  }
0x1ba: {  	s28 =	sshra.s32 s29, $0x2;
	vm3 =	vlt.f32 v37, v38;
	vm4 =	vlt.f32 v40, v36;
	v35 =	vadd.s32 $0x1, v35  }
0x1bb: {  	v38 =	vsel vm3, v37, v38;
	v41 =	vsel vm3, v35, v41;
	v36 =	vsel vm4, v40, v36;
	v37 =	vld [tilespmem:s28+$0x2000]  }
0x1bc: {  	vm5 =	vlt.f32 v33, v34;
	vm6 =	vlt.f32 v30, v28;
	vm7 =	vlt.f32 v29, v25;
	v40 =	vld [tilespmem:s28+$0x2010]  }
.Ltmp11:
0x1bd: {  	v34 =	vsel vm5, v33, v34;
	v28 =	vsel vm6, v30, v28;
	v25 =	vsel vm7, v29, v25;
	v33 =	vld [tilespmem:s28+$0x2020];
	(pc) =	sbr.rel @p0 .LBB2_24-.Ltmp11, $4  }
0x1be: {  	vm8 =	vlt.f32 v26, v22;
	vm9 =	vlt.f32 v24, v21;
	v30 =	vld [tilespmem:s28+$0x2030];
	vm3 =	vlt.f32 v44, v20  }
0x1bf: {  	v22 =	vsel vm8, v26, v22;
	v21 =	vsel vm9, v24, v21;
	v29 =	vld [tilespmem:s28+$0x2040];
	v20 =	vsel vm3, v44, v20  }
0x1c0: {  	v43 =	vsel vm4, v35, v43;
	v42 =	vsel vm5, v35, v42;
	v39 =	vsel vm6, v35, v39;
	v26 =	vld [tilespmem:s28+$0x2050]  }
0x1c1: {  	s29 =	sadd.s32 $0x200, s29;
	v31 =	vsel vm7, v35, v31;
	v27 =	vsel vm8, v35, v27;
	v23 =	vsel vm9, v35, v23;
	v24 =	vld [tilespmem:s28+$0x2060]  }
0x1c2: {  	vm4 =	vlt.f32 v37, v38;
	vm5 =	vlt.f32 v40, v36;
	v44 =	vadd.s32 $0x1, v35  }
0x1c3: {  	v32 =	vsel vm3, v35, v32;
	v55 =	vsel vm4, v44, v41;
	v56 =	vsel vm5, v44, v43  }
0x1c4: {  	v37 =	vsel vm4, v37, v38;
	v35 =	vshll.u32 v55, $0x7;
	v57 =	vshll.u32 v56, $0x7  }
0x1c5: {  	v36 =	vsel vm5, v40, v36;
	v35 =	vor.u32 v0, v35;
	v38 =	vor.u32 v5, v57  }
0x1c6: {  	vm3 =	vlt.f32 v33, v34;
	vm4 =	veq.f32 v36, v37;
	vm5 =	vlt.s32 v38, v35  }
0x1c7: {  	v58 =	vsel vm3, v44, v42;
	vm6 =	vlt.f32 v36, v37;
	vm4 =	vmand vm4, vm5  }
0x1c8: {  	v33 =	vsel vm3, v33, v34;
	v59 =	vshll.u32 v58, $0x7;
	vm3 =	vmor vm6, vm4  }
0x1c9: {  	v34 =	vor.u32 v6, v59;
	v36 =	vsel vm3, v36, v37;
	v35 =	vsel vm3, v38, v35  }
0x1ca: {  	vm3 =	vlt.f32 v30, v28;
	vm4 =	veq.f32 v33, v36;
	vm5 =	vlt.s32 v34, v35  }
0x1cb: {  	v60 =	vsel vm3, v44, v39;
	vm10 =	vlt.f32 v33, v36;
	vm4 =	vmand vm4, vm5  }
0x1cc: {  	v28 =	vsel vm3, v30, v28;
	v30 =	vshll.u32 v60, $0x7;
	vm3 =	vmor vm10, vm4  }
0x1cd: {  	v30 =	vor.u32 v10, v30;
	v33 =	vsel vm3, v33, v36;
	v34 =	vsel vm3, v34, v35  }
0x1ce: {  	vm3 =	vlt.f32 v29, v25;
	vm4 =	veq.f32 v28, v33;
	vm5 =	vlt.s32 v30, v34  }
0x1cf: {  	v31 =	vsel vm3, v44, v31;
	vm11 =	vlt.f32 v28, v33;
	vm4 =	vmand vm4, vm5  }
0x1d0: {  	v25 =	vsel vm3, v29, v25;
	v29 =	vshll.u32 v31, $0x7;
	vm3 =	vmor vm11, vm4  }
0x1d1: {  	v29 =	vor.u32 v11, v29;
	v28 =	vsel vm3, v28, v33;
	v30 =	vsel vm3, v30, v34  }
0x1d2: {  	vm3 =	vlt.f32 v26, v22;
	vm4 =	veq.f32 v25, v28;
	vm5 =	vlt.s32 v29, v30  }
0x1d3: {  	v27 =	vsel vm3, v44, v27;
	vm12 =	vlt.f32 v25, v28;
	vm4 =	vmand vm4, vm5  }
0x1d4: {  	v22 =	vsel vm3, v26, v22;
	v26 =	vshll.u32 v27, $0x7;
	vm3 =	vmor vm12, vm4  }
0x1d5: {  	v27 =	vld [tilespmem:s28+$0x2070];
	v26 =	vor.u32 v7, v26;
	v25 =	vsel vm3, v25, v28;
	v28 =	vsel vm3, v29, v30  }
0x1d6: {  	vm3 =	vlt.f32 v24, v21;
	vm4 =	veq.f32 v22, v25;
	vm5 =	vlt.s32 v26, v28  }
0x1d7: {  	v23 =	vsel vm3, v44, v23;
	vm13 =	vlt.f32 v22, v25;
	vm4 =	vmand vm4, vm5  }
0x1d8: {  	v21 =	vsel vm3, v24, v21;
	v23 =	vshll.u32 v23, $0x7;
	vm3 =	vmor vm13, vm4  }
0x1d9: {  	v23 =	vor.u32 v8, v23;
	v22 =	vsel vm3, v22, v25;
	v24 =	vsel vm3, v26, v28  }
0x1da: {  	vm3 =	vlt.f32 v27, v20;
	vm4 =	veq.f32 v21, v22;
	vm5 =	vlt.s32 v23, v24  }
0x1db: {  	v25 =	vsel vm3, v44, v32;
	vm14 =	vlt.f32 v21, v22;
	vm4 =	vmand vm4, vm5  }
0x1dc: {  	v20 =	vsel vm3, v27, v20;
	v25 =	vshll.u32 v25, $0x7;
	vm3 =	vmor vm14, vm4  }
0x1dd: {  	_ =	swait.ge [sflag:s21], $0x2000;
	v25 =	vor.u32 v9, v25;
	v21 =	vsel vm3, v21, v22;
	v22 =	vsel vm3, v23, v24  }
0x1de: {  	[sflag:s21] =	ssyncset.done $0x0;
	vm3 =	veq.f32 v20, v21;
	vm4 =	vlt.s32 v25, v22  }
0x1df: {  	s28 =	simm.s32 $0x0;
	[sflag:s21] =	ssyncadd.s32 $0xFFFFE000;
	vm5 =	vlt.f32 v20, v21;
	vm3 =	vmand vm3, vm4  }
0x1e0: {  	[tilespmem:s22], [sflag:$0x2] =	stream.linear.gather [hbm4b:s16+s28], $0x2000, $0x38;
	vm3 =	vmor vm5, vm3;
	[tilespmem:$0x4080] =	vst v63  }
0x1e1: {  	s28 =	simm.s32 $0x0;
	v20 =	vsel vm3, v20, v21;
	v21 =	vsel vm3, v25, v22  }
0x1e2: {  	v29 =	vld [tilespmem:s28+$0x30];
	v22 =	vperm.xlane v20, v1;
	v23 =	vperm.xlane v21, v1  }
0x1e3: {  	v30 =	vld [tilespmem:s28+$0x40]  }
0x1e4: {  	v31 =	vld [tilespmem:s28+$0x50];
	vm3 =	veq.f32 v22, v20;
	vm4 =	vlt.s32 v23, v21  }
0x1e5: {  	v62 =	vld [tilespmem:s28+$0x60];
	vm5 =	vlt.f32 v22, v20;
	vm3 =	vmand vm3, vm4  }
0x1e6: {  	vm3 =	vmor vm5, vm3  }
0x1e7: {  	v61 =	vimm.f32 $+Inf;
	v20 =	vsel vm3, v22, v20;
	v21 =	vsel vm3, v23, v21  }
0x1e8: {  	v47 =	vimm.s32 $0x0;
	v22 =	vperm.xlane v20, v2;
	v23 =	vperm.xlane v21, v2  }
0x1e9: {  	vm15 =	vlt.f32 v29, v61;
	vm7 =	vlt.f32 v30, v61;
	vm8 =	vlt.f32 v31, v61  }
0x1ea: {  	vm9 =	vlt.f32 v62, v61;
	vm3 =	veq.f32 v22, v20;
	vm4 =	vlt.s32 v23, v21  }
0x1eb: {  	v24 =	vimm.s32 $0x0;
	vm5 =	vlt.f32 v22, v20;
	vm3 =	vmand vm3, vm4  }
0x1ec: {  	v26 =	vld [tilespmem:s28+$0x10];
	v29 =	vsel vm15, v29, v61;
	v30 =	vsel vm7, v30, v61;
	vm3 =	vmor vm5, vm3  }
0x1ed: {  	v28 =	vld [tilespmem:s28+$0x20];
	v31 =	vsel vm8, v31, v61;
	v20 =	vsel vm3, v22, v20;
	v21 =	vsel vm3, v23, v21  }
0x1ee: {  	v63 =	vld [tilespmem:s28+$0x70];
	v32 =	vsel vm9, v62, v61;
	v22 =	vperm.xlane v20, v3;
	v23 =	vperm.xlane v21, v3  }
0x1ef: {  	v36 =	vsel vm15, v24, v24;
	v37 =	vsel vm7, v24, v24;
	v38 =	vsel vm8, v24, v24;
	v25 =	vld [tilespmem:s28+$0x0];
	s28 =	simm.s32 $0x80  }
0x1f0: {  	v39 =	vsel vm9, v24, v24;
	v40 =	vld [tilespmem:s28+$0x0];
	vm3 =	veq.f32 v22, v20;
	vm4 =	vlt.s32 v23, v21  }
0x1f1: {  	v42 =	vld [tilespmem:s28+$0x10];
	vm5 =	vlt.f32 v22, v20;
	vm3 =	vmand vm3, vm4;
	vm4 =	vlt.f32 v26, v61  }
0x1f2: {  	v41 =	vld [tilespmem:s28+$0x20];
	vm3 =	vmor vm5, vm3;
	v26 =	vsel vm4, v26, v61;
	vm5 =	vlt.f32 v28, v61  }
0x1f3: {  	v43 =	vld [tilespmem:s28+$0x30];
	v34 =	vsel vm4, v24, v24;
	v22 =	vsel vm3, v22, v20;
	v20 =	vsel vm3, v23, v21  }
0x1f4: {  	v45 =	vld [tilespmem:s28+$0x40];
	vm3 =	vlt.f32 v25, v61;
	v28 =	vsel vm5, v28, v61;
	v35 =	vsel vm5, v24, v24  }
0x1f5: {  	v44 =	vld [tilespmem:s28+$0x50];
	v25 =	vsel vm3, v25, v61;
	v27 =	vsel vm3, v24, v24;
	vm3 =	vlt.f32 v63, v61  }
0x1f6: {  	s29 =	simm.s32 $0x400;
	v46 =	vld [tilespmem:s28+$0x60];
	v23 =	vperm.xlane v22, v4;
	v21 =	vperm.xlane v20, v4;
	v33 =	vsel vm3, v63, v61  }
.LBB2_26:
0x1f7: {  	p0 =	sne.s32 s29, $0x7E00;
	v48 =	vld [tilespmem:s28+$0x70];
	v47 =	vsel vm3, v24, v47  }
0x1f8: {  	s28 =	sshra.s32 s29, $0x2;
	vm3 =	vlt.f32 v40, v25;
	vm4 =	vlt.f32 v42, v26;
	v24 =	vadd.s32 $0x1, v24  }
0x1f9: {  	v25 =	vsel vm3, v40, v25;
	v27 =	vsel vm3, v24, v27;
	v26 =	vsel vm4, v42, v26;
	v40 =	vld [tilespmem:s28+$0x0]  }
0x1fa: {  	vm5 =	vlt.f32 v41, v28;
	vm6 =	vlt.f32 v43, v29;
	vm7 =	vlt.f32 v45, v30;
	v42 =	vld [tilespmem:s28+$0x10]  }
.Ltmp12:
0x1fb: {  	v28 =	vsel vm5, v41, v28;
	v29 =	vsel vm6, v43, v29;
	v30 =	vsel vm7, v45, v30;
	v41 =	vld [tilespmem:s28+$0x20];
	(pc) =	sbr.rel @p0 .LBB2_26-.Ltmp12, $4  }
0x1fc: {  	vm8 =	vlt.f32 v44, v31;
	vm9 =	vlt.f32 v46, v32;
	v43 =	vld [tilespmem:s28+$0x30];
	vm3 =	vlt.f32 v48, v33  }
0x1fd: {  	v31 =	vsel vm8, v44, v31;
	v32 =	vsel vm9, v46, v32;
	v45 =	vld [tilespmem:s28+$0x40];
	v33 =	vsel vm3, v48, v33  }
0x1fe: {  	v34 =	vsel vm4, v24, v34;
	v35 =	vsel vm5, v24, v35;
	v36 =	vsel vm6, v24, v36;
	v44 =	vld [tilespmem:s28+$0x50]  }
0x1ff: {  	s29 =	sadd.s32 $0x200, s29;
	v37 =	vsel vm7, v24, v37;
	v38 =	vsel vm8, v24, v38;
	v39 =	vsel vm9, v24, v39;
	v46 =	vld [tilespmem:s28+$0x60]  }
0x200: {  	v48 =	vld [tilespmem:s28+$0x70];
	_ =	swait.ge [sflag:s23], $0x2000  }
0x201: {  	[sflag:s23] =	ssyncset.done $0x0  }
0x202: {  	s28 =	simm.s32 $0x0;
	[sflag:s23] =	ssyncadd.s32 $0xFFFFE000  }
0x203: {  	[tilespmem:s28], [sflag:$0x1] =	stream.linear.gather [hbm4b:s17+s28], $0x2000, $0x38;
	[tilespmem:$0x4080] =	vst v63  }
0x204: {  	v47 =	vsel vm3, v24, v47;
	vm3 =	vlt.f32 v40, v25;
	s28 =	simm.s32 $0x0  }
0x205: {  	vm4 =	vlt.f32 v42, v26;
	v24 =	vadd.s32 $0x1, v24;
	v40 =	vsel vm3, v40, v25;
	v49 =	vld [tilespmem:s28+$0x2000]  }
0x206: {  	v27 =	vsel vm3, v24, v27;
	v26 =	vsel vm4, v42, v26;
	vm3 =	vlt.f32 v41, v28;
	v42 =	vld [tilespmem:s28+$0x2010]  }
0x207: {  	v28 =	vsel vm3, v41, v28;
	v41 =	vld [tilespmem:s28+$0x2020]  }
0x208: {  	vm5 =	vlt.f32 v43, v29;
	v62 =	vsel vm4, v24, v34;
	v60 =	vld [tilespmem:s28+$0x2030]  }
0x209: {  	vm6 =	vlt.f32 v45, v30;
	v29 =	vsel vm5, v43, v29;
	v51 =	vsel vm3, v24, v35;
	v61 =	vld [tilespmem:s28+$0x2040]  }
0x20a: {  	v52 =	vsel vm5, v24, v36;
	v30 =	vsel vm6, v45, v30;
	vm7 =	vlt.f32 v44, v31;
	v50 =	vld [tilespmem:s28+$0x2050]  }
0x20b: {  	v53 =	vsel vm6, v24, v37;
	vm8 =	vlt.f32 v46, v32;
	v31 =	vsel vm7, v44, v31;
	v54 =	vld [tilespmem:s28+$0x2060]  }
0x20c: {  	v55 =	vsel vm7, v24, v38;
	vm9 =	vlt.f32 v48, v33;
	v32 =	vsel vm8, v46, v32  }
0x20d: {  	v63 =	vld [tilespmem:s28+$0x2070];
	v56 =	vsel vm8, v24, v39;
	v33 =	vsel vm9, v48, v33;
	v25 =	vsel vm9, v24, v47  }
0x20e: {  	s28 =	simm.s32 $0x80;
	v24 =	vimm.s32 $0x40;
	vm3 =	vlt.f32 v49, v40;
	vm4 =	vlt.f32 v42, v26  }
0x20f: {  	v34 =	vld [tilespmem:s28+$0x2000];
	vm5 =	vlt.f32 v41, v28;
	vm12 =	vlt.f32 v60, v29;
	vm13 =	vlt.f32 v61, v30  }
0x210: {  	v43 =	vld [tilespmem:s28+$0x2010];
	vm14 =	vlt.f32 v50, v31;
	vm15 =	vlt.f32 v54, v32;
	v35 =	vsel vm3, v49, v40  }
0x211: {  	v36 =	vld [tilespmem:s28+$0x2020];
	v27 =	vsel vm3, v24, v27;
	v26 =	vsel vm4, v42, v26;
	v37 =	vsel vm5, v41, v28  }
0x212: {  	v44 =	vld [tilespmem:s28+$0x2030];
	v28 =	vsel vm12, v60, v29;
	v29 =	vsel vm13, v61, v30;
	vm3 =	vlt.f32 v63, v33  }
0x213: {  	v46 =	vld [tilespmem:s28+$0x2040];
	v38 =	vsel vm14, v50, v31;
	v30 =	vsel vm15, v54, v32;
	v39 =	vsel vm4, v24, v62  }
0x214: {  	v45 =	vld [tilespmem:s28+$0x2050];
	v32 =	vsel vm5, v24, v51;
	v42 =	vsel vm13, v24, v53;
	v40 =	vsel vm14, v24, v55  }
0x215: {  	s29 =	simm.s32 $0x400;
	v47 =	vld [tilespmem:s28+$0x2060];
	v41 =	vsel vm15, v24, v56;
	v31 =	vsel vm3, v63, v33;
	v33 =	vsel vm12, v24, v52  }
.LBB2_28:
0x216: {  	p0 =	sne.s32 s29, $0x7E00;
	v48 =	vld [tilespmem:s28+$0x2070];
	v25 =	vsel vm3, v24, v25  }
0x217: {  	s28 =	sshra.s32 s29, $0x2;
	vm3 =	vlt.f32 v34, v35;
	vm4 =	vlt.f32 v43, v26;
	v24 =	vadd.s32 $0x1, v24  }
0x218: {  	v35 =	vsel vm3, v34, v35;
	v27 =	vsel vm3, v24, v27;
	v26 =	vsel vm4, v43, v26;
	v34 =	vld [tilespmem:s28+$0x2000]  }
0x219: {  	vm5 =	vlt.f32 v36, v37;
	vm6 =	vlt.f32 v44, v28;
	vm7 =	vlt.f32 v46, v29;
	v43 =	vld [tilespmem:s28+$0x2010]  }
.Ltmp13:
0x21a: {  	v37 =	vsel vm5, v36, v37;
	v28 =	vsel vm6, v44, v28;
	v29 =	vsel vm7, v46, v29;
	v36 =	vld [tilespmem:s28+$0x2020];
	(pc) =	sbr.rel @p0 .LBB2_28-.Ltmp13, $4  }
0x21b: {  	vm8 =	vlt.f32 v45, v38;
	vm9 =	vlt.f32 v47, v30;
	v44 =	vld [tilespmem:s28+$0x2030];
	vm3 =	vlt.f32 v48, v31  }
0x21c: {  	v38 =	vsel vm8, v45, v38;
	v30 =	vsel vm9, v47, v30;
	v46 =	vld [tilespmem:s28+$0x2040];
	v31 =	vsel vm3, v48, v31  }
0x21d: {  	v39 =	vsel vm4, v24, v39;
	v32 =	vsel vm5, v24, v32;
	v33 =	vsel vm6, v24, v33;
	v45 =	vld [tilespmem:s28+$0x2050]  }
0x21e: {  	s29 =	sadd.s32 $0x200, s29;
	v42 =	vsel vm7, v24, v42;
	v40 =	vsel vm8, v24, v40;
	v41 =	vsel vm9, v24, v41;
	v47 =	vld [tilespmem:s28+$0x2060]  }
0x21f: {  	v48 =	vld [tilespmem:s28+$0x2070];
	_ =	swait.ge [sflag:s21], $0x2000  }
0x220: {  	[sflag:s21] =	ssyncset.done $0x0  }
0x221: {  	s28 =	simm.s32 $0x0;
	[sflag:s21] =	ssyncadd.s32 $0xFFFFE000  }
0x222: {  	[tilespmem:s22], [sflag:$0x2] =	stream.linear.gather [hbm4b:s18+s28], $0x2000, $0x38;
	[tilespmem:$0x4080] =	vst v63  }
0x223: {  	s28 =	simm.s32 $0x0  }
0x224: {  	v25 =	vsel vm3, v24, v25;
	vm3 =	vlt.f32 v34, v35;
	v49 =	vld [tilespmem:s28+$0x0]  }
0x225: {  	vm4 =	vlt.f32 v43, v26;
	v24 =	vadd.s32 $0x1, v24;
	v35 =	vsel vm3, v34, v35;
	v59 =	vld [tilespmem:s28+$0x10]  }
0x226: {  	v27 =	vsel vm3, v24, v27;
	v26 =	vsel vm4, v43, v26;
	vm3 =	vlt.f32 v36, v37;
	v50 =	vld [tilespmem:s28+$0x20]  }
0x227: {  	vm5 =	vlt.f32 v44, v28;
	v39 =	vsel vm4, v24, v39;
	vm6 =	vlt.f32 v46, v29;
	v60 =	vld [tilespmem:s28+$0x30]  }
0x228: {  	v37 =	vsel vm3, v36, v37;
	v28 =	vsel vm5, v44, v28;
	v32 =	vsel vm3, v24, v32;
	v61 =	vld [tilespmem:s28+$0x40]  }
0x229: {  	v33 =	vsel vm5, v24, v33;
	v29 =	vsel vm6, v46, v29;
	vm7 =	vlt.f32 v45, v38;
	v62 =	vld [tilespmem:s28+$0x50]  }
0x22a: {  	v42 =	vsel vm6, v24, v42;
	vm8 =	vlt.f32 v47, v30;
	v38 =	vsel vm7, v45, v38;
	v63 =	vld [tilespmem:s28+$0x60]  }
0x22b: {  	v40 =	vsel vm7, v24, v40;
	vm9 =	vlt.f32 v48, v31;
	v30 =	vsel vm8, v47, v30  }
0x22c: {  	v51 =	vld [tilespmem:s28+$0x70];
	v41 =	vsel vm8, v24, v41;
	v31 =	vsel vm9, v48, v31;
	v25 =	vsel vm9, v24, v25  }
0x22d: {  	s28 =	simm.s32 $0x80;
	v24 =	vimm.s32 $0x80;
	vm3 =	vlt.f32 v49, v35;
	vm4 =	vlt.f32 v59, v26  }
0x22e: {  	v34 =	vld [tilespmem:s28+$0x0];
	vm5 =	vlt.f32 v50, v37;
	vm12 =	vlt.f32 v60, v28;
	vm13 =	vlt.f32 v61, v29  }
0x22f: {  	v43 =	vld [tilespmem:s28+$0x10];
	vm14 =	vlt.f32 v62, v38;
	vm15 =	vlt.f32 v63, v30;
	v35 =	vsel vm3, v49, v35  }
0x230: {  	v36 =	vld [tilespmem:s28+$0x20];
	v27 =	vsel vm3, v24, v27;
	v26 =	vsel vm4, v59, v26;
	v37 =	vsel vm5, v50, v37  }
0x231: {  	v44 =	vld [tilespmem:s28+$0x30];
	v28 =	vsel vm12, v60, v28;
	v29 =	vsel vm13, v61, v29;
	vm3 =	vlt.f32 v51, v31  }
0x232: {  	v46 =	vld [tilespmem:s28+$0x40];
	v38 =	vsel vm14, v62, v38;
	v30 =	vsel vm15, v63, v30;
	v39 =	vsel vm4, v24, v39  }
0x233: {  	v45 =	vld [tilespmem:s28+$0x50];
	v32 =	vsel vm5, v24, v32;
	v33 =	vsel vm12, v24, v33;
	v42 =	vsel vm13, v24, v42  }
0x234: {  	s29 =	simm.s32 $0x400;
	v47 =	vld [tilespmem:s28+$0x60];
	v40 =	vsel vm14, v24, v40;
	v41 =	vsel vm15, v24, v41;
	v31 =	vsel vm3, v51, v31  }
.LBB2_30:
0x235: {  	p0 =	sne.s32 s29, $0x7E00;
	v48 =	vld [tilespmem:s28+$0x70];
	v25 =	vsel vm3, v24, v25  }
0x236: {  	s28 =	sshra.s32 s29, $0x2;
	vm3 =	vlt.f32 v34, v35;
	vm4 =	vlt.f32 v43, v26;
	v24 =	vadd.s32 $0x1, v24  }
0x237: {  	v35 =	vsel vm3, v34, v35;
	v27 =	vsel vm3, v24, v27;
	v26 =	vsel vm4, v43, v26;
	v34 =	vld [tilespmem:s28+$0x0]  }
0x238: {  	vm5 =	vlt.f32 v36, v37;
	vm6 =	vlt.f32 v44, v28;
	vm7 =	vlt.f32 v46, v29;
	v43 =	vld [tilespmem:s28+$0x10]  }
.Ltmp14:
0x239: {  	v37 =	vsel vm5, v36, v37;
	v28 =	vsel vm6, v44, v28;
	v29 =	vsel vm7, v46, v29;
	v36 =	vld [tilespmem:s28+$0x20];
	(pc) =	sbr.rel @p0 .LBB2_30-.Ltmp14, $4  }
0x23a: {  	vm8 =	vlt.f32 v45, v38;
	vm9 =	vlt.f32 v47, v30;
	v44 =	vld [tilespmem:s28+$0x30];
	vm3 =	vlt.f32 v48, v31  }
0x23b: {  	v38 =	vsel vm8, v45, v38;
	v30 =	vsel vm9, v47, v30;
	v46 =	vld [tilespmem:s28+$0x40];
	v31 =	vsel vm3, v48, v31  }
0x23c: {  	v39 =	vsel vm4, v24, v39;
	v32 =	vsel vm5, v24, v32;
	v33 =	vsel vm6, v24, v33;
	v45 =	vld [tilespmem:s28+$0x50]  }
0x23d: {  	s29 =	sadd.s32 $0x200, s29;
	v42 =	vsel vm7, v24, v42;
	v40 =	vsel vm8, v24, v40;
	v41 =	vsel vm9, v24, v41;
	v47 =	vld [tilespmem:s28+$0x60]  }
0x23e: {  	v48 =	vld [tilespmem:s28+$0x70];
	_ =	swait.ge [sflag:s23], $0x2000  }
0x23f: {  	[sflag:s23] =	ssyncset.done $0x0  }
0x240: {  	v25 =	vsel vm3, v24, v25;
	vm3 =	vlt.f32 v34, v35;
	s28 =	simm.s32 $0x0;
	[sflag:s23] =	ssyncadd.s32 $0xFFFFE000  }
0x241: {  	v34 =	vsel vm3, v34, v35;
	v35 =	vld [tilespmem:s28+$0x2000]  }
0x242: {  	vm4 =	vlt.f32 v43, v26;
	v24 =	vadd.s32 $0x1, v24;
	v60 =	vld [tilespmem:s28+$0x2010]  }
0x243: {  	v27 =	vsel vm3, v24, v27;
	v26 =	vsel vm4, v43, v26;
	vm3 =	vlt.f32 v36, v37;
	v50 =	vld [tilespmem:s28+$0x2020]  }
0x244: {  	vm5 =	vlt.f32 v44, v28;
	v62 =	vsel vm4, v24, v39;
	v39 =	vimm.s32 $0xC0;
	v61 =	vld [tilespmem:s28+$0x2030]  }
0x245: {  	vm6 =	vlt.f32 v46, v29;
	v49 =	vsel vm3, v36, v37;
	v28 =	vsel vm5, v44, v28;
	v52 =	vld [tilespmem:s28+$0x2040]  }
0x246: {  	v53 =	vsel vm3, v24, v32;
	v54 =	vsel vm5, v24, v33;
	v29 =	vsel vm6, v46, v29;
	v63 =	vld [tilespmem:s28+$0x2050]  }
0x247: {  	vm7 =	vlt.f32 v45, v38;
	v55 =	vsel vm6, v24, v42;
	v56 =	vld [tilespmem:s28+$0x2060];
	vm8 =	vlt.f32 v47, v30  }
0x248: {  	v51 =	vsel vm7, v45, v38;
	v57 =	vsel vm7, v24, v40;
	vm9 =	vlt.f32 v48, v31  }
0x249: {  	v30 =	vsel vm8, v47, v30;
	v58 =	vsel vm8, v24, v41;
	v31 =	vsel vm9, v48, v31  }
0x24a: {  	v36 =	vsel vm9, v24, v25;
	v24 =	vld [tilespmem:s28+$0x2070];
	s28 =	simm.s32 $0x80;
	vm3 =	vlt.f32 v35, v34;
	vm4 =	vlt.f32 v60, v26  }
0x24b: {  	v41 =	vld [tilespmem:s28+$0x2000];
	vm5 =	vlt.f32 v50, v49;
	vm12 =	vlt.f32 v61, v28;
	vm13 =	vlt.f32 v52, v29  }
0x24c: {  	v44 =	vld [tilespmem:s28+$0x2010];
	vm14 =	vlt.f32 v63, v51;
	vm15 =	vlt.f32 v56, v30;
	v42 =	vsel vm3, v35, v34  }
0x24d: {  	v37 =	vld [tilespmem:s28+$0x2020];
	v45 =	vsel vm3, v39, v27;
	v40 =	vsel vm4, v60, v26;
	v38 =	vsel vm5, v50, v49  }
0x24e: {  	v33 =	vld [tilespmem:s28+$0x2040];
	v32 =	vsel vm12, v61, v28;
	v29 =	vsel vm13, v52, v29;
	v26 =	vsel vm14, v63, v51  }
0x24f: {  	v34 =	vld [tilespmem:s28+$0x2030];
	v25 =	vsel vm15, v56, v30;
	v47 =	vsel vm4, v39, v62;
	v46 =	vsel vm5, v39, v53  }
0x250: {  	v30 =	vld [tilespmem:s28+$0x2050];
	v43 =	vsel vm12, v39, v54;
	v35 =	vsel vm13, v39, v55;
	vm3 =	vlt.f32 v24, v31  }
0x251: {  	s29 =	simm.s32 $0x400;
	v28 =	vld [tilespmem:s28+$0x2060];
	v27 =	vsel vm15, v39, v58;
	v24 =	vsel vm3, v24, v31;
	v31 =	vsel vm14, v39, v57  }
.LBB2_32:
0x252: {  	p0 =	sne.s32 s29, $0x7E00;
	v48 =	vld [tilespmem:s28+$0x2070];
	v36 =	vsel vm3, v39, v36  }
0x253: {  	s28 =	sshra.s32 s29, $0x2;
	vm3 =	vlt.f32 v41, v42;
	vm4 =	vlt.f32 v44, v40;
	v39 =	vadd.s32 $0x1, v39  }
0x254: {  	v42 =	vsel vm3, v41, v42;
	v45 =	vsel vm3, v39, v45;
	v40 =	vsel vm4, v44, v40;
	v41 =	vld [tilespmem:s28+$0x2000]  }
0x255: {  	vm5 =	vlt.f32 v37, v38;
	vm6 =	vlt.f32 v34, v32;
	vm7 =	vlt.f32 v33, v29;
	v44 =	vld [tilespmem:s28+$0x2010]  }
.Ltmp15:
0x256: {  	v38 =	vsel vm5, v37, v38;
	v32 =	vsel vm6, v34, v32;
	v29 =	vsel vm7, v33, v29;
	v37 =	vld [tilespmem:s28+$0x2020];
	(pc) =	sbr.rel @p0 .LBB2_32-.Ltmp15, $4  }
0x257: {  	vm8 =	vlt.f32 v30, v26;
	vm9 =	vlt.f32 v28, v25;
	v34 =	vld [tilespmem:s28+$0x2030];
	vm3 =	vlt.f32 v48, v24  }
0x258: {  	v26 =	vsel vm8, v30, v26;
	v25 =	vsel vm9, v28, v25;
	v33 =	vld [tilespmem:s28+$0x2040];
	v24 =	vsel vm3, v48, v24  }
0x259: {  	v47 =	vsel vm4, v39, v47;
	v46 =	vsel vm5, v39, v46;
	v43 =	vsel vm6, v39, v43;
	v30 =	vld [tilespmem:s28+$0x2050]  }
0x25a: {  	s29 =	sadd.s32 $0x200, s29;
	v35 =	vsel vm7, v39, v35;
	v31 =	vsel vm8, v39, v31;
	v27 =	vsel vm9, v39, v27;
	v28 =	vld [tilespmem:s28+$0x2060]  }
0x25b: {  	vm4 =	vlt.f32 v41, v42;
	vm5 =	vlt.f32 v44, v40;
	v48 =	vadd.s32 $0x1, v39  }
0x25c: {  	v36 =	vsel vm3, v39, v36;
	v62 =	vsel vm4, v48, v45;
	v63 =	vsel vm5, v48, v47  }
0x25d: {  	v41 =	vsel vm4, v41, v42;
	v39 =	vshll.u32 v62, $0x7;
	v45 =	vshll.u32 v63, $0x7  }
0x25e: {  	v40 =	vsel vm5, v44, v40;
	v39 =	vor.u32 v0, v39;
	v5 =	vor.u32 v5, v45  }
0x25f: {  	vm3 =	vlt.f32 v37, v38;
	vm4 =	veq.f32 v40, v41;
	vm9 =	vlt.s32 v5, v39  }
0x260: {  	v46 =	vsel vm3, v48, v46;
	vm6 =	vlt.f32 v40, v41;
	vm4 =	vmand vm4, vm9  }
0x261: {  	v37 =	vsel vm3, v37, v38;
	v47 =	vshll.u32 v46, $0x7;
	vm3 =	vmor vm6, vm4  }
0x262: {  	v6 =	vor.u32 v6, v47;
	v49 =	vsel vm3, v40, v41;
	v5 =	vsel vm3, v5, v39  }
0x263: {  	vm3 =	vlt.f32 v34, v32;
	vm10 =	veq.f32 v37, v49;
	vm11 =	vlt.s32 v6, v5  }
0x264: {  	v50 =	vsel vm3, v48, v43;
	vm12 =	vlt.f32 v37, v49;
	vm4 =	vmand vm10, vm11  }
0x265: {  	v32 =	vsel vm3, v34, v32;
	v51 =	vshll.u32 v50, $0x7;
	vm3 =	vmor vm12, vm4  }
0x266: {  	v10 =	vor.u32 v10, v51;
	v52 =	vsel vm3, v37, v49;
	v5 =	vsel vm3, v6, v5  }
0x267: {  	vm3 =	vlt.f32 v33, v29;
	vm13 =	veq.f32 v32, v52;
	vm14 =	vlt.s32 v10, v5  }
0x268: {  	v6 =	vsel vm3, v48, v35;
	vm15 =	vlt.f32 v32, v52;
	vm4 =	vmand vm13, vm14  }
0x269: {  	v29 =	vsel vm3, v33, v29;
	v6 =	vshll.u32 v6, $0x7;
	vm3 =	vmor vm15, vm4  }
0x26a: {  	v6 =	vor.u32 v11, v6;
	v53 =	vsel vm3, v32, v52;
	v5 =	vsel vm3, v10, v5  }
0x26b: {  	vm3 =	vlt.f32 v30, v26;
	vm9 =	veq.f32 v29, v53;
	vm10 =	vlt.s32 v6, v5  }
0x26c: {  	v54 =	vsel vm3, v48, v31;
	vm11 =	vlt.f32 v29, v53;
	vm4 =	vmand vm9, vm10  }
0x26d: {  	v26 =	vsel vm3, v30, v26;
	v10 =	vshll.u32 v54, $0x7;
	vm3 =	vmor vm11, vm4  }
0x26e: {  	v55 =	vld [tilespmem:s28+$0x2070];
	v7 =	vor.u32 v7, v10;
	v56 =	vsel vm3, v29, v53;
	v5 =	vsel vm3, v6, v5  }
0x26f: {  	vm3 =	vlt.f32 v28, v25;
	vm12 =	veq.f32 v26, v56;
	vm13 =	vlt.s32 v7, v5  }
0x270: {  	v6 =	vsel vm3, v48, v27;
	vm14 =	vlt.f32 v26, v56;
	vm4 =	vmand vm12, vm13  }
0x271: {  	v57 =	vsel vm3, v28, v25;
	v6 =	vshll.u32 v6, $0x7;
	vm3 =	vmor vm14, vm4  }
0x272: {  	v6 =	vor.u32 v8, v6;
	v58 =	vsel vm3, v26, v56;
	v5 =	vsel vm3, v7, v5  }
0x273: {  	vm3 =	vlt.f32 v55, v24;
	vm15 =	veq.f32 v57, v58;
	vm9 =	vlt.s32 v6, v5  }
0x274: {  	v7 =	vsel vm3, v48, v36;
	vm10 =	vlt.f32 v57, v58;
	vm4 =	vmand vm15, vm9  }
0x275: {  	v59 =	vsel vm3, v55, v24;
	v7 =	vshll.u32 v7, $0x7;
	vm3 =	vmor vm10, vm4  }
0x276: {  	v7 =	vor.u32 v9, v7;
	v8 =	vsel vm3, v57, v58;
	v5 =	vsel vm3, v6, v5  }
0x277: {  	vm3 =	veq.f32 v59, v8;
	vm11 =	vlt.s32 v7, v5  }
0x278: {  	vm12 =	vlt.f32 v59, v8;
	vm3 =	vmand vm3, vm11  }
0x279: {  	vm3 =	vmor vm12, vm3  }
0x27a: {  	v6 =	vsel vm3, v59, v8;
	v5 =	vsel vm3, v7, v5  }
0x27b: {  	v7 =	vperm.xlane v6, v1;
	v60 =	vperm.xlane v5, v1;
	_ =	sdelay $0x1  }
0x27c: {  	vm3 =	veq.f32 v7, v6;
	vm13 =	vlt.s32 v60, v5  }
0x27d: {  	vm14 =	vlt.f32 v7, v6;
	vm3 =	vmand vm3, vm13  }
0x27e: {  	vm3 =	vmor vm14, vm3  }
0x27f: {  	v6 =	vsel vm3, v7, v6;
	v5 =	vsel vm3, v60, v5  }
0x280: {  	v7 =	vperm.xlane v6, v2;
	v8 =	vperm.xlane v5, v2;
	_ =	sdelay $0x1  }
0x281: {  	vm15 =	veq.f32 v15, v14;
	vm10 =	veq.f32 v7, v6;
	vm7 =	vlt.s32 v8, v5  }
0x282: {  	vm9 =	vlt.s32 v13, v12;
	vm11 =	vlt.f32 v7, v6;
	vm6 =	vmand vm10, vm7  }
0x283: {  	vm4 =	vmand vm15, vm9;
	vm12 =	vmor vm11, vm6  }
0x284: {  	vm3 =	vlt.f32 v15, v14;
	v6 =	vsel vm12, v7, v6;
	v5 =	vsel vm12, v8, v5  }
0x285: {  	vm3 =	vmor vm3, vm4;
	v7 =	vperm.xlane v6, v3;
	v8 =	vperm.xlane v5, v3  }
0x286: {  	vm15 =	vlt.s32 v17, v16;
	v61 =	vsel vm3, v13, v12;
	vm3 =	vmmov $0x1  }
0x287: {  	v9 =	vnsel vm3, $0x0, v61;
	vm13 =	veq.f32 v7, v6;
	vm14 =	vlt.s32 v8, v5  }
0x288: {  	vm3 =	veq.f32 v19, v18;
	vm9 =	vlt.f32 v7, v6;
	vm4 =	vmand vm13, vm14  }
0x289: {  	vm10 =	vlt.f32 v19, v18;
	vm3 =	vmand vm3, vm15;
	vm4 =	vmor vm9, vm4  }
0x28a: {  	vm3 =	vmor vm10, vm3;
	v6 =	vsel vm4, v7, v6;
	v5 =	vsel vm4, v8, v5  }
0x28b: {  	vm11 =	veq.f32 v23, v22;
	v62 =	vperm.xlane v6, v4;
	v63 =	vperm.xlane v5, v4  }
0x28c: {  	vm12 =	vlt.s32 v21, v20;
	v7 =	vsel vm3, v17, v16;
	vm3 =	vlt.f32 v23, v22  }
0x28d: {  	vm4 =	vmand vm11, vm12;
	vm13 =	veq.f32 v62, v6;
	vm14 =	vlt.s32 v63, v5  }
0x28e: {  	vm3 =	vmor vm3, vm4;
	vm15 =	vlt.f32 v62, v6;
	vm5 =	vmand vm13, vm14  }
0x28f: {  	v6 =	vsel vm0, v9, v7;
	v7 =	vsel vm3, v21, v20;
	vm3 =	vmor vm15, vm5  }
0x290: {  	s26 =	sadd.s32 $0x1, s26;
	v6 =	vsel vm1, v6, v7;
	v5 =	vsel vm3, v63, v5  }
0x291: {  	p0 =	sne.s32 s26, s20;
	v5 =	vsel vm2, v6, v5  }
.Ltmp16:
0x292: {  	[tilespmem:$0x4000] =	vst v5;
	(pc) =	sbr.rel @p0 .LBB2_1-.Ltmp16, $4  }
0x293: {  	[hbm4b:s19+s2] =	stream.linear.scatter [tilespmem:s24], [sflag:$0x3], $0x80, $0x38;
	[tilespmem:$0x4080] =	vst v63  }
0x294: {  	_ =	swait.ge [sflag:s25], $0x80  }
0x295: {  	[sflag:s25] =	ssyncset.done $0x0  }
0x296: {  	[sflag:s25] =	ssyncadd.s32 $0xFFFFFF80  }
0x297: {  	_ =	sfence.sel $0x180000  }
0x298: {  	[bflag:$0x0] =	sbarrier.arrive $0xFFFF  }
0x299: {  	p0 =	sne.s32 s1, $0x0;
	_ =	strace $0x90000047  }
0x29a: {  	s0 =	sadd.s32 @!p0 $0x100000, s0;
	[bflag:$0x2] =	sbarrier.arrive $0xFFFF  }
0x29b: {  	[sflag:s0] =	ssyncadd.tile.s32 @!p0 $0x1;
	_ =	shalt  }
.Lfunc_end2:
_tile_overlayer_lowered:
.L_overlay_start_2:
0x29c: {  	(tag) =	ssettag $0x2  }
0x29d: {  	s0 =	rddreg [dreg:$0x0];
	s2 =	stileid.u32  }
0x29e: {  	s1 =	rddreg [dreg:$0x1];
	p0 =	sne.s32 s2, $0x0  }
0x29f: {  	s3 =	rddreg [dreg:$0x2];
	[bflag:$0x3] =	sbarrier.arrive $0xFFFF;
	s2 =	simm.s32 @!p0 $0x1C03  }
0x2a0: {  	[timem:s3], [sflag:s2] =	dma.local @!p0 [hbm:s0], s1  }
0x2a1: {  	s0 =	simm.s32 @!p0 $0x3  }
0x2a2: {  	_ =	swait.ge @!p0 [sflag:s0], s1  }
0x2a3: {  	s1 =	ssub.s32 @!p0 $0x0, s1;
	[sflag:s0] =	ssyncset.done @!p0 $0x0  }
0x2a4: {  	[sflag:s0] =	ssyncadd.s32 @!p0 s1  }
0x2a5: {  	[bflag:$0x3] =	sbarrier.arrive $0xFFFF  }
0x2a6: {  	_ =	shalt  }

</sc_bundles>
